<compile_context>
chip_gen: v7x
topology: tpu7x:2x2x1
jax: 0.10.2.dev20260603
libtpu: 0.0.44.dev20260713+nightly
codegen_flags: <defaults>
</compile_context>

<pallas_src>
import functools

import jax
import jax.numpy as jnp
import numpy as np
from jax import lax
from jax.experimental import pallas as pl
from jax.experimental.pallas import tpu as pltpu
from jax.experimental.pallas import tpu_sc as plsc

N = 10000
N_PAD = 10240
E = 320000
F = 64
H = 64
D_IN = 128

NC = 2
NS = 16
NW = NC * NS
CHUNK = 128
CPW = 80
E_PAD = NW * CPW * CHUNK
ROWS_PT = N_PAD // NS

_mesh = plsc.VectorSubcoreMesh(core_axis_name="c", subcore_axis_name="s")


def _sc_degrees(src_c, dst_c):

    @functools.partial(
        pl.kernel,
        out_type=(jax.ShapeDtypeStruct((NC, N_PAD), jnp.float32),
                  jax.ShapeDtypeStruct((NC, N_PAD), jnp.float32)),
        mesh=_mesh,
        scratch_types=[
            pltpu.VMEM((CPW, CHUNK), jnp.int32),
            pltpu.VMEM((CPW, CHUNK), jnp.int32),
            pltpu.VMEM((CHUNK,), jnp.float32),
            pltpu.VMEM((ROWS_PT,), jnp.float32),
            pltpu.VMEM_SHARED((N_PAD,), jnp.float32),
            pltpu.VMEM_SHARED((N_PAD,), jnp.float32),
            pltpu.SemaphoreType.DMA,
            pltpu.SemaphoreType.DMA,
        ],
    )
    def k(src_hbm, dst_hbm, dsrc_hbm, ddst_hbm,
          src_v, dst_v, ones_v, stage_v, hsrc_sh, hdst_sh, sa, sb):
        c = lax.axis_index("c")
        s = lax.axis_index("s")
        w = c * NS + s
        base = s * ROWS_PT

        def fill_ones(i, carry):
            ones_v[pl.ds(i * 16, 16)] = jnp.ones((16,), jnp.float32)
            return carry
        lax.fori_loop(0, CHUNK // 16, fill_ones, 0)

        def fill_zero(i, carry):
            stage_v[pl.ds(i * 16, 16)] = jnp.zeros((16,), jnp.float32)
            return carry
        lax.fori_loop(0, ROWS_PT // 16, fill_zero, 0)

        pltpu.sync_copy(stage_v, hsrc_sh.at[pl.ds(base, ROWS_PT)])
        pltpu.sync_copy(stage_v, hdst_sh.at[pl.ds(base, ROWS_PT)])

        pltpu.sync_copy(src_hbm.at[w], src_v)
        pltpu.sync_copy(dst_hbm.at[w], dst_v)
        plsc.subcore_barrier()

        def body(j, carry):
            @pl.when(j >= 2)
            def _():
                pltpu.make_async_copy(ones_v, hsrc_sh.at[src_v.at[0]], sa).wait()
                pltpu.make_async_copy(ones_v, hdst_sh.at[dst_v.at[0]], sb).wait()
            pltpu.async_copy(ones_v, hsrc_sh.at[src_v.at[j]], sa, add=True)
            pltpu.async_copy(ones_v, hdst_sh.at[dst_v.at[j]], sb, add=True)
            return carry
        lax.fori_loop(0, CPW, body, 0)
        for _ in range(2):
            pltpu.make_async_copy(ones_v, hsrc_sh.at[src_v.at[0]], sa).wait()
            pltpu.make_async_copy(ones_v, hdst_sh.at[dst_v.at[0]], sb).wait()
        plsc.subcore_barrier()

        pltpu.sync_copy(hsrc_sh.at[pl.ds(base, ROWS_PT)], stage_v)
        pltpu.sync_copy(stage_v, dsrc_hbm.at[c, pl.ds(base, ROWS_PT)])
        pltpu.sync_copy(hdst_sh.at[pl.ds(base, ROWS_PT)], stage_v)
        pltpu.sync_copy(stage_v, ddst_hbm.at[c, pl.ds(base, ROWS_PT)])

    return k(src_c, dst_c)


def _sc_aggregate(t, src_c, dst_c, d, chunk, dtype):
    cpw = (CPW * CHUNK) // chunk
    vw = 32 if dtype == jnp.bfloat16 else 16
    nbuf = 4
    assert cpw % nbuf == 0

    @functools.partial(
        pl.kernel,
        out_type=jax.ShapeDtypeStruct((NC, N_PAD, d), dtype),
        mesh=_mesh,
        compiler_params=pltpu.CompilerParams(use_tc_tiling_on_sc=False),
        scratch_types=[
            pltpu.VMEM((cpw, chunk), jnp.int32),
            pltpu.VMEM((cpw, chunk), jnp.int32),
            pltpu.VMEM((nbuf, chunk, d), dtype),
            pltpu.VMEM_SHARED((N_PAD, d), dtype),
        ] + [pltpu.SemaphoreType.DMA] * (2 * nbuf),
    )
    def k(t_hbm, src_hbm, dst_hbm, out_hbm,
          src_v, dst_v, rows_v, agg_sh, *sems):
        gsem = sems[:nbuf]
        ssem = sems[nbuf:]
        c = lax.axis_index("c")
        s = lax.axis_index("s")
        w = c * NS + s
        base = s * ROWS_PT

        def zrow(i, carry):
            def zcol(j, carry2):
                rows_v[0, i, pl.ds(j * vw, vw)] = jnp.zeros((vw,), dtype)
                return carry2
            return lax.fori_loop(0, d // vw, zcol, carry)
        lax.fori_loop(0, chunk, zrow, 0)

        for i in range(ROWS_PT // chunk):
            pltpu.async_copy(rows_v.at[0],
                             agg_sh.at[pl.ds(base + i * chunk, chunk)],
                             gsem[0])
        pltpu.sync_copy(src_hbm.at[w], src_v)
        pltpu.sync_copy(dst_hbm.at[w], dst_v)
        for i in range(ROWS_PT // chunk):
            pltpu.make_async_copy(rows_v.at[0],
                                  agg_sh.at[pl.ds(base, chunk)],
                                  gsem[0]).wait()
        plsc.subcore_barrier()

        pltpu.async_copy(t_hbm.at[src_v.at[0]], rows_v.at[0], gsem[0])

        def outer(g, carry):
            for b in range(nbuf):
                j = nbuf * g + b
                nb = (b + 1) % nbuf
                pltpu.make_async_copy(t_hbm.at[src_v.at[0]],
                                      rows_v.at[b], gsem[b]).wait()
                pltpu.async_copy(rows_v.at[b], agg_sh.at[dst_v.at[j]],
                                 ssem[b], add=True)

                @pl.when(j + 1 < cpw)
                def _():
                    @pl.when(j >= nbuf - 1)
                    def _():
                        pltpu.make_async_copy(
                            rows_v.at[nb], agg_sh.at[dst_v.at[0]],
                            ssem[nb]).wait()
                    pltpu.async_copy(t_hbm.at[src_v.at[j + 1]],
                                     rows_v.at[nb], gsem[nb])
            return carry
        lax.fori_loop(0, cpw // nbuf, outer, 0)
        for i in range(nbuf):
            pltpu.make_async_copy(rows_v.at[(cpw - nbuf + i) % nbuf],
                                  agg_sh.at[dst_v.at[0]],
                                  ssem[(cpw - nbuf + i) % nbuf]).wait()
        plsc.subcore_barrier()

        for i in range(ROWS_PT // chunk):
            b = i % 2
            if i >= 2:
                pltpu.make_async_copy(
                    rows_v.at[b], out_hbm.at[c, pl.ds(base, chunk)],
                    gsem[b]).wait()
            pltpu.sync_copy(agg_sh.at[pl.ds(base + i * chunk, chunk)],
                            rows_v.at[b])
            pltpu.async_copy(rows_v.at[b],
                             out_hbm.at[c, pl.ds(base + i * chunk, chunk)],
                             gsem[b])
        for i in (ROWS_PT // chunk - 2, ROWS_PT // chunk - 1):
            pltpu.make_async_copy(rows_v.at[i % 2],
                                  out_hbm.at[c, pl.ds(base, chunk)],
                                  gsem[i % 2]).wait()

    return k(t, src_c, dst_c)


BLK = 1024
GRID = N_PAD // BLK
SUB = BLK // 128
NLANE = N_PAD // 128


def _norm_diag(dref, r):
    i = pl.program_id(0) * SUB + r
    deg = dref[0, pl.ds(i, 1), :] + dref[1, pl.ds(i, 1), :]
    nvec = lax.rsqrt(jnp.maximum(deg, 1.0))
    rr = lax.broadcasted_iota(jnp.int32, (128, 128), 0)
    cc = lax.broadcasted_iota(jnp.int32, (128, 128), 1)
    return jnp.where(rr == cc, nvec, 0.0)


def _tc_dense0(dsq, xcat, W0):
    def body(ds_ref, x_ref, w_ref, t_ref):
        u = jnp.dot(x_ref[...], w_ref[...],
                    preferred_element_type=jnp.float32)
        for r in range(SUB):
            dns = _norm_diag(ds_ref, r)
            t_ref[pl.ds(r * 128, 128), :] = jnp.dot(
                dns, u[r * 128:(r + 1) * 128, :],
                preferred_element_type=jnp.float32).astype(jnp.bfloat16)
    return pl.pallas_call(
        body,
        grid=(GRID,),
        in_specs=[
            pl.BlockSpec((NC, NLANE, 128), lambda i: (0, 0, 0)),
            pl.BlockSpec((BLK, D_IN), lambda i: (i, 0)),
            pl.BlockSpec((D_IN, H), lambda i: (0, 0)),
        ],
        out_specs=pl.BlockSpec((BLK, H), lambda i: (i, 0)),
        out_shape=jax.ShapeDtypeStruct((N_PAD, H), jnp.bfloat16),
    )(dsq, xcat, W0)


def _tc_dense1(ddq, dsq, agg0, b0_2d, W1):
    def body(dd_ref, ds_ref, a0, a1, b_ref, w_ref, t_ref):
        agg = a0[0].astype(jnp.float32) + a1[0].astype(jnp.float32)
        for r in range(SUB):
            dnd = _norm_diag(dd_ref, r)
            dns = _norm_diag(ds_ref, r)
            a_r = agg[r * 128:(r + 1) * 128, :]
            out0 = jnp.maximum(
                jnp.dot(dnd, a_r, preferred_element_type=jnp.float32)
                + b_ref[...], 0.0)
            t_ref[pl.ds(r * 128, 128), :] = jnp.dot(
                jnp.dot(dns, out0, preferred_element_type=jnp.float32),
                w_ref[...], preferred_element_type=jnp.float32
            ).astype(jnp.bfloat16)
    return pl.pallas_call(
        body,
        grid=(GRID,),
        in_specs=[
            pl.BlockSpec((NC, NLANE, 128), lambda i: (0, 0, 0)),
            pl.BlockSpec((NC, NLANE, 128), lambda i: (0, 0, 0)),
            pl.BlockSpec((1, BLK, H), lambda i: (0, i, 0)),
            pl.BlockSpec((1, BLK, H), lambda i: (1, i, 0)),
            pl.BlockSpec((1, H), lambda i: (0, 0)),
            pl.BlockSpec((H, D_IN), lambda i: (0, 0)),
        ],
        out_specs=pl.BlockSpec((BLK, D_IN), lambda i: (i, 0)),
        out_shape=jax.ShapeDtypeStruct((N_PAD, D_IN), jnp.bfloat16),
    )(ddq, dsq, agg0, agg0, b0_2d, W1)


def _tc_final(ddq, agg1, b1_2d, xcat, sel):
    def body(dd_ref, a0, a1, b_ref, x_ref, s_ref, o_ref):
        agg = a0[0].astype(jnp.float32) + a1[0].astype(jnp.float32)
        for r in range(SUB):
            dnd = _norm_diag(dd_ref, r)
            a_r = agg[r * 128:(r + 1) * 128, :]
            h = jnp.dot(dnd, a_r,
                        preferred_element_type=jnp.float32) + b_ref[...]
            o_ref[pl.ds(r * 128, 128), :] = jnp.dot(
                h * x_ref[r * 128:(r + 1) * 128, :], s_ref[...],
                preferred_element_type=jnp.float32)
    return pl.pallas_call(
        body,
        grid=(GRID,),
        in_specs=[
            pl.BlockSpec((NC, NLANE, 128), lambda i: (0, 0, 0)),
            pl.BlockSpec((1, BLK, D_IN), lambda i: (0, i, 0)),
            pl.BlockSpec((1, BLK, D_IN), lambda i: (1, i, 0)),
            pl.BlockSpec((1, D_IN), lambda i: (0, 0)),
            pl.BlockSpec((BLK, D_IN), lambda i: (i, 0)),
            pl.BlockSpec((D_IN, F), lambda i: (0, 0)),
        ],
        out_specs=pl.BlockSpec((BLK, F), lambda i: (i, 0)),
        out_shape=jax.ShapeDtypeStruct((N_PAD, F), jnp.float32),
    )(ddq, agg1, agg1, b1_2d, xcat, sel)


def kernel(x_u, x_s, edge_index, W0, b0, W1, b1):
    ei = edge_index.astype(jnp.int32)
    pad_idx = jnp.asarray(
        N + (np.arange(E_PAD - E, dtype=np.int32) % (N_PAD - N)))
    src = jnp.concatenate([ei[0], pad_idx])
    dst = jnp.concatenate([ei[1], pad_idx])
    src_c = src.reshape(NW, CPW, CHUNK)
    dst_c = dst.reshape(NW, CPW, CHUNK)

    xcat = jnp.pad(jnp.concatenate([x_u, x_s], axis=1),
                   ((0, N_PAD - N), (0, 0)))
    b0_2d = b0.reshape(1, H)
    b1_2d = b1.reshape(1, D_IN)
    eye = jnp.eye(F, dtype=jnp.float32)
    sel = jnp.concatenate([eye, eye], axis=0)

    dsrc_p, ddst_p = _sc_degrees(src_c, dst_c)
    dsq = dsrc_p.reshape(NC, NLANE, 128)
    ddq = ddst_p.reshape(NC, NLANE, 128)

    t0 = _tc_dense0(dsq, xcat, W0)
    agg0 = _sc_aggregate(t0, src_c, dst_c, H, CHUNK, jnp.bfloat16)
    t1 = _tc_dense1(ddq, dsq, agg0, b0_2d, W1)
    agg1 = _sc_aggregate(t1, src_c, dst_c, D_IN, CHUNK, jnp.bfloat16)
    pred = _tc_final(ddq, agg1, b1_2d, xcat, sel)
    return pred[:N]

# --- scband reference (transcript-rebuilt; emitter-appended) ---
"""Pipeline reference for scband-gcn-1649267442174 (READ-ONLY COPY).

The authoritative reference and input builder live on the scoring server;
editing this copy changes nothing except your own understanding.
"""

import jax, jax.numpy as jnp
import numpy as np

N_NODES = 10000
N_EDGES = 320000
N_GENES = 64
HIDDEN = 64


def setup_inputs(seed: int = 0) -> dict:
    key = jax.random.key(seed)
    k1, k2, k3, k4, k5, k6, k7 = jax.random.split(key, 7)
    x_u = jax.random.normal(k1, (N_NODES, N_GENES), dtype=jnp.float32)
    x_s = jax.random.normal(k2, (N_NODES, N_GENES), dtype=jnp.float32)
    edge_index = jax.random.randint(k3, (2, N_EDGES), 0, N_NODES, dtype=jnp.int64)
    d_in = 2 * N_GENES
    W0 = jax.random.normal(k4, (d_in, HIDDEN), dtype=jnp.float32) * 0.05
    b0 = jnp.zeros((HIDDEN,), dtype=jnp.float32)
    W1 = jax.random.normal(k5, (HIDDEN, d_in), dtype=jnp.float32) * 0.05
    b1 = jnp.zeros((d_in,), dtype=jnp.float32)
    return {"x_u": x_u, "x_s": x_s, "edge_index": edge_index,
            "W0": W0, "b0": b0, "W1": W1, "b1": b1}


def _graph_conv(h, W, b, src, dst, norm_src, norm_dst, activation):
    # DGL GraphConv with norm='both': D_dst^{-1/2} A D_src^{-1/2} (h W) + b
    h = h * norm_src[:, None]
    h = h @ W
    agg = jax.ops.segment_sum(h[src], dst, num_segments=N_NODES)
    out = agg * norm_dst[:, None] + b
    if activation is not None:
        out = activation(out)
    return out


def reference(x_u, x_s, edge_index, W0, b0, W1, b1):
    src = edge_index[0]
    dst = edge_index[1]
    ones = jnp.ones((N_EDGES,), dtype=jnp.float32)
    deg_out = jax.ops.segment_sum(ones, src, num_segments=N_NODES)
    deg_in = jax.ops.segment_sum(ones, dst, num_segments=N_NODES)
    norm_src = jnp.clip(deg_out, 1.0, None) ** -0.5
    norm_dst = jnp.clip(deg_in, 1.0, None) ** -0.5
    n_gene = x_u.shape[1]
    h = jnp.concatenate([x_u, x_s], axis=1)
    h = _graph_conv(h, W0, b0, src, dst, norm_src, norm_dst, jax.nn.relu)
    h = _graph_conv(h, W1, b1, src, dst, norm_src, norm_dst, None)
    beta = h[:, 0:n_gene]
    gamma = h[:, n_gene:2 * n_gene]
    pred = beta * x_u + gamma * x_s
    return pred

if __name__ == "__main__":
    import jax
    _d = setup_inputs()
    print(jax.jit(kernel)(*tuple(_d.values())))

</pallas_src>

<mosaic_0001>
#map = affine_map<(d0, d1) -> (0, 0)>
#map1 = affine_map<(d0, d1) -> (0, 0, 0)>
module attributes {stable_mosaic.version = 14 : i64} {
  func.func @k(%arg0: i32, %arg1: i32, %arg2: memref<10240x128xbf16, #tpu.memory_space<hbm>>, %arg3: memref<32x80x128xi32, #tpu.memory_space<hbm>>, %arg4: memref<32x80x128xi32, #tpu.memory_space<hbm>>, %arg5: memref<2x10240x128xbf16, #tpu.memory_space<hbm>>, %arg6: memref<80x128xi32, #tpu.memory_space<vmem>>, %arg7: memref<80x128xi32, #tpu.memory_space<vmem>>, %arg8: memref<4x128x128xbf16, #tpu.memory_space<vmem>>, %arg9: memref<10240x128xbf16, #tpu.memory_space<vmem_shared>>, %arg10: memref<!tpu.dma_semaphore, #tpu.memory_space<semaphore_mem>>, %arg11: memref<!tpu.dma_semaphore, #tpu.memory_space<semaphore_mem>>, %arg12: memref<!tpu.dma_semaphore, #tpu.memory_space<semaphore_mem>>, %arg13: memref<!tpu.dma_semaphore, #tpu.memory_space<semaphore_mem>>, %arg14: memref<!tpu.dma_semaphore, #tpu.memory_space<semaphore_mem>>, %arg15: memref<!tpu.dma_semaphore, #tpu.memory_space<semaphore_mem>>, %arg16: memref<!tpu.dma_semaphore, #tpu.memory_space<semaphore_mem>>, %arg17: memref<!tpu.dma_semaphore, #tpu.memory_space<semaphore_mem>>) attributes {dimension_semantics = [#tpu.dimension_semantics<core_parallel>, #tpu.dimension_semantics<subcore_parallel>], iteration_bounds = array<i64: 2, 16>, scalar_prefetch = 0 : i64, scratch_operands = 12 : i64, tpu.core_type = #tpu.core_type<sc_vector_subcore>, window_params = [{transform_indices = #map}, {transform_indices = #map1}, {transform_indices = #map1}, {transform_indices = #map1}]} {
    %mul3A = arith.constant 16 : i32
    %mul3A_0 = arith.muli %arg0, %mul3A : i32
    %add3A = arith.addi %mul3A_0, %arg1 : i32
    %mul3A_1 = arith.constant 640 : i32
    %mul3A_2 = arith.muli %arg1, %mul3A_1 : i32
    %scan3A = arith.constant 0 : i32
    %scan3A_3 = arith.constant 0 : i32
    %scan3A_4 = arith.constant 128 : i32
    %scan3A_5 = arith.addi %scan3A_3, %scan3A_4 : i32
    %scan3A_6 = arith.constant 1 : i32
    scf.for %scan3A_387 = %scan3A_3 to %scan3A_5 step %scan3A_6  : i32 {
      %scan3A_388 = arith.constant 0 : i32
      %scan3A_389 = arith.constant 4 : i32
      %scan3A_390 = arith.addi %scan3A_388, %scan3A_389 : i32
      %scan3A_391 = arith.constant 1 : i32
      scf.for %scan3A_393 = %scan3A_388 to %scan3A_390 step %scan3A_391  : i32 {
        %broadcast_in_dim3A = arith.constant 0.000000e+00 : bf16
        %broadcast_in_dim3A_394 = vector.broadcast %broadcast_in_dim3A : bf16 to vector<32xbf16>
        %mul3A_395 = arith.constant 32 : i32
        %mul3A_396 = arith.muli %scan3A_393, %mul3A_395 : i32
        %swap3A = arith.constant 0 : i32
        %swap3A_397 = arith.index_cast %swap3A : i32 to index
        %swap3A_398 = arith.index_cast %scan3A_387 : i32 to index
        %swap3A_399 = arith.index_cast %mul3A_396 : i32 to index
        %swap3A_400 = tpu.vector_load %arg8[%swap3A_397, %swap3A_398, %swap3A_399] {strides = array<i32>} : memref<4x128x128xbf16, #tpu.memory_space<vmem>>, vector<1x1x32xbf16>,
        %swap3A_401 = vector.shape_cast %swap3A_400 : vector<1x1x32xbf16> to vector<32xbf16>
        %swap3A_402 = vector.shape_cast %broadcast_in_dim3A_394 : vector<32xbf16> to vector<1x1x32xbf16>
        tpu.vector_store %arg8[%swap3A_397, %swap3A_398, %swap3A_399], %swap3A_402 {strides = array<i32>} : memref<4x128x128xbf16, #tpu.memory_space<vmem>>, vector<1x1x32xbf16>,
      }
      %scan3A_392 = arith.constant 4 : i32
    }
    %scan3A_7 = arith.constant 128 : i32
    %add3A_8 = arith.constant 0 : i32
    %add3A_9 = arith.addi %mul3A_2, %add3A_8 : i32
    %dma_start3A = arith.constant 0 : i32
    %dma_start3A_10 = arith.constant 0 : i32
    %dma_start3A_11 = arith.constant 0 : i32
    %dma_start3A_12 = tpu.memref_slice %arg8[%dma_start3A, %dma_start3A_10, %dma_start3A_11] : memref<4x128x128xbf16, #tpu.memory_space<vmem>> -> memref<1x128x128xbf16, #tpu.memory_space<vmem>>
    %dma_start3A_13 = tpu.memref_squeeze %dma_start3A_12 : memref<1x128x128xbf16, #tpu.memory_space<vmem>> -> memref<128x128xbf16, #tpu.memory_space<vmem>>
    %dma_start3A_14 = arith.constant 0 : i32
    %dma_start3A_15 = tpu.memref_slice %arg9[%add3A_9, %dma_start3A_14] : memref<10240x128xbf16, #tpu.memory_space<vmem_shared>> -> memref<128x128xbf16, #tpu.memory_space<vmem_shared>>
    %dma_start3A_16 = arith.constant 0 : i32
    %dma_start3A_17 = tpu.memref_slice %arg9[%add3A_9, %dma_start3A_16] : memref<10240x128xbf16, #tpu.memory_space<vmem_shared>> -> memref<128x128xbf16, #tpu.memory_space<vmem_shared>>
    %dma_start3A_18 = arith.constant 0 : i32
    %dma_start3A_19 = arith.constant 0 : i32
    %dma_start3A_20 = tpu.memref_slice %arg8[%dma_start3A, %dma_start3A_18, %dma_start3A_19] : memref<4x128x128xbf16, #tpu.memory_space<vmem>> -> memref<1x128x128xbf16, #tpu.memory_space<vmem>>
    %dma_start3A_21 = tpu.memref_squeeze %dma_start3A_20 : memref<1x128x128xbf16, #tpu.memory_space<vmem>> -> memref<128x128xbf16, #tpu.memory_space<vmem>>
    tpu.enqueue_dma source(%dma_start3A_21 : memref<128x128xbf16, #tpu.memory_space<vmem>>) target(%dma_start3A_17 : memref<128x128xbf16, #tpu.memory_space<vmem_shared>>) target_semaphore(%arg10 : memref<!tpu.dma_semaphore, #tpu.memory_space<semaphore_mem>>)
    %add3A_22 = arith.constant 128 : i32
    %add3A_23 = arith.addi %mul3A_2, %add3A_22 : i32
    %dma_start3A_24 = arith.constant 0 : i32
    %dma_start3A_25 = arith.constant 0 : i32
    %dma_start3A_26 = arith.constant 0 : i32
    %dma_start3A_27 = tpu.memref_slice %arg8[%dma_start3A_24, %dma_start3A_25, %dma_start3A_26] : memref<4x128x128xbf16, #tpu.memory_space<vmem>> -> memref<1x128x128xbf16, #tpu.memory_space<vmem>>
    %dma_start3A_28 = tpu.memref_squeeze %dma_start3A_27 : memref<1x128x128xbf16, #tpu.memory_space<vmem>> -> memref<128x128xbf16, #tpu.memory_space<vmem>>
    %dma_start3A_29 = arith.constant 0 : i32
    %dma_start3A_30 = tpu.memref_slice %arg9[%add3A_23, %dma_start3A_29] : memref<10240x128xbf16, #tpu.memory_space<vmem_shared>> -> memref<128x128xbf16, #tpu.memory_space<vmem_shared>>
    %dma_start3A_31 = arith.constant 0 : i32
    %dma_start3A_32 = tpu.memref_slice %arg9[%add3A_23, %dma_start3A_31] : memref<10240x128xbf16, #tpu.memory_space<vmem_shared>> -> memref<128x128xbf16, #tpu.memory_space<vmem_shared>>
    %dma_start3A_33 = arith.constant 0 : i32
    %dma_start3A_34 = arith.constant 0 : i32
    %dma_start3A_35 = tpu.memref_slice %arg8[%dma_start3A_24, %dma_start3A_33, %dma_start3A_34] : memref<4x128x128xbf16, #tpu.memory_space<vmem>> -> memref<1x128x128xbf16, #tpu.memory_space<vmem>>
    %dma_start3A_36 = tpu.memref_squeeze %dma_start3A_35 : memref<1x128x128xbf16, #tpu.memory_space<vmem>> -> memref<128x128xbf16, #tpu.memory_space<vmem>>
    tpu.enqueue_dma source(%dma_start3A_36 : memref<128x128xbf16, #tpu.memory_space<vmem>>) target(%dma_start3A_32 : memref<128x128xbf16, #tpu.memory_space<vmem_shared>>) target_semaphore(%arg10 : memref<!tpu.dma_semaphore, #tpu.memory_space<semaphore_mem>>)
    %add3A_37 = arith.constant 256 : i32
    %add3A_38 = arith.addi %mul3A_2, %add3A_37 : i32
    %dma_start3A_39 = arith.constant 0 : i32
    %dma_start3A_40 = arith.constant 0 : i32
    %dma_start3A_41 = arith.constant 0 : i32
    %dma_start3A_42 = tpu.memref_slice %arg8[%dma_start3A_39, %dma_start3A_40, %dma_start3A_41] : memref<4x128x128xbf16, #tpu.memory_space<vmem>> -> memref<1x128x128xbf16, #tpu.memory_space<vmem>>
    %dma_start3A_43 = tpu.memref_squeeze %dma_start3A_42 : memref<1x128x128xbf16, #tpu.memory_space<vmem>> -> memref<128x128xbf16, #tpu.memory_space<vmem>>
    %dma_start3A_44 = arith.constant 0 : i32
    %dma_start3A_45 = tpu.memref_slice %arg9[%add3A_38, %dma_start3A_44] : memref<10240x128xbf16, #tpu.memory_space<vmem_shared>> -> memref<128x128xbf16, #tpu.memory_space<vmem_shared>>
    %dma_start3A_46 = arith.constant 0 : i32
    %dma_start3A_47 = tpu.memref_slice %arg9[%add3A_38, %dma_start3A_46] : memref<10240x128xbf16, #tpu.memory_space<vmem_shared>> -> memref<128x128xbf16, #tpu.memory_space<vmem_shared>>
    %dma_start3A_48 = arith.constant 0 : i32
    %dma_start3A_49 = arith.constant 0 : i32
    %dma_start3A_50 = tpu.memref_slice %arg8[%dma_start3A_39, %dma_start3A_48, %dma_start3A_49] : memref<4x128x128xbf16, #tpu.memory_space<vmem>> -> memref<1x128x128xbf16, #tpu.memory_space<vmem>>
    %dma_start3A_51 = tpu.memref_squeeze %dma_start3A_50 : memref<1x128x128xbf16, #tpu.memory_space<vmem>> -> memref<128x128xbf16, #tpu.memory_space<vmem>>
    tpu.enqueue_dma source(%dma_start3A_51 : memref<128x128xbf16, #tpu.memory_space<vmem>>) target(%dma_start3A_47 : memref<128x128xbf16, #tpu.memory_space<vmem_shared>>) target_semaphore(%arg10 : memref<!tpu.dma_semaphore, #tpu.memory_space<semaphore_mem>>)
    %add3A_52 = arith.constant 384 : i32
    %add3A_53 = arith.addi %mul3A_2, %add3A_52 : i32
    %dma_start3A_54 = arith.constant 0 : i32
    %dma_start3A_55 = arith.constant 0 : i32
    %dma_start3A_56 = arith.constant 0 : i32
    %dma_start3A_57 = tpu.memref_slice %arg8[%dma_start3A_54, %dma_start3A_55, %dma_start3A_56] : memref<4x128x128xbf16, #tpu.memory_space<vmem>> -> memref<1x128x128xbf16, #tpu.memory_space<vmem>>
    %dma_start3A_58 = tpu.memref_squeeze %dma_start3A_57 : memref<1x128x128xbf16, #tpu.memory_space<vmem>> -> memref<128x128xbf16, #tpu.memory_space<vmem>>
    %dma_start3A_59 = arith.constant 0 : i32
    %dma_start3A_60 = tpu.memref_slice %arg9[%add3A_53, %dma_start3A_59] : memref<10240x128xbf16, #tpu.memory_space<vmem_shared>> -> memref<128x128xbf16, #tpu.memory_space<vmem_shared>>
    %dma_start3A_61 = arith.constant 0 : i32
    %dma_start3A_62 = tpu.memref_slice %arg9[%add3A_53, %dma_start3A_61] : memref<10240x128xbf16, #tpu.memory_space<vmem_shared>> -> memref<128x128xbf16, #tpu.memory_space<vmem_shared>>
    %dma_start3A_63 = arith.constant 0 : i32
    %dma_start3A_64 = arith.constant 0 : i32
    %dma_start3A_65 = tpu.memref_slice %arg8[%dma_start3A_54, %dma_start3A_63, %dma_start3A_64] : memref<4x128x128xbf16, #tpu.memory_space<vmem>> -> memref<1x128x128xbf16, #tpu.memory_space<vmem>>
    %dma_start3A_66 = tpu.memref_squeeze %dma_start3A_65 : memref<1x128x128xbf16, #tpu.memory_space<vmem>> -> memref<128x128xbf16, #tpu.memory_space<vmem>>
    tpu.enqueue_dma source(%dma_start3A_66 : memref<128x128xbf16, #tpu.memory_space<vmem>>) target(%dma_start3A_62 : memref<128x128xbf16, #tpu.memory_space<vmem_shared>>) target_semaphore(%arg10 : memref<!tpu.dma_semaphore, #tpu.memory_space<semaphore_mem>>)
    %add3A_67 = arith.constant 512 : i32
    %add3A_68 = arith.addi %mul3A_2, %add3A_67 : i32
    %dma_start3A_69 = arith.constant 0 : i32
    %dma_start3A_70 = arith.constant 0 : i32
    %dma_start3A_71 = arith.constant 0 : i32
    %dma_start3A_72 = tpu.memref_slice %arg8[%dma_start3A_69, %dma_start3A_70, %dma_start3A_71] : memref<4x128x128xbf16, #tpu.memory_space<vmem>> -> memref<1x128x128xbf16, #tpu.memory_space<vmem>>
    %dma_start3A_73 = tpu.memref_squeeze %dma_start3A_72 : memref<1x128x128xbf16, #tpu.memory_space<vmem>> -> memref<128x128xbf16, #tpu.memory_space<vmem>>
    %dma_start3A_74 = arith.constant 0 : i32
    %dma_start3A_75 = tpu.memref_slice %arg9[%add3A_68, %dma_start3A_74] : memref<10240x128xbf16, #tpu.memory_space<vmem_shared>> -> memref<128x128xbf16, #tpu.memory_space<vmem_shared>>
    %dma_start3A_76 = arith.constant 0 : i32
    %dma_start3A_77 = tpu.memref_slice %arg9[%add3A_68, %dma_start3A_76] : memref<10240x128xbf16, #tpu.memory_space<vmem_shared>> -> memref<128x128xbf16, #tpu.memory_space<vmem_shared>>
    %dma_start3A_78 = arith.constant 0 : i32
    %dma_start3A_79 = arith.constant 0 : i32
    %dma_start3A_80 = tpu.memref_slice %arg8[%dma_start3A_69, %dma_start3A_78, %dma_start3A_79] : memref<4x128x128xbf16, #tpu.memory_space<vmem>> -> memref<1x128x128xbf16, #tpu.memory_space<vmem>>
    %dma_start3A_81 = tpu.memref_squeeze %dma_start3A_80 : memref<1x128x128xbf16, #tpu.memory_space<vmem>> -> memref<128x128xbf16, #tpu.memory_space<vmem>>
    tpu.enqueue_dma source(%dma_start3A_81 : memref<128x128xbf16, #tpu.memory_space<vmem>>) target(%dma_start3A_77 : memref<128x128xbf16, #tpu.memory_space<vmem_shared>>) target_semaphore(%arg10 : memref<!tpu.dma_semaphore, #tpu.memory_space<semaphore_mem>>)
    "tpu.region"() ({
      %run_scoped3A_387 = tpu.sem_alloc : memref<!tpu.dma_semaphore, #tpu.memory_space<semaphore_mem>>
      %dma_start3A_388 = arith.constant 0 : i32
      %dma_start3A_389 = arith.constant 0 : i32
      %dma_start3A_390 = tpu.memref_slice %arg3[%add3A, %dma_start3A_388, %dma_start3A_389] : memref<32x80x128xi32, #tpu.memory_space<hbm>> -> memref<1x80x128xi32, #tpu.memory_space<hbm>>
      %dma_start3A_391 = tpu.memref_squeeze %dma_start3A_390 : memref<1x80x128xi32, #tpu.memory_space<hbm>> -> memref<80x128xi32, #tpu.memory_space<hbm>>
      %dma_start3A_392 = arith.constant 0 : i32
      %dma_start3A_393 = arith.constant 0 : i32
      %dma_start3A_394 = tpu.memref_slice %arg3[%add3A, %dma_start3A_392, %dma_start3A_393] : memref<32x80x128xi32, #tpu.memory_space<hbm>> -> memref<1x80x128xi32, #tpu.memory_space<hbm>>
      %dma_start3A_395 = tpu.memref_squeeze %dma_start3A_394 : memref<1x80x128xi32, #tpu.memory_space<hbm>> -> memref<80x128xi32, #tpu.memory_space<hbm>>
      tpu.enqueue_dma source(%dma_start3A_395 : memref<80x128xi32, #tpu.memory_space<hbm>>) target(%arg6 : memref<80x128xi32, #tpu.memory_space<vmem>>) target_semaphore(%run_scoped3A_387 : memref<!tpu.dma_semaphore, #tpu.memory_space<semaphore_mem>>)
      %dma_wait3A_396 = arith.constant 0 : i32
      %dma_wait3A_397 = arith.constant 0 : i32
      %dma_wait3A_398 = tpu.memref_slice %arg3[%add3A, %dma_wait3A_396, %dma_wait3A_397] : memref<32x80x128xi32, #tpu.memory_space<hbm>> -> memref<1x80x128xi32, #tpu.memory_space<hbm>>
      %dma_wait3A_399 = tpu.memref_squeeze %dma_wait3A_398 : memref<1x80x128xi32, #tpu.memory_space<hbm>> -> memref<80x128xi32, #tpu.memory_space<hbm>>
      %dma_wait3A_400 = arith.constant 0 : i32
      %dma_wait3A_401 = arith.constant 0 : i32
      %dma_wait3A_402 = tpu.memref_slice %arg3[%add3A, %dma_wait3A_400, %dma_wait3A_401] : memref<32x80x128xi32, #tpu.memory_space<hbm>> -> memref<1x80x128xi32, #tpu.memory_space<hbm>>
      %dma_wait3A_403 = tpu.memref_squeeze %dma_wait3A_402 : memref<1x80x128xi32, #tpu.memory_space<hbm>> -> memref<80x128xi32, #tpu.memory_space<hbm>>
      tpu.wait_dma2 semaphore(%run_scoped3A_387 : memref<!tpu.dma_semaphore, #tpu.memory_space<semaphore_mem>>) src(%dma_wait3A_403 : memref<80x128xi32, #tpu.memory_space<hbm>>) dst(%arg6 : memref<80x128xi32, #tpu.memory_space<vmem>>)
      tpu.yield
    }) : () -> ()
    "tpu.region"() ({
      %run_scoped3A_387 = tpu.sem_alloc : memref<!tpu.dma_semaphore, #tpu.memory_space<semaphore_mem>>
      %dma_start3A_388 = arith.constant 0 : i32
      %dma_start3A_389 = arith.constant 0 : i32
      %dma_start3A_390 = tpu.memref_slice %arg4[%add3A, %dma_start3A_388, %dma_start3A_389] : memref<32x80x128xi32, #tpu.memory_space<hbm>> -> memref<1x80x128xi32, #tpu.memory_space<hbm>>
      %dma_start3A_391 = tpu.memref_squeeze %dma_start3A_390 : memref<1x80x128xi32, #tpu.memory_space<hbm>> -> memref<80x128xi32, #tpu.memory_space<hbm>>
      %dma_start3A_392 = arith.constant 0 : i32
      %dma_start3A_393 = arith.constant 0 : i32
      %dma_start3A_394 = tpu.memref_slice %arg4[%add3A, %dma_start3A_392, %dma_start3A_393] : memref<32x80x128xi32, #tpu.memory_space<hbm>> -> memref<1x80x128xi32, #tpu.memory_space<hbm>>
      %dma_start3A_395 = tpu.memref_squeeze %dma_start3A_394 : memref<1x80x128xi32, #tpu.memory_space<hbm>> -> memref<80x128xi32, #tpu.memory_space<hbm>>
      tpu.enqueue_dma source(%dma_start3A_395 : memref<80x128xi32, #tpu.memory_space<hbm>>) target(%arg7 : memref<80x128xi32, #tpu.memory_space<vmem>>) target_semaphore(%run_scoped3A_387 : memref<!tpu.dma_semaphore, #tpu.memory_space<semaphore_mem>>)
      %dma_wait3A_396 = arith.constant 0 : i32
      %dma_wait3A_397 = arith.constant 0 : i32
      %dma_wait3A_398 = tpu.memref_slice %arg4[%add3A, %dma_wait3A_396, %dma_wait3A_397] : memref<32x80x128xi32, #tpu.memory_space<hbm>> -> memref<1x80x128xi32, #tpu.memory_space<hbm>>
      %dma_wait3A_399 = tpu.memref_squeeze %dma_wait3A_398 : memref<1x80x128xi32, #tpu.memory_space<hbm>> -> memref<80x128xi32, #tpu.memory_space<hbm>>
      %dma_wait3A_400 = arith.constant 0 : i32
      %dma_wait3A_401 = arith.constant 0 : i32
      %dma_wait3A_402 = tpu.memref_slice %arg4[%add3A, %dma_wait3A_400, %dma_wait3A_401] : memref<32x80x128xi32, #tpu.memory_space<hbm>> -> memref<1x80x128xi32, #tpu.memory_space<hbm>>
      %dma_wait3A_403 = tpu.memref_squeeze %dma_wait3A_402 : memref<1x80x128xi32, #tpu.memory_space<hbm>> -> memref<80x128xi32, #tpu.memory_space<hbm>>
      tpu.wait_dma2 semaphore(%run_scoped3A_387 : memref<!tpu.dma_semaphore, #tpu.memory_space<semaphore_mem>>) src(%dma_wait3A_403 : memref<80x128xi32, #tpu.memory_space<hbm>>) dst(%arg7 : memref<80x128xi32, #tpu.memory_space<vmem>>)
      tpu.yield
    }) : () -> ()
    %dma_wait3A = arith.constant 0 : i32
    %dma_wait3A_82 = arith.constant 0 : i32
    %dma_wait3A_83 = arith.constant 0 : i32
    %dma_wait3A_84 = tpu.memref_slice %arg8[%dma_wait3A, %dma_wait3A_82, %dma_wait3A_83] : memref<4x128x128xbf16, #tpu.memory_space<vmem>> -> memref<1x128x128xbf16, #tpu.memory_space<vmem>>
    %dma_wait3A_85 = tpu.memref_squeeze %dma_wait3A_84 : memref<1x128x128xbf16, #tpu.memory_space<vmem>> -> memref<128x128xbf16, #tpu.memory_space<vmem>>
    %dma_wait3A_86 = arith.constant 0 : i32
    %dma_wait3A_87 = tpu.memref_slice %arg9[%mul3A_2, %dma_wait3A_86] : memref<10240x128xbf16, #tpu.memory_space<vmem_shared>> -> memref<128x128xbf16, #tpu.memory_space<vmem_shared>>
    %dma_wait3A_88 = arith.constant 0 : i32
    %dma_wait3A_89 = tpu.memref_slice %arg9[%mul3A_2, %dma_wait3A_88] : memref<10240x128xbf16, #tpu.memory_space<vmem_shared>> -> memref<128x128xbf16, #tpu.memory_space<vmem_shared>>
    %dma_wait3A_90 = arith.constant 0 : i32
    %dma_wait3A_91 = arith.constant 0 : i32
    %dma_wait3A_92 = tpu.memref_slice %arg8[%dma_wait3A, %dma_wait3A_90, %dma_wait3A_91] : memref<4x128x128xbf16, #tpu.memory_space<vmem>> -> memref<1x128x128xbf16, #tpu.memory_space<vmem>>
    %dma_wait3A_93 = tpu.memref_squeeze %dma_wait3A_92 : memref<1x128x128xbf16, #tpu.memory_space<vmem>> -> memref<128x128xbf16, #tpu.memory_space<vmem>>
    tpu.wait_dma2 semaphore(%arg10 : memref<!tpu.dma_semaphore, #tpu.memory_space<semaphore_mem>>) src(%dma_wait3A_93 : memref<128x128xbf16, #tpu.memory_space<vmem>>) dst(%dma_wait3A_89 : memref<128x128xbf16, #tpu.memory_space<vmem_shared>>)
    %dma_wait3A_94 = arith.constant 0 : i32
    %dma_wait3A_95 = arith.constant 0 : i32
    %dma_wait3A_96 = arith.constant 0 : i32
    %dma_wait3A_97 = tpu.memref_slice %arg8[%dma_wait3A_94, %dma_wait3A_95, %dma_wait3A_96] : memref<4x128x128xbf16, #tpu.memory_space<vmem>> -> memref<1x128x128xbf16, #tpu.memory_space<vmem>>
    %dma_wait3A_98 = tpu.memref_squeeze %dma_wait3A_97 : memref<1x128x128xbf16, #tpu.memory_space<vmem>> -> memref<128x128xbf16, #tpu.memory_space<vmem>>
    %dma_wait3A_99 = arith.constant 0 : i32
    %dma_wait3A_100 = tpu.memref_slice %arg9[%mul3A_2, %dma_wait3A_99] : memref<10240x128xbf16, #tpu.memory_space<vmem_shared>> -> memref<128x128xbf16, #tpu.memory_space<vmem_shared>>
    %dma_wait3A_101 = arith.constant 0 : i32
    %dma_wait3A_102 = tpu.memref_slice %arg9[%mul3A_2, %dma_wait3A_101] : memref<10240x128xbf16, #tpu.memory_space<vmem_shared>> -> memref<128x128xbf16, #tpu.memory_space<vmem_shared>>
    %dma_wait3A_103 = arith.constant 0 : i32
    %dma_wait3A_104 = arith.constant 0 : i32
    %dma_wait3A_105 = tpu.memref_slice %arg8[%dma_wait3A_94, %dma_wait3A_103, %dma_wait3A_104] : memref<4x128x128xbf16, #tpu.memory_space<vmem>> -> memref<1x128x128xbf16, #tpu.memory_space<vmem>>
    %dma_wait3A_106 = tpu.memref_squeeze %dma_wait3A_105 : memref<1x128x128xbf16, #tpu.memory_space<vmem>> -> memref<128x128xbf16, #tpu.memory_space<vmem>>
    tpu.wait_dma2 semaphore(%arg10 : memref<!tpu.dma_semaphore, #tpu.memory_space<semaphore_mem>>) src(%dma_wait3A_106 : memref<128x128xbf16, #tpu.memory_space<vmem>>) dst(%dma_wait3A_102 : memref<128x128xbf16, #tpu.memory_space<vmem_shared>>)
    %dma_wait3A_107 = arith.constant 0 : i32
    %dma_wait3A_108 = arith.constant 0 : i32
    %dma_wait3A_109 = arith.constant 0 : i32
    %dma_wait3A_110 = tpu.memref_slice %arg8[%dma_wait3A_107, %dma_wait3A_108, %dma_wait3A_109] : memref<4x128x128xbf16, #tpu.memory_space<vmem>> -> memref<1x128x128xbf16, #tpu.memory_space<vmem>>
    %dma_wait3A_111 = tpu.memref_squeeze %dma_wait3A_110 : memref<1x128x128xbf16, #tpu.memory_space<vmem>> -> memref<128x128xbf16, #tpu.memory_space<vmem>>
    %dma_wait3A_112 = arith.constant 0 : i32
    %dma_wait3A_113 = tpu.memref_slice %arg9[%mul3A_2, %dma_wait3A_112] : memref<10240x128xbf16, #tpu.memory_space<vmem_shared>> -> memref<128x128xbf16, #tpu.memory_space<vmem_shared>>
    %dma_wait3A_114 = arith.constant 0 : i32
    %dma_wait3A_115 = tpu.memref_slice %arg9[%mul3A_2, %dma_wait3A_114] : memref<10240x128xbf16, #tpu.memory_space<vmem_shared>> -> memref<128x128xbf16, #tpu.memory_space<vmem_shared>>
    %dma_wait3A_116 = arith.constant 0 : i32
    %dma_wait3A_117 = arith.constant 0 : i32
    %dma_wait3A_118 = tpu.memref_slice %arg8[%dma_wait3A_107, %dma_wait3A_116, %dma_wait3A_117] : memref<4x128x128xbf16, #tpu.memory_space<vmem>> -> memref<1x128x128xbf16, #tpu.memory_space<vmem>>
    %dma_wait3A_119 = tpu.memref_squeeze %dma_wait3A_118 : memref<1x128x128xbf16, #tpu.memory_space<vmem>> -> memref<128x128xbf16, #tpu.memory_space<vmem>>
    tpu.wait_dma2 semaphore(%arg10 : memref<!tpu.dma_semaphore, #tpu.memory_space<semaphore_mem>>) src(%dma_wait3A_119 : memref<128x128xbf16, #tpu.memory_space<vmem>>) dst(%dma_wait3A_115 : memref<128x128xbf16, #tpu.memory_space<vmem_shared>>)
    %dma_wait3A_120 = arith.constant 0 : i32
    %dma_wait3A_121 = arith.constant 0 : i32
    %dma_wait3A_122 = arith.constant 0 : i32
    %dma_wait3A_123 = tpu.memref_slice %arg8[%dma_wait3A_120, %dma_wait3A_121, %dma_wait3A_122] : memref<4x128x128xbf16, #tpu.memory_space<vmem>> -> memref<1x128x128xbf16, #tpu.memory_space<vmem>>
    %dma_wait3A_124 = tpu.memref_squeeze %dma_wait3A_123 : memref<1x128x128xbf16, #tpu.memory_space<vmem>> -> memref<128x128xbf16, #tpu.memory_space<vmem>>
    %dma_wait3A_125 = arith.constant 0 : i32
    %dma_wait3A_126 = tpu.memref_slice %arg9[%mul3A_2, %dma_wait3A_125] : memref<10240x128xbf16, #tpu.memory_space<vmem_shared>> -> memref<128x128xbf16, #tpu.memory_space<vmem_shared>>
    %dma_wait3A_127 = arith.constant 0 : i32
    %dma_wait3A_128 = tpu.memref_slice %arg9[%mul3A_2, %dma_wait3A_127] : memref<10240x128xbf16, #tpu.memory_space<vmem_shared>> -> memref<128x128xbf16, #tpu.memory_space<vmem_shared>>
    %dma_wait3A_129 = arith.constant 0 : i32
    %dma_wait3A_130 = arith.constant 0 : i32
    %dma_wait3A_131 = tpu.memref_slice %arg8[%dma_wait3A_120, %dma_wait3A_129, %dma_wait3A_130] : memref<4x128x128xbf16, #tpu.memory_space<vmem>> -> memref<1x128x128xbf16, #tpu.memory_space<vmem>>
    %dma_wait3A_132 = tpu.memref_squeeze %dma_wait3A_131 : memref<1x128x128xbf16, #tpu.memory_space<vmem>> -> memref<128x128xbf16, #tpu.memory_space<vmem>>
    tpu.wait_dma2 semaphore(%arg10 : memref<!tpu.dma_semaphore, #tpu.memory_space<semaphore_mem>>) src(%dma_wait3A_132 : memref<128x128xbf16, #tpu.memory_space<vmem>>) dst(%dma_wait3A_128 : memref<128x128xbf16, #tpu.memory_space<vmem_shared>>)
    %dma_wait3A_133 = arith.constant 0 : i32
    %dma_wait3A_134 = arith.constant 0 : i32
    %dma_wait3A_135 = arith.constant 0 : i32
    %dma_wait3A_136 = tpu.memref_slice %arg8[%dma_wait3A_133, %dma_wait3A_134, %dma_wait3A_135] : memref<4x128x128xbf16, #tpu.memory_space<vmem>> -> memref<1x128x128xbf16, #tpu.memory_space<vmem>>
    %dma_wait3A_137 = tpu.memref_squeeze %dma_wait3A_136 : memref<1x128x128xbf16, #tpu.memory_space<vmem>> -> memref<128x128xbf16, #tpu.memory_space<vmem>>
    %dma_wait3A_138 = arith.constant 0 : i32
    %dma_wait3A_139 = tpu.memref_slice %arg9[%mul3A_2, %dma_wait3A_138] : memref<10240x128xbf16, #tpu.memory_space<vmem_shared>> -> memref<128x128xbf16, #tpu.memory_space<vmem_shared>>
    %dma_wait3A_140 = arith.constant 0 : i32
    %dma_wait3A_141 = tpu.memref_slice %arg9[%mul3A_2, %dma_wait3A_140] : memref<10240x128xbf16, #tpu.memory_space<vmem_shared>> -> memref<128x128xbf16, #tpu.memory_space<vmem_shared>>
    %dma_wait3A_142 = arith.constant 0 : i32
    %dma_wait3A_143 = arith.constant 0 : i32
    %dma_wait3A_144 = tpu.memref_slice %arg8[%dma_wait3A_133, %dma_wait3A_142, %dma_wait3A_143] : memref<4x128x128xbf16, #tpu.memory_space<vmem>> -> memref<1x128x128xbf16, #tpu.memory_space<vmem>>
    %dma_wait3A_145 = tpu.memref_squeeze %dma_wait3A_144 : memref<1x128x128xbf16, #tpu.memory_space<vmem>> -> memref<128x128xbf16, #tpu.memory_space<vmem>>
    tpu.wait_dma2 semaphore(%arg10 : memref<!tpu.dma_semaphore, #tpu.memory_space<semaphore_mem>>) src(%dma_wait3A_145 : memref<128x128xbf16, #tpu.memory_space<vmem>>) dst(%dma_wait3A_141 : memref<128x128xbf16, #tpu.memory_space<vmem_shared>>)
    %barrier3A = arith.constant 0 : index
    tpu.barrier barrier_id(%barrier3A)
    %dma_start3A_146 = arith.constant 0 : i32
    %dma_start3A_147 = arith.constant 0 : i32
    %dma_start3A_148 = arith.constant 0 : i32
    %dma_start3A_149 = arith.constant 0 : i32
    %dma_start3A_150 = tpu.memref_slice %arg8[%dma_start3A_147, %dma_start3A_148, %dma_start3A_149] : memref<4x128x128xbf16, #tpu.memory_space<vmem>> -> memref<1x128x128xbf16, #tpu.memory_space<vmem>>
    %dma_start3A_151 = tpu.memref_squeeze %dma_start3A_150 : memref<1x128x128xbf16, #tpu.memory_space<vmem>> -> memref<128x128xbf16, #tpu.memory_space<vmem>>
    %dma_start3A_152 = arith.constant 0 : i32
    %dma_start3A_153 = tpu.memref_slice %arg6[%dma_start3A_146, %dma_start3A_152] : memref<80x128xi32, #tpu.memory_space<vmem>> -> memref<1x128xi32, #tpu.memory_space<vmem>>
    %dma_start3A_154 = tpu.memref_squeeze %dma_start3A_153 : memref<1x128xi32, #tpu.memory_space<vmem>> -> memref<128xi32, #tpu.memory_space<vmem>>
    %dma_start3A_155 = arith.constant 0 : i32
    %dma_start3A_156 = arith.constant 0 : i32
    %dma_start3A_157 = tpu.memref_slice %arg2[%dma_start3A_155, %dma_start3A_156] : memref<10240x128xbf16, #tpu.memory_space<hbm>> -> memref<10240x128xbf16, #tpu.memory_space<hbm>>
    tpu.enqueue_indirect_dma source(%dma_start3A_157 : memref<10240x128xbf16, #tpu.memory_space<hbm>>) target(%dma_start3A_151 : memref<128x128xbf16, #tpu.memory_space<vmem>>) offsets(%dma_start3A_154 : memref<128xi32, #tpu.memory_space<vmem>>) semaphore(%arg10 : memref<!tpu.dma_semaphore, #tpu.memory_space<semaphore_mem>>)
    %scan3A_158 = arith.constant 0 : i32
    %scan3A_159 = arith.constant 0 : i32
    %scan3A_160 = arith.constant 20 : i32
    %scan3A_161 = arith.addi %scan3A_159, %scan3A_160 : i32
    %scan3A_162 = arith.constant 1 : i32
    scf.for %scan3A_387 = %scan3A_159 to %scan3A_161 step %scan3A_162  : i32 {
      %mul3A_388 = arith.constant 4 : i32
      %mul3A_389 = arith.muli %mul3A_388, %scan3A_387 : i32
      %add3A_390 = arith.constant 0 : i32
      %add3A_391 = arith.addi %mul3A_389, %add3A_390 : i32
      %dma_wait3A_392 = arith.constant 0 : i32
      %dma_wait3A_393 = arith.constant 0 : i32
      %dma_wait3A_394 = arith.constant 0 : i32
      %dma_wait3A_395 = arith.constant 0 : i32
      %dma_wait3A_396 = tpu.memref_slice %arg8[%dma_wait3A_393, %dma_wait3A_394, %dma_wait3A_395] : memref<4x128x128xbf16, #tpu.memory_space<vmem>> -> memref<1x128x128xbf16, #tpu.memory_space<vmem>>
      %dma_wait3A_397 = tpu.memref_squeeze %dma_wait3A_396 : memref<1x128x128xbf16, #tpu.memory_space<vmem>> -> memref<128x128xbf16, #tpu.memory_space<vmem>>
      %dma_wait3A_398 = arith.constant 0 : i32
      %dma_wait3A_399 = tpu.memref_slice %arg6[%dma_wait3A_392, %dma_wait3A_398] : memref<80x128xi32, #tpu.memory_space<vmem>> -> memref<1x128xi32, #tpu.memory_space<vmem>>
      %dma_wait3A_400 = tpu.memref_squeeze %dma_wait3A_399 : memref<1x128xi32, #tpu.memory_space<vmem>> -> memref<128xi32, #tpu.memory_space<vmem>>
      %dma_wait3A_401 = arith.constant 0 : i32
      %dma_wait3A_402 = arith.constant 0 : i32
      %dma_wait3A_403 = tpu.memref_slice %arg2[%dma_wait3A_401, %dma_wait3A_402] : memref<10240x128xbf16, #tpu.memory_space<hbm>> -> memref<10240x128xbf16, #tpu.memory_space<hbm>>
      tpu.wait_indirect_dma semaphore(%arg10 : memref<!tpu.dma_semaphore, #tpu.memory_space<semaphore_mem>>) src(%dma_wait3A_403 : memref<10240x128xbf16, #tpu.memory_space<hbm>>) dst(%dma_wait3A_397 : memref<128x128xbf16, #tpu.memory_space<vmem>>)
      %dma_start3A_404 = arith.constant 0 : i32
      %dma_start3A_405 = arith.constant 0 : i32
      %dma_start3A_406 = arith.constant 0 : i32
      %dma_start3A_407 = tpu.memref_slice %arg8[%dma_start3A_404, %dma_start3A_405, %dma_start3A_406] : memref<4x128x128xbf16, #tpu.memory_space<vmem>> -> memref<1x128x128xbf16, #tpu.memory_space<vmem>>
      %dma_start3A_408 = tpu.memref_squeeze %dma_start3A_407 : memref<1x128x128xbf16, #tpu.memory_space<vmem>> -> memref<128x128xbf16, #tpu.memory_space<vmem>>
      %dma_start3A_409 = arith.constant 0 : i32
      %dma_start3A_410 = tpu.memref_slice %arg7[%add3A_391, %dma_start3A_409] : memref<80x128xi32, #tpu.memory_space<vmem>> -> memref<1x128xi32, #tpu.memory_space<vmem>>
      %dma_start3A_411 = tpu.memref_squeeze %dma_start3A_410 : memref<1x128xi32, #tpu.memory_space<vmem>> -> memref<128xi32, #tpu.memory_space<vmem>>
      %dma_start3A_412 = arith.constant 0 : i32
      %dma_start3A_413 = arith.constant 0 : i32
      %dma_start3A_414 = tpu.memref_slice %arg9[%dma_start3A_412, %dma_start3A_413] : memref<10240x128xbf16, #tpu.memory_space<vmem_shared>> -> memref<10240x128xbf16, #tpu.memory_space<vmem_shared>>
      tpu.enqueue_indirect_dma source(%dma_start3A_408 : memref<128x128xbf16, #tpu.memory_space<vmem>>) target(%dma_start3A_414 : memref<10240x128xbf16, #tpu.memory_space<vmem_shared>>) offsets(%dma_start3A_411 : memref<128xi32, #tpu.memory_space<vmem>>) semaphore(%arg14 : memref<!tpu.dma_semaphore, #tpu.memory_space<semaphore_mem>>) {add = true}
      %add3A_415 = arith.constant 1 : i32
      %add3A_416 = arith.addi %add3A_391, %add3A_415 : i32
      %lt3A = arith.constant 80 : i32
      %lt3A_417 = arith.cmpi slt, %add3A_416, %lt3A : i32
      %convert_element_type3A = arith.extui %lt3A_417 : i1 to i32
      %cond3A = arith.constant 0 : i32
      %cond3A_418 = arith.cmpi ne, %convert_element_type3A, %cond3A : i32
      scf.if %cond3A_418 {
        %ge3A = arith.constant 3 : i32
        %ge3A_521 = arith.cmpi sge, %add3A_391, %ge3A : i32
        %convert_element_type3A_522 = arith.extui %ge3A_521 : i1 to i32
        %cond3A_523 = arith.constant 0 : i32
        %cond3A_524 = arith.cmpi ne, %convert_element_type3A_522, %cond3A_523 : i32
        scf.if %cond3A_524 {
          %dma_wait3A_538 = arith.constant 1 : i32
          %dma_wait3A_539 = arith.constant 0 : i32
          %dma_wait3A_540 = arith.constant 0 : i32
          %dma_wait3A_541 = arith.constant 0 : i32
          %dma_wait3A_542 = tpu.memref_slice %arg8[%dma_wait3A_538, %dma_wait3A_540, %dma_wait3A_541] : memref<4x128x128xbf16, #tpu.memory_space<vmem>> -> memref<1x128x128xbf16, #tpu.memory_space<vmem>>
          %dma_wait3A_543 = tpu.memref_squeeze %dma_wait3A_542 : memref<1x128x128xbf16, #tpu.memory_space<vmem>> -> memref<128x128xbf16, #tpu.memory_space<vmem>>
          %dma_wait3A_544 = arith.constant 0 : i32
          %dma_wait3A_545 = tpu.memref_slice %arg7[%dma_wait3A_539, %dma_wait3A_544] : memref<80x128xi32, #tpu.memory_space<vmem>> -> memref<1x128xi32, #tpu.memory_space<vmem>>
          %dma_wait3A_546 = tpu.memref_squeeze %dma_wait3A_545 : memref<1x128xi32, #tpu.memory_space<vmem>> -> memref<128xi32, #tpu.memory_space<vmem>>
          %dma_wait3A_547 = arith.constant 0 : i32
          %dma_wait3A_548 = arith.constant 0 : i32
          %dma_wait3A_549 = tpu.memref_slice %arg9[%dma_wait3A_547, %dma_wait3A_548] : memref<10240x128xbf16, #tpu.memory_space<vmem_shared>> -> memref<10240x128xbf16, #tpu.memory_space<vmem_shared>>
          tpu.wait_indirect_dma semaphore(%arg15 : memref<!tpu.dma_semaphore, #tpu.memory_space<semaphore_mem>>) src(%dma_wait3A_543 : memref<128x128xbf16, #tpu.memory_space<vmem>>) dst(%dma_wait3A_549 : memref<10240x128xbf16, #tpu.memory_space<vmem_shared>>)
        } else {
        }
        %add3A_525 = arith.constant 1 : i32
        %add3A_526 = arith.addi %add3A_391, %add3A_525 : i32
        %dma_start3A_527 = arith.constant 1 : i32
        %dma_start3A_528 = arith.constant 0 : i32
        %dma_start3A_529 = arith.constant 0 : i32
        %dma_start3A_530 = tpu.memref_slice %arg8[%dma_start3A_527, %dma_start3A_528, %dma_start3A_529] : memref<4x128x128xbf16, #tpu.memory_space<vmem>> -> memref<1x128x128xbf16, #tpu.memory_space<vmem>>
        %dma_start3A_531 = tpu.memref_squeeze %dma_start3A_530 : memref<1x128x128xbf16, #tpu.memory_space<vmem>> -> memref<128x128xbf16, #tpu.memory_space<vmem>>
        %dma_start3A_532 = arith.constant 0 : i32
        %dma_start3A_533 = tpu.memref_slice %arg6[%add3A_526, %dma_start3A_532] : memref<80x128xi32, #tpu.memory_space<vmem>> -> memref<1x128xi32, #tpu.memory_space<vmem>>
        %dma_start3A_534 = tpu.memref_squeeze %dma_start3A_533 : memref<1x128xi32, #tpu.memory_space<vmem>> -> memref<128xi32, #tpu.memory_space<vmem>>
        %dma_start3A_535 = arith.constant 0 : i32
        %dma_start3A_536 = arith.constant 0 : i32
        %dma_start3A_537 = tpu.memref_slice %arg2[%dma_start3A_535, %dma_start3A_536] : memref<10240x128xbf16, #tpu.memory_space<hbm>> -> memref<10240x128xbf16, #tpu.memory_space<hbm>>
        tpu.enqueue_indirect_dma source(%dma_start3A_537 : memref<10240x128xbf16, #tpu.memory_space<hbm>>) target(%dma_start3A_531 : memref<128x128xbf16, #tpu.memory_space<vmem>>) offsets(%dma_start3A_534 : memref<128xi32, #tpu.memory_space<vmem>>) semaphore(%arg11 : memref<!tpu.dma_semaphore, #tpu.memory_space<semaphore_mem>>)
      } else {
      }
      %mul3A_419 = arith.constant 4 : i32
      %mul3A_420 = arith.muli %mul3A_419, %scan3A_387 : i32
      %add3A_421 = arith.constant 1 : i32
      %add3A_422 = arith.addi %mul3A_420, %add3A_421 : i32
      %dma_wait3A_423 = arith.constant 0 : i32
      %dma_wait3A_424 = arith.constant 1 : i32
      %dma_wait3A_425 = arith.constant 0 : i32
      %dma_wait3A_426 = arith.constant 0 : i32
      %dma_wait3A_427 = tpu.memref_slice %arg8[%dma_wait3A_424, %dma_wait3A_425, %dma_wait3A_426] : memref<4x128x128xbf16, #tpu.memory_space<vmem>> -> memref<1x128x128xbf16, #tpu.memory_space<vmem>>
      %dma_wait3A_428 = tpu.memref_squeeze %dma_wait3A_427 : memref<1x128x128xbf16, #tpu.memory_space<vmem>> -> memref<128x128xbf16, #tpu.memory_space<vmem>>
      %dma_wait3A_429 = arith.constant 0 : i32
      %dma_wait3A_430 = tpu.memref_slice %arg6[%dma_wait3A_423, %dma_wait3A_429] : memref<80x128xi32, #tpu.memory_space<vmem>> -> memref<1x128xi32, #tpu.memory_space<vmem>>
      %dma_wait3A_431 = tpu.memref_squeeze %dma_wait3A_430 : memref<1x128xi32, #tpu.memory_space<vmem>> -> memref<128xi32, #tpu.memory_space<vmem>>
      %dma_wait3A_432 = arith.constant 0 : i32
      %dma_wait3A_433 = arith.constant 0 : i32
      %dma_wait3A_434 = tpu.memref_slice %arg2[%dma_wait3A_432, %dma_wait3A_433] : memref<10240x128xbf16, #tpu.memory_space<hbm>> -> memref<10240x128xbf16, #tpu.memory_space<hbm>>
      tpu.wait_indirect_dma semaphore(%arg11 : memref<!tpu.dma_semaphore, #tpu.memory_space<semaphore_mem>>) src(%dma_wait3A_434 : memref<10240x128xbf16, #tpu.memory_space<hbm>>) dst(%dma_wait3A_428 : memref<128x128xbf16, #tpu.memory_space<vmem>>)
      %dma_start3A_435 = arith.constant 1 : i32
      %dma_start3A_436 = arith.constant 0 : i32
      %dma_start3A_437 = arith.constant 0 : i32
      %dma_start3A_438 = tpu.memref_slice %arg8[%dma_start3A_435, %dma_start3A_436, %dma_start3A_437] : memref<4x128x128xbf16, #tpu.memory_space<vmem>> -> memref<1x128x128xbf16, #tpu.memory_space<vmem>>
      %dma_start3A_439 = tpu.memref_squeeze %dma_start3A_438 : memref<1x128x128xbf16, #tpu.memory_space<vmem>> -> memref<128x128xbf16, #tpu.memory_space<vmem>>
      %dma_start3A_440 = arith.constant 0 : i32
      %dma_start3A_441 = tpu.memref_slice %arg7[%add3A_422, %dma_start3A_440] : memref<80x128xi32, #tpu.memory_space<vmem>> -> memref<1x128xi32, #tpu.memory_space<vmem>>
      %dma_start3A_442 = tpu.memref_squeeze %dma_start3A_441 : memref<1x128xi32, #tpu.memory_space<vmem>> -> memref<128xi32, #tpu.memory_space<vmem>>
      %dma_start3A_443 = arith.constant 0 : i32
      %dma_start3A_444 = arith.constant 0 : i32
      %dma_start3A_445 = tpu.memref_slice %arg9[%dma_start3A_443, %dma_start3A_444] : memref<10240x128xbf16, #tpu.memory_space<vmem_shared>> -> memref<10240x128xbf16, #tpu.memory_space<vmem_shared>>
      tpu.enqueue_indirect_dma source(%dma_start3A_439 : memref<128x128xbf16, #tpu.memory_space<vmem>>) target(%dma_start3A_445 : memref<10240x128xbf16, #tpu.memory_space<vmem_shared>>) offsets(%dma_start3A_442 : memref<128xi32, #tpu.memory_space<vmem>>) semaphore(%arg15 : memref<!tpu.dma_semaphore, #tpu.memory_space<semaphore_mem>>) {add = true}
      %add3A_446 = arith.constant 1 : i32
      %add3A_447 = arith.addi %add3A_422, %add3A_446 : i32
      %lt3A_448 = arith.constant 80 : i32
      %lt3A_449 = arith.cmpi slt, %add3A_447, %lt3A_448 : i32
      %convert_element_type3A_450 = arith.extui %lt3A_449 : i1 to i32
      %cond3A_451 = arith.constant 0 : i32
      %cond3A_452 = arith.cmpi ne, %convert_element_type3A_450, %cond3A_451 : i32
      scf.if %cond3A_452 {
        %ge3A = arith.constant 3 : i32
        %ge3A_521 = arith.cmpi sge, %add3A_422, %ge3A : i32
        %convert_element_type3A_522 = arith.extui %ge3A_521 : i1 to i32
        %cond3A_523 = arith.constant 0 : i32
        %cond3A_524 = arith.cmpi ne, %convert_element_type3A_522, %cond3A_523 : i32
        scf.if %cond3A_524 {
          %dma_wait3A_538 = arith.constant 2 : i32
          %dma_wait3A_539 = arith.constant 0 : i32
          %dma_wait3A_540 = arith.constant 0 : i32
          %dma_wait3A_541 = arith.constant 0 : i32
          %dma_wait3A_542 = tpu.memref_slice %arg8[%dma_wait3A_538, %dma_wait3A_540, %dma_wait3A_541] : memref<4x128x128xbf16, #tpu.memory_space<vmem>> -> memref<1x128x128xbf16, #tpu.memory_space<vmem>>
          %dma_wait3A_543 = tpu.memref_squeeze %dma_wait3A_542 : memref<1x128x128xbf16, #tpu.memory_space<vmem>> -> memref<128x128xbf16, #tpu.memory_space<vmem>>
          %dma_wait3A_544 = arith.constant 0 : i32
          %dma_wait3A_545 = tpu.memref_slice %arg7[%dma_wait3A_539, %dma_wait3A_544] : memref<80x128xi32, #tpu.memory_space<vmem>> -> memref<1x128xi32, #tpu.memory_space<vmem>>
          %dma_wait3A_546 = tpu.memref_squeeze %dma_wait3A_545 : memref<1x128xi32, #tpu.memory_space<vmem>> -> memref<128xi32, #tpu.memory_space<vmem>>
          %dma_wait3A_547 = arith.constant 0 : i32
          %dma_wait3A_548 = arith.constant 0 : i32
          %dma_wait3A_549 = tpu.memref_slice %arg9[%dma_wait3A_547, %dma_wait3A_548] : memref<10240x128xbf16, #tpu.memory_space<vmem_shared>> -> memref<10240x128xbf16, #tpu.memory_space<vmem_shared>>
          tpu.wait_indirect_dma semaphore(%arg16 : memref<!tpu.dma_semaphore, #tpu.memory_space<semaphore_mem>>) src(%dma_wait3A_543 : memref<128x128xbf16, #tpu.memory_space<vmem>>) dst(%dma_wait3A_549 : memref<10240x128xbf16, #tpu.memory_space<vmem_shared>>)
        } else {
        }
        %add3A_525 = arith.constant 1 : i32
        %add3A_526 = arith.addi %add3A_422, %add3A_525 : i32
        %dma_start3A_527 = arith.constant 2 : i32
        %dma_start3A_528 = arith.constant 0 : i32
        %dma_start3A_529 = arith.constant 0 : i32
        %dma_start3A_530 = tpu.memref_slice %arg8[%dma_start3A_527, %dma_start3A_528, %dma_start3A_529] : memref<4x128x128xbf16, #tpu.memory_space<vmem>> -> memref<1x128x128xbf16, #tpu.memory_space<vmem>>
        %dma_start3A_531 = tpu.memref_squeeze %dma_start3A_530 : memref<1x128x128xbf16, #tpu.memory_space<vmem>> -> memref<128x128xbf16, #tpu.memory_space<vmem>>
        %dma_start3A_532 = arith.constant 0 : i32
        %dma_start3A_533 = tpu.memref_slice %arg6[%add3A_526, %dma_start3A_532] : memref<80x128xi32, #tpu.memory_space<vmem>> -> memref<1x128xi32, #tpu.memory_space<vmem>>
        %dma_start3A_534 = tpu.memref_squeeze %dma_start3A_533 : memref<1x128xi32, #tpu.memory_space<vmem>> -> memref<128xi32, #tpu.memory_space<vmem>>
        %dma_start3A_535 = arith.constant 0 : i32
        %dma_start3A_536 = arith.constant 0 : i32
        %dma_start3A_537 = tpu.memref_slice %arg2[%dma_start3A_535, %dma_start3A_536] : memref<10240x128xbf16, #tpu.memory_space<hbm>> -> memref<10240x128xbf16, #tpu.memory_space<hbm>>
        tpu.enqueue_indirect_dma source(%dma_start3A_537 : memref<10240x128xbf16, #tpu.memory_space<hbm>>) target(%dma_start3A_531 : memref<128x128xbf16, #tpu.memory_space<vmem>>) offsets(%dma_start3A_534 : memref<128xi32, #tpu.memory_space<vmem>>) semaphore(%arg12 : memref<!tpu.dma_semaphore, #tpu.memory_space<semaphore_mem>>)
      } else {
      }
      %mul3A_453 = arith.constant 4 : i32
      %mul3A_454 = arith.muli %mul3A_453, %scan3A_387 : i32
      %add3A_455 = arith.constant 2 : i32
      %add3A_456 = arith.addi %mul3A_454, %add3A_455 : i32
      %dma_wait3A_457 = arith.constant 0 : i32
      %dma_wait3A_458 = arith.constant 2 : i32
      %dma_wait3A_459 = arith.constant 0 : i32
      %dma_wait3A_460 = arith.constant 0 : i32
      %dma_wait3A_461 = tpu.memref_slice %arg8[%dma_wait3A_458, %dma_wait3A_459, %dma_wait3A_460] : memref<4x128x128xbf16, #tpu.memory_space<vmem>> -> memref<1x128x128xbf16, #tpu.memory_space<vmem>>
      %dma_wait3A_462 = tpu.memref_squeeze %dma_wait3A_461 : memref<1x128x128xbf16, #tpu.memory_space<vmem>> -> memref<128x128xbf16, #tpu.memory_space<vmem>>
      %dma_wait3A_463 = arith.constant 0 : i32
      %dma_wait3A_464 = tpu.memref_slice %arg6[%dma_wait3A_457, %dma_wait3A_463] : memref<80x128xi32, #tpu.memory_space<vmem>> -> memref<1x128xi32, #tpu.memory_space<vmem>>
      %dma_wait3A_465 = tpu.memref_squeeze %dma_wait3A_464 : memref<1x128xi32, #tpu.memory_space<vmem>> -> memref<128xi32, #tpu.memory_space<vmem>>
      %dma_wait3A_466 = arith.constant 0 : i32
      %dma_wait3A_467 = arith.constant 0 : i32
      %dma_wait3A_468 = tpu.memref_slice %arg2[%dma_wait3A_466, %dma_wait3A_467] : memref<10240x128xbf16, #tpu.memory_space<hbm>> -> memref<10240x128xbf16, #tpu.memory_space<hbm>>
      tpu.wait_indirect_dma semaphore(%arg12 : memref<!tpu.dma_semaphore, #tpu.memory_space<semaphore_mem>>) src(%dma_wait3A_468 : memref<10240x128xbf16, #tpu.memory_space<hbm>>) dst(%dma_wait3A_462 : memref<128x128xbf16, #tpu.memory_space<vmem>>)
      %dma_start3A_469 = arith.constant 2 : i32
      %dma_start3A_470 = arith.constant 0 : i32
      %dma_start3A_471 = arith.constant 0 : i32
      %dma_start3A_472 = tpu.memref_slice %arg8[%dma_start3A_469, %dma_start3A_470, %dma_start3A_471] : memref<4x128x128xbf16, #tpu.memory_space<vmem>> -> memref<1x128x128xbf16, #tpu.memory_space<vmem>>
      %dma_start3A_473 = tpu.memref_squeeze %dma_start3A_472 : memref<1x128x128xbf16, #tpu.memory_space<vmem>> -> memref<128x128xbf16, #tpu.memory_space<vmem>>
      %dma_start3A_474 = arith.constant 0 : i32
      %dma_start3A_475 = tpu.memref_slice %arg7[%add3A_456, %dma_start3A_474] : memref<80x128xi32, #tpu.memory_space<vmem>> -> memref<1x128xi32, #tpu.memory_space<vmem>>
      %dma_start3A_476 = tpu.memref_squeeze %dma_start3A_475 : memref<1x128xi32, #tpu.memory_space<vmem>> -> memref<128xi32, #tpu.memory_space<vmem>>
      %dma_start3A_477 = arith.constant 0 : i32
      %dma_start3A_478 = arith.constant 0 : i32
      %dma_start3A_479 = tpu.memref_slice %arg9[%dma_start3A_477, %dma_start3A_478] : memref<10240x128xbf16, #tpu.memory_space<vmem_shared>> -> memref<10240x128xbf16, #tpu.memory_space<vmem_shared>>
      tpu.enqueue_indirect_dma source(%dma_start3A_473 : memref<128x128xbf16, #tpu.memory_space<vmem>>) target(%dma_start3A_479 : memref<10240x128xbf16, #tpu.memory_space<vmem_shared>>) offsets(%dma_start3A_476 : memref<128xi32, #tpu.memory_space<vmem>>) semaphore(%arg16 : memref<!tpu.dma_semaphore, #tpu.memory_space<semaphore_mem>>) {add = true}
      %add3A_480 = arith.constant 1 : i32
      %add3A_481 = arith.addi %add3A_456, %add3A_480 : i32
      %lt3A_482 = arith.constant 80 : i32
      %lt3A_483 = arith.cmpi slt, %add3A_481, %lt3A_482 : i32
      %convert_element_type3A_484 = arith.extui %lt3A_483 : i1 to i32
      %cond3A_485 = arith.constant 0 : i32
      %cond3A_486 = arith.cmpi ne, %convert_element_type3A_484, %cond3A_485 : i32
      scf.if %cond3A_486 {
        %ge3A = arith.constant 3 : i32
        %ge3A_521 = arith.cmpi sge, %add3A_456, %ge3A : i32
        %convert_element_type3A_522 = arith.extui %ge3A_521 : i1 to i32
        %cond3A_523 = arith.constant 0 : i32
        %cond3A_524 = arith.cmpi ne, %convert_element_type3A_522, %cond3A_523 : i32
        scf.if %cond3A_524 {
          %dma_wait3A_538 = arith.constant 3 : i32
          %dma_wait3A_539 = arith.constant 0 : i32
          %dma_wait3A_540 = arith.constant 0 : i32
          %dma_wait3A_541 = arith.constant 0 : i32
          %dma_wait3A_542 = tpu.memref_slice %arg8[%dma_wait3A_538, %dma_wait3A_540, %dma_wait3A_541] : memref<4x128x128xbf16, #tpu.memory_space<vmem>> -> memref<1x128x128xbf16, #tpu.memory_space<vmem>>
          %dma_wait3A_543 = tpu.memref_squeeze %dma_wait3A_542 : memref<1x128x128xbf16, #tpu.memory_space<vmem>> -> memref<128x128xbf16, #tpu.memory_space<vmem>>
          %dma_wait3A_544 = arith.constant 0 : i32
          %dma_wait3A_545 = tpu.memref_slice %arg7[%dma_wait3A_539, %dma_wait3A_544] : memref<80x128xi32, #tpu.memory_space<vmem>> -> memref<1x128xi32, #tpu.memory_space<vmem>>
          %dma_wait3A_546 = tpu.memref_squeeze %dma_wait3A_545 : memref<1x128xi32, #tpu.memory_space<vmem>> -> memref<128xi32, #tpu.memory_space<vmem>>
          %dma_wait3A_547 = arith.constant 0 : i32
          %dma_wait3A_548 = arith.constant 0 : i32
          %dma_wait3A_549 = tpu.memref_slice %arg9[%dma_wait3A_547, %dma_wait3A_548] : memref<10240x128xbf16, #tpu.memory_space<vmem_shared>> -> memref<10240x128xbf16, #tpu.memory_space<vmem_shared>>
          tpu.wait_indirect_dma semaphore(%arg17 : memref<!tpu.dma_semaphore, #tpu.memory_space<semaphore_mem>>) src(%dma_wait3A_543 : memref<128x128xbf16, #tpu.memory_space<vmem>>) dst(%dma_wait3A_549 : memref<10240x128xbf16, #tpu.memory_space<vmem_shared>>)
        } else {
        }
        %add3A_525 = arith.constant 1 : i32
        %add3A_526 = arith.addi %add3A_456, %add3A_525 : i32
        %dma_start3A_527 = arith.constant 3 : i32
        %dma_start3A_528 = arith.constant 0 : i32
        %dma_start3A_529 = arith.constant 0 : i32
        %dma_start3A_530 = tpu.memref_slice %arg8[%dma_start3A_527, %dma_start3A_528, %dma_start3A_529] : memref<4x128x128xbf16, #tpu.memory_space<vmem>> -> memref<1x128x128xbf16, #tpu.memory_space<vmem>>
        %dma_start3A_531 = tpu.memref_squeeze %dma_start3A_530 : memref<1x128x128xbf16, #tpu.memory_space<vmem>> -> memref<128x128xbf16, #tpu.memory_space<vmem>>
        %dma_start3A_532 = arith.constant 0 : i32
        %dma_start3A_533 = tpu.memref_slice %arg6[%add3A_526, %dma_start3A_532] : memref<80x128xi32, #tpu.memory_space<vmem>> -> memref<1x128xi32, #tpu.memory_space<vmem>>
        %dma_start3A_534 = tpu.memref_squeeze %dma_start3A_533 : memref<1x128xi32, #tpu.memory_space<vmem>> -> memref<128xi32, #tpu.memory_space<vmem>>
        %dma_start3A_535 = arith.constant 0 : i32
        %dma_start3A_536 = arith.constant 0 : i32
        %dma_start3A_537 = tpu.memref_slice %arg2[%dma_start3A_535, %dma_start3A_536] : memref<10240x128xbf16, #tpu.memory_space<hbm>> -> memref<10240x128xbf16, #tpu.memory_space<hbm>>
        tpu.enqueue_indirect_dma source(%dma_start3A_537 : memref<10240x128xbf16, #tpu.memory_space<hbm>>) target(%dma_start3A_531 : memref<128x128xbf16, #tpu.memory_space<vmem>>) offsets(%dma_start3A_534 : memref<128xi32, #tpu.memory_space<vmem>>) semaphore(%arg13 : memref<!tpu.dma_semaphore, #tpu.memory_space<semaphore_mem>>)
      } else {
      }
      %mul3A_487 = arith.constant 4 : i32
      %mul3A_488 = arith.muli %mul3A_487, %scan3A_387 : i32
      %add3A_489 = arith.constant 3 : i32
      %add3A_490 = arith.addi %mul3A_488, %add3A_489 : i32
      %dma_wait3A_491 = arith.constant 0 : i32
      %dma_wait3A_492 = arith.constant 3 : i32
      %dma_wait3A_493 = arith.constant 0 : i32
      %dma_wait3A_494 = arith.constant 0 : i32
      %dma_wait3A_495 = tpu.memref_slice %arg8[%dma_wait3A_492, %dma_wait3A_493, %dma_wait3A_494] : memref<4x128x128xbf16, #tpu.memory_space<vmem>> -> memref<1x128x128xbf16, #tpu.memory_space<vmem>>
      %dma_wait3A_496 = tpu.memref_squeeze %dma_wait3A_495 : memref<1x128x128xbf16, #tpu.memory_space<vmem>> -> memref<128x128xbf16, #tpu.memory_space<vmem>>
      %dma_wait3A_497 = arith.constant 0 : i32
      %dma_wait3A_498 = tpu.memref_slice %arg6[%dma_wait3A_491, %dma_wait3A_497] : memref<80x128xi32, #tpu.memory_space<vmem>> -> memref<1x128xi32, #tpu.memory_space<vmem>>
      %dma_wait3A_499 = tpu.memref_squeeze %dma_wait3A_498 : memref<1x128xi32, #tpu.memory_space<vmem>> -> memref<128xi32, #tpu.memory_space<vmem>>
      %dma_wait3A_500 = arith.constant 0 : i32
      %dma_wait3A_501 = arith.constant 0 : i32
      %dma_wait3A_502 = tpu.memref_slice %arg2[%dma_wait3A_500, %dma_wait3A_501] : memref<10240x128xbf16, #tpu.memory_space<hbm>> -> memref<10240x128xbf16, #tpu.memory_space<hbm>>
      tpu.wait_indirect_dma semaphore(%arg13 : memref<!tpu.dma_semaphore, #tpu.memory_space<semaphore_mem>>) src(%dma_wait3A_502 : memref<10240x128xbf16, #tpu.memory_space<hbm>>) dst(%dma_wait3A_496 : memref<128x128xbf16, #tpu.memory_space<vmem>>)
      %dma_start3A_503 = arith.constant 3 : i32
      %dma_start3A_504 = arith.constant 0 : i32
      %dma_start3A_505 = arith.constant 0 : i32
      %dma_start3A_506 = tpu.memref_slice %arg8[%dma_start3A_503, %dma_start3A_504, %dma_start3A_505] : memref<4x128x128xbf16, #tpu.memory_space<vmem>> -> memref<1x128x128xbf16, #tpu.memory_space<vmem>>
      %dma_start3A_507 = tpu.memref_squeeze %dma_start3A_506 : memref<1x128x128xbf16, #tpu.memory_space<vmem>> -> memref<128x128xbf16, #tpu.memory_space<vmem>>
      %dma_start3A_508 = arith.constant 0 : i32
      %dma_start3A_509 = tpu.memref_slice %arg7[%add3A_490, %dma_start3A_508] : memref<80x128xi32, #tpu.memory_space<vmem>> -> memref<1x128xi32, #tpu.memory_space<vmem>>
      %dma_start3A_510 = tpu.memref_squeeze %dma_start3A_509 : memref<1x128xi32, #tpu.memory_space<vmem>> -> memref<128xi32, #tpu.memory_space<vmem>>
      %dma_start3A_511 = arith.constant 0 : i32
      %dma_start3A_512 = arith.constant 0 : i32
      %dma_start3A_513 = tpu.memref_slice %arg9[%dma_start3A_511, %dma_start3A_512] : memref<10240x128xbf16, #tpu.memory_space<vmem_shared>> -> memref<10240x128xbf16, #tpu.memory_space<vmem_shared>>
      tpu.enqueue_indirect_dma source(%dma_start3A_507 : memref<128x128xbf16, #tpu.memory_space<vmem>>) target(%dma_start3A_513 : memref<10240x128xbf16, #tpu.memory_space<vmem_shared>>) offsets(%dma_start3A_510 : memref<128xi32, #tpu.memory_space<vmem>>) semaphore(%arg17 : memref<!tpu.dma_semaphore, #tpu.memory_space<semaphore_mem>>) {add = true}
      %add3A_514 = arith.constant 1 : i32
      %add3A_515 = arith.addi %add3A_490, %add3A_514 : i32
      %lt3A_516 = arith.constant 80 : i32
      %lt3A_517 = arith.cmpi slt, %add3A_515, %lt3A_516 : i32
      %convert_element_type3A_518 = arith.extui %lt3A_517 : i1 to i32
      %cond3A_519 = arith.constant 0 : i32
      %cond3A_520 = arith.cmpi ne, %convert_element_type3A_518, %cond3A_519 : i32
      scf.if %cond3A_520 {
        %ge3A = arith.constant 3 : i32
        %ge3A_521 = arith.cmpi sge, %add3A_490, %ge3A : i32
        %convert_element_type3A_522 = arith.extui %ge3A_521 : i1 to i32
        %cond3A_523 = arith.constant 0 : i32
        %cond3A_524 = arith.cmpi ne, %convert_element_type3A_522, %cond3A_523 : i32
        scf.if %cond3A_524 {
          %dma_wait3A_538 = arith.constant 0 : i32
          %dma_wait3A_539 = arith.constant 0 : i32
          %dma_wait3A_540 = arith.constant 0 : i32
          %dma_wait3A_541 = arith.constant 0 : i32
          %dma_wait3A_542 = tpu.memref_slice %arg8[%dma_wait3A_538, %dma_wait3A_540, %dma_wait3A_541] : memref<4x128x128xbf16, #tpu.memory_space<vmem>> -> memref<1x128x128xbf16, #tpu.memory_space<vmem>>
          %dma_wait3A_543 = tpu.memref_squeeze %dma_wait3A_542 : memref<1x128x128xbf16, #tpu.memory_space<vmem>> -> memref<128x128xbf16, #tpu.memory_space<vmem>>
          %dma_wait3A_544 = arith.constant 0 : i32
          %dma_wait3A_545 = tpu.memref_slice %arg7[%dma_wait3A_539, %dma_wait3A_544] : memref<80x128xi32, #tpu.memory_space<vmem>> -> memref<1x128xi32, #tpu.memory_space<vmem>>
          %dma_wait3A_546 = tpu.memref_squeeze %dma_wait3A_545 : memref<1x128xi32, #tpu.memory_space<vmem>> -> memref<128xi32, #tpu.memory_space<vmem>>
          %dma_wait3A_547 = arith.constant 0 : i32
          %dma_wait3A_548 = arith.constant 0 : i32
          %dma_wait3A_549 = tpu.memref_slice %arg9[%dma_wait3A_547, %dma_wait3A_548] : memref<10240x128xbf16, #tpu.memory_space<vmem_shared>> -> memref<10240x128xbf16, #tpu.memory_space<vmem_shared>>
          tpu.wait_indirect_dma semaphore(%arg14 : memref<!tpu.dma_semaphore, #tpu.memory_space<semaphore_mem>>) src(%dma_wait3A_543 : memref<128x128xbf16, #tpu.memory_space<vmem>>) dst(%dma_wait3A_549 : memref<10240x128xbf16, #tpu.memory_space<vmem_shared>>)
        } else {
        }
        %add3A_525 = arith.constant 1 : i32
        %add3A_526 = arith.addi %add3A_490, %add3A_525 : i32
        %dma_start3A_527 = arith.constant 0 : i32
        %dma_start3A_528 = arith.constant 0 : i32
        %dma_start3A_529 = arith.constant 0 : i32
        %dma_start3A_530 = tpu.memref_slice %arg8[%dma_start3A_527, %dma_start3A_528, %dma_start3A_529] : memref<4x128x128xbf16, #tpu.memory_space<vmem>> -> memref<1x128x128xbf16, #tpu.memory_space<vmem>>
        %dma_start3A_531 = tpu.memref_squeeze %dma_start3A_530 : memref<1x128x128xbf16, #tpu.memory_space<vmem>> -> memref<128x128xbf16, #tpu.memory_space<vmem>>
        %dma_start3A_532 = arith.constant 0 : i32
        %dma_start3A_533 = tpu.memref_slice %arg6[%add3A_526, %dma_start3A_532] : memref<80x128xi32, #tpu.memory_space<vmem>> -> memref<1x128xi32, #tpu.memory_space<vmem>>
        %dma_start3A_534 = tpu.memref_squeeze %dma_start3A_533 : memref<1x128xi32, #tpu.memory_space<vmem>> -> memref<128xi32, #tpu.memory_space<vmem>>
        %dma_start3A_535 = arith.constant 0 : i32
        %dma_start3A_536 = arith.constant 0 : i32
        %dma_start3A_537 = tpu.memref_slice %arg2[%dma_start3A_535, %dma_start3A_536] : memref<10240x128xbf16, #tpu.memory_space<hbm>> -> memref<10240x128xbf16, #tpu.memory_space<hbm>>
        tpu.enqueue_indirect_dma source(%dma_start3A_537 : memref<10240x128xbf16, #tpu.memory_space<hbm>>) target(%dma_start3A_531 : memref<128x128xbf16, #tpu.memory_space<vmem>>) offsets(%dma_start3A_534 : memref<128xi32, #tpu.memory_space<vmem>>) semaphore(%arg10 : memref<!tpu.dma_semaphore, #tpu.memory_space<semaphore_mem>>)
      } else {
      }
    }
    %scan3A_163 = arith.constant 20 : i32
    %dma_wait3A_164 = arith.constant 0 : i32
    %dma_wait3A_165 = arith.constant 0 : i32
    %dma_wait3A_166 = arith.constant 0 : i32
    %dma_wait3A_167 = arith.constant 0 : i32
    %dma_wait3A_168 = tpu.memref_slice %arg8[%dma_wait3A_164, %dma_wait3A_166, %dma_wait3A_167] : memref<4x128x128xbf16, #tpu.memory_space<vmem>> -> memref<1x128x128xbf16, #tpu.memory_space<vmem>>
    %dma_wait3A_169 = tpu.memref_squeeze %dma_wait3A_168 : memref<1x128x128xbf16, #tpu.memory_space<vmem>> -> memref<128x128xbf16, #tpu.memory_space<vmem>>
    %dma_wait3A_170 = arith.constant 0 : i32
    %dma_wait3A_171 = tpu.memref_slice %arg7[%dma_wait3A_165, %dma_wait3A_170] : memref<80x128xi32, #tpu.memory_space<vmem>> -> memref<1x128xi32, #tpu.memory_space<vmem>>
    %dma_wait3A_172 = tpu.memref_squeeze %dma_wait3A_171 : memref<1x128xi32, #tpu.memory_space<vmem>> -> memref<128xi32, #tpu.memory_space<vmem>>
    %dma_wait3A_173 = arith.constant 0 : i32
    %dma_wait3A_174 = arith.constant 0 : i32
    %dma_wait3A_175 = tpu.memref_slice %arg9[%dma_wait3A_173, %dma_wait3A_174] : memref<10240x128xbf16, #tpu.memory_space<vmem_shared>> -> memref<10240x128xbf16, #tpu.memory_space<vmem_shared>>
    tpu.wait_indirect_dma semaphore(%arg14 : memref<!tpu.dma_semaphore, #tpu.memory_space<semaphore_mem>>) src(%dma_wait3A_169 : memref<128x128xbf16, #tpu.memory_space<vmem>>) dst(%dma_wait3A_175 : memref<10240x128xbf16, #tpu.memory_space<vmem_shared>>)
    %dma_wait3A_176 = arith.constant 1 : i32
    %dma_wait3A_177 = arith.constant 0 : i32
    %dma_wait3A_178 = arith.constant 0 : i32
    %dma_wait3A_179 = arith.constant 0 : i32
    %dma_wait3A_180 = tpu.memref_slice %arg8[%dma_wait3A_176, %dma_wait3A_178, %dma_wait3A_179] : memref<4x128x128xbf16, #tpu.memory_space<vmem>> -> memref<1x128x128xbf16, #tpu.memory_space<vmem>>
    %dma_wait3A_181 = tpu.memref_squeeze %dma_wait3A_180 : memref<1x128x128xbf16, #tpu.memory_space<vmem>> -> memref<128x128xbf16, #tpu.memory_space<vmem>>
    %dma_wait3A_182 = arith.constant 0 : i32
    %dma_wait3A_183 = tpu.memref_slice %arg7[%dma_wait3A_177, %dma_wait3A_182] : memref<80x128xi32, #tpu.memory_space<vmem>> -> memref<1x128xi32, #tpu.memory_space<vmem>>
    %dma_wait3A_184 = tpu.memref_squeeze %dma_wait3A_183 : memref<1x128xi32, #tpu.memory_space<vmem>> -> memref<128xi32, #tpu.memory_space<vmem>>
    %dma_wait3A_185 = arith.constant 0 : i32
    %dma_wait3A_186 = arith.constant 0 : i32
    %dma_wait3A_187 = tpu.memref_slice %arg9[%dma_wait3A_185, %dma_wait3A_186] : memref<10240x128xbf16, #tpu.memory_space<vmem_shared>> -> memref<10240x128xbf16, #tpu.memory_space<vmem_shared>>
    tpu.wait_indirect_dma semaphore(%arg15 : memref<!tpu.dma_semaphore, #tpu.memory_space<semaphore_mem>>) src(%dma_wait3A_181 : memref<128x128xbf16, #tpu.memory_space<vmem>>) dst(%dma_wait3A_187 : memref<10240x128xbf16, #tpu.memory_space<vmem_shared>>)
    %dma_wait3A_188 = arith.constant 2 : i32
    %dma_wait3A_189 = arith.constant 0 : i32
    %dma_wait3A_190 = arith.constant 0 : i32
    %dma_wait3A_191 = arith.constant 0 : i32
    %dma_wait3A_192 = tpu.memref_slice %arg8[%dma_wait3A_188, %dma_wait3A_190, %dma_wait3A_191] : memref<4x128x128xbf16, #tpu.memory_space<vmem>> -> memref<1x128x128xbf16, #tpu.memory_space<vmem>>
    %dma_wait3A_193 = tpu.memref_squeeze %dma_wait3A_192 : memref<1x128x128xbf16, #tpu.memory_space<vmem>> -> memref<128x128xbf16, #tpu.memory_space<vmem>>
    %dma_wait3A_194 = arith.constant 0 : i32
    %dma_wait3A_195 = tpu.memref_slice %arg7[%dma_wait3A_189, %dma_wait3A_194] : memref<80x128xi32, #tpu.memory_space<vmem>> -> memref<1x128xi32, #tpu.memory_space<vmem>>
    %dma_wait3A_196 = tpu.memref_squeeze %dma_wait3A_195 : memref<1x128xi32, #tpu.memory_space<vmem>> -> memref<128xi32, #tpu.memory_space<vmem>>
    %dma_wait3A_197 = arith.constant 0 : i32
    %dma_wait3A_198 = arith.constant 0 : i32
    %dma_wait3A_199 = tpu.memref_slice %arg9[%dma_wait3A_197, %dma_wait3A_198] : memref<10240x128xbf16, #tpu.memory_space<vmem_shared>> -> memref<10240x128xbf16, #tpu.memory_space<vmem_shared>>
    tpu.wait_indirect_dma semaphore(%arg16 : memref<!tpu.dma_semaphore, #tpu.memory_space<semaphore_mem>>) src(%dma_wait3A_193 : memref<128x128xbf16, #tpu.memory_space<vmem>>) dst(%dma_wait3A_199 : memref<10240x128xbf16, #tpu.memory_space<vmem_shared>>)
    %dma_wait3A_200 = arith.constant 3 : i32
    %dma_wait3A_201 = arith.constant 0 : i32
    %dma_wait3A_202 = arith.constant 0 : i32
    %dma_wait3A_203 = arith.constant 0 : i32
    %dma_wait3A_204 = tpu.memref_slice %arg8[%dma_wait3A_200, %dma_wait3A_202, %dma_wait3A_203] : memref<4x128x128xbf16, #tpu.memory_space<vmem>> -> memref<1x128x128xbf16, #tpu.memory_space<vmem>>
    %dma_wait3A_205 = tpu.memref_squeeze %dma_wait3A_204 : memref<1x128x128xbf16, #tpu.memory_space<vmem>> -> memref<128x128xbf16, #tpu.memory_space<vmem>>
    %dma_wait3A_206 = arith.constant 0 : i32
    %dma_wait3A_207 = tpu.memref_slice %arg7[%dma_wait3A_201, %dma_wait3A_206] : memref<80x128xi32, #tpu.memory_space<vmem>> -> memref<1x128xi32, #tpu.memory_space<vmem>>
    %dma_wait3A_208 = tpu.memref_squeeze %dma_wait3A_207 : memref<1x128xi32, #tpu.memory_space<vmem>> -> memref<128xi32, #tpu.memory_space<vmem>>
    %dma_wait3A_209 = arith.constant 0 : i32
    %dma_wait3A_210 = arith.constant 0 : i32
    %dma_wait3A_211 = tpu.memref_slice %arg9[%dma_wait3A_209, %dma_wait3A_210] : memref<10240x128xbf16, #tpu.memory_space<vmem_shared>> -> memref<10240x128xbf16, #tpu.memory_space<vmem_shared>>
    tpu.wait_indirect_dma semaphore(%arg17 : memref<!tpu.dma_semaphore, #tpu.memory_space<semaphore_mem>>) src(%dma_wait3A_205 : memref<128x128xbf16, #tpu.memory_space<vmem>>) dst(%dma_wait3A_211 : memref<10240x128xbf16, #tpu.memory_space<vmem_shared>>)
    %barrier3A_212 = arith.constant 0 : index
    tpu.barrier barrier_id(%barrier3A_212)
    %add3A_213 = arith.constant 0 : i32
    %add3A_214 = arith.addi %mul3A_2, %add3A_213 : i32
    %run_scoped3A = arith.constant 0 : i32
    "tpu.region"() ({
      %run_scoped3A_387 = tpu.sem_alloc : memref<!tpu.dma_semaphore, #tpu.memory_space<semaphore_mem>>
      %dma_start3A_388 = arith.constant 0 : i32
      %dma_start3A_389 = arith.constant 0 : i32
      %dma_start3A_390 = tpu.memref_slice %arg8[%run_scoped3A, %dma_start3A_388, %dma_start3A_389] : memref<4x128x128xbf16, #tpu.memory_space<vmem>> -> memref<1x128x128xbf16, #tpu.memory_space<vmem>>
      %dma_start3A_391 = tpu.memref_squeeze %dma_start3A_390 : memref<1x128x128xbf16, #tpu.memory_space<vmem>> -> memref<128x128xbf16, #tpu.memory_space<vmem>>
      %dma_start3A_392 = arith.constant 0 : i32
      %dma_start3A_393 = tpu.memref_slice %arg9[%add3A_214, %dma_start3A_392] : memref<10240x128xbf16, #tpu.memory_space<vmem_shared>> -> memref<128x128xbf16, #tpu.memory_space<vmem_shared>>
      %dma_start3A_394 = arith.constant 0 : i32
      %dma_start3A_395 = arith.constant 0 : i32
      %dma_start3A_396 = tpu.memref_slice %arg8[%run_scoped3A, %dma_start3A_394, %dma_start3A_395] : memref<4x128x128xbf16, #tpu.memory_space<vmem>> -> memref<1x128x128xbf16, #tpu.memory_space<vmem>>
      %dma_start3A_397 = tpu.memref_squeeze %dma_start3A_396 : memref<1x128x128xbf16, #tpu.memory_space<vmem>> -> memref<128x128xbf16, #tpu.memory_space<vmem>>
      %dma_start3A_398 = arith.constant 0 : i32
      %dma_start3A_399 = tpu.memref_slice %arg9[%add3A_214, %dma_start3A_398] : memref<10240x128xbf16, #tpu.memory_space<vmem_shared>> -> memref<128x128xbf16, #tpu.memory_space<vmem_shared>>
      tpu.enqueue_dma source(%dma_start3A_399 : memref<128x128xbf16, #tpu.memory_space<vmem_shared>>) target(%dma_start3A_397 : memref<128x128xbf16, #tpu.memory_space<vmem>>) target_semaphore(%run_scoped3A_387 : memref<!tpu.dma_semaphore, #tpu.memory_space<semaphore_mem>>)
      %dma_wait3A_400 = arith.constant 0 : i32
      %dma_wait3A_401 = arith.constant 0 : i32
      %dma_wait3A_402 = tpu.memref_slice %arg8[%run_scoped3A, %dma_wait3A_400, %dma_wait3A_401] : memref<4x128x128xbf16, #tpu.memory_space<vmem>> -> memref<1x128x128xbf16, #tpu.memory_space<vmem>>
      %dma_wait3A_403 = tpu.memref_squeeze %dma_wait3A_402 : memref<1x128x128xbf16, #tpu.memory_space<vmem>> -> memref<128x128xbf16, #tpu.memory_space<vmem>>
      %dma_wait3A_404 = arith.constant 0 : i32
      %dma_wait3A_405 = tpu.memref_slice %arg9[%add3A_214, %dma_wait3A_404] : memref<10240x128xbf16, #tpu.memory_space<vmem_shared>> -> memref<128x128xbf16, #tpu.memory_space<vmem_shared>>
      %dma_wait3A_406 = arith.constant 0 : i32
      %dma_wait3A_407 = arith.constant 0 : i32
      %dma_wait3A_408 = tpu.memref_slice %arg8[%run_scoped3A, %dma_wait3A_406, %dma_wait3A_407] : memref<4x128x128xbf16, #tpu.memory_space<vmem>> -> memref<1x128x128xbf16, #tpu.memory_space<vmem>>
      %dma_wait3A_409 = tpu.memref_squeeze %dma_wait3A_408 : memref<1x128x128xbf16, #tpu.memory_space<vmem>> -> memref<128x128xbf16, #tpu.memory_space<vmem>>
      %dma_wait3A_410 = arith.constant 0 : i32
      %dma_wait3A_411 = tpu.memref_slice %arg9[%add3A_214, %dma_wait3A_410] : memref<10240x128xbf16, #tpu.memory_space<vmem_shared>> -> memref<128x128xbf16, #tpu.memory_space<vmem_shared>>
      tpu.wait_dma2 semaphore(%run_scoped3A_387 : memref<!tpu.dma_semaphore, #tpu.memory_space<semaphore_mem>>) src(%dma_wait3A_411 : memref<128x128xbf16, #tpu.memory_space<vmem_shared>>) dst(%dma_wait3A_409 : memref<128x128xbf16, #tpu.memory_space<vmem>>)
      tpu.yield
    }) : () -> ()
    %add3A_215 = arith.constant 0 : i32
    %add3A_216 = arith.addi %mul3A_2, %add3A_215 : i32
    %dma_start3A_217 = arith.constant 0 : i32
    %dma_start3A_218 = arith.constant 0 : i32
    %dma_start3A_219 = arith.constant 0 : i32
    %dma_start3A_220 = tpu.memref_slice %arg8[%dma_start3A_217, %dma_start3A_218, %dma_start3A_219] : memref<4x128x128xbf16, #tpu.memory_space<vmem>> -> memref<1x128x128xbf16, #tpu.memory_space<vmem>>
    %dma_start3A_221 = tpu.memref_squeeze %dma_start3A_220 : memref<1x128x128xbf16, #tpu.memory_space<vmem>> -> memref<128x128xbf16, #tpu.memory_space<vmem>>
    %dma_start3A_222 = arith.constant 0 : i32
    %dma_start3A_223 = tpu.memref_slice %arg5[%arg0, %add3A_216, %dma_start3A_222] : memref<2x10240x128xbf16, #tpu.memory_space<hbm>> -> memref<1x128x128xbf16, #tpu.memory_space<hbm>>
    %dma_start3A_224 = tpu.memref_squeeze %dma_start3A_223 : memref<1x128x128xbf16, #tpu.memory_space<hbm>> -> memref<128x128xbf16, #tpu.memory_space<hbm>>
    %dma_start3A_225 = arith.constant 0 : i32
    %dma_start3A_226 = tpu.memref_slice %arg5[%arg0, %add3A_216, %dma_start3A_225] : memref<2x10240x128xbf16, #tpu.memory_space<hbm>> -> memref<1x128x128xbf16, #tpu.memory_space<hbm>>
    %dma_start3A_227 = tpu.memref_squeeze %dma_start3A_226 : memref<1x128x128xbf16, #tpu.memory_space<hbm>> -> memref<128x128xbf16, #tpu.memory_space<hbm>>
    %dma_start3A_228 = arith.constant 0 : i32
    %dma_start3A_229 = arith.constant 0 : i32
    %dma_start3A_230 = tpu.memref_slice %arg8[%dma_start3A_217, %dma_start3A_228, %dma_start3A_229] : memref<4x128x128xbf16, #tpu.memory_space<vmem>> -> memref<1x128x128xbf16, #tpu.memory_space<vmem>>
    %dma_start3A_231 = tpu.memref_squeeze %dma_start3A_230 : memref<1x128x128xbf16, #tpu.memory_space<vmem>> -> memref<128x128xbf16, #tpu.memory_space<vmem>>
    tpu.enqueue_dma source(%dma_start3A_231 : memref<128x128xbf16, #tpu.memory_space<vmem>>) target(%dma_start3A_227 : memref<128x128xbf16, #tpu.memory_space<hbm>>) target_semaphore(%arg10 : memref<!tpu.dma_semaphore, #tpu.memory_space<semaphore_mem>>)
    %add3A_232 = arith.constant 128 : i32
    %add3A_233 = arith.addi %mul3A_2, %add3A_232 : i32
    %run_scoped3A_234 = arith.constant 1 : i32
    "tpu.region"() ({
      %run_scoped3A_387 = tpu.sem_alloc : memref<!tpu.dma_semaphore, #tpu.memory_space<semaphore_mem>>
      %dma_start3A_388 = arith.constant 0 : i32
      %dma_start3A_389 = arith.constant 0 : i32
      %dma_start3A_390 = tpu.memref_slice %arg8[%run_scoped3A_234, %dma_start3A_388, %dma_start3A_389] : memref<4x128x128xbf16, #tpu.memory_space<vmem>> -> memref<1x128x128xbf16, #tpu.memory_space<vmem>>
      %dma_start3A_391 = tpu.memref_squeeze %dma_start3A_390 : memref<1x128x128xbf16, #tpu.memory_space<vmem>> -> memref<128x128xbf16, #tpu.memory_space<vmem>>
      %dma_start3A_392 = arith.constant 0 : i32
      %dma_start3A_393 = tpu.memref_slice %arg9[%add3A_233, %dma_start3A_392] : memref<10240x128xbf16, #tpu.memory_space<vmem_shared>> -> memref<128x128xbf16, #tpu.memory_space<vmem_shared>>
      %dma_start3A_394 = arith.constant 0 : i32
      %dma_start3A_395 = arith.constant 0 : i32
      %dma_start3A_396 = tpu.memref_slice %arg8[%run_scoped3A_234, %dma_start3A_394, %dma_start3A_395] : memref<4x128x128xbf16, #tpu.memory_space<vmem>> -> memref<1x128x128xbf16, #tpu.memory_space<vmem>>
      %dma_start3A_397 = tpu.memref_squeeze %dma_start3A_396 : memref<1x128x128xbf16, #tpu.memory_space<vmem>> -> memref<128x128xbf16, #tpu.memory_space<vmem>>
      %dma_start3A_398 = arith.constant 0 : i32
      %dma_start3A_399 = tpu.memref_slice %arg9[%add3A_233, %dma_start3A_398] : memref<10240x128xbf16, #tpu.memory_space<vmem_shared>> -> memref<128x128xbf16, #tpu.memory_space<vmem_shared>>
      tpu.enqueue_dma source(%dma_start3A_399 : memref<128x128xbf16, #tpu.memory_space<vmem_shared>>) target(%dma_start3A_397 : memref<128x128xbf16, #tpu.memory_space<vmem>>) target_semaphore(%run_scoped3A_387 : memref<!tpu.dma_semaphore, #tpu.memory_space<semaphore_mem>>)
      %dma_wait3A_400 = arith.constant 0 : i32
      %dma_wait3A_401 = arith.constant 0 : i32
      %dma_wait3A_402 = tpu.memref_slice %arg8[%run_scoped3A_234, %dma_wait3A_400, %dma_wait3A_401] : memref<4x128x128xbf16, #tpu.memory_space<vmem>> -> memref<1x128x128xbf16, #tpu.memory_space<vmem>>
      %dma_wait3A_403 = tpu.memref_squeeze %dma_wait3A_402 : memref<1x128x128xbf16, #tpu.memory_space<vmem>> -> memref<128x128xbf16, #tpu.memory_space<vmem>>
      %dma_wait3A_404 = arith.constant 0 : i32
      %dma_wait3A_405 = tpu.memref_slice %arg9[%add3A_233, %dma_wait3A_404] : memref<10240x128xbf16, #tpu.memory_space<vmem_shared>> -> memref<128x128xbf16, #tpu.memory_space<vmem_shared>>
      %dma_wait3A_406 = arith.constant 0 : i32
      %dma_wait3A_407 = arith.constant 0 : i32
      %dma_wait3A_408 = tpu.memref_slice %arg8[%run_scoped3A_234, %dma_wait3A_406, %dma_wait3A_407] : memref<4x128x128xbf16, #tpu.memory_space<vmem>> -> memref<1x128x128xbf16, #tpu.memory_space<vmem>>
      %dma_wait3A_409 = tpu.memref_squeeze %dma_wait3A_408 : memref<1x128x128xbf16, #tpu.memory_space<vmem>> -> memref<128x128xbf16, #tpu.memory_space<vmem>>
      %dma_wait3A_410 = arith.constant 0 : i32
      %dma_wait3A_411 = tpu.memref_slice %arg9[%add3A_233, %dma_wait3A_410] : memref<10240x128xbf16, #tpu.memory_space<vmem_shared>> -> memref<128x128xbf16, #tpu.memory_space<vmem_shared>>
      tpu.wait_dma2 semaphore(%run_scoped3A_387 : memref<!tpu.dma_semaphore, #tpu.memory_space<semaphore_mem>>) src(%dma_wait3A_411 : memref<128x128xbf16, #tpu.memory_space<vmem_shared>>) dst(%dma_wait3A_409 : memref<128x128xbf16, #tpu.memory_space<vmem>>)
      tpu.yield
    }) : () -> ()
    %add3A_235 = arith.constant 128 : i32
    %add3A_236 = arith.addi %mul3A_2, %add3A_235 : i32
    %dma_start3A_237 = arith.constant 1 : i32
    %dma_start3A_238 = arith.constant 0 : i32
    %dma_start3A_239 = arith.constant 0 : i32
    %dma_start3A_240 = tpu.memref_slice %arg8[%dma_start3A_237, %dma_start3A_238, %dma_start3A_239] : memref<4x128x128xbf16, #tpu.memory_space<vmem>> -> memref<1x128x128xbf16, #tpu.memory_space<vmem>>
    %dma_start3A_241 = tpu.memref_squeeze %dma_start3A_240 : memref<1x128x128xbf16, #tpu.memory_space<vmem>> -> memref<128x128xbf16, #tpu.memory_space<vmem>>
    %dma_start3A_242 = arith.constant 0 : i32
    %dma_start3A_243 = tpu.memref_slice %arg5[%arg0, %add3A_236, %dma_start3A_242] : memref<2x10240x128xbf16, #tpu.memory_space<hbm>> -> memref<1x128x128xbf16, #tpu.memory_space<hbm>>
    %dma_start3A_244 = tpu.memref_squeeze %dma_start3A_243 : memref<1x128x128xbf16, #tpu.memory_space<hbm>> -> memref<128x128xbf16, #tpu.memory_space<hbm>>
    %dma_start3A_245 = arith.constant 0 : i32
    %dma_start3A_246 = tpu.memref_slice %arg5[%arg0, %add3A_236, %dma_start3A_245] : memref<2x10240x128xbf16, #tpu.memory_space<hbm>> -> memref<1x128x128xbf16, #tpu.memory_space<hbm>>
    %dma_start3A_247 = tpu.memref_squeeze %dma_start3A_246 : memref<1x128x128xbf16, #tpu.memory_space<hbm>> -> memref<128x128xbf16, #tpu.memory_space<hbm>>
    %dma_start3A_248 = arith.constant 0 : i32
    %dma_start3A_249 = arith.constant 0 : i32
    %dma_start3A_250 = tpu.memref_slice %arg8[%dma_start3A_237, %dma_start3A_248, %dma_start3A_249] : memref<4x128x128xbf16, #tpu.memory_space<vmem>> -> memref<1x128x128xbf16, #tpu.memory_space<vmem>>
    %dma_start3A_251 = tpu.memref_squeeze %dma_start3A_250 : memref<1x128x128xbf16, #tpu.memory_space<vmem>> -> memref<128x128xbf16, #tpu.memory_space<vmem>>
    tpu.enqueue_dma source(%dma_start3A_251 : memref<128x128xbf16, #tpu.memory_space<vmem>>) target(%dma_start3A_247 : memref<128x128xbf16, #tpu.memory_space<hbm>>) target_semaphore(%arg11 : memref<!tpu.dma_semaphore, #tpu.memory_space<semaphore_mem>>)
    %dma_wait3A_252 = arith.constant 0 : i32
    %dma_wait3A_253 = arith.constant 0 : i32
    %dma_wait3A_254 = arith.constant 0 : i32
    %dma_wait3A_255 = tpu.memref_slice %arg8[%dma_wait3A_252, %dma_wait3A_253, %dma_wait3A_254] : memref<4x128x128xbf16, #tpu.memory_space<vmem>> -> memref<1x128x128xbf16, #tpu.memory_space<vmem>>
    %dma_wait3A_256 = tpu.memref_squeeze %dma_wait3A_255 : memref<1x128x128xbf16, #tpu.memory_space<vmem>> -> memref<128x128xbf16, #tpu.memory_space<vmem>>
    %dma_wait3A_257 = arith.constant 0 : i32
    %dma_wait3A_258 = tpu.memref_slice %arg5[%arg0, %mul3A_2, %dma_wait3A_257] : memref<2x10240x128xbf16, #tpu.memory_space<hbm>> -> memref<1x128x128xbf16, #tpu.memory_space<hbm>>
    %dma_wait3A_259 = tpu.memref_squeeze %dma_wait3A_258 : memref<1x128x128xbf16, #tpu.memory_space<hbm>> -> memref<128x128xbf16, #tpu.memory_space<hbm>>
    %dma_wait3A_260 = arith.constant 0 : i32
    %dma_wait3A_261 = tpu.memref_slice %arg5[%arg0, %mul3A_2, %dma_wait3A_260] : memref<2x10240x128xbf16, #tpu.memory_space<hbm>> -> memref<1x128x128xbf16, #tpu.memory_space<hbm>>
    %dma_wait3A_262 = tpu.memref_squeeze %dma_wait3A_261 : memref<1x128x128xbf16, #tpu.memory_space<hbm>> -> memref<128x128xbf16, #tpu.memory_space<hbm>>
    %dma_wait3A_263 = arith.constant 0 : i32
    %dma_wait3A_264 = arith.constant 0 : i32
    %dma_wait3A_265 = tpu.memref_slice %arg8[%dma_wait3A_252, %dma_wait3A_263, %dma_wait3A_264] : memref<4x128x128xbf16, #tpu.memory_space<vmem>> -> memref<1x128x128xbf16, #tpu.memory_space<vmem>>
    %dma_wait3A_266 = tpu.memref_squeeze %dma_wait3A_265 : memref<1x128x128xbf16, #tpu.memory_space<vmem>> -> memref<128x128xbf16, #tpu.memory_space<vmem>>
    tpu.wait_dma2 semaphore(%arg10 : memref<!tpu.dma_semaphore, #tpu.memory_space<semaphore_mem>>) src(%dma_wait3A_266 : memref<128x128xbf16, #tpu.memory_space<vmem>>) dst(%dma_wait3A_262 : memref<128x128xbf16, #tpu.memory_space<hbm>>)
    %add3A_267 = arith.constant 256 : i32
    %add3A_268 = arith.addi %mul3A_2, %add3A_267 : i32
    %run_scoped3A_269 = arith.constant 0 : i32
    "tpu.region"() ({
      %run_scoped3A_387 = tpu.sem_alloc : memref<!tpu.dma_semaphore, #tpu.memory_space<semaphore_mem>>
      %dma_start3A_388 = arith.constant 0 : i32
      %dma_start3A_389 = arith.constant 0 : i32
      %dma_start3A_390 = tpu.memref_slice %arg8[%run_scoped3A_269, %dma_start3A_388, %dma_start3A_389] : memref<4x128x128xbf16, #tpu.memory_space<vmem>> -> memref<1x128x128xbf16, #tpu.memory_space<vmem>>
      %dma_start3A_391 = tpu.memref_squeeze %dma_start3A_390 : memref<1x128x128xbf16, #tpu.memory_space<vmem>> -> memref<128x128xbf16, #tpu.memory_space<vmem>>
      %dma_start3A_392 = arith.constant 0 : i32
      %dma_start3A_393 = tpu.memref_slice %arg9[%add3A_268, %dma_start3A_392] : memref<10240x128xbf16, #tpu.memory_space<vmem_shared>> -> memref<128x128xbf16, #tpu.memory_space<vmem_shared>>
      %dma_start3A_394 = arith.constant 0 : i32
      %dma_start3A_395 = arith.constant 0 : i32
      %dma_start3A_396 = tpu.memref_slice %arg8[%run_scoped3A_269, %dma_start3A_394, %dma_start3A_395] : memref<4x128x128xbf16, #tpu.memory_space<vmem>> -> memref<1x128x128xbf16, #tpu.memory_space<vmem>>
      %dma_start3A_397 = tpu.memref_squeeze %dma_start3A_396 : memref<1x128x128xbf16, #tpu.memory_space<vmem>> -> memref<128x128xbf16, #tpu.memory_space<vmem>>
      %dma_start3A_398 = arith.constant 0 : i32
      %dma_start3A_399 = tpu.memref_slice %arg9[%add3A_268, %dma_start3A_398] : memref<10240x128xbf16, #tpu.memory_space<vmem_shared>> -> memref<128x128xbf16, #tpu.memory_space<vmem_shared>>
      tpu.enqueue_dma source(%dma_start3A_399 : memref<128x128xbf16, #tpu.memory_space<vmem_shared>>) target(%dma_start3A_397 : memref<128x128xbf16, #tpu.memory_space<vmem>>) target_semaphore(%run_scoped3A_387 : memref<!tpu.dma_semaphore, #tpu.memory_space<semaphore_mem>>)
      %dma_wait3A_400 = arith.constant 0 : i32
      %dma_wait3A_401 = arith.constant 0 : i32
      %dma_wait3A_402 = tpu.memref_slice %arg8[%run_scoped3A_269, %dma_wait3A_400, %dma_wait3A_401] : memref<4x128x128xbf16, #tpu.memory_space<vmem>> -> memref<1x128x128xbf16, #tpu.memory_space<vmem>>
      %dma_wait3A_403 = tpu.memref_squeeze %dma_wait3A_402 : memref<1x128x128xbf16, #tpu.memory_space<vmem>> -> memref<128x128xbf16, #tpu.memory_space<vmem>>
      %dma_wait3A_404 = arith.constant 0 : i32
      %dma_wait3A_405 = tpu.memref_slice %arg9[%add3A_268, %dma_wait3A_404] : memref<10240x128xbf16, #tpu.memory_space<vmem_shared>> -> memref<128x128xbf16, #tpu.memory_space<vmem_shared>>
      %dma_wait3A_406 = arith.constant 0 : i32
      %dma_wait3A_407 = arith.constant 0 : i32
      %dma_wait3A_408 = tpu.memref_slice %arg8[%run_scoped3A_269, %dma_wait3A_406, %dma_wait3A_407] : memref<4x128x128xbf16, #tpu.memory_space<vmem>> -> memref<1x128x128xbf16, #tpu.memory_space<vmem>>
      %dma_wait3A_409 = tpu.memref_squeeze %dma_wait3A_408 : memref<1x128x128xbf16, #tpu.memory_space<vmem>> -> memref<128x128xbf16, #tpu.memory_space<vmem>>
      %dma_wait3A_410 = arith.constant 0 : i32
      %dma_wait3A_411 = tpu.memref_slice %arg9[%add3A_268, %dma_wait3A_410] : memref<10240x128xbf16, #tpu.memory_space<vmem_shared>> -> memref<128x128xbf16, #tpu.memory_space<vmem_shared>>
      tpu.wait_dma2 semaphore(%run_scoped3A_387 : memref<!tpu.dma_semaphore, #tpu.memory_space<semaphore_mem>>) src(%dma_wait3A_411 : memref<128x128xbf16, #tpu.memory_space<vmem_shared>>) dst(%dma_wait3A_409 : memref<128x128xbf16, #tpu.memory_space<vmem>>)
      tpu.yield
    }) : () -> ()
    %add3A_270 = arith.constant 256 : i32
    %add3A_271 = arith.addi %mul3A_2, %add3A_270 : i32
    %dma_start3A_272 = arith.constant 0 : i32
    %dma_start3A_273 = arith.constant 0 : i32
    %dma_start3A_274 = arith.constant 0 : i32
    %dma_start3A_275 = tpu.memref_slice %arg8[%dma_start3A_272, %dma_start3A_273, %dma_start3A_274] : memref<4x128x128xbf16, #tpu.memory_space<vmem>> -> memref<1x128x128xbf16, #tpu.memory_space<vmem>>
    %dma_start3A_276 = tpu.memref_squeeze %dma_start3A_275 : memref<1x128x128xbf16, #tpu.memory_space<vmem>> -> memref<128x128xbf16, #tpu.memory_space<vmem>>
    %dma_start3A_277 = arith.constant 0 : i32
    %dma_start3A_278 = tpu.memref_slice %arg5[%arg0, %add3A_271, %dma_start3A_277] : memref<2x10240x128xbf16, #tpu.memory_space<hbm>> -> memref<1x128x128xbf16, #tpu.memory_space<hbm>>
    %dma_start3A_279 = tpu.memref_squeeze %dma_start3A_278 : memref<1x128x128xbf16, #tpu.memory_space<hbm>> -> memref<128x128xbf16, #tpu.memory_space<hbm>>
    %dma_start3A_280 = arith.constant 0 : i32
    %dma_start3A_281 = tpu.memref_slice %arg5[%arg0, %add3A_271, %dma_start3A_280] : memref<2x10240x128xbf16, #tpu.memory_space<hbm>> -> memref<1x128x128xbf16, #tpu.memory_space<hbm>>
    %dma_start3A_282 = tpu.memref_squeeze %dma_start3A_281 : memref<1x128x128xbf16, #tpu.memory_space<hbm>> -> memref<128x128xbf16, #tpu.memory_space<hbm>>
    %dma_start3A_283 = arith.constant 0 : i32
    %dma_start3A_284 = arith.constant 0 : i32
    %dma_start3A_285 = tpu.memref_slice %arg8[%dma_start3A_272, %dma_start3A_283, %dma_start3A_284] : memref<4x128x128xbf16, #tpu.memory_space<vmem>> -> memref<1x128x128xbf16, #tpu.memory_space<vmem>>
    %dma_start3A_286 = tpu.memref_squeeze %dma_start3A_285 : memref<1x128x128xbf16, #tpu.memory_space<vmem>> -> memref<128x128xbf16, #tpu.memory_space<vmem>>
    tpu.enqueue_dma source(%dma_start3A_286 : memref<128x128xbf16, #tpu.memory_space<vmem>>) target(%dma_start3A_282 : memref<128x128xbf16, #tpu.memory_space<hbm>>) target_semaphore(%arg10 : memref<!tpu.dma_semaphore, #tpu.memory_space<semaphore_mem>>)
    %dma_wait3A_287 = arith.constant 1 : i32
    %dma_wait3A_288 = arith.constant 0 : i32
    %dma_wait3A_289 = arith.constant 0 : i32
    %dma_wait3A_290 = tpu.memref_slice %arg8[%dma_wait3A_287, %dma_wait3A_288, %dma_wait3A_289] : memref<4x128x128xbf16, #tpu.memory_space<vmem>> -> memref<1x128x128xbf16, #tpu.memory_space<vmem>>
    %dma_wait3A_291 = tpu.memref_squeeze %dma_wait3A_290 : memref<1x128x128xbf16, #tpu.memory_space<vmem>> -> memref<128x128xbf16, #tpu.memory_space<vmem>>
    %dma_wait3A_292 = arith.constant 0 : i32
    %dma_wait3A_293 = tpu.memref_slice %arg5[%arg0, %mul3A_2, %dma_wait3A_292] : memref<2x10240x128xbf16, #tpu.memory_space<hbm>> -> memref<1x128x128xbf16, #tpu.memory_space<hbm>>
    %dma_wait3A_294 = tpu.memref_squeeze %dma_wait3A_293 : memref<1x128x128xbf16, #tpu.memory_space<hbm>> -> memref<128x128xbf16, #tpu.memory_space<hbm>>
    %dma_wait3A_295 = arith.constant 0 : i32
    %dma_wait3A_296 = tpu.memref_slice %arg5[%arg0, %mul3A_2, %dma_wait3A_295] : memref<2x10240x128xbf16, #tpu.memory_space<hbm>> -> memref<1x128x128xbf16, #tpu.memory_space<hbm>>
    %dma_wait3A_297 = tpu.memref_squeeze %dma_wait3A_296 : memref<1x128x128xbf16, #tpu.memory_space<hbm>> -> memref<128x128xbf16, #tpu.memory_space<hbm>>
    %dma_wait3A_298 = arith.constant 0 : i32
    %dma_wait3A_299 = arith.constant 0 : i32
    %dma_wait3A_300 = tpu.memref_slice %arg8[%dma_wait3A_287, %dma_wait3A_298, %dma_wait3A_299] : memref<4x128x128xbf16, #tpu.memory_space<vmem>> -> memref<1x128x128xbf16, #tpu.memory_space<vmem>>
    %dma_wait3A_301 = tpu.memref_squeeze %dma_wait3A_300 : memref<1x128x128xbf16, #tpu.memory_space<vmem>> -> memref<128x128xbf16, #tpu.memory_space<vmem>>
    tpu.wait_dma2 semaphore(%arg11 : memref<!tpu.dma_semaphore, #tpu.memory_space<semaphore_mem>>) src(%dma_wait3A_301 : memref<128x128xbf16, #tpu.memory_space<vmem>>) dst(%dma_wait3A_297 : memref<128x128xbf16, #tpu.memory_space<hbm>>)
    %add3A_302 = arith.constant 384 : i32
    %add3A_303 = arith.addi %mul3A_2, %add3A_302 : i32
    %run_scoped3A_304 = arith.constant 1 : i32
    "tpu.region"() ({
      %run_scoped3A_387 = tpu.sem_alloc : memref<!tpu.dma_semaphore, #tpu.memory_space<semaphore_mem>>
      %dma_start3A_388 = arith.constant 0 : i32
      %dma_start3A_389 = arith.constant 0 : i32
      %dma_start3A_390 = tpu.memref_slice %arg8[%run_scoped3A_304, %dma_start3A_388, %dma_start3A_389] : memref<4x128x128xbf16, #tpu.memory_space<vmem>> -> memref<1x128x128xbf16, #tpu.memory_space<vmem>>
      %dma_start3A_391 = tpu.memref_squeeze %dma_start3A_390 : memref<1x128x128xbf16, #tpu.memory_space<vmem>> -> memref<128x128xbf16, #tpu.memory_space<vmem>>
      %dma_start3A_392 = arith.constant 0 : i32
      %dma_start3A_393 = tpu.memref_slice %arg9[%add3A_303, %dma_start3A_392] : memref<10240x128xbf16, #tpu.memory_space<vmem_shared>> -> memref<128x128xbf16, #tpu.memory_space<vmem_shared>>
      %dma_start3A_394 = arith.constant 0 : i32
      %dma_start3A_395 = arith.constant 0 : i32
      %dma_start3A_396 = tpu.memref_slice %arg8[%run_scoped3A_304, %dma_start3A_394, %dma_start3A_395] : memref<4x128x128xbf16, #tpu.memory_space<vmem>> -> memref<1x128x128xbf16, #tpu.memory_space<vmem>>
      %dma_start3A_397 = tpu.memref_squeeze %dma_start3A_396 : memref<1x128x128xbf16, #tpu.memory_space<vmem>> -> memref<128x128xbf16, #tpu.memory_space<vmem>>
      %dma_start3A_398 = arith.constant 0 : i32
      %dma_start3A_399 = tpu.memref_slice %arg9[%add3A_303, %dma_start3A_398] : memref<10240x128xbf16, #tpu.memory_space<vmem_shared>> -> memref<128x128xbf16, #tpu.memory_space<vmem_shared>>
      tpu.enqueue_dma source(%dma_start3A_399 : memref<128x128xbf16, #tpu.memory_space<vmem_shared>>) target(%dma_start3A_397 : memref<128x128xbf16, #tpu.memory_space<vmem>>) target_semaphore(%run_scoped3A_387 : memref<!tpu.dma_semaphore, #tpu.memory_space<semaphore_mem>>)
      %dma_wait3A_400 = arith.constant 0 : i32
      %dma_wait3A_401 = arith.constant 0 : i32
      %dma_wait3A_402 = tpu.memref_slice %arg8[%run_scoped3A_304, %dma_wait3A_400, %dma_wait3A_401] : memref<4x128x128xbf16, #tpu.memory_space<vmem>> -> memref<1x128x128xbf16, #tpu.memory_space<vmem>>
      %dma_wait3A_403 = tpu.memref_squeeze %dma_wait3A_402 : memref<1x128x128xbf16, #tpu.memory_space<vmem>> -> memref<128x128xbf16, #tpu.memory_space<vmem>>
      %dma_wait3A_404 = arith.constant 0 : i32
      %dma_wait3A_405 = tpu.memref_slice %arg9[%add3A_303, %dma_wait3A_404] : memref<10240x128xbf16, #tpu.memory_space<vmem_shared>> -> memref<128x128xbf16, #tpu.memory_space<vmem_shared>>
      %dma_wait3A_406 = arith.constant 0 : i32
      %dma_wait3A_407 = arith.constant 0 : i32
      %dma_wait3A_408 = tpu.memref_slice %arg8[%run_scoped3A_304, %dma_wait3A_406, %dma_wait3A_407] : memref<4x128x128xbf16, #tpu.memory_space<vmem>> -> memref<1x128x128xbf16, #tpu.memory_space<vmem>>
      %dma_wait3A_409 = tpu.memref_squeeze %dma_wait3A_408 : memref<1x128x128xbf16, #tpu.memory_space<vmem>> -> memref<128x128xbf16, #tpu.memory_space<vmem>>
      %dma_wait3A_410 = arith.constant 0 : i32
      %dma_wait3A_411 = tpu.memref_slice %arg9[%add3A_303, %dma_wait3A_410] : memref<10240x128xbf16, #tpu.memory_space<vmem_shared>> -> memref<128x128xbf16, #tpu.memory_space<vmem_shared>>
      tpu.wait_dma2 semaphore(%run_scoped3A_387 : memref<!tpu.dma_semaphore, #tpu.memory_space<semaphore_mem>>) src(%dma_wait3A_411 : memref<128x128xbf16, #tpu.memory_space<vmem_shared>>) dst(%dma_wait3A_409 : memref<128x128xbf16, #tpu.memory_space<vmem>>)
      tpu.yield
    }) : () -> ()
    %add3A_305 = arith.constant 384 : i32
    %add3A_306 = arith.addi %mul3A_2, %add3A_305 : i32
    %dma_start3A_307 = arith.constant 1 : i32
    %dma_start3A_308 = arith.constant 0 : i32
    %dma_start3A_309 = arith.constant 0 : i32
    %dma_start3A_310 = tpu.memref_slice %arg8[%dma_start3A_307, %dma_start3A_308, %dma_start3A_309] : memref<4x128x128xbf16, #tpu.memory_space<vmem>> -> memref<1x128x128xbf16, #tpu.memory_space<vmem>>
    %dma_start3A_311 = tpu.memref_squeeze %dma_start3A_310 : memref<1x128x128xbf16, #tpu.memory_space<vmem>> -> memref<128x128xbf16, #tpu.memory_space<vmem>>
    %dma_start3A_312 = arith.constant 0 : i32
    %dma_start3A_313 = tpu.memref_slice %arg5[%arg0, %add3A_306, %dma_start3A_312] : memref<2x10240x128xbf16, #tpu.memory_space<hbm>> -> memref<1x128x128xbf16, #tpu.memory_space<hbm>>
    %dma_start3A_314 = tpu.memref_squeeze %dma_start3A_313 : memref<1x128x128xbf16, #tpu.memory_space<hbm>> -> memref<128x128xbf16, #tpu.memory_space<hbm>>
    %dma_start3A_315 = arith.constant 0 : i32
    %dma_start3A_316 = tpu.memref_slice %arg5[%arg0, %add3A_306, %dma_start3A_315] : memref<2x10240x128xbf16, #tpu.memory_space<hbm>> -> memref<1x128x128xbf16, #tpu.memory_space<hbm>>
    %dma_start3A_317 = tpu.memref_squeeze %dma_start3A_316 : memref<1x128x128xbf16, #tpu.memory_space<hbm>> -> memref<128x128xbf16, #tpu.memory_space<hbm>>
    %dma_start3A_318 = arith.constant 0 : i32
    %dma_start3A_319 = arith.constant 0 : i32
    %dma_start3A_320 = tpu.memref_slice %arg8[%dma_start3A_307, %dma_start3A_318, %dma_start3A_319] : memref<4x128x128xbf16, #tpu.memory_space<vmem>> -> memref<1x128x128xbf16, #tpu.memory_space<vmem>>
    %dma_start3A_321 = tpu.memref_squeeze %dma_start3A_320 : memref<1x128x128xbf16, #tpu.memory_space<vmem>> -> memref<128x128xbf16, #tpu.memory_space<vmem>>
    tpu.enqueue_dma source(%dma_start3A_321 : memref<128x128xbf16, #tpu.memory_space<vmem>>) target(%dma_start3A_317 : memref<128x128xbf16, #tpu.memory_space<hbm>>) target_semaphore(%arg11 : memref<!tpu.dma_semaphore, #tpu.memory_space<semaphore_mem>>)
    %dma_wait3A_322 = arith.constant 0 : i32
    %dma_wait3A_323 = arith.constant 0 : i32
    %dma_wait3A_324 = arith.constant 0 : i32
    %dma_wait3A_325 = tpu.memref_slice %arg8[%dma_wait3A_322, %dma_wait3A_323, %dma_wait3A_324] : memref<4x128x128xbf16, #tpu.memory_space<vmem>> -> memref<1x128x128xbf16, #tpu.memory_space<vmem>>
    %dma_wait3A_326 = tpu.memref_squeeze %dma_wait3A_325 : memref<1x128x128xbf16, #tpu.memory_space<vmem>> -> memref<128x128xbf16, #tpu.memory_space<vmem>>
    %dma_wait3A_327 = arith.constant 0 : i32
    %dma_wait3A_328 = tpu.memref_slice %arg5[%arg0, %mul3A_2, %dma_wait3A_327] : memref<2x10240x128xbf16, #tpu.memory_space<hbm>> -> memref<1x128x128xbf16, #tpu.memory_space<hbm>>
    %dma_wait3A_329 = tpu.memref_squeeze %dma_wait3A_328 : memref<1x128x128xbf16, #tpu.memory_space<hbm>> -> memref<128x128xbf16, #tpu.memory_space<hbm>>
    %dma_wait3A_330 = arith.constant 0 : i32
    %dma_wait3A_331 = tpu.memref_slice %arg5[%arg0, %mul3A_2, %dma_wait3A_330] : memref<2x10240x128xbf16, #tpu.memory_space<hbm>> -> memref<1x128x128xbf16, #tpu.memory_space<hbm>>
    %dma_wait3A_332 = tpu.memref_squeeze %dma_wait3A_331 : memref<1x128x128xbf16, #tpu.memory_space<hbm>> -> memref<128x128xbf16, #tpu.memory_space<hbm>>
    %dma_wait3A_333 = arith.constant 0 : i32
    %dma_wait3A_334 = arith.constant 0 : i32
    %dma_wait3A_335 = tpu.memref_slice %arg8[%dma_wait3A_322, %dma_wait3A_333, %dma_wait3A_334] : memref<4x128x128xbf16, #tpu.memory_space<vmem>> -> memref<1x128x128xbf16, #tpu.memory_space<vmem>>
    %dma_wait3A_336 = tpu.memref_squeeze %dma_wait3A_335 : memref<1x128x128xbf16, #tpu.memory_space<vmem>> -> memref<128x128xbf16, #tpu.memory_space<vmem>>
    tpu.wait_dma2 semaphore(%arg10 : memref<!tpu.dma_semaphore, #tpu.memory_space<semaphore_mem>>) src(%dma_wait3A_336 : memref<128x128xbf16, #tpu.memory_space<vmem>>) dst(%dma_wait3A_332 : memref<128x128xbf16, #tpu.memory_space<hbm>>)
    %add3A_337 = arith.constant 512 : i32
    %add3A_338 = arith.addi %mul3A_2, %add3A_337 : i32
    %run_scoped3A_339 = arith.constant 0 : i32
    "tpu.region"() ({
      %run_scoped3A_387 = tpu.sem_alloc : memref<!tpu.dma_semaphore, #tpu.memory_space<semaphore_mem>>
      %dma_start3A_388 = arith.constant 0 : i32
      %dma_start3A_389 = arith.constant 0 : i32
      %dma_start3A_390 = tpu.memref_slice %arg8[%run_scoped3A_339, %dma_start3A_388, %dma_start3A_389] : memref<4x128x128xbf16, #tpu.memory_space<vmem>> -> memref<1x128x128xbf16, #tpu.memory_space<vmem>>
      %dma_start3A_391 = tpu.memref_squeeze %dma_start3A_390 : memref<1x128x128xbf16, #tpu.memory_space<vmem>> -> memref<128x128xbf16, #tpu.memory_space<vmem>>
      %dma_start3A_392 = arith.constant 0 : i32
      %dma_start3A_393 = tpu.memref_slice %arg9[%add3A_338, %dma_start3A_392] : memref<10240x128xbf16, #tpu.memory_space<vmem_shared>> -> memref<128x128xbf16, #tpu.memory_space<vmem_shared>>
      %dma_start3A_394 = arith.constant 0 : i32
      %dma_start3A_395 = arith.constant 0 : i32
      %dma_start3A_396 = tpu.memref_slice %arg8[%run_scoped3A_339, %dma_start3A_394, %dma_start3A_395] : memref<4x128x128xbf16, #tpu.memory_space<vmem>> -> memref<1x128x128xbf16, #tpu.memory_space<vmem>>
      %dma_start3A_397 = tpu.memref_squeeze %dma_start3A_396 : memref<1x128x128xbf16, #tpu.memory_space<vmem>> -> memref<128x128xbf16, #tpu.memory_space<vmem>>
      %dma_start3A_398 = arith.constant 0 : i32
      %dma_start3A_399 = tpu.memref_slice %arg9[%add3A_338, %dma_start3A_398] : memref<10240x128xbf16, #tpu.memory_space<vmem_shared>> -> memref<128x128xbf16, #tpu.memory_space<vmem_shared>>
      tpu.enqueue_dma source(%dma_start3A_399 : memref<128x128xbf16, #tpu.memory_space<vmem_shared>>) target(%dma_start3A_397 : memref<128x128xbf16, #tpu.memory_space<vmem>>) target_semaphore(%run_scoped3A_387 : memref<!tpu.dma_semaphore, #tpu.memory_space<semaphore_mem>>)
      %dma_wait3A_400 = arith.constant 0 : i32
      %dma_wait3A_401 = arith.constant 0 : i32
      %dma_wait3A_402 = tpu.memref_slice %arg8[%run_scoped3A_339, %dma_wait3A_400, %dma_wait3A_401] : memref<4x128x128xbf16, #tpu.memory_space<vmem>> -> memref<1x128x128xbf16, #tpu.memory_space<vmem>>
      %dma_wait3A_403 = tpu.memref_squeeze %dma_wait3A_402 : memref<1x128x128xbf16, #tpu.memory_space<vmem>> -> memref<128x128xbf16, #tpu.memory_space<vmem>>
      %dma_wait3A_404 = arith.constant 0 : i32
      %dma_wait3A_405 = tpu.memref_slice %arg9[%add3A_338, %dma_wait3A_404] : memref<10240x128xbf16, #tpu.memory_space<vmem_shared>> -> memref<128x128xbf16, #tpu.memory_space<vmem_shared>>
      %dma_wait3A_406 = arith.constant 0 : i32
      %dma_wait3A_407 = arith.constant 0 : i32
      %dma_wait3A_408 = tpu.memref_slice %arg8[%run_scoped3A_339, %dma_wait3A_406, %dma_wait3A_407] : memref<4x128x128xbf16, #tpu.memory_space<vmem>> -> memref<1x128x128xbf16, #tpu.memory_space<vmem>>
      %dma_wait3A_409 = tpu.memref_squeeze %dma_wait3A_408 : memref<1x128x128xbf16, #tpu.memory_space<vmem>> -> memref<128x128xbf16, #tpu.memory_space<vmem>>
      %dma_wait3A_410 = arith.constant 0 : i32
      %dma_wait3A_411 = tpu.memref_slice %arg9[%add3A_338, %dma_wait3A_410] : memref<10240x128xbf16, #tpu.memory_space<vmem_shared>> -> memref<128x128xbf16, #tpu.memory_space<vmem_shared>>
      tpu.wait_dma2 semaphore(%run_scoped3A_387 : memref<!tpu.dma_semaphore, #tpu.memory_space<semaphore_mem>>) src(%dma_wait3A_411 : memref<128x128xbf16, #tpu.memory_space<vmem_shared>>) dst(%dma_wait3A_409 : memref<128x128xbf16, #tpu.memory_space<vmem>>)
      tpu.yield
    }) : () -> ()
    %add3A_340 = arith.constant 512 : i32
    %add3A_341 = arith.addi %mul3A_2, %add3A_340 : i32
    %dma_start3A_342 = arith.constant 0 : i32
    %dma_start3A_343 = arith.constant 0 : i32
    %dma_start3A_344 = arith.constant 0 : i32
    %dma_start3A_345 = tpu.memref_slice %arg8[%dma_start3A_342, %dma_start3A_343, %dma_start3A_344] : memref<4x128x128xbf16, #tpu.memory_space<vmem>> -> memref<1x128x128xbf16, #tpu.memory_space<vmem>>
    %dma_start3A_346 = tpu.memref_squeeze %dma_start3A_345 : memref<1x128x128xbf16, #tpu.memory_space<vmem>> -> memref<128x128xbf16, #tpu.memory_space<vmem>>
    %dma_start3A_347 = arith.constant 0 : i32
    %dma_start3A_348 = tpu.memref_slice %arg5[%arg0, %add3A_341, %dma_start3A_347] : memref<2x10240x128xbf16, #tpu.memory_space<hbm>> -> memref<1x128x128xbf16, #tpu.memory_space<hbm>>
    %dma_start3A_349 = tpu.memref_squeeze %dma_start3A_348 : memref<1x128x128xbf16, #tpu.memory_space<hbm>> -> memref<128x128xbf16, #tpu.memory_space<hbm>>
    %dma_start3A_350 = arith.constant 0 : i32
    %dma_start3A_351 = tpu.memref_slice %arg5[%arg0, %add3A_341, %dma_start3A_350] : memref<2x10240x128xbf16, #tpu.memory_space<hbm>> -> memref<1x128x128xbf16, #tpu.memory_space<hbm>>
    %dma_start3A_352 = tpu.memref_squeeze %dma_start3A_351 : memref<1x128x128xbf16, #tpu.memory_space<hbm>> -> memref<128x128xbf16, #tpu.memory_space<hbm>>
    %dma_start3A_353 = arith.constant 0 : i32
    %dma_start3A_354 = arith.constant 0 : i32
    %dma_start3A_355 = tpu.memref_slice %arg8[%dma_start3A_342, %dma_start3A_353, %dma_start3A_354] : memref<4x128x128xbf16, #tpu.memory_space<vmem>> -> memref<1x128x128xbf16, #tpu.memory_space<vmem>>
    %dma_start3A_356 = tpu.memref_squeeze %dma_start3A_355 : memref<1x128x128xbf16, #tpu.memory_space<vmem>> -> memref<128x128xbf16, #tpu.memory_space<vmem>>
    tpu.enqueue_dma source(%dma_start3A_356 : memref<128x128xbf16, #tpu.memory_space<vmem>>) target(%dma_start3A_352 : memref<128x128xbf16, #tpu.memory_space<hbm>>) target_semaphore(%arg10 : memref<!tpu.dma_semaphore, #tpu.memory_space<semaphore_mem>>)
    %dma_wait3A_357 = arith.constant 1 : i32
    %dma_wait3A_358 = arith.constant 0 : i32
    %dma_wait3A_359 = arith.constant 0 : i32
    %dma_wait3A_360 = tpu.memref_slice %arg8[%dma_wait3A_357, %dma_wait3A_358, %dma_wait3A_359] : memref<4x128x128xbf16, #tpu.memory_space<vmem>> -> memref<1x128x128xbf16, #tpu.memory_space<vmem>>
    %dma_wait3A_361 = tpu.memref_squeeze %dma_wait3A_360 : memref<1x128x128xbf16, #tpu.memory_space<vmem>> -> memref<128x128xbf16, #tpu.memory_space<vmem>>
    %dma_wait3A_362 = arith.constant 0 : i32
    %dma_wait3A_363 = tpu.memref_slice %arg5[%arg0, %mul3A_2, %dma_wait3A_362] : memref<2x10240x128xbf16, #tpu.memory_space<hbm>> -> memref<1x128x128xbf16, #tpu.memory_space<hbm>>
    %dma_wait3A_364 = tpu.memref_squeeze %dma_wait3A_363 : memref<1x128x128xbf16, #tpu.memory_space<hbm>> -> memref<128x128xbf16, #tpu.memory_space<hbm>>
    %dma_wait3A_365 = arith.constant 0 : i32
    %dma_wait3A_366 = tpu.memref_slice %arg5[%arg0, %mul3A_2, %dma_wait3A_365] : memref<2x10240x128xbf16, #tpu.memory_space<hbm>> -> memref<1x128x128xbf16, #tpu.memory_space<hbm>>
    %dma_wait3A_367 = tpu.memref_squeeze %dma_wait3A_366 : memref<1x128x128xbf16, #tpu.memory_space<hbm>> -> memref<128x128xbf16, #tpu.memory_space<hbm>>
    %dma_wait3A_368 = arith.constant 0 : i32
    %dma_wait3A_369 = arith.constant 0 : i32
    %dma_wait3A_370 = tpu.memref_slice %arg8[%dma_wait3A_357, %dma_wait3A_368, %dma_wait3A_369] : memref<4x128x128xbf16, #tpu.memory_space<vmem>> -> memref<1x128x128xbf16, #tpu.memory_space<vmem>>
    %dma_wait3A_371 = tpu.memref_squeeze %dma_wait3A_370 : memref<1x128x128xbf16, #tpu.memory_space<vmem>> -> memref<128x128xbf16, #tpu.memory_space<vmem>>
    tpu.wait_dma2 semaphore(%arg11 : memref<!tpu.dma_semaphore, #tpu.memory_space<semaphore_mem>>) src(%dma_wait3A_371 : memref<128x128xbf16, #tpu.memory_space<vmem>>) dst(%dma_wait3A_367 : memref<128x128xbf16, #tpu.memory_space<hbm>>)
    %dma_wait3A_372 = arith.constant 0 : i32
    %dma_wait3A_373 = arith.constant 0 : i32
    %dma_wait3A_374 = arith.constant 0 : i32
    %dma_wait3A_375 = tpu.memref_slice %arg8[%dma_wait3A_372, %dma_wait3A_373, %dma_wait3A_374] : memref<4x128x128xbf16, #tpu.memory_space<vmem>> -> memref<1x128x128xbf16, #tpu.memory_space<vmem>>
    %dma_wait3A_376 = tpu.memref_squeeze %dma_wait3A_375 : memref<1x128x128xbf16, #tpu.memory_space<vmem>> -> memref<128x128xbf16, #tpu.memory_space<vmem>>
    %dma_wait3A_377 = arith.constant 0 : i32
    %dma_wait3A_378 = tpu.memref_slice %arg5[%arg0, %mul3A_2, %dma_wait3A_377] : memref<2x10240x128xbf16, #tpu.memory_space<hbm>> -> memref<1x128x128xbf16, #tpu.memory_space<hbm>>
    %dma_wait3A_379 = tpu.memref_squeeze %dma_wait3A_378 : memref<1x128x128xbf16, #tpu.memory_space<hbm>> -> memref<128x128xbf16, #tpu.memory_space<hbm>>
    %dma_wait3A_380 = arith.constant 0 : i32
    %dma_wait3A_381 = tpu.memref_slice %arg5[%arg0, %mul3A_2, %dma_wait3A_380] : memref<2x10240x128xbf16, #tpu.memory_space<hbm>> -> memref<1x128x128xbf16, #tpu.memory_space<hbm>>
    %dma_wait3A_382 = tpu.memref_squeeze %dma_wait3A_381 : memref<1x128x128xbf16, #tpu.memory_space<hbm>> -> memref<128x128xbf16, #tpu.memory_space<hbm>>
    %dma_wait3A_383 = arith.constant 0 : i32
    %dma_wait3A_384 = arith.constant 0 : i32
    %dma_wait3A_385 = tpu.memref_slice %arg8[%dma_wait3A_372, %dma_wait3A_383, %dma_wait3A_384] : memref<4x128x128xbf16, #tpu.memory_space<vmem>> -> memref<1x128x128xbf16, #tpu.memory_space<vmem>>
    %dma_wait3A_386 = tpu.memref_squeeze %dma_wait3A_385 : memref<1x128x128xbf16, #tpu.memory_space<vmem>> -> memref<128x128xbf16, #tpu.memory_space<vmem>>
    tpu.wait_dma2 semaphore(%arg10 : memref<!tpu.dma_semaphore, #tpu.memory_space<semaphore_mem>>) src(%dma_wait3A_386 : memref<128x128xbf16, #tpu.memory_space<vmem>>) dst(%dma_wait3A_382 : memref<128x128xbf16, #tpu.memory_space<hbm>>)
    return
  }
}

#map = affine_map<(d0, d1) -> (0, 0)>
#map1 = affine_map<(d0, d1) -> (0, 0, 0)>
module attributes {stable_mosaic.version = 14 : i64} {
  func.func @k(%arg0: i32, %arg1: i32, %arg2: memref<10240x64xbf16, #tpu.memory_space<hbm>>, %arg3: memref<32x80x128xi32, #tpu.memory_space<hbm>>, %arg4: memref<32x80x128xi32, #tpu.memory_space<hbm>>, %arg5: memref<2x10240x64xbf16, #tpu.memory_space<hbm>>, %arg6: memref<80x128xi32, #tpu.memory_space<vmem>>, %arg7: memref<80x128xi32, #tpu.memory_space<vmem>>, %arg8: memref<4x128x64xbf16, #tpu.memory_space<vmem>>, %arg9: memref<10240x64xbf16, #tpu.memory_space<vmem_shared>>, %arg10: memref<!tpu.dma_semaphore, #tpu.memory_space<semaphore_mem>>, %arg11: memref<!tpu.dma_semaphore, #tpu.memory_space<semaphore_mem>>, %arg12: memref<!tpu.dma_semaphore, #tpu.memory_space<semaphore_mem>>, %arg13: memref<!tpu.dma_semaphore, #tpu.memory_space<semaphore_mem>>, %arg14: memref<!tpu.dma_semaphore, #tpu.memory_space<semaphore_mem>>, %arg15: memref<!tpu.dma_semaphore, #tpu.memory_space<semaphore_mem>>, %arg16: memref<!tpu.dma_semaphore, #tpu.memory_space<semaphore_mem>>, %arg17: memref<!tpu.dma_semaphore, #tpu.memory_space<semaphore_mem>>) attributes {dimension_semantics = [#tpu.dimension_semantics<core_parallel>, #tpu.dimension_semantics<subcore_parallel>], iteration_bounds = array<i64: 2, 16>, scalar_prefetch = 0 : i64, scratch_operands = 12 : i64, tpu.core_type = #tpu.core_type<sc_vector_subcore>, window_params = [{transform_indices = #map}, {transform_indices = #map1}, {transform_indices = #map1}, {transform_indices = #map1}]} {
    %mul3A = arith.constant 16 : i32
    %mul3A_0 = arith.muli %arg0, %mul3A : i32
    %add3A = arith.addi %mul3A_0, %arg1 : i32
    %mul3A_1 = arith.constant 640 : i32
    %mul3A_2 = arith.muli %arg1, %mul3A_1 : i32
    %scan3A = arith.constant 0 : i32
    %scan3A_3 = arith.constant 0 : i32
    %scan3A_4 = arith.constant 128 : i32
    %scan3A_5 = arith.addi %scan3A_3, %scan3A_4 : i32
    %scan3A_6 = arith.constant 1 : i32
    scf.for %scan3A_387 = %scan3A_3 to %scan3A_5 step %scan3A_6  : i32 {
      %scan3A_388 = arith.constant 0 : i32
      %scan3A_389 = arith.constant 2 : i32
      %scan3A_390 = arith.addi %scan3A_388, %scan3A_389 : i32
      %scan3A_391 = arith.constant 1 : i32
      scf.for %scan3A_393 = %scan3A_388 to %scan3A_390 step %scan3A_391  : i32 {
        %broadcast_in_dim3A = arith.constant 0.000000e+00 : bf16
        %broadcast_in_dim3A_394 = vector.broadcast %broadcast_in_dim3A : bf16 to vector<32xbf16>
        %mul3A_395 = arith.constant 32 : i32
        %mul3A_396 = arith.muli %scan3A_393, %mul3A_395 : i32
        %swap3A = arith.constant 0 : i32
        %swap3A_397 = arith.index_cast %swap3A : i32 to index
        %swap3A_398 = arith.index_cast %scan3A_387 : i32 to index
        %swap3A_399 = arith.index_cast %mul3A_396 : i32 to index
        %swap3A_400 = tpu.vector_load %arg8[%swap3A_397, %swap3A_398, %swap3A_399] {strides = array<i32>} : memref<4x128x64xbf16, #tpu.memory_space<vmem>>, vector<1x1x32xbf16>,
        %swap3A_401 = vector.shape_cast %swap3A_400 : vector<1x1x32xbf16> to vector<32xbf16>
        %swap3A_402 = vector.shape_cast %broadcast_in_dim3A_394 : vector<32xbf16> to vector<1x1x32xbf16>
        tpu.vector_store %arg8[%swap3A_397, %swap3A_398, %swap3A_399], %swap3A_402 {strides = array<i32>} : memref<4x128x64xbf16, #tpu.memory_space<vmem>>, vector<1x1x32xbf16>,
      }
      %scan3A_392 = arith.constant 2 : i32
    }
    %scan3A_7 = arith.constant 128 : i32
    %add3A_8 = arith.constant 0 : i32
    %add3A_9 = arith.addi %mul3A_2, %add3A_8 : i32
    %dma_start3A = arith.constant 0 : i32
    %dma_start3A_10 = arith.constant 0 : i32
    %dma_start3A_11 = arith.constant 0 : i32
    %dma_start3A_12 = tpu.memref_slice %arg8[%dma_start3A, %dma_start3A_10, %dma_start3A_11] : memref<4x128x64xbf16, #tpu.memory_space<vmem>> -> memref<1x128x64xbf16, #tpu.memory_space<vmem>>
    %dma_start3A_13 = tpu.memref_squeeze %dma_start3A_12 : memref<1x128x64xbf16, #tpu.memory_space<vmem>> -> memref<128x64xbf16, #tpu.memory_space<vmem>>
    %dma_start3A_14 = arith.constant 0 : i32
    %dma_start3A_15 = tpu.memref_slice %arg9[%add3A_9, %dma_start3A_14] : memref<10240x64xbf16, #tpu.memory_space<vmem_shared>> -> memref<128x64xbf16, #tpu.memory_space<vmem_shared>>
    %dma_start3A_16 = arith.constant 0 : i32
    %dma_start3A_17 = tpu.memref_slice %arg9[%add3A_9, %dma_start3A_16] : memref<10240x64xbf16, #tpu.memory_space<vmem_shared>> -> memref<128x64xbf16, #tpu.memory_space<vmem_shared>>
    %dma_start3A_18 = arith.constant 0 : i32
    %dma_start3A_19 = arith.constant 0 : i32
    %dma_start3A_20 = tpu.memref_slice %arg8[%dma_start3A, %dma_start3A_18, %dma_start3A_19] : memref<4x128x64xbf16, #tpu.memory_space<vmem>> -> memref<1x128x64xbf16, #tpu.memory_space<vmem>>
    %dma_start3A_21 = tpu.memref_squeeze %dma_start3A_20 : memref<1x128x64xbf16, #tpu.memory_space<vmem>> -> memref<128x64xbf16, #tpu.memory_space<vmem>>
    tpu.enqueue_dma source(%dma_start3A_21 : memref<128x64xbf16, #tpu.memory_space<vmem>>) target(%dma_start3A_17 : memref<128x64xbf16, #tpu.memory_space<vmem_shared>>) target_semaphore(%arg10 : memref<!tpu.dma_semaphore, #tpu.memory_space<semaphore_mem>>)
    %add3A_22 = arith.constant 128 : i32
    %add3A_23 = arith.addi %mul3A_2, %add3A_22 : i32
    %dma_start3A_24 = arith.constant 0 : i32
    %dma_start3A_25 = arith.constant 0 : i32
    %dma_start3A_26 = arith.constant 0 : i32
    %dma_start3A_27 = tpu.memref_slice %arg8[%dma_start3A_24, %dma_start3A_25, %dma_start3A_26] : memref<4x128x64xbf16, #tpu.memory_space<vmem>> -> memref<1x128x64xbf16, #tpu.memory_space<vmem>>
    %dma_start3A_28 = tpu.memref_squeeze %dma_start3A_27 : memref<1x128x64xbf16, #tpu.memory_space<vmem>> -> memref<128x64xbf16, #tpu.memory_space<vmem>>
    %dma_start3A_29 = arith.constant 0 : i32
    %dma_start3A_30 = tpu.memref_slice %arg9[%add3A_23, %dma_start3A_29] : memref<10240x64xbf16, #tpu.memory_space<vmem_shared>> -> memref<128x64xbf16, #tpu.memory_space<vmem_shared>>
    %dma_start3A_31 = arith.constant 0 : i32
    %dma_start3A_32 = tpu.memref_slice %arg9[%add3A_23, %dma_start3A_31] : memref<10240x64xbf16, #tpu.memory_space<vmem_shared>> -> memref<128x64xbf16, #tpu.memory_space<vmem_shared>>
    %dma_start3A_33 = arith.constant 0 : i32
    %dma_start3A_34 = arith.constant 0 : i32
    %dma_start3A_35 = tpu.memref_slice %arg8[%dma_start3A_24, %dma_start3A_33, %dma_start3A_34] : memref<4x128x64xbf16, #tpu.memory_space<vmem>> -> memref<1x128x64xbf16, #tpu.memory_space<vmem>>
    %dma_start3A_36 = tpu.memref_squeeze %dma_start3A_35 : memref<1x128x64xbf16, #tpu.memory_space<vmem>> -> memref<128x64xbf16, #tpu.memory_space<vmem>>
    tpu.enqueue_dma source(%dma_start3A_36 : memref<128x64xbf16, #tpu.memory_space<vmem>>) target(%dma_start3A_32 : memref<128x64xbf16, #tpu.memory_space<vmem_shared>>) target_semaphore(%arg10 : memref<!tpu.dma_semaphore, #tpu.memory_space<semaphore_mem>>)
    %add3A_37 = arith.constant 256 : i32
    %add3A_38 = arith.addi %mul3A_2, %add3A_37 : i32
    %dma_start3A_39 = arith.constant 0 : i32
    %dma_start3A_40 = arith.constant 0 : i32
    %dma_start3A_41 = arith.constant 0 : i32
    %dma_start3A_42 = tpu.memref_slice %arg8[%dma_start3A_39, %dma_start3A_40, %dma_start3A_41] : memref<4x128x64xbf16, #tpu.memory_space<vmem>> -> memref<1x128x64xbf16, #tpu.memory_space<vmem>>
    %dma_start3A_43 = tpu.memref_squeeze %dma_start3A_42 : memref<1x128x64xbf16, #tpu.memory_space<vmem>> -> memref<128x64xbf16, #tpu.memory_space<vmem>>
    %dma_start3A_44 = arith.constant 0 : i32
    %dma_start3A_45 = tpu.memref_slice %arg9[%add3A_38, %dma_start3A_44] : memref<10240x64xbf16, #tpu.memory_space<vmem_shared>> -> memref<128x64xbf16, #tpu.memory_space<vmem_shared>>
    %dma_start3A_46 = arith.constant 0 : i32
    %dma_start3A_47 = tpu.memref_slice %arg9[%add3A_38, %dma_start3A_46] : memref<10240x64xbf16, #tpu.memory_space<vmem_shared>> -> memref<128x64xbf16, #tpu.memory_space<vmem_shared>>
    %dma_start3A_48 = arith.constant 0 : i32
    %dma_start3A_49 = arith.constant 0 : i32
    %dma_start3A_50 = tpu.memref_slice %arg8[%dma_start3A_39, %dma_start3A_48, %dma_start3A_49] : memref<4x128x64xbf16, #tpu.memory_space<vmem>> -> memref<1x128x64xbf16, #tpu.memory_space<vmem>>
    %dma_start3A_51 = tpu.memref_squeeze %dma_start3A_50 : memref<1x128x64xbf16, #tpu.memory_space<vmem>> -> memref<128x64xbf16, #tpu.memory_space<vmem>>
    tpu.enqueue_dma source(%dma_start3A_51 : memref<128x64xbf16, #tpu.memory_space<vmem>>) target(%dma_start3A_47 : memref<128x64xbf16, #tpu.memory_space<vmem_shared>>) target_semaphore(%arg10 : memref<!tpu.dma_semaphore, #tpu.memory_space<semaphore_mem>>)
    %add3A_52 = arith.constant 384 : i32
    %add3A_53 = arith.addi %mul3A_2, %add3A_52 : i32
    %dma_start3A_54 = arith.constant 0 : i32
    %dma_start3A_55 = arith.constant 0 : i32
    %dma_start3A_56 = arith.constant 0 : i32
    %dma_start3A_57 = tpu.memref_slice %arg8[%dma_start3A_54, %dma_start3A_55, %dma_start3A_56] : memref<4x128x64xbf16, #tpu.memory_space<vmem>> -> memref<1x128x64xbf16, #tpu.memory_space<vmem>>
    %dma_start3A_58 = tpu.memref_squeeze %dma_start3A_57 : memref<1x128x64xbf16, #tpu.memory_space<vmem>> -> memref<128x64xbf16, #tpu.memory_space<vmem>>
    %dma_start3A_59 = arith.constant 0 : i32
    %dma_start3A_60 = tpu.memref_slice %arg9[%add3A_53, %dma_start3A_59] : memref<10240x64xbf16, #tpu.memory_space<vmem_shared>> -> memref<128x64xbf16, #tpu.memory_space<vmem_shared>>
    %dma_start3A_61 = arith.constant 0 : i32
    %dma_start3A_62 = tpu.memref_slice %arg9[%add3A_53, %dma_start3A_61] : memref<10240x64xbf16, #tpu.memory_space<vmem_shared>> -> memref<128x64xbf16, #tpu.memory_space<vmem_shared>>
    %dma_start3A_63 = arith.constant 0 : i32
    %dma_start3A_64 = arith.constant 0 : i32
    %dma_start3A_65 = tpu.memref_slice %arg8[%dma_start3A_54, %dma_start3A_63, %dma_start3A_64] : memref<4x128x64xbf16, #tpu.memory_space<vmem>> -> memref<1x128x64xbf16, #tpu.memory_space<vmem>>
    %dma_start3A_66 = tpu.memref_squeeze %dma_start3A_65 : memref<1x128x64xbf16, #tpu.memory_space<vmem>> -> memref<128x64xbf16, #tpu.memory_space<vmem>>
    tpu.enqueue_dma source(%dma_start3A_66 : memref<128x64xbf16, #tpu.memory_space<vmem>>) target(%dma_start3A_62 : memref<128x64xbf16, #tpu.memory_space<vmem_shared>>) target_semaphore(%arg10 : memref<!tpu.dma_semaphore, #tpu.memory_space<semaphore_mem>>)
    %add3A_67 = arith.constant 512 : i32
    %add3A_68 = arith.addi %mul3A_2, %add3A_67 : i32
    %dma_start3A_69 = arith.constant 0 : i32
    %dma_start3A_70 = arith.constant 0 : i32
    %dma_start3A_71 = arith.constant 0 : i32
    %dma_start3A_72 = tpu.memref_slice %arg8[%dma_start3A_69, %dma_start3A_70, %dma_start3A_71] : memref<4x128x64xbf16, #tpu.memory_space<vmem>> -> memref<1x128x64xbf16, #tpu.memory_space<vmem>>
    %dma_start3A_73 = tpu.memref_squeeze %dma_start3A_72 : memref<1x128x64xbf16, #tpu.memory_space<vmem>> -> memref<128x64xbf16, #tpu.memory_space<vmem>>
    %dma_start3A_74 = arith.constant 0 : i32
    %dma_start3A_75 = tpu.memref_slice %arg9[%add3A_68, %dma_start3A_74] : memref<10240x64xbf16, #tpu.memory_space<vmem_shared>> -> memref<128x64xbf16, #tpu.memory_space<vmem_shared>>
    %dma_start3A_76 = arith.constant 0 : i32
    %dma_start3A_77 = tpu.memref_slice %arg9[%add3A_68, %dma_start3A_76] : memref<10240x64xbf16, #tpu.memory_space<vmem_shared>> -> memref<128x64xbf16, #tpu.memory_space<vmem_shared>>
    %dma_start3A_78 = arith.constant 0 : i32
    %dma_start3A_79 = arith.constant 0 : i32
    %dma_start3A_80 = tpu.memref_slice %arg8[%dma_start3A_69, %dma_start3A_78, %dma_start3A_79] : memref<4x128x64xbf16, #tpu.memory_space<vmem>> -> memref<1x128x64xbf16, #tpu.memory_space<vmem>>
    %dma_start3A_81 = tpu.memref_squeeze %dma_start3A_80 : memref<1x128x64xbf16, #tpu.memory_space<vmem>> -> memref<128x64xbf16, #tpu.memory_space<vmem>>
    tpu.enqueue_dma source(%dma_start3A_81 : memref<128x64xbf16, #tpu.memory_space<vmem>>) target(%dma_start3A_77 : memref<128x64xbf16, #tpu.memory_space<vmem_shared>>) target_semaphore(%arg10 : memref<!tpu.dma_semaphore, #tpu.memory_space<semaphore_mem>>)
    "tpu.region"() ({
      %run_scoped3A_387 = tpu.sem_alloc : memref<!tpu.dma_semaphore, #tpu.memory_space<semaphore_mem>>
      %dma_start3A_388 = arith.constant 0 : i32
      %dma_start3A_389 = arith.constant 0 : i32
      %dma_start3A_390 = tpu.memref_slice %arg3[%add3A, %dma_start3A_388, %dma_start3A_389] : memref<32x80x128xi32, #tpu.memory_space<hbm>> -> memref<1x80x128xi32, #tpu.memory_space<hbm>>
      %dma_start3A_391 = tpu.memref_squeeze %dma_start3A_390 : memref<1x80x128xi32, #tpu.memory_space<hbm>> -> memref<80x128xi32, #tpu.memory_space<hbm>>
      %dma_start3A_392 = arith.constant 0 : i32
      %dma_start3A_393 = arith.constant 0 : i32
      %dma_start3A_394 = tpu.memref_slice %arg3[%add3A, %dma_start3A_392, %dma_start3A_393] : memref<32x80x128xi32, #tpu.memory_space<hbm>> -> memref<1x80x128xi32, #tpu.memory_space<hbm>>
      %dma_start3A_395 = tpu.memref_squeeze %dma_start3A_394 : memref<1x80x128xi32, #tpu.memory_space<hbm>> -> memref<80x128xi32, #tpu.memory_space<hbm>>
      tpu.enqueue_dma source(%dma_start3A_395 : memref<80x128xi32, #tpu.memory_space<hbm>>) target(%arg6 : memref<80x128xi32, #tpu.memory_space<vmem>>) target_semaphore(%run_scoped3A_387 : memref<!tpu.dma_semaphore, #tpu.memory_space<semaphore_mem>>)
      %dma_wait3A_396 = arith.constant 0 : i32
      %dma_wait3A_397 = arith.constant 0 : i32
      %dma_wait3A_398 = tpu.memref_slice %arg3[%add3A, %dma_wait3A_396, %dma_wait3A_397] : memref<32x80x128xi32, #tpu.memory_space<hbm>> -> memref<1x80x128xi32, #tpu.memory_space<hbm>>
      %dma_wait3A_399 = tpu.memref_squeeze %dma_wait3A_398 : memref<1x80x128xi32, #tpu.memory_space<hbm>> -> memref<80x128xi32, #tpu.memory_space<hbm>>
      %dma_wait3A_400 = arith.constant 0 : i32
      %dma_wait3A_401 = arith.constant 0 : i32
      %dma_wait3A_402 = tpu.memref_slice %arg3[%add3A, %dma_wait3A_400, %dma_wait3A_401] : memref<32x80x128xi32, #tpu.memory_space<hbm>> -> memref<1x80x128xi32, #tpu.memory_space<hbm>>
      %dma_wait3A_403 = tpu.memref_squeeze %dma_wait3A_402 : memref<1x80x128xi32, #tpu.memory_space<hbm>> -> memref<80x128xi32, #tpu.memory_space<hbm>>
      tpu.wait_dma2 semaphore(%run_scoped3A_387 : memref<!tpu.dma_semaphore, #tpu.memory_space<semaphore_mem>>) src(%dma_wait3A_403 : memref<80x128xi32, #tpu.memory_space<hbm>>) dst(%arg6 : memref<80x128xi32, #tpu.memory_space<vmem>>)
      tpu.yield
    }) : () -> ()
    "tpu.region"() ({
      %run_scoped3A_387 = tpu.sem_alloc : memref<!tpu.dma_semaphore, #tpu.memory_space<semaphore_mem>>
      %dma_start3A_388 = arith.constant 0 : i32
      %dma_start3A_389 = arith.constant 0 : i32
      %dma_start3A_390 = tpu.memref_slice %arg4[%add3A, %dma_start3A_388, %dma_start3A_389] : memref<32x80x128xi32, #tpu.memory_space<hbm>> -> memref<1x80x128xi32, #tpu.memory_space<hbm>>
      %dma_start3A_391 = tpu.memref_squeeze %dma_start3A_390 : memref<1x80x128xi32, #tpu.memory_space<hbm>> -> memref<80x128xi32, #tpu.memory_space<hbm>>
      %dma_start3A_392 = arith.constant 0 : i32
      %dma_start3A_393 = arith.constant 0 : i32
      %dma_start3A_394 = tpu.memref_slice %arg4[%add3A, %dma_start3A_392, %dma_start3A_393] : memref<32x80x128xi32, #tpu.memory_space<hbm>> -> memref<1x80x128xi32, #tpu.memory_space<hbm>>
      %dma_start3A_395 = tpu.memref_squeeze %dma_start3A_394 : memref<1x80x128xi32, #tpu.memory_space<hbm>> -> memref<80x128xi32, #tpu.memory_space<hbm>>
      tpu.enqueue_dma source(%dma_start3A_395 : memref<80x128xi32, #tpu.memory_space<hbm>>) target(%arg7 : memref<80x128xi32, #tpu.memory_space<vmem>>) target_semaphore(%run_scoped3A_387 : memref<!tpu.dma_semaphore, #tpu.memory_space<semaphore_mem>>)
      %dma_wait3A_396 = arith.constant 0 : i32
      %dma_wait3A_397 = arith.constant 0 : i32
      %dma_wait3A_398 = tpu.memref_slice %arg4[%add3A, %dma_wait3A_396, %dma_wait3A_397] : memref<32x80x128xi32, #tpu.memory_space<hbm>> -> memref<1x80x128xi32, #tpu.memory_space<hbm>>
      %dma_wait3A_399 = tpu.memref_squeeze %dma_wait3A_398 : memref<1x80x128xi32, #tpu.memory_space<hbm>> -> memref<80x128xi32, #tpu.memory_space<hbm>>
      %dma_wait3A_400 = arith.constant 0 : i32
      %dma_wait3A_401 = arith.constant 0 : i32
      %dma_wait3A_402 = tpu.memref_slice %arg4[%add3A, %dma_wait3A_400, %dma_wait3A_401] : memref<32x80x128xi32, #tpu.memory_space<hbm>> -> memref<1x80x128xi32, #tpu.memory_space<hbm>>
      %dma_wait3A_403 = tpu.memref_squeeze %dma_wait3A_402 : memref<1x80x128xi32, #tpu.memory_space<hbm>> -> memref<80x128xi32, #tpu.memory_space<hbm>>
      tpu.wait_dma2 semaphore(%run_scoped3A_387 : memref<!tpu.dma_semaphore, #tpu.memory_space<semaphore_mem>>) src(%dma_wait3A_403 : memref<80x128xi32, #tpu.memory_space<hbm>>) dst(%arg7 : memref<80x128xi32, #tpu.memory_space<vmem>>)
      tpu.yield
    }) : () -> ()
    %dma_wait3A = arith.constant 0 : i32
    %dma_wait3A_82 = arith.constant 0 : i32
    %dma_wait3A_83 = arith.constant 0 : i32
    %dma_wait3A_84 = tpu.memref_slice %arg8[%dma_wait3A, %dma_wait3A_82, %dma_wait3A_83] : memref<4x128x64xbf16, #tpu.memory_space<vmem>> -> memref<1x128x64xbf16, #tpu.memory_space<vmem>>
    %dma_wait3A_85 = tpu.memref_squeeze %dma_wait3A_84 : memref<1x128x64xbf16, #tpu.memory_space<vmem>> -> memref<128x64xbf16, #tpu.memory_space<vmem>>
    %dma_wait3A_86 = arith.constant 0 : i32
    %dma_wait3A_87 = tpu.memref_slice %arg9[%mul3A_2, %dma_wait3A_86] : memref<10240x64xbf16, #tpu.memory_space<vmem_shared>> -> memref<128x64xbf16, #tpu.memory_space<vmem_shared>>
    %dma_wait3A_88 = arith.constant 0 : i32
    %dma_wait3A_89 = tpu.memref_slice %arg9[%mul3A_2, %dma_wait3A_88] : memref<10240x64xbf16, #tpu.memory_space<vmem_shared>> -> memref<128x64xbf16, #tpu.memory_space<vmem_shared>>
    %dma_wait3A_90 = arith.constant 0 : i32
    %dma_wait3A_91 = arith.constant 0 : i32
    %dma_wait3A_92 = tpu.memref_slice %arg8[%dma_wait3A, %dma_wait3A_90, %dma_wait3A_91] : memref<4x128x64xbf16, #tpu.memory_space<vmem>> -> memref<1x128x64xbf16, #tpu.memory_space<vmem>>
    %dma_wait3A_93 = tpu.memref_squeeze %dma_wait3A_92 : memref<1x128x64xbf16, #tpu.memory_space<vmem>> -> memref<128x64xbf16, #tpu.memory_space<vmem>>
    tpu.wait_dma2 semaphore(%arg10 : memref<!tpu.dma_semaphore, #tpu.memory_space<semaphore_mem>>) src(%dma_wait3A_93 : memref<128x64xbf16, #tpu.memory_space<vmem>>) dst(%dma_wait3A_89 : memref<128x64xbf16, #tpu.memory_space<vmem_shared>>)
    %dma_wait3A_94 = arith.constant 0 : i32
    %dma_wait3A_95 = arith.constant 0 : i32
    %dma_wait3A_96 = arith.constant 0 : i32
    %dma_wait3A_97 = tpu.memref_slice %arg8[%dma_wait3A_94, %dma_wait3A_95, %dma_wait3A_96] : memref<4x128x64xbf16, #tpu.memory_space<vmem>> -> memref<1x128x64xbf16, #tpu.memory_space<vmem>>
    %dma_wait3A_98 = tpu.memref_squeeze %dma_wait3A_97 : memref<1x128x64xbf16, #tpu.memory_space<vmem>> -> memref<128x64xbf16, #tpu.memory_space<vmem>>
    %dma_wait3A_99 = arith.constant 0 : i32
    %dma_wait3A_100 = tpu.memref_slice %arg9[%mul3A_2, %dma_wait3A_99] : memref<10240x64xbf16, #tpu.memory_space<vmem_shared>> -> memref<128x64xbf16, #tpu.memory_space<vmem_shared>>
    %dma_wait3A_101 = arith.constant 0 : i32
    %dma_wait3A_102 = tpu.memref_slice %arg9[%mul3A_2, %dma_wait3A_101] : memref<10240x64xbf16, #tpu.memory_space<vmem_shared>> -> memref<128x64xbf16, #tpu.memory_space<vmem_shared>>
    %dma_wait3A_103 = arith.constant 0 : i32
    %dma_wait3A_104 = arith.constant 0 : i32
    %dma_wait3A_105 = tpu.memref_slice %arg8[%dma_wait3A_94, %dma_wait3A_103, %dma_wait3A_104] : memref<4x128x64xbf16, #tpu.memory_space<vmem>> -> memref<1x128x64xbf16, #tpu.memory_space<vmem>>
    %dma_wait3A_106 = tpu.memref_squeeze %dma_wait3A_105 : memref<1x128x64xbf16, #tpu.memory_space<vmem>> -> memref<128x64xbf16, #tpu.memory_space<vmem>>
    tpu.wait_dma2 semaphore(%arg10 : memref<!tpu.dma_semaphore, #tpu.memory_space<semaphore_mem>>) src(%dma_wait3A_106 : memref<128x64xbf16, #tpu.memory_space<vmem>>) dst(%dma_wait3A_102 : memref<128x64xbf16, #tpu.memory_space<vmem_shared>>)
    %dma_wait3A_107 = arith.constant 0 : i32
    %dma_wait3A_108 = arith.constant 0 : i32
    %dma_wait3A_109 = arith.constant 0 : i32
    %dma_wait3A_110 = tpu.memref_slice %arg8[%dma_wait3A_107, %dma_wait3A_108, %dma_wait3A_109] : memref<4x128x64xbf16, #tpu.memory_space<vmem>> -> memref<1x128x64xbf16, #tpu.memory_space<vmem>>
    %dma_wait3A_111 = tpu.memref_squeeze %dma_wait3A_110 : memref<1x128x64xbf16, #tpu.memory_space<vmem>> -> memref<128x64xbf16, #tpu.memory_space<vmem>>
    %dma_wait3A_112 = arith.constant 0 : i32
    %dma_wait3A_113 = tpu.memref_slice %arg9[%mul3A_2, %dma_wait3A_112] : memref<10240x64xbf16, #tpu.memory_space<vmem_shared>> -> memref<128x64xbf16, #tpu.memory_space<vmem_shared>>
    %dma_wait3A_114 = arith.constant 0 : i32
    %dma_wait3A_115 = tpu.memref_slice %arg9[%mul3A_2, %dma_wait3A_114] : memref<10240x64xbf16, #tpu.memory_space<vmem_shared>> -> memref<128x64xbf16, #tpu.memory_space<vmem_shared>>
    %dma_wait3A_116 = arith.constant 0 : i32
    %dma_wait3A_117 = arith.constant 0 : i32
    %dma_wait3A_118 = tpu.memref_slice %arg8[%dma_wait3A_107, %dma_wait3A_116, %dma_wait3A_117] : memref<4x128x64xbf16, #tpu.memory_space<vmem>> -> memref<1x128x64xbf16, #tpu.memory_space<vmem>>
    %dma_wait3A_119 = tpu.memref_squeeze %dma_wait3A_118 : memref<1x128x64xbf16, #tpu.memory_space<vmem>> -> memref<128x64xbf16, #tpu.memory_space<vmem>>
    tpu.wait_dma2 semaphore(%arg10 : memref<!tpu.dma_semaphore, #tpu.memory_space<semaphore_mem>>) src(%dma_wait3A_119 : memref<128x64xbf16, #tpu.memory_space<vmem>>) dst(%dma_wait3A_115 : memref<128x64xbf16, #tpu.memory_space<vmem_shared>>)
    %dma_wait3A_120 = arith.constant 0 : i32
    %dma_wait3A_121 = arith.constant 0 : i32
    %dma_wait3A_122 = arith.constant 0 : i32
    %dma_wait3A_123 = tpu.memref_slice %arg8[%dma_wait3A_120, %dma_wait3A_121, %dma_wait3A_122] : memref<4x128x64xbf16, #tpu.memory_space<vmem>> -> memref<1x128x64xbf16, #tpu.memory_space<vmem>>
    %dma_wait3A_124 = tpu.memref_squeeze %dma_wait3A_123 : memref<1x128x64xbf16, #tpu.memory_space<vmem>> -> memref<128x64xbf16, #tpu.memory_space<vmem>>
    %dma_wait3A_125 = arith.constant 0 : i32
    %dma_wait3A_126 = tpu.memref_slice %arg9[%mul3A_2, %dma_wait3A_125] : memref<10240x64xbf16, #tpu.memory_space<vmem_shared>> -> memref<128x64xbf16, #tpu.memory_space<vmem_shared>>
    %dma_wait3A_127 = arith.constant 0 : i32
    %dma_wait3A_128 = tpu.memref_slice %arg9[%mul3A_2, %dma_wait3A_127] : memref<10240x64xbf16, #tpu.memory_space<vmem_shared>> -> memref<128x64xbf16, #tpu.memory_space<vmem_shared>>
    %dma_wait3A_129 = arith.constant 0 : i32
    %dma_wait3A_130 = arith.constant 0 : i32
    %dma_wait3A_131 = tpu.memref_slice %arg8[%dma_wait3A_120, %dma_wait3A_129, %dma_wait3A_130] : memref<4x128x64xbf16, #tpu.memory_space<vmem>> -> memref<1x128x64xbf16, #tpu.memory_space<vmem>>
    %dma_wait3A_132 = tpu.memref_squeeze %dma_wait3A_131 : memref<1x128x64xbf16, #tpu.memory_space<vmem>> -> memref<128x64xbf16, #tpu.memory_space<vmem>>
    tpu.wait_dma2 semaphore(%arg10 : memref<!tpu.dma_semaphore, #tpu.memory_space<semaphore_mem>>) src(%dma_wait3A_132 : memref<128x64xbf16, #tpu.memory_space<vmem>>) dst(%dma_wait3A_128 : memref<128x64xbf16, #tpu.memory_space<vmem_shared>>)
    %dma_wait3A_133 = arith.constant 0 : i32
    %dma_wait3A_134 = arith.constant 0 : i32
    %dma_wait3A_135 = arith.constant 0 : i32
    %dma_wait3A_136 = tpu.memref_slice %arg8[%dma_wait3A_133, %dma_wait3A_134, %dma_wait3A_135] : memref<4x128x64xbf16, #tpu.memory_space<vmem>> -> memref<1x128x64xbf16, #tpu.memory_space<vmem>>
    %dma_wait3A_137 = tpu.memref_squeeze %dma_wait3A_136 : memref<1x128x64xbf16, #tpu.memory_space<vmem>> -> memref<128x64xbf16, #tpu.memory_space<vmem>>
    %dma_wait3A_138 = arith.constant 0 : i32
    %dma_wait3A_139 = tpu.memref_slice %arg9[%mul3A_2, %dma_wait3A_138] : memref<10240x64xbf16, #tpu.memory_space<vmem_shared>> -> memref<128x64xbf16, #tpu.memory_space<vmem_shared>>
    %dma_wait3A_140 = arith.constant 0 : i32
    %dma_wait3A_141 = tpu.memref_slice %arg9[%mul3A_2, %dma_wait3A_140] : memref<10240x64xbf16, #tpu.memory_space<vmem_shared>> -> memref<128x64xbf16, #tpu.memory_space<vmem_shared>>
    %dma_wait3A_142 = arith.constant 0 : i32
    %dma_wait3A_143 = arith.constant 0 : i32
    %dma_wait3A_144 = tpu.memref_slice %arg8[%dma_wait3A_133, %dma_wait3A_142, %dma_wait3A_143] : memref<4x128x64xbf16, #tpu.memory_space<vmem>> -> memref<1x128x64xbf16, #tpu.memory_space<vmem>>
    %dma_wait3A_145 = tpu.memref_squeeze %dma_wait3A_144 : memref<1x128x64xbf16, #tpu.memory_space<vmem>> -> memref<128x64xbf16, #tpu.memory_space<vmem>>
    tpu.wait_dma2 semaphore(%arg10 : memref<!tpu.dma_semaphore, #tpu.memory_space<semaphore_mem>>) src(%dma_wait3A_145 : memref<128x64xbf16, #tpu.memory_space<vmem>>) dst(%dma_wait3A_141 : memref<128x64xbf16, #tpu.memory_space<vmem_shared>>)
    %barrier3A = arith.constant 0 : index
    tpu.barrier barrier_id(%barrier3A)
    %dma_start3A_146 = arith.constant 0 : i32
    %dma_start3A_147 = arith.constant 0 : i32
    %dma_start3A_148 = arith.constant 0 : i32
    %dma_start3A_149 = arith.constant 0 : i32
    %dma_start3A_150 = tpu.memref_slice %arg8[%dma_start3A_147, %dma_start3A_148, %dma_start3A_149] : memref<4x128x64xbf16, #tpu.memory_space<vmem>> -> memref<1x128x64xbf16, #tpu.memory_space<vmem>>
    %dma_start3A_151 = tpu.memref_squeeze %dma_start3A_150 : memref<1x128x64xbf16, #tpu.memory_space<vmem>> -> memref<128x64xbf16, #tpu.memory_space<vmem>>
    %dma_start3A_152 = arith.constant 0 : i32
    %dma_start3A_153 = tpu.memref_slice %arg6[%dma_start3A_146, %dma_start3A_152] : memref<80x128xi32, #tpu.memory_space<vmem>> -> memref<1x128xi32, #tpu.memory_space<vmem>>
    %dma_start3A_154 = tpu.memref_squeeze %dma_start3A_153 : memref<1x128xi32, #tpu.memory_space<vmem>> -> memref<128xi32, #tpu.memory_space<vmem>>
    %dma_start3A_155 = arith.constant 0 : i32
    %dma_start3A_156 = arith.constant 0 : i32
    %dma_start3A_157 = tpu.memref_slice %arg2[%dma_start3A_155, %dma_start3A_156] : memref<10240x64xbf16, #tpu.memory_space<hbm>> -> memref<10240x64xbf16, #tpu.memory_space<hbm>>
    tpu.enqueue_indirect_dma source(%dma_start3A_157 : memref<10240x64xbf16, #tpu.memory_space<hbm>>) target(%dma_start3A_151 : memref<128x64xbf16, #tpu.memory_space<vmem>>) offsets(%dma_start3A_154 : memref<128xi32, #tpu.memory_space<vmem>>) semaphore(%arg10 : memref<!tpu.dma_semaphore, #tpu.memory_space<semaphore_mem>>)
    %scan3A_158 = arith.constant 0 : i32
    %scan3A_159 = arith.constant 0 : i32
    %scan3A_160 = arith.constant 20 : i32
    %scan3A_161 = arith.addi %scan3A_159, %scan3A_160 : i32
    %scan3A_162 = arith.constant 1 : i32
    scf.for %scan3A_387 = %scan3A_159 to %scan3A_161 step %scan3A_162  : i32 {
      %mul3A_388 = arith.constant 4 : i32
      %mul3A_389 = arith.muli %mul3A_388, %scan3A_387 : i32
      %add3A_390 = arith.constant 0 : i32
      %add3A_391 = arith.addi %mul3A_389, %add3A_390 : i32
      %dma_wait3A_392 = arith.constant 0 : i32
      %dma_wait3A_393 = arith.constant 0 : i32
      %dma_wait3A_394 = arith.constant 0 : i32
      %dma_wait3A_395 = arith.constant 0 : i32
      %dma_wait3A_396 = tpu.memref_slice %arg8[%dma_wait3A_393, %dma_wait3A_394, %dma_wait3A_395] : memref<4x128x64xbf16, #tpu.memory_space<vmem>> -> memref<1x128x64xbf16, #tpu.memory_space<vmem>>
      %dma_wait3A_397 = tpu.memref_squeeze %dma_wait3A_396 : memref<1x128x64xbf16, #tpu.memory_space<vmem>> -> memref<128x64xbf16, #tpu.memory_space<vmem>>
      %dma_wait3A_398 = arith.constant 0 : i32
      %dma_wait3A_399 = tpu.memref_slice %arg6[%dma_wait3A_392, %dma_wait3A_398] : memref<80x128xi32, #tpu.memory_space<vmem>> -> memref<1x128xi32, #tpu.memory_space<vmem>>
      %dma_wait3A_400 = tpu.memref_squeeze %dma_wait3A_399 : memref<1x128xi32, #tpu.memory_space<vmem>> -> memref<128xi32, #tpu.memory_space<vmem>>
      %dma_wait3A_401 = arith.constant 0 : i32
      %dma_wait3A_402 = arith.constant 0 : i32
      %dma_wait3A_403 = tpu.memref_slice %arg2[%dma_wait3A_401, %dma_wait3A_402] : memref<10240x64xbf16, #tpu.memory_space<hbm>> -> memref<10240x64xbf16, #tpu.memory_space<hbm>>
      tpu.wait_indirect_dma semaphore(%arg10 : memref<!tpu.dma_semaphore, #tpu.memory_space<semaphore_mem>>) src(%dma_wait3A_403 : memref<10240x64xbf16, #tpu.memory_space<hbm>>) dst(%dma_wait3A_397 : memref<128x64xbf16, #tpu.memory_space<vmem>>)
      %dma_start3A_404 = arith.constant 0 : i32
      %dma_start3A_405 = arith.constant 0 : i32
      %dma_start3A_406 = arith.constant 0 : i32
      %dma_start3A_407 = tpu.memref_slice %arg8[%dma_start3A_404, %dma_start3A_405, %dma_start3A_406] : memref<4x128x64xbf16, #tpu.memory_space<vmem>> -> memref<1x128x64xbf16, #tpu.memory_space<vmem>>
      %dma_start3A_408 = tpu.memref_squeeze %dma_start3A_407 : memref<1x128x64xbf16, #tpu.memory_space<vmem>> -> memref<128x64xbf16, #tpu.memory_space<vmem>>
      %dma_start3A_409 = arith.constant 0 : i32
      %dma_start3A_410 = tpu.memref_slice %arg7[%add3A_391, %dma_start3A_409] : memref<80x128xi32, #tpu.memory_space<vmem>> -> memref<1x128xi32, #tpu.memory_space<vmem>>
      %dma_start3A_411 = tpu.memref_squeeze %dma_start3A_410 : memref<1x128xi32, #tpu.memory_space<vmem>> -> memref<128xi32, #tpu.memory_space<vmem>>
      %dma_start3A_412 = arith.constant 0 : i32
      %dma_start3A_413 = arith.constant 0 : i32
      %dma_start3A_414 = tpu.memref_slice %arg9[%dma_start3A_412, %dma_start3A_413] : memref<10240x64xbf16, #tpu.memory_space<vmem_shared>> -> memref<10240x64xbf16, #tpu.memory_space<vmem_shared>>
      tpu.enqueue_indirect_dma source(%dma_start3A_408 : memref<128x64xbf16, #tpu.memory_space<vmem>>) target(%dma_start3A_414 : memref<10240x64xbf16, #tpu.memory_space<vmem_shared>>) offsets(%dma_start3A_411 : memref<128xi32, #tpu.memory_space<vmem>>) semaphore(%arg14 : memref<!tpu.dma_semaphore, #tpu.memory_space<semaphore_mem>>) {add = true}
      %add3A_415 = arith.constant 1 : i32
      %add3A_416 = arith.addi %add3A_391, %add3A_415 : i32
      %lt3A = arith.constant 80 : i32
      %lt3A_417 = arith.cmpi slt, %add3A_416, %lt3A : i32
      %convert_element_type3A = arith.extui %lt3A_417 : i1 to i32
      %cond3A = arith.constant 0 : i32
      %cond3A_418 = arith.cmpi ne, %convert_element_type3A, %cond3A : i32
      scf.if %cond3A_418 {
        %ge3A = arith.constant 3 : i32
        %ge3A_521 = arith.cmpi sge, %add3A_391, %ge3A : i32
        %convert_element_type3A_522 = arith.extui %ge3A_521 : i1 to i32
        %cond3A_523 = arith.constant 0 : i32
        %cond3A_524 = arith.cmpi ne, %convert_element_type3A_522, %cond3A_523 : i32
        scf.if %cond3A_524 {
          %dma_wait3A_538 = arith.constant 1 : i32
          %dma_wait3A_539 = arith.constant 0 : i32
          %dma_wait3A_540 = arith.constant 0 : i32
          %dma_wait3A_541 = arith.constant 0 : i32
          %dma_wait3A_542 = tpu.memref_slice %arg8[%dma_wait3A_538, %dma_wait3A_540, %dma_wait3A_541] : memref<4x128x64xbf16, #tpu.memory_space<vmem>> -> memref<1x128x64xbf16, #tpu.memory_space<vmem>>
          %dma_wait3A_543 = tpu.memref_squeeze %dma_wait3A_542 : memref<1x128x64xbf16, #tpu.memory_space<vmem>> -> memref<128x64xbf16, #tpu.memory_space<vmem>>
          %dma_wait3A_544 = arith.constant 0 : i32
          %dma_wait3A_545 = tpu.memref_slice %arg7[%dma_wait3A_539, %dma_wait3A_544] : memref<80x128xi32, #tpu.memory_space<vmem>> -> memref<1x128xi32, #tpu.memory_space<vmem>>
          %dma_wait3A_546 = tpu.memref_squeeze %dma_wait3A_545 : memref<1x128xi32, #tpu.memory_space<vmem>> -> memref<128xi32, #tpu.memory_space<vmem>>
          %dma_wait3A_547 = arith.constant 0 : i32
          %dma_wait3A_548 = arith.constant 0 : i32
          %dma_wait3A_549 = tpu.memref_slice %arg9[%dma_wait3A_547, %dma_wait3A_548] : memref<10240x64xbf16, #tpu.memory_space<vmem_shared>> -> memref<10240x64xbf16, #tpu.memory_space<vmem_shared>>
          tpu.wait_indirect_dma semaphore(%arg15 : memref<!tpu.dma_semaphore, #tpu.memory_space<semaphore_mem>>) src(%dma_wait3A_543 : memref<128x64xbf16, #tpu.memory_space<vmem>>) dst(%dma_wait3A_549 : memref<10240x64xbf16, #tpu.memory_space<vmem_shared>>)
        } else {
        }
        %add3A_525 = arith.constant 1 : i32
        %add3A_526 = arith.addi %add3A_391, %add3A_525 : i32
        %dma_start3A_527 = arith.constant 1 : i32
        %dma_start3A_528 = arith.constant 0 : i32
        %dma_start3A_529 = arith.constant 0 : i32
        %dma_start3A_530 = tpu.memref_slice %arg8[%dma_start3A_527, %dma_start3A_528, %dma_start3A_529] : memref<4x128x64xbf16, #tpu.memory_space<vmem>> -> memref<1x128x64xbf16, #tpu.memory_space<vmem>>
        %dma_start3A_531 = tpu.memref_squeeze %dma_start3A_530 : memref<1x128x64xbf16, #tpu.memory_space<vmem>> -> memref<128x64xbf16, #tpu.memory_space<vmem>>
        %dma_start3A_532 = arith.constant 0 : i32
        %dma_start3A_533 = tpu.memref_slice %arg6[%add3A_526, %dma_start3A_532] : memref<80x128xi32, #tpu.memory_space<vmem>> -> memref<1x128xi32, #tpu.memory_space<vmem>>
        %dma_start3A_534 = tpu.memref_squeeze %dma_start3A_533 : memref<1x128xi32, #tpu.memory_space<vmem>> -> memref<128xi32, #tpu.memory_space<vmem>>
        %dma_start3A_535 = arith.constant 0 : i32
        %dma_start3A_536 = arith.constant 0 : i32
        %dma_start3A_537 = tpu.memref_slice %arg2[%dma_start3A_535, %dma_start3A_536] : memref<10240x64xbf16, #tpu.memory_space<hbm>> -> memref<10240x64xbf16, #tpu.memory_space<hbm>>
        tpu.enqueue_indirect_dma source(%dma_start3A_537 : memref<10240x64xbf16, #tpu.memory_space<hbm>>) target(%dma_start3A_531 : memref<128x64xbf16, #tpu.memory_space<vmem>>) offsets(%dma_start3A_534 : memref<128xi32, #tpu.memory_space<vmem>>) semaphore(%arg11 : memref<!tpu.dma_semaphore, #tpu.memory_space<semaphore_mem>>)
      } else {
      }
      %mul3A_419 = arith.constant 4 : i32
      %mul3A_420 = arith.muli %mul3A_419, %scan3A_387 : i32
      %add3A_421 = arith.constant 1 : i32
      %add3A_422 = arith.addi %mul3A_420, %add3A_421 : i32
      %dma_wait3A_423 = arith.constant 0 : i32
      %dma_wait3A_424 = arith.constant 1 : i32
      %dma_wait3A_425 = arith.constant 0 : i32
      %dma_wait3A_426 = arith.constant 0 : i32
      %dma_wait3A_427 = tpu.memref_slice %arg8[%dma_wait3A_424, %dma_wait3A_425, %dma_wait3A_426] : memref<4x128x64xbf16, #tpu.memory_space<vmem>> -> memref<1x128x64xbf16, #tpu.memory_space<vmem>>
      %dma_wait3A_428 = tpu.memref_squeeze %dma_wait3A_427 : memref<1x128x64xbf16, #tpu.memory_space<vmem>> -> memref<128x64xbf16, #tpu.memory_space<vmem>>
      %dma_wait3A_429 = arith.constant 0 : i32
      %dma_wait3A_430 = tpu.memref_slice %arg6[%dma_wait3A_423, %dma_wait3A_429] : memref<80x128xi32, #tpu.memory_space<vmem>> -> memref<1x128xi32, #tpu.memory_space<vmem>>
      %dma_wait3A_431 = tpu.memref_squeeze %dma_wait3A_430 : memref<1x128xi32, #tpu.memory_space<vmem>> -> memref<128xi32, #tpu.memory_space<vmem>>
      %dma_wait3A_432 = arith.constant 0 : i32
      %dma_wait3A_433 = arith.constant 0 : i32
      %dma_wait3A_434 = tpu.memref_slice %arg2[%dma_wait3A_432, %dma_wait3A_433] : memref<10240x64xbf16, #tpu.memory_space<hbm>> -> memref<10240x64xbf16, #tpu.memory_space<hbm>>
      tpu.wait_indirect_dma semaphore(%arg11 : memref<!tpu.dma_semaphore, #tpu.memory_space<semaphore_mem>>) src(%dma_wait3A_434 : memref<10240x64xbf16, #tpu.memory_space<hbm>>) dst(%dma_wait3A_428 : memref<128x64xbf16, #tpu.memory_space<vmem>>)
      %dma_start3A_435 = arith.constant 1 : i32
      %dma_start3A_436 = arith.constant 0 : i32
      %dma_start3A_437 = arith.constant 0 : i32
      %dma_start3A_438 = tpu.memref_slice %arg8[%dma_start3A_435, %dma_start3A_436, %dma_start3A_437] : memref<4x128x64xbf16, #tpu.memory_space<vmem>> -> memref<1x128x64xbf16, #tpu.memory_space<vmem>>
      %dma_start3A_439 = tpu.memref_squeeze %dma_start3A_438 : memref<1x128x64xbf16, #tpu.memory_space<vmem>> -> memref<128x64xbf16, #tpu.memory_space<vmem>>
      %dma_start3A_440 = arith.constant 0 : i32
      %dma_start3A_441 = tpu.memref_slice %arg7[%add3A_422, %dma_start3A_440] : memref<80x128xi32, #tpu.memory_space<vmem>> -> memref<1x128xi32, #tpu.memory_space<vmem>>
      %dma_start3A_442 = tpu.memref_squeeze %dma_start3A_441 : memref<1x128xi32, #tpu.memory_space<vmem>> -> memref<128xi32, #tpu.memory_space<vmem>>
      %dma_start3A_443 = arith.constant 0 : i32
      %dma_start3A_444 = arith.constant 0 : i32
      %dma_start3A_445 = tpu.memref_slice %arg9[%dma_start3A_443, %dma_start3A_444] : memref<10240x64xbf16, #tpu.memory_space<vmem_shared>> -> memref<10240x64xbf16, #tpu.memory_space<vmem_shared>>
      tpu.enqueue_indirect_dma source(%dma_start3A_439 : memref<128x64xbf16, #tpu.memory_space<vmem>>) target(%dma_start3A_445 : memref<10240x64xbf16, #tpu.memory_space<vmem_shared>>) offsets(%dma_start3A_442 : memref<128xi32, #tpu.memory_space<vmem>>) semaphore(%arg15 : memref<!tpu.dma_semaphore, #tpu.memory_space<semaphore_mem>>) {add = true}
      %add3A_446 = arith.constant 1 : i32
      %add3A_447 = arith.addi %add3A_422, %add3A_446 : i32
      %lt3A_448 = arith.constant 80 : i32
      %lt3A_449 = arith.cmpi slt, %add3A_447, %lt3A_448 : i32
      %convert_element_type3A_450 = arith.extui %lt3A_449 : i1 to i32
      %cond3A_451 = arith.constant 0 : i32
      %cond3A_452 = arith.cmpi ne, %convert_element_type3A_450, %cond3A_451 : i32
      scf.if %cond3A_452 {
        %ge3A = arith.constant 3 : i32
        %ge3A_521 = arith.cmpi sge, %add3A_422, %ge3A : i32
        %convert_element_type3A_522 = arith.extui %ge3A_521 : i1 to i32
        %cond3A_523 = arith.constant 0 : i32
        %cond3A_524 = arith.cmpi ne, %convert_element_type3A_522, %cond3A_523 : i32
        scf.if %cond3A_524 {
          %dma_wait3A_538 = arith.constant 2 : i32
          %dma_wait3A_539 = arith.constant 0 : i32
          %dma_wait3A_540 = arith.constant 0 : i32
          %dma_wait3A_541 = arith.constant 0 : i32
          %dma_wait3A_542 = tpu.memref_slice %arg8[%dma_wait3A_538, %dma_wait3A_540, %dma_wait3A_541] : memref<4x128x64xbf16, #tpu.memory_space<vmem>> -> memref<1x128x64xbf16, #tpu.memory_space<vmem>>
          %dma_wait3A_543 = tpu.memref_squeeze %dma_wait3A_542 : memref<1x128x64xbf16, #tpu.memory_space<vmem>> -> memref<128x64xbf16, #tpu.memory_space<vmem>>
          %dma_wait3A_544 = arith.constant 0 : i32
          %dma_wait3A_545 = tpu.memref_slice %arg7[%dma_wait3A_539, %dma_wait3A_544] : memref<80x128xi32, #tpu.memory_space<vmem>> -> memref<1x128xi32, #tpu.memory_space<vmem>>
          %dma_wait3A_546 = tpu.memref_squeeze %dma_wait3A_545 : memref<1x128xi32, #tpu.memory_space<vmem>> -> memref<128xi32, #tpu.memory_space<vmem>>
          %dma_wait3A_547 = arith.constant 0 : i32
          %dma_wait3A_548 = arith.constant 0 : i32
          %dma_wait3A_549 = tpu.memref_slice %arg9[%dma_wait3A_547, %dma_wait3A_548] : memref<10240x64xbf16, #tpu.memory_space<vmem_shared>> -> memref<10240x64xbf16, #tpu.memory_space<vmem_shared>>
          tpu.wait_indirect_dma semaphore(%arg16 : memref<!tpu.dma_semaphore, #tpu.memory_space<semaphore_mem>>) src(%dma_wait3A_543 : memref<128x64xbf16, #tpu.memory_space<vmem>>) dst(%dma_wait3A_549 : memref<10240x64xbf16, #tpu.memory_space<vmem_shared>>)
        } else {
        }
        %add3A_525 = arith.constant 1 : i32
        %add3A_526 = arith.addi %add3A_422, %add3A_525 : i32
        %dma_start3A_527 = arith.constant 2 : i32
        %dma_start3A_528 = arith.constant 0 : i32
        %dma_start3A_529 = arith.constant 0 : i32
        %dma_start3A_530 = tpu.memref_slice %arg8[%dma_start3A_527, %dma_start3A_528, %dma_start3A_529] : memref<4x128x64xbf16, #tpu.memory_space<vmem>> -> memref<1x128x64xbf16, #tpu.memory_space<vmem>>
        %dma_start3A_531 = tpu.memref_squeeze %dma_start3A_530 : memref<1x128x64xbf16, #tpu.memory_space<vmem>> -> memref<128x64xbf16, #tpu.memory_space<vmem>>
        %dma_start3A_532 = arith.constant 0 : i32
        %dma_start3A_533 = tpu.memref_slice %arg6[%add3A_526, %dma_start3A_532] : memref<80x128xi32, #tpu.memory_space<vmem>> -> memref<1x128xi32, #tpu.memory_space<vmem>>
        %dma_start3A_534 = tpu.memref_squeeze %dma_start3A_533 : memref<1x128xi32, #tpu.memory_space<vmem>> -> memref<128xi32, #tpu.memory_space<vmem>>
        %dma_start3A_535 = arith.constant 0 : i32
        %dma_start3A_536 = arith.constant 0 : i32
        %dma_start3A_537 = tpu.memref_slice %arg2[%dma_start3A_535, %dma_start3A_536] : memref<10240x64xbf16, #tpu.memory_space<hbm>> -> memref<10240x64xbf16, #tpu.memory_space<hbm>>
        tpu.enqueue_indirect_dma source(%dma_start3A_537 : memref<10240x64xbf16, #tpu.memory_space<hbm>>) target(%dma_start3A_531 : memref<128x64xbf16, #tpu.memory_space<vmem>>) offsets(%dma_start3A_534 : memref<128xi32, #tpu.memory_space<vmem>>) semaphore(%arg12 : memref<!tpu.dma_semaphore, #tpu.memory_space<semaphore_mem>>)
      } else {
      }
      %mul3A_453 = arith.constant 4 : i32
      %mul3A_454 = arith.muli %mul3A_453, %scan3A_387 : i32
      %add3A_455 = arith.constant 2 : i32
      %add3A_456 = arith.addi %mul3A_454, %add3A_455 : i32
      %dma_wait3A_457 = arith.constant 0 : i32
      %dma_wait3A_458 = arith.constant 2 : i32
      %dma_wait3A_459 = arith.constant 0 : i32
      %dma_wait3A_460 = arith.constant 0 : i32
      %dma_wait3A_461 = tpu.memref_slice %arg8[%dma_wait3A_458, %dma_wait3A_459, %dma_wait3A_460] : memref<4x128x64xbf16, #tpu.memory_space<vmem>> -> memref<1x128x64xbf16, #tpu.memory_space<vmem>>
      %dma_wait3A_462 = tpu.memref_squeeze %dma_wait3A_461 : memref<1x128x64xbf16, #tpu.memory_space<vmem>> -> memref<128x64xbf16, #tpu.memory_space<vmem>>
      %dma_wait3A_463 = arith.constant 0 : i32
      %dma_wait3A_464 = tpu.memref_slice %arg6[%dma_wait3A_457, %dma_wait3A_463] : memref<80x128xi32, #tpu.memory_space<vmem>> -> memref<1x128xi32, #tpu.memory_space<vmem>>
      %dma_wait3A_465 = tpu.memref_squeeze %dma_wait3A_464 : memref<1x128xi32, #tpu.memory_space<vmem>> -> memref<128xi32, #tpu.memory_space<vmem>>
      %dma_wait3A_466 = arith.constant 0 : i32
      %dma_wait3A_467 = arith.constant 0 : i32
      %dma_wait3A_468 = tpu.memref_slice %arg2[%dma_wait3A_466, %dma_wait3A_467] : memref<10240x64xbf16, #tpu.memory_space<hbm>> -> memref<10240x64xbf16, #tpu.memory_space<hbm>>
      tpu.wait_indirect_dma semaphore(%arg12 : memref<!tpu.dma_semaphore, #tpu.memory_space<semaphore_mem>>) src(%dma_wait3A_468 : memref<10240x64xbf16, #tpu.memory_space<hbm>>) dst(%dma_wait3A_462 : memref<128x64xbf16, #tpu.memory_space<vmem>>)
      %dma_start3A_469 = arith.constant 2 : i32
      %dma_start3A_470 = arith.constant 0 : i32
      %dma_start3A_471 = arith.constant 0 : i32
      %dma_start3A_472 = tpu.memref_slice %arg8[%dma_start3A_469, %dma_start3A_470, %dma_start3A_471] : memref<4x128x64xbf16, #tpu.memory_space<vmem>> -> memref<1x128x64xbf16, #tpu.memory_space<vmem>>
      %dma_start3A_473 = tpu.memref_squeeze %dma_start3A_472 : memref<1x128x64xbf16, #tpu.memory_space<vmem>> -> memref<128x64xbf16, #tpu.memory_space<vmem>>
      %dma_start3A_474 = arith.constant 0 : i32
      %dma_start3A_475 = tpu.memref_slice %arg7[%add3A_456, %dma_start3A_474] : memref<80x128xi32, #tpu.memory_space<vmem>> -> memref<1x128xi32, #tpu.memory_space<vmem>>
      %dma_start3A_476 = tpu.memref_squeeze %dma_start3A_475 : memref<1x128xi32, #tpu.memory_space<vmem>> -> memref<128xi32, #tpu.memory_space<vmem>>
      %dma_start3A_477 = arith.constant 0 : i32
      %dma_start3A_478 = arith.constant 0 : i32
      %dma_start3A_479 = tpu.memref_slice %arg9[%dma_start3A_477, %dma_start3A_478] : memref<10240x64xbf16, #tpu.memory_space<vmem_shared>> -> memref<10240x64xbf16, #tpu.memory_space<vmem_shared>>
      tpu.enqueue_indirect_dma source(%dma_start3A_473 : memref<128x64xbf16, #tpu.memory_space<vmem>>) target(%dma_start3A_479 : memref<10240x64xbf16, #tpu.memory_space<vmem_shared>>) offsets(%dma_start3A_476 : memref<128xi32, #tpu.memory_space<vmem>>) semaphore(%arg16 : memref<!tpu.dma_semaphore, #tpu.memory_space<semaphore_mem>>) {add = true}
      %add3A_480 = arith.constant 1 : i32
      %add3A_481 = arith.addi %add3A_456, %add3A_480 : i32
      %lt3A_482 = arith.constant 80 : i32
      %lt3A_483 = arith.cmpi slt, %add3A_481, %lt3A_482 : i32
      %convert_element_type3A_484 = arith.extui %lt3A_483 : i1 to i32
      %cond3A_485 = arith.constant 0 : i32
      %cond3A_486 = arith.cmpi ne, %convert_element_type3A_484, %cond3A_485 : i32
      scf.if %cond3A_486 {
        %ge3A = arith.constant 3 : i32
        %ge3A_521 = arith.cmpi sge, %add3A_456, %ge3A : i32
        %convert_element_type3A_522 = arith.extui %ge3A_521 : i1 to i32
        %cond3A_523 = arith.constant 0 : i32
        %cond3A_524 = arith.cmpi ne, %convert_element_type3A_522, %cond3A_523 : i32
        scf.if %cond3A_524 {
          %dma_wait3A_538 = arith.constant 3 : i32
          %dma_wait3A_539 = arith.constant 0 : i32
          %dma_wait3A_540 = arith.constant 0 : i32
          %dma_wait3A_541 = arith.constant 0 : i32
          %dma_wait3A_542 = tpu.memref_slice %arg8[%dma_wait3A_538, %dma_wait3A_540, %dma_wait3A_541] : memref<4x128x64xbf16, #tpu.memory_space<vmem>> -> memref<1x128x64xbf16, #tpu.memory_space<vmem>>
          %dma_wait3A_543 = tpu.memref_squeeze %dma_wait3A_542 : memref<1x128x64xbf16, #tpu.memory_space<vmem>> -> memref<128x64xbf16, #tpu.memory_space<vmem>>
          %dma_wait3A_544 = arith.constant 0 : i32
          %dma_wait3A_545 = tpu.memref_slice %arg7[%dma_wait3A_539, %dma_wait3A_544] : memref<80x128xi32, #tpu.memory_space<vmem>> -> memref<1x128xi32, #tpu.memory_space<vmem>>
          %dma_wait3A_546 = tpu.memref_squeeze %dma_wait3A_545 : memref<1x128xi32, #tpu.memory_space<vmem>> -> memref<128xi32, #tpu.memory_space<vmem>>
          %dma_wait3A_547 = arith.constant 0 : i32
          %dma_wait3A_548 = arith.constant 0 : i32
          %dma_wait3A_549 = tpu.memref_slice %arg9[%dma_wait3A_547, %dma_wait3A_548] : memref<10240x64xbf16, #tpu.memory_space<vmem_shared>> -> memref<10240x64xbf16, #tpu.memory_space<vmem_shared>>
          tpu.wait_indirect_dma semaphore(%arg17 : memref<!tpu.dma_semaphore, #tpu.memory_space<semaphore_mem>>) src(%dma_wait3A_543 : memref<128x64xbf16, #tpu.memory_space<vmem>>) dst(%dma_wait3A_549 : memref<10240x64xbf16, #tpu.memory_space<vmem_shared>>)
        } else {
        }
        %add3A_525 = arith.constant 1 : i32
        %add3A_526 = arith.addi %add3A_456, %add3A_525 : i32
        %dma_start3A_527 = arith.constant 3 : i32
        %dma_start3A_528 = arith.constant 0 : i32
        %dma_start3A_529 = arith.constant 0 : i32
        %dma_start3A_530 = tpu.memref_slice %arg8[%dma_start3A_527, %dma_start3A_528, %dma_start3A_529] : memref<4x128x64xbf16, #tpu.memory_space<vmem>> -> memref<1x128x64xbf16, #tpu.memory_space<vmem>>
        %dma_start3A_531 = tpu.memref_squeeze %dma_start3A_530 : memref<1x128x64xbf16, #tpu.memory_space<vmem>> -> memref<128x64xbf16, #tpu.memory_space<vmem>>
        %dma_start3A_532 = arith.constant 0 : i32
        %dma_start3A_533 = tpu.memref_slice %arg6[%add3A_526, %dma_start3A_532] : memref<80x128xi32, #tpu.memory_space<vmem>> -> memref<1x128xi32, #tpu.memory_space<vmem>>
        %dma_start3A_534 = tpu.memref_squeeze %dma_start3A_533 : memref<1x128xi32, #tpu.memory_space<vmem>> -> memref<128xi32, #tpu.memory_space<vmem>>
        %dma_start3A_535 = arith.constant 0 : i32
        %dma_start3A_536 = arith.constant 0 : i32
        %dma_start3A_537 = tpu.memref_slice %arg2[%dma_start3A_535, %dma_start3A_536] : memref<10240x64xbf16, #tpu.memory_space<hbm>> -> memref<10240x64xbf16, #tpu.memory_space<hbm>>
        tpu.enqueue_indirect_dma source(%dma_start3A_537 : memref<10240x64xbf16, #tpu.memory_space<hbm>>) target(%dma_start3A_531 : memref<128x64xbf16, #tpu.memory_space<vmem>>) offsets(%dma_start3A_534 : memref<128xi32, #tpu.memory_space<vmem>>) semaphore(%arg13 : memref<!tpu.dma_semaphore, #tpu.memory_space<semaphore_mem>>)
      } else {
      }
      %mul3A_487 = arith.constant 4 : i32
      %mul3A_488 = arith.muli %mul3A_487, %scan3A_387 : i32
      %add3A_489 = arith.constant 3 : i32
      %add3A_490 = arith.addi %mul3A_488, %add3A_489 : i32
      %dma_wait3A_491 = arith.constant 0 : i32
      %dma_wait3A_492 = arith.constant 3 : i32
      %dma_wait3A_493 = arith.constant 0 : i32
      %dma_wait3A_494 = arith.constant 0 : i32
      %dma_wait3A_495 = tpu.memref_slice %arg8[%dma_wait3A_492, %dma_wait3A_493, %dma_wait3A_494] : memref<4x128x64xbf16, #tpu.memory_space<vmem>> -> memref<1x128x64xbf16, #tpu.memory_space<vmem>>
      %dma_wait3A_496 = tpu.memref_squeeze %dma_wait3A_495 : memref<1x128x64xbf16, #tpu.memory_space<vmem>> -> memref<128x64xbf16, #tpu.memory_space<vmem>>
      %dma_wait3A_497 = arith.constant 0 : i32
      %dma_wait3A_498 = tpu.memref_slice %arg6[%dma_wait3A_491, %dma_wait3A_497] : memref<80x128xi32, #tpu.memory_space<vmem>> -> memref<1x128xi32, #tpu.memory_space<vmem>>
      %dma_wait3A_499 = tpu.memref_squeeze %dma_wait3A_498 : memref<1x128xi32, #tpu.memory_space<vmem>> -> memref<128xi32, #tpu.memory_space<vmem>>
      %dma_wait3A_500 = arith.constant 0 : i32
      %dma_wait3A_501 = arith.constant 0 : i32
      %dma_wait3A_502 = tpu.memref_slice %arg2[%dma_wait3A_500, %dma_wait3A_501] : memref<10240x64xbf16, #tpu.memory_space<hbm>> -> memref<10240x64xbf16, #tpu.memory_space<hbm>>
      tpu.wait_indirect_dma semaphore(%arg13 : memref<!tpu.dma_semaphore, #tpu.memory_space<semaphore_mem>>) src(%dma_wait3A_502 : memref<10240x64xbf16, #tpu.memory_space<hbm>>) dst(%dma_wait3A_496 : memref<128x64xbf16, #tpu.memory_space<vmem>>)
      %dma_start3A_503 = arith.constant 3 : i32
      %dma_start3A_504 = arith.constant 0 : i32
      %dma_start3A_505 = arith.constant 0 : i32
      %dma_start3A_506 = tpu.memref_slice %arg8[%dma_start3A_503, %dma_start3A_504, %dma_start3A_505] : memref<4x128x64xbf16, #tpu.memory_space<vmem>> -> memref<1x128x64xbf16, #tpu.memory_space<vmem>>
      %dma_start3A_507 = tpu.memref_squeeze %dma_start3A_506 : memref<1x128x64xbf16, #tpu.memory_space<vmem>> -> memref<128x64xbf16, #tpu.memory_space<vmem>>
      %dma_start3A_508 = arith.constant 0 : i32
      %dma_start3A_509 = tpu.memref_slice %arg7[%add3A_490, %dma_start3A_508] : memref<80x128xi32, #tpu.memory_space<vmem>> -> memref<1x128xi32, #tpu.memory_space<vmem>>
      %dma_start3A_510 = tpu.memref_squeeze %dma_start3A_509 : memref<1x128xi32, #tpu.memory_space<vmem>> -> memref<128xi32, #tpu.memory_space<vmem>>
      %dma_start3A_511 = arith.constant 0 : i32
      %dma_start3A_512 = arith.constant 0 : i32
      %dma_start3A_513 = tpu.memref_slice %arg9[%dma_start3A_511, %dma_start3A_512] : memref<10240x64xbf16, #tpu.memory_space<vmem_shared>> -> memref<10240x64xbf16, #tpu.memory_space<vmem_shared>>
      tpu.enqueue_indirect_dma source(%dma_start3A_507 : memref<128x64xbf16, #tpu.memory_space<vmem>>) target(%dma_start3A_513 : memref<10240x64xbf16, #tpu.memory_space<vmem_shared>>) offsets(%dma_start3A_510 : memref<128xi32, #tpu.memory_space<vmem>>) semaphore(%arg17 : memref<!tpu.dma_semaphore, #tpu.memory_space<semaphore_mem>>) {add = true}
      %add3A_514 = arith.constant 1 : i32
      %add3A_515 = arith.addi %add3A_490, %add3A_514 : i32
      %lt3A_516 = arith.constant 80 : i32
      %lt3A_517 = arith.cmpi slt, %add3A_515, %lt3A_516 : i32
      %convert_element_type3A_518 = arith.extui %lt3A_517 : i1 to i32
      %cond3A_519 = arith.constant 0 : i32
      %cond3A_520 = arith.cmpi ne, %convert_element_type3A_518, %cond3A_519 : i32
      scf.if %cond3A_520 {
        %ge3A = arith.constant 3 : i32
        %ge3A_521 = arith.cmpi sge, %add3A_490, %ge3A : i32
        %convert_element_type3A_522 = arith.extui %ge3A_521 : i1 to i32
        %cond3A_523 = arith.constant 0 : i32
        %cond3A_524 = arith.cmpi ne, %convert_element_type3A_522, %cond3A_523 : i32
        scf.if %cond3A_524 {
          %dma_wait3A_538 = arith.constant 0 : i32
          %dma_wait3A_539 = arith.constant 0 : i32
          %dma_wait3A_540 = arith.constant 0 : i32
          %dma_wait3A_541 = arith.constant 0 : i32
          %dma_wait3A_542 = tpu.memref_slice %arg8[%dma_wait3A_538, %dma_wait3A_540, %dma_wait3A_541] : memref<4x128x64xbf16, #tpu.memory_space<vmem>> -> memref<1x128x64xbf16, #tpu.memory_space<vmem>>
          %dma_wait3A_543 = tpu.memref_squeeze %dma_wait3A_542 : memref<1x128x64xbf16, #tpu.memory_space<vmem>> -> memref<128x64xbf16, #tpu.memory_space<vmem>>
          %dma_wait3A_544 = arith.constant 0 : i32
          %dma_wait3A_545 = tpu.memref_slice %arg7[%dma_wait3A_539, %dma_wait3A_544] : memref<80x128xi32, #tpu.memory_space<vmem>> -> memref<1x128xi32, #tpu.memory_space<vmem>>
          %dma_wait3A_546 = tpu.memref_squeeze %dma_wait3A_545 : memref<1x128xi32, #tpu.memory_space<vmem>> -> memref<128xi32, #tpu.memory_space<vmem>>
          %dma_wait3A_547 = arith.constant 0 : i32
          %dma_wait3A_548 = arith.constant 0 : i32
          %dma_wait3A_549 = tpu.memref_slice %arg9[%dma_wait3A_547, %dma_wait3A_548] : memref<10240x64xbf16, #tpu.memory_space<vmem_shared>> -> memref<10240x64xbf16, #tpu.memory_space<vmem_shared>>
          tpu.wait_indirect_dma semaphore(%arg14 : memref<!tpu.dma_semaphore, #tpu.memory_space<semaphore_mem>>) src(%dma_wait3A_543 : memref<128x64xbf16, #tpu.memory_space<vmem>>) dst(%dma_wait3A_549 : memref<10240x64xbf16, #tpu.memory_space<vmem_shared>>)
        } else {
        }
        %add3A_525 = arith.constant 1 : i32
        %add3A_526 = arith.addi %add3A_490, %add3A_525 : i32
        %dma_start3A_527 = arith.constant 0 : i32
        %dma_start3A_528 = arith.constant 0 : i32
        %dma_start3A_529 = arith.constant 0 : i32
        %dma_start3A_530 = tpu.memref_slice %arg8[%dma_start3A_527, %dma_start3A_528, %dma_start3A_529] : memref<4x128x64xbf16, #tpu.memory_space<vmem>> -> memref<1x128x64xbf16, #tpu.memory_space<vmem>>
        %dma_start3A_531 = tpu.memref_squeeze %dma_start3A_530 : memref<1x128x64xbf16, #tpu.memory_space<vmem>> -> memref<128x64xbf16, #tpu.memory_space<vmem>>
        %dma_start3A_532 = arith.constant 0 : i32
        %dma_start3A_533 = tpu.memref_slice %arg6[%add3A_526, %dma_start3A_532] : memref<80x128xi32, #tpu.memory_space<vmem>> -> memref<1x128xi32, #tpu.memory_space<vmem>>
        %dma_start3A_534 = tpu.memref_squeeze %dma_start3A_533 : memref<1x128xi32, #tpu.memory_space<vmem>> -> memref<128xi32, #tpu.memory_space<vmem>>
        %dma_start3A_535 = arith.constant 0 : i32
        %dma_start3A_536 = arith.constant 0 : i32
        %dma_start3A_537 = tpu.memref_slice %arg2[%dma_start3A_535, %dma_start3A_536] : memref<10240x64xbf16, #tpu.memory_space<hbm>> -> memref<10240x64xbf16, #tpu.memory_space<hbm>>
        tpu.enqueue_indirect_dma source(%dma_start3A_537 : memref<10240x64xbf16, #tpu.memory_space<hbm>>) target(%dma_start3A_531 : memref<128x64xbf16, #tpu.memory_space<vmem>>) offsets(%dma_start3A_534 : memref<128xi32, #tpu.memory_space<vmem>>) semaphore(%arg10 : memref<!tpu.dma_semaphore, #tpu.memory_space<semaphore_mem>>)
      } else {
      }
    }
    %scan3A_163 = arith.constant 20 : i32
    %dma_wait3A_164 = arith.constant 0 : i32
    %dma_wait3A_165 = arith.constant 0 : i32
    %dma_wait3A_166 = arith.constant 0 : i32
    %dma_wait3A_167 = arith.constant 0 : i32
    %dma_wait3A_168 = tpu.memref_slice %arg8[%dma_wait3A_164, %dma_wait3A_166, %dma_wait3A_167] : memref<4x128x64xbf16, #tpu.memory_space<vmem>> -> memref<1x128x64xbf16, #tpu.memory_space<vmem>>
    %dma_wait3A_169 = tpu.memref_squeeze %dma_wait3A_168 : memref<1x128x64xbf16, #tpu.memory_space<vmem>> -> memref<128x64xbf16, #tpu.memory_space<vmem>>
    %dma_wait3A_170 = arith.constant 0 : i32
    %dma_wait3A_171 = tpu.memref_slice %arg7[%dma_wait3A_165, %dma_wait3A_170] : memref<80x128xi32, #tpu.memory_space<vmem>> -> memref<1x128xi32, #tpu.memory_space<vmem>>
    %dma_wait3A_172 = tpu.memref_squeeze %dma_wait3A_171 : memref<1x128xi32, #tpu.memory_space<vmem>> -> memref<128xi32, #tpu.memory_space<vmem>>
    %dma_wait3A_173 = arith.constant 0 : i32
    %dma_wait3A_174 = arith.constant 0 : i32
    %dma_wait3A_175 = tpu.memref_slice %arg9[%dma_wait3A_173, %dma_wait3A_174] : memref<10240x64xbf16, #tpu.memory_space<vmem_shared>> -> memref<10240x64xbf16, #tpu.memory_space<vmem_shared>>
    tpu.wait_indirect_dma semaphore(%arg14 : memref<!tpu.dma_semaphore, #tpu.memory_space<semaphore_mem>>) src(%dma_wait3A_169 : memref<128x64xbf16, #tpu.memory_space<vmem>>) dst(%dma_wait3A_175 : memref<10240x64xbf16, #tpu.memory_space<vmem_shared>>)
    %dma_wait3A_176 = arith.constant 1 : i32
    %dma_wait3A_177 = arith.constant 0 : i32
    %dma_wait3A_178 = arith.constant 0 : i32
    %dma_wait3A_179 = arith.constant 0 : i32
    %dma_wait3A_180 = tpu.memref_slice %arg8[%dma_wait3A_176, %dma_wait3A_178, %dma_wait3A_179] : memref<4x128x64xbf16, #tpu.memory_space<vmem>> -> memref<1x128x64xbf16, #tpu.memory_space<vmem>>
    %dma_wait3A_181 = tpu.memref_squeeze %dma_wait3A_180 : memref<1x128x64xbf16, #tpu.memory_space<vmem>> -> memref<128x64xbf16, #tpu.memory_space<vmem>>
    %dma_wait3A_182 = arith.constant 0 : i32
    %dma_wait3A_183 = tpu.memref_slice %arg7[%dma_wait3A_177, %dma_wait3A_182] : memref<80x128xi32, #tpu.memory_space<vmem>> -> memref<1x128xi32, #tpu.memory_space<vmem>>
    %dma_wait3A_184 = tpu.memref_squeeze %dma_wait3A_183 : memref<1x128xi32, #tpu.memory_space<vmem>> -> memref<128xi32, #tpu.memory_space<vmem>>
    %dma_wait3A_185 = arith.constant 0 : i32
    %dma_wait3A_186 = arith.constant 0 : i32
    %dma_wait3A_187 = tpu.memref_slice %arg9[%dma_wait3A_185, %dma_wait3A_186] : memref<10240x64xbf16, #tpu.memory_space<vmem_shared>> -> memref<10240x64xbf16, #tpu.memory_space<vmem_shared>>
    tpu.wait_indirect_dma semaphore(%arg15 : memref<!tpu.dma_semaphore, #tpu.memory_space<semaphore_mem>>) src(%dma_wait3A_181 : memref<128x64xbf16, #tpu.memory_space<vmem>>) dst(%dma_wait3A_187 : memref<10240x64xbf16, #tpu.memory_space<vmem_shared>>)
    %dma_wait3A_188 = arith.constant 2 : i32
    %dma_wait3A_189 = arith.constant 0 : i32
    %dma_wait3A_190 = arith.constant 0 : i32
    %dma_wait3A_191 = arith.constant 0 : i32
    %dma_wait3A_192 = tpu.memref_slice %arg8[%dma_wait3A_188, %dma_wait3A_190, %dma_wait3A_191] : memref<4x128x64xbf16, #tpu.memory_space<vmem>> -> memref<1x128x64xbf16, #tpu.memory_space<vmem>>
    %dma_wait3A_193 = tpu.memref_squeeze %dma_wait3A_192 : memref<1x128x64xbf16, #tpu.memory_space<vmem>> -> memref<128x64xbf16, #tpu.memory_space<vmem>>
    %dma_wait3A_194 = arith.constant 0 : i32
    %dma_wait3A_195 = tpu.memref_slice %arg7[%dma_wait3A_189, %dma_wait3A_194] : memref<80x128xi32, #tpu.memory_space<vmem>> -> memref<1x128xi32, #tpu.memory_space<vmem>>
    %dma_wait3A_196 = tpu.memref_squeeze %dma_wait3A_195 : memref<1x128xi32, #tpu.memory_space<vmem>> -> memref<128xi32, #tpu.memory_space<vmem>>
    %dma_wait3A_197 = arith.constant 0 : i32
    %dma_wait3A_198 = arith.constant 0 : i32
    %dma_wait3A_199 = tpu.memref_slice %arg9[%dma_wait3A_197, %dma_wait3A_198] : memref<10240x64xbf16, #tpu.memory_space<vmem_shared>> -> memref<10240x64xbf16, #tpu.memory_space<vmem_shared>>
    tpu.wait_indirect_dma semaphore(%arg16 : memref<!tpu.dma_semaphore, #tpu.memory_space<semaphore_mem>>) src(%dma_wait3A_193 : memref<128x64xbf16, #tpu.memory_space<vmem>>) dst(%dma_wait3A_199 : memref<10240x64xbf16, #tpu.memory_space<vmem_shared>>)
    %dma_wait3A_200 = arith.constant 3 : i32
    %dma_wait3A_201 = arith.constant 0 : i32
    %dma_wait3A_202 = arith.constant 0 : i32
    %dma_wait3A_203 = arith.constant 0 : i32
    %dma_wait3A_204 = tpu.memref_slice %arg8[%dma_wait3A_200, %dma_wait3A_202, %dma_wait3A_203] : memref<4x128x64xbf16, #tpu.memory_space<vmem>> -> memref<1x128x64xbf16, #tpu.memory_space<vmem>>
    %dma_wait3A_205 = tpu.memref_squeeze %dma_wait3A_204 : memref<1x128x64xbf16, #tpu.memory_space<vmem>> -> memref<128x64xbf16, #tpu.memory_space<vmem>>
    %dma_wait3A_206 = arith.constant 0 : i32
    %dma_wait3A_207 = tpu.memref_slice %arg7[%dma_wait3A_201, %dma_wait3A_206] : memref<80x128xi32, #tpu.memory_space<vmem>> -> memref<1x128xi32, #tpu.memory_space<vmem>>
    %dma_wait3A_208 = tpu.memref_squeeze %dma_wait3A_207 : memref<1x128xi32, #tpu.memory_space<vmem>> -> memref<128xi32, #tpu.memory_space<vmem>>
    %dma_wait3A_209 = arith.constant 0 : i32
    %dma_wait3A_210 = arith.constant 0 : i32
    %dma_wait3A_211 = tpu.memref_slice %arg9[%dma_wait3A_209, %dma_wait3A_210] : memref<10240x64xbf16, #tpu.memory_space<vmem_shared>> -> memref<10240x64xbf16, #tpu.memory_space<vmem_shared>>
    tpu.wait_indirect_dma semaphore(%arg17 : memref<!tpu.dma_semaphore, #tpu.memory_space<semaphore_mem>>) src(%dma_wait3A_205 : memref<128x64xbf16, #tpu.memory_space<vmem>>) dst(%dma_wait3A_211 : memref<10240x64xbf16, #tpu.memory_space<vmem_shared>>)
    %barrier3A_212 = arith.constant 0 : index
    tpu.barrier barrier_id(%barrier3A_212)
    %add3A_213 = arith.constant 0 : i32
    %add3A_214 = arith.addi %mul3A_2, %add3A_213 : i32
    %run_scoped3A = arith.constant 0 : i32
    "tpu.region"() ({
      %run_scoped3A_387 = tpu.sem_alloc : memref<!tpu.dma_semaphore, #tpu.memory_space<semaphore_mem>>
      %dma_start3A_388 = arith.constant 0 : i32
      %dma_start3A_389 = arith.constant 0 : i32
      %dma_start3A_390 = tpu.memref_slice %arg8[%run_scoped3A, %dma_start3A_388, %dma_start3A_389] : memref<4x128x64xbf16, #tpu.memory_space<vmem>> -> memref<1x128x64xbf16, #tpu.memory_space<vmem>>
      %dma_start3A_391 = tpu.memref_squeeze %dma_start3A_390 : memref<1x128x64xbf16, #tpu.memory_space<vmem>> -> memref<128x64xbf16, #tpu.memory_space<vmem>>
      %dma_start3A_392 = arith.constant 0 : i32
      %dma_start3A_393 = tpu.memref_slice %arg9[%add3A_214, %dma_start3A_392] : memref<10240x64xbf16, #tpu.memory_space<vmem_shared>> -> memref<128x64xbf16, #tpu.memory_space<vmem_shared>>
      %dma_start3A_394 = arith.constant 0 : i32
      %dma_start3A_395 = arith.constant 0 : i32
      %dma_start3A_396 = tpu.memref_slice %arg8[%run_scoped3A, %dma_start3A_394, %dma_start3A_395] : memref<4x128x64xbf16, #tpu.memory_space<vmem>> -> memref<1x128x64xbf16, #tpu.memory_space<vmem>>
      %dma_start3A_397 = tpu.memref_squeeze %dma_start3A_396 : memref<1x128x64xbf16, #tpu.memory_space<vmem>> -> memref<128x64xbf16, #tpu.memory_space<vmem>>
      %dma_start3A_398 = arith.constant 0 : i32
      %dma_start3A_399 = tpu.memref_slice %arg9[%add3A_214, %dma_start3A_398] : memref<10240x64xbf16, #tpu.memory_space<vmem_shared>> -> memref<128x64xbf16, #tpu.memory_space<vmem_shared>>
      tpu.enqueue_dma source(%dma_start3A_399 : memref<128x64xbf16, #tpu.memory_space<vmem_shared>>) target(%dma_start3A_397 : memref<128x64xbf16, #tpu.memory_space<vmem>>) target_semaphore(%run_scoped3A_387 : memref<!tpu.dma_semaphore, #tpu.memory_space<semaphore_mem>>)
      %dma_wait3A_400 = arith.constant 0 : i32
      %dma_wait3A_401 = arith.constant 0 : i32
      %dma_wait3A_402 = tpu.memref_slice %arg8[%run_scoped3A, %dma_wait3A_400, %dma_wait3A_401] : memref<4x128x64xbf16, #tpu.memory_space<vmem>> -> memref<1x128x64xbf16, #tpu.memory_space<vmem>>
      %dma_wait3A_403 = tpu.memref_squeeze %dma_wait3A_402 : memref<1x128x64xbf16, #tpu.memory_space<vmem>> -> memref<128x64xbf16, #tpu.memory_space<vmem>>
      %dma_wait3A_404 = arith.constant 0 : i32
      %dma_wait3A_405 = tpu.memref_slice %arg9[%add3A_214, %dma_wait3A_404] : memref<10240x64xbf16, #tpu.memory_space<vmem_shared>> -> memref<128x64xbf16, #tpu.memory_space<vmem_shared>>
      %dma_wait3A_406 = arith.constant 0 : i32
      %dma_wait3A_407 = arith.constant 0 : i32
      %dma_wait3A_408 = tpu.memref_slice %arg8[%run_scoped3A, %dma_wait3A_406, %dma_wait3A_407] : memref<4x128x64xbf16, #tpu.memory_space<vmem>> -> memref<1x128x64xbf16, #tpu.memory_space<vmem>>
      %dma_wait3A_409 = tpu.memref_squeeze %dma_wait3A_408 : memref<1x128x64xbf16, #tpu.memory_space<vmem>> -> memref<128x64xbf16, #tpu.memory_space<vmem>>
      %dma_wait3A_410 = arith.constant 0 : i32
      %dma_wait3A_411 = tpu.memref_slice %arg9[%add3A_214, %dma_wait3A_410] : memref<10240x64xbf16, #tpu.memory_space<vmem_shared>> -> memref<128x64xbf16, #tpu.memory_space<vmem_shared>>
      tpu.wait_dma2 semaphore(%run_scoped3A_387 : memref<!tpu.dma_semaphore, #tpu.memory_space<semaphore_mem>>) src(%dma_wait3A_411 : memref<128x64xbf16, #tpu.memory_space<vmem_shared>>) dst(%dma_wait3A_409 : memref<128x64xbf16, #tpu.memory_space<vmem>>)
      tpu.yield
    }) : () -> ()
    %add3A_215 = arith.constant 0 : i32
    %add3A_216 = arith.addi %mul3A_2, %add3A_215 : i32
    %dma_start3A_217 = arith.constant 0 : i32
    %dma_start3A_218 = arith.constant 0 : i32
    %dma_start3A_219 = arith.constant 0 : i32
    %dma_start3A_220 = tpu.memref_slice %arg8[%dma_start3A_217, %dma_start3A_218, %dma_start3A_219] : memref<4x128x64xbf16, #tpu.memory_space<vmem>> -> memref<1x128x64xbf16, #tpu.memory_space<vmem>>
    %dma_start3A_221 = tpu.memref_squeeze %dma_start3A_220 : memref<1x128x64xbf16, #tpu.memory_space<vmem>> -> memref<128x64xbf16, #tpu.memory_space<vmem>>
    %dma_start3A_222 = arith.constant 0 : i32
    %dma_start3A_223 = tpu.memref_slice %arg5[%arg0, %add3A_216, %dma_start3A_222] : memref<2x10240x64xbf16, #tpu.memory_space<hbm>> -> memref<1x128x64xbf16, #tpu.memory_space<hbm>>
    %dma_start3A_224 = tpu.memref_squeeze %dma_start3A_223 : memref<1x128x64xbf16, #tpu.memory_space<hbm>> -> memref<128x64xbf16, #tpu.memory_space<hbm>>
    %dma_start3A_225 = arith.constant 0 : i32
    %dma_start3A_226 = tpu.memref_slice %arg5[%arg0, %add3A_216, %dma_start3A_225] : memref<2x10240x64xbf16, #tpu.memory_space<hbm>> -> memref<1x128x64xbf16, #tpu.memory_space<hbm>>
    %dma_start3A_227 = tpu.memref_squeeze %dma_start3A_226 : memref<1x128x64xbf16, #tpu.memory_space<hbm>> -> memref<128x64xbf16, #tpu.memory_space<hbm>>
    %dma_start3A_228 = arith.constant 0 : i32
    %dma_start3A_229 = arith.constant 0 : i32
    %dma_start3A_230 = tpu.memref_slice %arg8[%dma_start3A_217, %dma_start3A_228, %dma_start3A_229] : memref<4x128x64xbf16, #tpu.memory_space<vmem>> -> memref<1x128x64xbf16, #tpu.memory_space<vmem>>
    %dma_start3A_231 = tpu.memref_squeeze %dma_start3A_230 : memref<1x128x64xbf16, #tpu.memory_space<vmem>> -> memref<128x64xbf16, #tpu.memory_space<vmem>>
    tpu.enqueue_dma source(%dma_start3A_231 : memref<128x64xbf16, #tpu.memory_space<vmem>>) target(%dma_start3A_227 : memref<128x64xbf16, #tpu.memory_space<hbm>>) target_semaphore(%arg10 : memref<!tpu.dma_semaphore, #tpu.memory_space<semaphore_mem>>)
    %add3A_232 = arith.constant 128 : i32
    %add3A_233 = arith.addi %mul3A_2, %add3A_232 : i32
    %run_scoped3A_234 = arith.constant 1 : i32
    "tpu.region"() ({
      %run_scoped3A_387 = tpu.sem_alloc : memref<!tpu.dma_semaphore, #tpu.memory_space<semaphore_mem>>
      %dma_start3A_388 = arith.constant 0 : i32
      %dma_start3A_389 = arith.constant 0 : i32
      %dma_start3A_390 = tpu.memref_slice %arg8[%run_scoped3A_234, %dma_start3A_388, %dma_start3A_389] : memref<4x128x64xbf16, #tpu.memory_space<vmem>> -> memref<1x128x64xbf16, #tpu.memory_space<vmem>>
      %dma_start3A_391 = tpu.memref_squeeze %dma_start3A_390 : memref<1x128x64xbf16, #tpu.memory_space<vmem>> -> memref<128x64xbf16, #tpu.memory_space<vmem>>
      %dma_start3A_392 = arith.constant 0 : i32
      %dma_start3A_393 = tpu.memref_slice %arg9[%add3A_233, %dma_start3A_392] : memref<10240x64xbf16, #tpu.memory_space<vmem_shared>> -> memref<128x64xbf16, #tpu.memory_space<vmem_shared>>
      %dma_start3A_394 = arith.constant 0 : i32
      %dma_start3A_395 = arith.constant 0 : i32
      %dma_start3A_396 = tpu.memref_slice %arg8[%run_scoped3A_234, %dma_start3A_394, %dma_start3A_395] : memref<4x128x64xbf16, #tpu.memory_space<vmem>> -> memref<1x128x64xbf16, #tpu.memory_space<vmem>>
      %dma_start3A_397 = tpu.memref_squeeze %dma_start3A_396 : memref<1x128x64xbf16, #tpu.memory_space<vmem>> -> memref<128x64xbf16, #tpu.memory_space<vmem>>
      %dma_start3A_398 = arith.constant 0 : i32
      %dma_start3A_399 = tpu.memref_slice %arg9[%add3A_233, %dma_start3A_398] : memref<10240x64xbf16, #tpu.memory_space<vmem_shared>> -> memref<128x64xbf16, #tpu.memory_space<vmem_shared>>
      tpu.enqueue_dma source(%dma_start3A_399 : memref<128x64xbf16, #tpu.memory_space<vmem_shared>>) target(%dma_start3A_397 : memref<128x64xbf16, #tpu.memory_space<vmem>>) target_semaphore(%run_scoped3A_387 : memref<!tpu.dma_semaphore, #tpu.memory_space<semaphore_mem>>)
      %dma_wait3A_400 = arith.constant 0 : i32
      %dma_wait3A_401 = arith.constant 0 : i32
      %dma_wait3A_402 = tpu.memref_slice %arg8[%run_scoped3A_234, %dma_wait3A_400, %dma_wait3A_401] : memref<4x128x64xbf16, #tpu.memory_space<vmem>> -> memref<1x128x64xbf16, #tpu.memory_space<vmem>>
      %dma_wait3A_403 = tpu.memref_squeeze %dma_wait3A_402 : memref<1x128x64xbf16, #tpu.memory_space<vmem>> -> memref<128x64xbf16, #tpu.memory_space<vmem>>
      %dma_wait3A_404 = arith.constant 0 : i32
      %dma_wait3A_405 = tpu.memref_slice %arg9[%add3A_233, %dma_wait3A_404] : memref<10240x64xbf16, #tpu.memory_space<vmem_shared>> -> memref<128x64xbf16, #tpu.memory_space<vmem_shared>>
      %dma_wait3A_406 = arith.constant 0 : i32
      %dma_wait3A_407 = arith.constant 0 : i32
      %dma_wait3A_408 = tpu.memref_slice %arg8[%run_scoped3A_234, %dma_wait3A_406, %dma_wait3A_407] : memref<4x128x64xbf16, #tpu.memory_space<vmem>> -> memref<1x128x64xbf16, #tpu.memory_space<vmem>>
      %dma_wait3A_409 = tpu.memref_squeeze %dma_wait3A_408 : memref<1x128x64xbf16, #tpu.memory_space<vmem>> -> memref<128x64xbf16, #tpu.memory_space<vmem>>
      %dma_wait3A_410 = arith.constant 0 : i32
      %dma_wait3A_411 = tpu.memref_slice %arg9[%add3A_233, %dma_wait3A_410] : memref<10240x64xbf16, #tpu.memory_space<vmem_shared>> -> memref<128x64xbf16, #tpu.memory_space<vmem_shared>>
      tpu.wait_dma2 semaphore(%run_scoped3A_387 : memref<!tpu.dma_semaphore, #tpu.memory_space<semaphore_mem>>) src(%dma_wait3A_411 : memref<128x64xbf16, #tpu.memory_space<vmem_shared>>) dst(%dma_wait3A_409 : memref<128x64xbf16, #tpu.memory_space<vmem>>)
      tpu.yield
    }) : () -> ()
    %add3A_235 = arith.constant 128 : i32
    %add3A_236 = arith.addi %mul3A_2, %add3A_235 : i32
    %dma_start3A_237 = arith.constant 1 : i32
    %dma_start3A_238 = arith.constant 0 : i32
    %dma_start3A_239 = arith.constant 0 : i32
    %dma_start3A_240 = tpu.memref_slice %arg8[%dma_start3A_237, %dma_start3A_238, %dma_start3A_239] : memref<4x128x64xbf16, #tpu.memory_space<vmem>> -> memref<1x128x64xbf16, #tpu.memory_space<vmem>>
    %dma_start3A_241 = tpu.memref_squeeze %dma_start3A_240 : memref<1x128x64xbf16, #tpu.memory_space<vmem>> -> memref<128x64xbf16, #tpu.memory_space<vmem>>
    %dma_start3A_242 = arith.constant 0 : i32
    %dma_start3A_243 = tpu.memref_slice %arg5[%arg0, %add3A_236, %dma_start3A_242] : memref<2x10240x64xbf16, #tpu.memory_space<hbm>> -> memref<1x128x64xbf16, #tpu.memory_space<hbm>>
    %dma_start3A_244 = tpu.memref_squeeze %dma_start3A_243 : memref<1x128x64xbf16, #tpu.memory_space<hbm>> -> memref<128x64xbf16, #tpu.memory_space<hbm>>
    %dma_start3A_245 = arith.constant 0 : i32
    %dma_start3A_246 = tpu.memref_slice %arg5[%arg0, %add3A_236, %dma_start3A_245] : memref<2x10240x64xbf16, #tpu.memory_space<hbm>> -> memref<1x128x64xbf16, #tpu.memory_space<hbm>>
    %dma_start3A_247 = tpu.memref_squeeze %dma_start3A_246 : memref<1x128x64xbf16, #tpu.memory_space<hbm>> -> memref<128x64xbf16, #tpu.memory_space<hbm>>
    %dma_start3A_248 = arith.constant 0 : i32
    %dma_start3A_249 = arith.constant 0 : i32
    %dma_start3A_250 = tpu.memref_slice %arg8[%dma_start3A_237, %dma_start3A_248, %dma_start3A_249] : memref<4x128x64xbf16, #tpu.memory_space<vmem>> -> memref<1x128x64xbf16, #tpu.memory_space<vmem>>
    %dma_start3A_251 = tpu.memref_squeeze %dma_start3A_250 : memref<1x128x64xbf16, #tpu.memory_space<vmem>> -> memref<128x64xbf16, #tpu.memory_space<vmem>>
    tpu.enqueue_dma source(%dma_start3A_251 : memref<128x64xbf16, #tpu.memory_space<vmem>>) target(%dma_start3A_247 : memref<128x64xbf16, #tpu.memory_space<hbm>>) target_semaphore(%arg11 : memref<!tpu.dma_semaphore, #tpu.memory_space<semaphore_mem>>)
    %dma_wait3A_252 = arith.constant 0 : i32
    %dma_wait3A_253 = arith.constant 0 : i32
    %dma_wait3A_254 = arith.constant 0 : i32
    %dma_wait3A_255 = tpu.memref_slice %arg8[%dma_wait3A_252, %dma_wait3A_253, %dma_wait3A_254] : memref<4x128x64xbf16, #tpu.memory_space<vmem>> -> memref<1x128x64xbf16, #tpu.memory_space<vmem>>
    %dma_wait3A_256 = tpu.memref_squeeze %dma_wait3A_255 : memref<1x128x64xbf16, #tpu.memory_space<vmem>> -> memref<128x64xbf16, #tpu.memory_space<vmem>>
    %dma_wait3A_257 = arith.constant 0 : i32
    %dma_wait3A_258 = tpu.memref_slice %arg5[%arg0, %mul3A_2, %dma_wait3A_257] : memref<2x10240x64xbf16, #tpu.memory_space<hbm>> -> memref<1x128x64xbf16, #tpu.memory_space<hbm>>
    %dma_wait3A_259 = tpu.memref_squeeze %dma_wait3A_258 : memref<1x128x64xbf16, #tpu.memory_space<hbm>> -> memref<128x64xbf16, #tpu.memory_space<hbm>>
    %dma_wait3A_260 = arith.constant 0 : i32
    %dma_wait3A_261 = tpu.memref_slice %arg5[%arg0, %mul3A_2, %dma_wait3A_260] : memref<2x10240x64xbf16, #tpu.memory_space<hbm>> -> memref<1x128x64xbf16, #tpu.memory_space<hbm>>
    %dma_wait3A_262 = tpu.memref_squeeze %dma_wait3A_261 : memref<1x128x64xbf16, #tpu.memory_space<hbm>> -> memref<128x64xbf16, #tpu.memory_space<hbm>>
    %dma_wait3A_263 = arith.constant 0 : i32
    %dma_wait3A_264 = arith.constant 0 : i32
    %dma_wait3A_265 = tpu.memref_slice %arg8[%dma_wait3A_252, %dma_wait3A_263, %dma_wait3A_264] : memref<4x128x64xbf16, #tpu.memory_space<vmem>> -> memref<1x128x64xbf16, #tpu.memory_space<vmem>>
    %dma_wait3A_266 = tpu.memref_squeeze %dma_wait3A_265 : memref<1x128x64xbf16, #tpu.memory_space<vmem>> -> memref<128x64xbf16, #tpu.memory_space<vmem>>
    tpu.wait_dma2 semaphore(%arg10 : memref<!tpu.dma_semaphore, #tpu.memory_space<semaphore_mem>>) src(%dma_wait3A_266 : memref<128x64xbf16, #tpu.memory_space<vmem>>) dst(%dma_wait3A_262 : memref<128x64xbf16, #tpu.memory_space<hbm>>)
    %add3A_267 = arith.constant 256 : i32
    %add3A_268 = arith.addi %mul3A_2, %add3A_267 : i32
    %run_scoped3A_269 = arith.constant 0 : i32
    "tpu.region"() ({
      %run_scoped3A_387 = tpu.sem_alloc : memref<!tpu.dma_semaphore, #tpu.memory_space<semaphore_mem>>
      %dma_start3A_388 = arith.constant 0 : i32
      %dma_start3A_389 = arith.constant 0 : i32
      %dma_start3A_390 = tpu.memref_slice %arg8[%run_scoped3A_269, %dma_start3A_388, %dma_start3A_389] : memref<4x128x64xbf16, #tpu.memory_space<vmem>> -> memref<1x128x64xbf16, #tpu.memory_space<vmem>>
      %dma_start3A_391 = tpu.memref_squeeze %dma_start3A_390 : memref<1x128x64xbf16, #tpu.memory_space<vmem>> -> memref<128x64xbf16, #tpu.memory_space<vmem>>
      %dma_start3A_392 = arith.constant 0 : i32
      %dma_start3A_393 = tpu.memref_slice %arg9[%add3A_268, %dma_start3A_392] : memref<10240x64xbf16, #tpu.memory_space<vmem_shared>> -> memref<128x64xbf16, #tpu.memory_space<vmem_shared>>
      %dma_start3A_394 = arith.constant 0 : i32
      %dma_start3A_395 = arith.constant 0 : i32
      %dma_start3A_396 = tpu.memref_slice %arg8[%run_scoped3A_269, %dma_start3A_394, %dma_start3A_395] : memref<4x128x64xbf16, #tpu.memory_space<vmem>> -> memref<1x128x64xbf16, #tpu.memory_space<vmem>>
      %dma_start3A_397 = tpu.memref_squeeze %dma_start3A_396 : memref<1x128x64xbf16, #tpu.memory_space<vmem>> -> memref<128x64xbf16, #tpu.memory_space<vmem>>
      %dma_start3A_398 = arith.constant 0 : i32
      %dma_start3A_399 = tpu.memref_slice %arg9[%add3A_268, %dma_start3A_398] : memref<10240x64xbf16, #tpu.memory_space<vmem_shared>> -> memref<128x64xbf16, #tpu.memory_space<vmem_shared>>
      tpu.enqueue_dma source(%dma_start3A_399 : memref<128x64xbf16, #tpu.memory_space<vmem_shared>>) target(%dma_start3A_397 : memref<128x64xbf16, #tpu.memory_space<vmem>>) target_semaphore(%run_scoped3A_387 : memref<!tpu.dma_semaphore, #tpu.memory_space<semaphore_mem>>)
      %dma_wait3A_400 = arith.constant 0 : i32
      %dma_wait3A_401 = arith.constant 0 : i32
      %dma_wait3A_402 = tpu.memref_slice %arg8[%run_scoped3A_269, %dma_wait3A_400, %dma_wait3A_401] : memref<4x128x64xbf16, #tpu.memory_space<vmem>> -> memref<1x128x64xbf16, #tpu.memory_space<vmem>>
      %dma_wait3A_403 = tpu.memref_squeeze %dma_wait3A_402 : memref<1x128x64xbf16, #tpu.memory_space<vmem>> -> memref<128x64xbf16, #tpu.memory_space<vmem>>
      %dma_wait3A_404 = arith.constant 0 : i32
      %dma_wait3A_405 = tpu.memref_slice %arg9[%add3A_268, %dma_wait3A_404] : memref<10240x64xbf16, #tpu.memory_space<vmem_shared>> -> memref<128x64xbf16, #tpu.memory_space<vmem_shared>>
      %dma_wait3A_406 = arith.constant 0 : i32
      %dma_wait3A_407 = arith.constant 0 : i32
      %dma_wait3A_408 = tpu.memref_slice %arg8[%run_scoped3A_269, %dma_wait3A_406, %dma_wait3A_407] : memref<4x128x64xbf16, #tpu.memory_space<vmem>> -> memref<1x128x64xbf16, #tpu.memory_space<vmem>>
      %dma_wait3A_409 = tpu.memref_squeeze %dma_wait3A_408 : memref<1x128x64xbf16, #tpu.memory_space<vmem>> -> memref<128x64xbf16, #tpu.memory_space<vmem>>
      %dma_wait3A_410 = arith.constant 0 : i32
      %dma_wait3A_411 = tpu.memref_slice %arg9[%add3A_268, %dma_wait3A_410] : memref<10240x64xbf16, #tpu.memory_space<vmem_shared>> -> memref<128x64xbf16, #tpu.memory_space<vmem_shared>>
      tpu.wait_dma2 semaphore(%run_scoped3A_387 : memref<!tpu.dma_semaphore, #tpu.memory_space<semaphore_mem>>) src(%dma_wait3A_411 : memref<128x64xbf16, #tpu.memory_space<vmem_shared>>) dst(%dma_wait3A_409 : memref<128x64xbf16, #tpu.memory_space<vmem>>)
      tpu.yield
    }) : () -> ()
    %add3A_270 = arith.constant 256 : i32
    %add3A_271 = arith.addi %mul3A_2, %add3A_270 : i32
    %dma_start3A_272 = arith.constant 0 : i32
    %dma_start3A_273 = arith.constant 0 : i32
    %dma_start3A_274 = arith.constant 0 : i32
    %dma_start3A_275 = tpu.memref_slice %arg8[%dma_start3A_272, %dma_start3A_273, %dma_start3A_274] : memref<4x128x64xbf16, #tpu.memory_space<vmem>> -> memref<1x128x64xbf16, #tpu.memory_space<vmem>>
    %dma_start3A_276 = tpu.memref_squeeze %dma_start3A_275 : memref<1x128x64xbf16, #tpu.memory_space<vmem>> -> memref<128x64xbf16, #tpu.memory_space<vmem>>
    %dma_start3A_277 = arith.constant 0 : i32
    %dma_start3A_278 = tpu.memref_slice %arg5[%arg0, %add3A_271, %dma_start3A_277] : memref<2x10240x64xbf16, #tpu.memory_space<hbm>> -> memref<1x128x64xbf16, #tpu.memory_space<hbm>>
    %dma_start3A_279 = tpu.memref_squeeze %dma_start3A_278 : memref<1x128x64xbf16, #tpu.memory_space<hbm>> -> memref<128x64xbf16, #tpu.memory_space<hbm>>
    %dma_start3A_280 = arith.constant 0 : i32
    %dma_start3A_281 = tpu.memref_slice %arg5[%arg0, %add3A_271, %dma_start3A_280] : memref<2x10240x64xbf16, #tpu.memory_space<hbm>> -> memref<1x128x64xbf16, #tpu.memory_space<hbm>>
    %dma_start3A_282 = tpu.memref_squeeze %dma_start3A_281 : memref<1x128x64xbf16, #tpu.memory_space<hbm>> -> memref<128x64xbf16, #tpu.memory_space<hbm>>
    %dma_start3A_283 = arith.constant 0 : i32
    %dma_start3A_284 = arith.constant 0 : i32
    %dma_start3A_285 = tpu.memref_slice %arg8[%dma_start3A_272, %dma_start3A_283, %dma_start3A_284] : memref<4x128x64xbf16, #tpu.memory_space<vmem>> -> memref<1x128x64xbf16, #tpu.memory_space<vmem>>
    %dma_start3A_286 = tpu.memref_squeeze %dma_start3A_285 : memref<1x128x64xbf16, #tpu.memory_space<vmem>> -> memref<128x64xbf16, #tpu.memory_space<vmem>>
    tpu.enqueue_dma source(%dma_start3A_286 : memref<128x64xbf16, #tpu.memory_space<vmem>>) target(%dma_start3A_282 : memref<128x64xbf16, #tpu.memory_space<hbm>>) target_semaphore(%arg10 : memref<!tpu.dma_semaphore, #tpu.memory_space<semaphore_mem>>)
    %dma_wait3A_287 = arith.constant 1 : i32
    %dma_wait3A_288 = arith.constant 0 : i32
    %dma_wait3A_289 = arith.constant 0 : i32
    %dma_wait3A_290 = tpu.memref_slice %arg8[%dma_wait3A_287, %dma_wait3A_288, %dma_wait3A_289] : memref<4x128x64xbf16, #tpu.memory_space<vmem>> -> memref<1x128x64xbf16, #tpu.memory_space<vmem>>
    %dma_wait3A_291 = tpu.memref_squeeze %dma_wait3A_290 : memref<1x128x64xbf16, #tpu.memory_space<vmem>> -> memref<128x64xbf16, #tpu.memory_space<vmem>>
    %dma_wait3A_292 = arith.constant 0 : i32
    %dma_wait3A_293 = tpu.memref_slice %arg5[%arg0, %mul3A_2, %dma_wait3A_292] : memref<2x10240x64xbf16, #tpu.memory_space<hbm>> -> memref<1x128x64xbf16, #tpu.memory_space<hbm>>
    %dma_wait3A_294 = tpu.memref_squeeze %dma_wait3A_293 : memref<1x128x64xbf16, #tpu.memory_space<hbm>> -> memref<128x64xbf16, #tpu.memory_space<hbm>>
    %dma_wait3A_295 = arith.constant 0 : i32
    %dma_wait3A_296 = tpu.memref_slice %arg5[%arg0, %mul3A_2, %dma_wait3A_295] : memref<2x10240x64xbf16, #tpu.memory_space<hbm>> -> memref<1x128x64xbf16, #tpu.memory_space<hbm>>
    %dma_wait3A_297 = tpu.memref_squeeze %dma_wait3A_296 : memref<1x128x64xbf16, #tpu.memory_space<hbm>> -> memref<128x64xbf16, #tpu.memory_space<hbm>>
    %dma_wait3A_298 = arith.constant 0 : i32
    %dma_wait3A_299 = arith.constant 0 : i32
    %dma_wait3A_300 = tpu.memref_slice %arg8[%dma_wait3A_287, %dma_wait3A_298, %dma_wait3A_299] : memref<4x128x64xbf16, #tpu.memory_space<vmem>> -> memref<1x128x64xbf16, #tpu.memory_space<vmem>>
    %dma_wait3A_301 = tpu.memref_squeeze %dma_wait3A_300 : memref<1x128x64xbf16, #tpu.memory_space<vmem>> -> memref<128x64xbf16, #tpu.memory_space<vmem>>
    tpu.wait_dma2 semaphore(%arg11 : memref<!tpu.dma_semaphore, #tpu.memory_space<semaphore_mem>>) src(%dma_wait3A_301 : memref<128x64xbf16, #tpu.memory_space<vmem>>) dst(%dma_wait3A_297 : memref<128x64xbf16, #tpu.memory_space<hbm>>)
    %add3A_302 = arith.constant 384 : i32
    %add3A_303 = arith.addi %mul3A_2, %add3A_302 : i32
    %run_scoped3A_304 = arith.constant 1 : i32
    "tpu.region"() ({
      %run_scoped3A_387 = tpu.sem_alloc : memref<!tpu.dma_semaphore, #tpu.memory_space<semaphore_mem>>
      %dma_start3A_388 = arith.constant 0 : i32
      %dma_start3A_389 = arith.constant 0 : i32
      %dma_start3A_390 = tpu.memref_slice %arg8[%run_scoped3A_304, %dma_start3A_388, %dma_start3A_389] : memref<4x128x64xbf16, #tpu.memory_space<vmem>> -> memref<1x128x64xbf16, #tpu.memory_space<vmem>>
      %dma_start3A_391 = tpu.memref_squeeze %dma_start3A_390 : memref<1x128x64xbf16, #tpu.memory_space<vmem>> -> memref<128x64xbf16, #tpu.memory_space<vmem>>
      %dma_start3A_392 = arith.constant 0 : i32
      %dma_start3A_393 = tpu.memref_slice %arg9[%add3A_303, %dma_start3A_392] : memref<10240x64xbf16, #tpu.memory_space<vmem_shared>> -> memref<128x64xbf16, #tpu.memory_space<vmem_shared>>
      %dma_start3A_394 = arith.constant 0 : i32
      %dma_start3A_395 = arith.constant 0 : i32
      %dma_start3A_396 = tpu.memref_slice %arg8[%run_scoped3A_304, %dma_start3A_394, %dma_start3A_395] : memref<4x128x64xbf16, #tpu.memory_space<vmem>> -> memref<1x128x64xbf16, #tpu.memory_space<vmem>>
      %dma_start3A_397 = tpu.memref_squeeze %dma_start3A_396 : memref<1x128x64xbf16, #tpu.memory_space<vmem>> -> memref<128x64xbf16, #tpu.memory_space<vmem>>
      %dma_start3A_398 = arith.constant 0 : i32
      %dma_start3A_399 = tpu.memref_slice %arg9[%add3A_303, %dma_start3A_398] : memref<10240x64xbf16, #tpu.memory_space<vmem_shared>> -> memref<128x64xbf16, #tpu.memory_space<vmem_shared>>
      tpu.enqueue_dma source(%dma_start3A_399 : memref<128x64xbf16, #tpu.memory_space<vmem_shared>>) target(%dma_start3A_397 : memref<128x64xbf16, #tpu.memory_space<vmem>>) target_semaphore(%run_scoped3A_387 : memref<!tpu.dma_semaphore, #tpu.memory_space<semaphore_mem>>)
      %dma_wait3A_400 = arith.constant 0 : i32
      %dma_wait3A_401 = arith.constant 0 : i32
      %dma_wait3A_402 = tpu.memref_slice %arg8[%run_scoped3A_304, %dma_wait3A_400, %dma_wait3A_401] : memref<4x128x64xbf16, #tpu.memory_space<vmem>> -> memref<1x128x64xbf16, #tpu.memory_space<vmem>>
      %dma_wait3A_403 = tpu.memref_squeeze %dma_wait3A_402 : memref<1x128x64xbf16, #tpu.memory_space<vmem>> -> memref<128x64xbf16, #tpu.memory_space<vmem>>
      %dma_wait3A_404 = arith.constant 0 : i32
      %dma_wait3A_405 = tpu.memref_slice %arg9[%add3A_303, %dma_wait3A_404] : memref<10240x64xbf16, #tpu.memory_space<vmem_shared>> -> memref<128x64xbf16, #tpu.memory_space<vmem_shared>>
      %dma_wait3A_406 = arith.constant 0 : i32
      %dma_wait3A_407 = arith.constant 0 : i32
      %dma_wait3A_408 = tpu.memref_slice %arg8[%run_scoped3A_304, %dma_wait3A_406, %dma_wait3A_407] : memref<4x128x64xbf16, #tpu.memory_space<vmem>> -> memref<1x128x64xbf16, #tpu.memory_space<vmem>>
      %dma_wait3A_409 = tpu.memref_squeeze %dma_wait3A_408 : memref<1x128x64xbf16, #tpu.memory_space<vmem>> -> memref<128x64xbf16, #tpu.memory_space<vmem>>
      %dma_wait3A_410 = arith.constant 0 : i32
      %dma_wait3A_411 = tpu.memref_slice %arg9[%add3A_303, %dma_wait3A_410] : memref<10240x64xbf16, #tpu.memory_space<vmem_shared>> -> memref<128x64xbf16, #tpu.memory_space<vmem_shared>>
      tpu.wait_dma2 semaphore(%run_scoped3A_387 : memref<!tpu.dma_semaphore, #tpu.memory_space<semaphore_mem>>) src(%dma_wait3A_411 : memref<128x64xbf16, #tpu.memory_space<vmem_shared>>) dst(%dma_wait3A_409 : memref<128x64xbf16, #tpu.memory_space<vmem>>)
      tpu.yield
    }) : () -> ()
    %add3A_305 = arith.constant 384 : i32
    %add3A_306 = arith.addi %mul3A_2, %add3A_305 : i32
    %dma_start3A_307 = arith.constant 1 : i32
    %dma_start3A_308 = arith.constant 0 : i32
    %dma_start3A_309 = arith.constant 0 : i32
    %dma_start3A_310 = tpu.memref_slice %arg8[%dma_start3A_307, %dma_start3A_308, %dma_start3A_309] : memref<4x128x64xbf16, #tpu.memory_space<vmem>> -> memref<1x128x64xbf16, #tpu.memory_space<vmem>>
    %dma_start3A_311 = tpu.memref_squeeze %dma_start3A_310 : memref<1x128x64xbf16, #tpu.memory_space<vmem>> -> memref<128x64xbf16, #tpu.memory_space<vmem>>
    %dma_start3A_312 = arith.constant 0 : i32
    %dma_start3A_313 = tpu.memref_slice %arg5[%arg0, %add3A_306, %dma_start3A_312] : memref<2x10240x64xbf16, #tpu.memory_space<hbm>> -> memref<1x128x64xbf16, #tpu.memory_space<hbm>>
    %dma_start3A_314 = tpu.memref_squeeze %dma_start3A_313 : memref<1x128x64xbf16, #tpu.memory_space<hbm>> -> memref<128x64xbf16, #tpu.memory_space<hbm>>
    %dma_start3A_315 = arith.constant 0 : i32
    %dma_start3A_316 = tpu.memref_slice %arg5[%arg0, %add3A_306, %dma_start3A_315] : memref<2x10240x64xbf16, #tpu.memory_space<hbm>> -> memref<1x128x64xbf16, #tpu.memory_space<hbm>>
    %dma_start3A_317 = tpu.memref_squeeze %dma_start3A_316 : memref<1x128x64xbf16, #tpu.memory_space<hbm>> -> memref<128x64xbf16, #tpu.memory_space<hbm>>
    %dma_start3A_318 = arith.constant 0 : i32
    %dma_start3A_319 = arith.constant 0 : i32
    %dma_start3A_320 = tpu.memref_slice %arg8[%dma_start3A_307, %dma_start3A_318, %dma_start3A_319] : memref<4x128x64xbf16, #tpu.memory_space<vmem>> -> memref<1x128x64xbf16, #tpu.memory_space<vmem>>
    %dma_start3A_321 = tpu.memref_squeeze %dma_start3A_320 : memref<1x128x64xbf16, #tpu.memory_space<vmem>> -> memref<128x64xbf16, #tpu.memory_space<vmem>>
    tpu.enqueue_dma source(%dma_start3A_321 : memref<128x64xbf16, #tpu.memory_space<vmem>>) target(%dma_start3A_317 : memref<128x64xbf16, #tpu.memory_space<hbm>>) target_semaphore(%arg11 : memref<!tpu.dma_semaphore, #tpu.memory_space<semaphore_mem>>)
    %dma_wait3A_322 = arith.constant 0 : i32
    %dma_wait3A_323 = arith.constant 0 : i32
    %dma_wait3A_324 = arith.constant 0 : i32
    %dma_wait3A_325 = tpu.memref_slice %arg8[%dma_wait3A_322, %dma_wait3A_323, %dma_wait3A_324] : memref<4x128x64xbf16, #tpu.memory_space<vmem>> -> memref<1x128x64xbf16, #tpu.memory_space<vmem>>
    %dma_wait3A_326 = tpu.memref_squeeze %dma_wait3A_325 : memref<1x128x64xbf16, #tpu.memory_space<vmem>> -> memref<128x64xbf16, #tpu.memory_space<vmem>>
    %dma_wait3A_327 = arith.constant 0 : i32
    %dma_wait3A_328 = tpu.memref_slice %arg5[%arg0, %mul3A_2, %dma_wait3A_327] : memref<2x10240x64xbf16, #tpu.memory_space<hbm>> -> memref<1x128x64xbf16, #tpu.memory_space<hbm>>
    %dma_wait3A_329 = tpu.memref_squeeze %dma_wait3A_328 : memref<1x128x64xbf16, #tpu.memory_space<hbm>> -> memref<128x64xbf16, #tpu.memory_space<hbm>>
    %dma_wait3A_330 = arith.constant 0 : i32
    %dma_wait3A_331 = tpu.memref_slice %arg5[%arg0, %mul3A_2, %dma_wait3A_330] : memref<2x10240x64xbf16, #tpu.memory_space<hbm>> -> memref<1x128x64xbf16, #tpu.memory_space<hbm>>
    %dma_wait3A_332 = tpu.memref_squeeze %dma_wait3A_331 : memref<1x128x64xbf16, #tpu.memory_space<hbm>> -> memref<128x64xbf16, #tpu.memory_space<hbm>>
    %dma_wait3A_333 = arith.constant 0 : i32
    %dma_wait3A_334 = arith.constant 0 : i32
    %dma_wait3A_335 = tpu.memref_slice %arg8[%dma_wait3A_322, %dma_wait3A_333, %dma_wait3A_334] : memref<4x128x64xbf16, #tpu.memory_space<vmem>> -> memref<1x128x64xbf16, #tpu.memory_space<vmem>>
    %dma_wait3A_336 = tpu.memref_squeeze %dma_wait3A_335 : memref<1x128x64xbf16, #tpu.memory_space<vmem>> -> memref<128x64xbf16, #tpu.memory_space<vmem>>
    tpu.wait_dma2 semaphore(%arg10 : memref<!tpu.dma_semaphore, #tpu.memory_space<semaphore_mem>>) src(%dma_wait3A_336 : memref<128x64xbf16, #tpu.memory_space<vmem>>) dst(%dma_wait3A_332 : memref<128x64xbf16, #tpu.memory_space<hbm>>)
    %add3A_337 = arith.constant 512 : i32
    %add3A_338 = arith.addi %mul3A_2, %add3A_337 : i32
    %run_scoped3A_339 = arith.constant 0 : i32
    "tpu.region"() ({
      %run_scoped3A_387 = tpu.sem_alloc : memref<!tpu.dma_semaphore, #tpu.memory_space<semaphore_mem>>
      %dma_start3A_388 = arith.constant 0 : i32
      %dma_start3A_389 = arith.constant 0 : i32
      %dma_start3A_390 = tpu.memref_slice %arg8[%run_scoped3A_339, %dma_start3A_388, %dma_start3A_389] : memref<4x128x64xbf16, #tpu.memory_space<vmem>> -> memref<1x128x64xbf16, #tpu.memory_space<vmem>>
      %dma_start3A_391 = tpu.memref_squeeze %dma_start3A_390 : memref<1x128x64xbf16, #tpu.memory_space<vmem>> -> memref<128x64xbf16, #tpu.memory_space<vmem>>
      %dma_start3A_392 = arith.constant 0 : i32
      %dma_start3A_393 = tpu.memref_slice %arg9[%add3A_338, %dma_start3A_392] : memref<10240x64xbf16, #tpu.memory_space<vmem_shared>> -> memref<128x64xbf16, #tpu.memory_space<vmem_shared>>
      %dma_start3A_394 = arith.constant 0 : i32
      %dma_start3A_395 = arith.constant 0 : i32
      %dma_start3A_396 = tpu.memref_slice %arg8[%run_scoped3A_339, %dma_start3A_394, %dma_start3A_395] : memref<4x128x64xbf16, #tpu.memory_space<vmem>> -> memref<1x128x64xbf16, #tpu.memory_space<vmem>>
      %dma_start3A_397 = tpu.memref_squeeze %dma_start3A_396 : memref<1x128x64xbf16, #tpu.memory_space<vmem>> -> memref<128x64xbf16, #tpu.memory_space<vmem>>
      %dma_start3A_398 = arith.constant 0 : i32
      %dma_start3A_399 = tpu.memref_slice %arg9[%add3A_338, %dma_start3A_398] : memref<10240x64xbf16, #tpu.memory_space<vmem_shared>> -> memref<128x64xbf16, #tpu.memory_space<vmem_shared>>
      tpu.enqueue_dma source(%dma_start3A_399 : memref<128x64xbf16, #tpu.memory_space<vmem_shared>>) target(%dma_start3A_397 : memref<128x64xbf16, #tpu.memory_space<vmem>>) target_semaphore(%run_scoped3A_387 : memref<!tpu.dma_semaphore, #tpu.memory_space<semaphore_mem>>)
      %dma_wait3A_400 = arith.constant 0 : i32
      %dma_wait3A_401 = arith.constant 0 : i32
      %dma_wait3A_402 = tpu.memref_slice %arg8[%run_scoped3A_339, %dma_wait3A_400, %dma_wait3A_401] : memref<4x128x64xbf16, #tpu.memory_space<vmem>> -> memref<1x128x64xbf16, #tpu.memory_space<vmem>>
      %dma_wait3A_403 = tpu.memref_squeeze %dma_wait3A_402 : memref<1x128x64xbf16, #tpu.memory_space<vmem>> -> memref<128x64xbf16, #tpu.memory_space<vmem>>
      %dma_wait3A_404 = arith.constant 0 : i32
      %dma_wait3A_405 = tpu.memref_slice %arg9[%add3A_338, %dma_wait3A_404] : memref<10240x64xbf16, #tpu.memory_space<vmem_shared>> -> memref<128x64xbf16, #tpu.memory_space<vmem_shared>>
      %dma_wait3A_406 = arith.constant 0 : i32
      %dma_wait3A_407 = arith.constant 0 : i32
      %dma_wait3A_408 = tpu.memref_slice %arg8[%run_scoped3A_339, %dma_wait3A_406, %dma_wait3A_407] : memref<4x128x64xbf16, #tpu.memory_space<vmem>> -> memref<1x128x64xbf16, #tpu.memory_space<vmem>>
      %dma_wait3A_409 = tpu.memref_squeeze %dma_wait3A_408 : memref<1x128x64xbf16, #tpu.memory_space<vmem>> -> memref<128x64xbf16, #tpu.memory_space<vmem>>
      %dma_wait3A_410 = arith.constant 0 : i32
      %dma_wait3A_411 = tpu.memref_slice %arg9[%add3A_338, %dma_wait3A_410] : memref<10240x64xbf16, #tpu.memory_space<vmem_shared>> -> memref<128x64xbf16, #tpu.memory_space<vmem_shared>>
      tpu.wait_dma2 semaphore(%run_scoped3A_387 : memref<!tpu.dma_semaphore, #tpu.memory_space<semaphore_mem>>) src(%dma_wait3A_411 : memref<128x64xbf16, #tpu.memory_space<vmem_shared>>) dst(%dma_wait3A_409 : memref<128x64xbf16, #tpu.memory_space<vmem>>)
      tpu.yield
    }) : () -> ()
    %add3A_340 = arith.constant 512 : i32
    %add3A_341 = arith.addi %mul3A_2, %add3A_340 : i32
    %dma_start3A_342 = arith.constant 0 : i32
    %dma_start3A_343 = arith.constant 0 : i32
    %dma_start3A_344 = arith.constant 0 : i32
    %dma_start3A_345 = tpu.memref_slice %arg8[%dma_start3A_342, %dma_start3A_343, %dma_start3A_344] : memref<4x128x64xbf16, #tpu.memory_space<vmem>> -> memref<1x128x64xbf16, #tpu.memory_space<vmem>>
    %dma_start3A_346 = tpu.memref_squeeze %dma_start3A_345 : memref<1x128x64xbf16, #tpu.memory_space<vmem>> -> memref<128x64xbf16, #tpu.memory_space<vmem>>
    %dma_start3A_347 = arith.constant 0 : i32
    %dma_start3A_348 = tpu.memref_slice %arg5[%arg0, %add3A_341, %dma_start3A_347] : memref<2x10240x64xbf16, #tpu.memory_space<hbm>> -> memref<1x128x64xbf16, #tpu.memory_space<hbm>>
    %dma_start3A_349 = tpu.memref_squeeze %dma_start3A_348 : memref<1x128x64xbf16, #tpu.memory_space<hbm>> -> memref<128x64xbf16, #tpu.memory_space<hbm>>
    %dma_start3A_350 = arith.constant 0 : i32
    %dma_start3A_351 = tpu.memref_slice %arg5[%arg0, %add3A_341, %dma_start3A_350] : memref<2x10240x64xbf16, #tpu.memory_space<hbm>> -> memref<1x128x64xbf16, #tpu.memory_space<hbm>>
    %dma_start3A_352 = tpu.memref_squeeze %dma_start3A_351 : memref<1x128x64xbf16, #tpu.memory_space<hbm>> -> memref<128x64xbf16, #tpu.memory_space<hbm>>
    %dma_start3A_353 = arith.constant 0 : i32
    %dma_start3A_354 = arith.constant 0 : i32
    %dma_start3A_355 = tpu.memref_slice %arg8[%dma_start3A_342, %dma_start3A_353, %dma_start3A_354] : memref<4x128x64xbf16, #tpu.memory_space<vmem>> -> memref<1x128x64xbf16, #tpu.memory_space<vmem>>
    %dma_start3A_356 = tpu.memref_squeeze %dma_start3A_355 : memref<1x128x64xbf16, #tpu.memory_space<vmem>> -> memref<128x64xbf16, #tpu.memory_space<vmem>>
    tpu.enqueue_dma source(%dma_start3A_356 : memref<128x64xbf16, #tpu.memory_space<vmem>>) target(%dma_start3A_352 : memref<128x64xbf16, #tpu.memory_space<hbm>>) target_semaphore(%arg10 : memref<!tpu.dma_semaphore, #tpu.memory_space<semaphore_mem>>)
    %dma_wait3A_357 = arith.constant 1 : i32
    %dma_wait3A_358 = arith.constant 0 : i32
    %dma_wait3A_359 = arith.constant 0 : i32
    %dma_wait3A_360 = tpu.memref_slice %arg8[%dma_wait3A_357, %dma_wait3A_358, %dma_wait3A_359] : memref<4x128x64xbf16, #tpu.memory_space<vmem>> -> memref<1x128x64xbf16, #tpu.memory_space<vmem>>
    %dma_wait3A_361 = tpu.memref_squeeze %dma_wait3A_360 : memref<1x128x64xbf16, #tpu.memory_space<vmem>> -> memref<128x64xbf16, #tpu.memory_space<vmem>>
    %dma_wait3A_362 = arith.constant 0 : i32
    %dma_wait3A_363 = tpu.memref_slice %arg5[%arg0, %mul3A_2, %dma_wait3A_362] : memref<2x10240x64xbf16, #tpu.memory_space<hbm>> -> memref<1x128x64xbf16, #tpu.memory_space<hbm>>
    %dma_wait3A_364 = tpu.memref_squeeze %dma_wait3A_363 : memref<1x128x64xbf16, #tpu.memory_space<hbm>> -> memref<128x64xbf16, #tpu.memory_space<hbm>>
    %dma_wait3A_365 = arith.constant 0 : i32
    %dma_wait3A_366 = tpu.memref_slice %arg5[%arg0, %mul3A_2, %dma_wait3A_365] : memref<2x10240x64xbf16, #tpu.memory_space<hbm>> -> memref<1x128x64xbf16, #tpu.memory_space<hbm>>
    %dma_wait3A_367 = tpu.memref_squeeze %dma_wait3A_366 : memref<1x128x64xbf16, #tpu.memory_space<hbm>> -> memref<128x64xbf16, #tpu.memory_space<hbm>>
    %dma_wait3A_368 = arith.constant 0 : i32
    %dma_wait3A_369 = arith.constant 0 : i32
    %dma_wait3A_370 = tpu.memref_slice %arg8[%dma_wait3A_357, %dma_wait3A_368, %dma_wait3A_369] : memref<4x128x64xbf16, #tpu.memory_space<vmem>> -> memref<1x128x64xbf16, #tpu.memory_space<vmem>>
    %dma_wait3A_371 = tpu.memref_squeeze %dma_wait3A_370 : memref<1x128x64xbf16, #tpu.memory_space<vmem>> -> memref<128x64xbf16, #tpu.memory_space<vmem>>
    tpu.wait_dma2 semaphore(%arg11 : memref<!tpu.dma_semaphore, #tpu.memory_space<semaphore_mem>>) src(%dma_wait3A_371 : memref<128x64xbf16, #tpu.memory_space<vmem>>) dst(%dma_wait3A_367 : memref<128x64xbf16, #tpu.memory_space<hbm>>)
    %dma_wait3A_372 = arith.constant 0 : i32
    %dma_wait3A_373 = arith.constant 0 : i32
    %dma_wait3A_374 = arith.constant 0 : i32
    %dma_wait3A_375 = tpu.memref_slice %arg8[%dma_wait3A_372, %dma_wait3A_373, %dma_wait3A_374] : memref<4x128x64xbf16, #tpu.memory_space<vmem>> -> memref<1x128x64xbf16, #tpu.memory_space<vmem>>
    %dma_wait3A_376 = tpu.memref_squeeze %dma_wait3A_375 : memref<1x128x64xbf16, #tpu.memory_space<vmem>> -> memref<128x64xbf16, #tpu.memory_space<vmem>>
    %dma_wait3A_377 = arith.constant 0 : i32
    %dma_wait3A_378 = tpu.memref_slice %arg5[%arg0, %mul3A_2, %dma_wait3A_377] : memref<2x10240x64xbf16, #tpu.memory_space<hbm>> -> memref<1x128x64xbf16, #tpu.memory_space<hbm>>
    %dma_wait3A_379 = tpu.memref_squeeze %dma_wait3A_378 : memref<1x128x64xbf16, #tpu.memory_space<hbm>> -> memref<128x64xbf16, #tpu.memory_space<hbm>>
    %dma_wait3A_380 = arith.constant 0 : i32
    %dma_wait3A_381 = tpu.memref_slice %arg5[%arg0, %mul3A_2, %dma_wait3A_380] : memref<2x10240x64xbf16, #tpu.memory_space<hbm>> -> memref<1x128x64xbf16, #tpu.memory_space<hbm>>
    %dma_wait3A_382 = tpu.memref_squeeze %dma_wait3A_381 : memref<1x128x64xbf16, #tpu.memory_space<hbm>> -> memref<128x64xbf16, #tpu.memory_space<hbm>>
    %dma_wait3A_383 = arith.constant 0 : i32
    %dma_wait3A_384 = arith.constant 0 : i32
    %dma_wait3A_385 = tpu.memref_slice %arg8[%dma_wait3A_372, %dma_wait3A_383, %dma_wait3A_384] : memref<4x128x64xbf16, #tpu.memory_space<vmem>> -> memref<1x128x64xbf16, #tpu.memory_space<vmem>>
    %dma_wait3A_386 = tpu.memref_squeeze %dma_wait3A_385 : memref<1x128x64xbf16, #tpu.memory_space<vmem>> -> memref<128x64xbf16, #tpu.memory_space<vmem>>
    tpu.wait_dma2 semaphore(%arg10 : memref<!tpu.dma_semaphore, #tpu.memory_space<semaphore_mem>>) src(%dma_wait3A_386 : memref<128x64xbf16, #tpu.memory_space<vmem>>) dst(%dma_wait3A_382 : memref<128x64xbf16, #tpu.memory_space<hbm>>)
    return
  }
}

#map = affine_map<(d0, d1) -> (0, 0, 0)>
#map1 = affine_map<(d0, d1) -> (0, 0)>
module attributes {stable_mosaic.version = 14 : i64} {
  func.func @k(%arg0: i32, %arg1: i32, %arg2: memref<32x80x128xi32, #tpu.memory_space<hbm>>, %arg3: memref<32x80x128xi32, #tpu.memory_space<hbm>>, %arg4: memref<2x10240xf32, #tpu.memory_space<hbm>>, %arg5: memref<2x10240xf32, #tpu.memory_space<hbm>>, %arg6: memref<80x128xi32, #tpu.memory_space<vmem>>, %arg7: memref<80x128xi32, #tpu.memory_space<vmem>>, %arg8: memref<128xf32, #tpu.memory_space<vmem>>, %arg9: memref<640xf32, #tpu.memory_space<vmem>>, %arg10: memref<10240xf32, #tpu.memory_space<vmem_shared>>, %arg11: memref<10240xf32, #tpu.memory_space<vmem_shared>>, %arg12: memref<!tpu.dma_semaphore, #tpu.memory_space<semaphore_mem>>, %arg13: memref<!tpu.dma_semaphore, #tpu.memory_space<semaphore_mem>>) attributes {dimension_semantics = [#tpu.dimension_semantics<core_parallel>, #tpu.dimension_semantics<subcore_parallel>], iteration_bounds = array<i64: 2, 16>, scalar_prefetch = 0 : i64, scratch_operands = 8 : i64, tpu.core_type = #tpu.core_type<sc_vector_subcore>, window_params = [{transform_indices = #map}, {transform_indices = #map}, {transform_indices = #map1}, {transform_indices = #map1}]} {
    %mul3A = arith.constant 16 : i32
    %mul3A_0 = arith.muli %arg0, %mul3A : i32
    %add3A = arith.addi %mul3A_0, %arg1 : i32
    %mul3A_1 = arith.constant 640 : i32
    %mul3A_2 = arith.muli %arg1, %mul3A_1 : i32
    %scan3A = arith.constant 0 : i32
    %scan3A_3 = arith.constant 0 : i32
    %scan3A_4 = arith.constant 8 : i32
    %scan3A_5 = arith.addi %scan3A_3, %scan3A_4 : i32
    %scan3A_6 = arith.constant 1 : i32
    scf.for %scan3A_44 = %scan3A_3 to %scan3A_5 step %scan3A_6  : i32 {
      %broadcast_in_dim3A = arith.constant 1.000000e+00 : f32
      %broadcast_in_dim3A_45 = vector.broadcast %broadcast_in_dim3A : f32 to vector<16xf32>
      %mul3A_46 = arith.constant 16 : i32
      %mul3A_47 = arith.muli %scan3A_44, %mul3A_46 : i32
      %swap3A = arith.index_cast %mul3A_47 : i32 to index
      %swap3A_48 = tpu.vector_load %arg8[%swap3A] {strides = array<i32>} : memref<128xf32, #tpu.memory_space<vmem>>, vector<16xf32>,
      %swap3A_49 = vector.shape_cast %swap3A_48 : vector<16xf32> to vector<16xf32>
      %swap3A_50 = vector.shape_cast %broadcast_in_dim3A_45 : vector<16xf32> to vector<16xf32>
      tpu.vector_store %arg8[%swap3A], %swap3A_50 {strides = array<i32>} : memref<128xf32, #tpu.memory_space<vmem>>, vector<16xf32>,
    }
    %scan3A_7 = arith.constant 8 : i32
    %scan3A_8 = arith.constant 0 : i32
    %scan3A_9 = arith.constant 0 : i32
    %scan3A_10 = arith.constant 40 : i32
    %scan3A_11 = arith.addi %scan3A_9, %scan3A_10 : i32
    %scan3A_12 = arith.constant 1 : i32
    scf.for %scan3A_44 = %scan3A_9 to %scan3A_11 step %scan3A_12  : i32 {
      %broadcast_in_dim3A = arith.constant 0.000000e+00 : f32
      %broadcast_in_dim3A_45 = vector.broadcast %broadcast_in_dim3A : f32 to vector<16xf32>
      %mul3A_46 = arith.constant 16 : i32
      %mul3A_47 = arith.muli %scan3A_44, %mul3A_46 : i32
      %swap3A = arith.index_cast %mul3A_47 : i32 to index
      %swap3A_48 = tpu.vector_load %arg9[%swap3A] {strides = array<i32>} : memref<640xf32, #tpu.memory_space<vmem>>, vector<16xf32>,
      %swap3A_49 = vector.shape_cast %swap3A_48 : vector<16xf32> to vector<16xf32>
      %swap3A_50 = vector.shape_cast %broadcast_in_dim3A_45 : vector<16xf32> to vector<16xf32>
      tpu.vector_store %arg9[%swap3A], %swap3A_50 {strides = array<i32>} : memref<640xf32, #tpu.memory_space<vmem>>, vector<16xf32>,
    }
    %scan3A_13 = arith.constant 40 : i32
    "tpu.region"() ({
      %run_scoped3A = tpu.sem_alloc : memref<!tpu.dma_semaphore, #tpu.memory_space<semaphore_mem>>
      %dma_start3A = tpu.memref_slice %arg10[%mul3A_2] : memref<10240xf32, #tpu.memory_space<vmem_shared>> -> memref<640xf32, #tpu.memory_space<vmem_shared>>
      %dma_start3A_44 = tpu.memref_slice %arg10[%mul3A_2] : memref<10240xf32, #tpu.memory_space<vmem_shared>> -> memref<640xf32, #tpu.memory_space<vmem_shared>>
      tpu.enqueue_dma source(%arg9 : memref<640xf32, #tpu.memory_space<vmem>>) target(%dma_start3A_44 : memref<640xf32, #tpu.memory_space<vmem_shared>>) target_semaphore(%run_scoped3A : memref<!tpu.dma_semaphore, #tpu.memory_space<semaphore_mem>>)
      %dma_wait3A_45 = tpu.memref_slice %arg10[%mul3A_2] : memref<10240xf32, #tpu.memory_space<vmem_shared>> -> memref<640xf32, #tpu.memory_space<vmem_shared>>
      %dma_wait3A_46 = tpu.memref_slice %arg10[%mul3A_2] : memref<10240xf32, #tpu.memory_space<vmem_shared>> -> memref<640xf32, #tpu.memory_space<vmem_shared>>
      tpu.wait_dma2 semaphore(%run_scoped3A : memref<!tpu.dma_semaphore, #tpu.memory_space<semaphore_mem>>) src(%arg9 : memref<640xf32, #tpu.memory_space<vmem>>) dst(%dma_wait3A_46 : memref<640xf32, #tpu.memory_space<vmem_shared>>)
      tpu.yield
    }) : () -> ()
    "tpu.region"() ({
      %run_scoped3A = tpu.sem_alloc : memref<!tpu.dma_semaphore, #tpu.memory_space<semaphore_mem>>
      %dma_start3A = tpu.memref_slice %arg11[%mul3A_2] : memref<10240xf32, #tpu.memory_space<vmem_shared>> -> memref<640xf32, #tpu.memory_space<vmem_shared>>
      %dma_start3A_44 = tpu.memref_slice %arg11[%mul3A_2] : memref<10240xf32, #tpu.memory_space<vmem_shared>> -> memref<640xf32, #tpu.memory_space<vmem_shared>>
      tpu.enqueue_dma source(%arg9 : memref<640xf32, #tpu.memory_space<vmem>>) target(%dma_start3A_44 : memref<640xf32, #tpu.memory_space<vmem_shared>>) target_semaphore(%run_scoped3A : memref<!tpu.dma_semaphore, #tpu.memory_space<semaphore_mem>>)
      %dma_wait3A_45 = tpu.memref_slice %arg11[%mul3A_2] : memref<10240xf32, #tpu.memory_space<vmem_shared>> -> memref<640xf32, #tpu.memory_space<vmem_shared>>
      %dma_wait3A_46 = tpu.memref_slice %arg11[%mul3A_2] : memref<10240xf32, #tpu.memory_space<vmem_shared>> -> memref<640xf32, #tpu.memory_space<vmem_shared>>
      tpu.wait_dma2 semaphore(%run_scoped3A : memref<!tpu.dma_semaphore, #tpu.memory_space<semaphore_mem>>) src(%arg9 : memref<640xf32, #tpu.memory_space<vmem>>) dst(%dma_wait3A_46 : memref<640xf32, #tpu.memory_space<vmem_shared>>)
      tpu.yield
    }) : () -> ()
    "tpu.region"() ({
      %run_scoped3A = tpu.sem_alloc : memref<!tpu.dma_semaphore, #tpu.memory_space<semaphore_mem>>
      %dma_start3A = arith.constant 0 : i32
      %dma_start3A_44 = arith.constant 0 : i32
      %dma_start3A_45 = tpu.memref_slice %arg2[%add3A, %dma_start3A, %dma_start3A_44] : memref<32x80x128xi32, #tpu.memory_space<hbm>> -> memref<1x80x128xi32, #tpu.memory_space<hbm>>
      %dma_start3A_46 = tpu.memref_squeeze %dma_start3A_45 : memref<1x80x128xi32, #tpu.memory_space<hbm>> -> memref<80x128xi32, #tpu.memory_space<hbm>>
      %dma_start3A_47 = arith.constant 0 : i32
      %dma_start3A_48 = arith.constant 0 : i32
      %dma_start3A_49 = tpu.memref_slice %arg2[%add3A, %dma_start3A_47, %dma_start3A_48] : memref<32x80x128xi32, #tpu.memory_space<hbm>> -> memref<1x80x128xi32, #tpu.memory_space<hbm>>
      %dma_start3A_50 = tpu.memref_squeeze %dma_start3A_49 : memref<1x80x128xi32, #tpu.memory_space<hbm>> -> memref<80x128xi32, #tpu.memory_space<hbm>>
      tpu.enqueue_dma source(%dma_start3A_50 : memref<80x128xi32, #tpu.memory_space<hbm>>) target(%arg6 : memref<80x128xi32, #tpu.memory_space<vmem>>) target_semaphore(%run_scoped3A : memref<!tpu.dma_semaphore, #tpu.memory_space<semaphore_mem>>)
      %dma_wait3A_51 = arith.constant 0 : i32
      %dma_wait3A_52 = arith.constant 0 : i32
      %dma_wait3A_53 = tpu.memref_slice %arg2[%add3A, %dma_wait3A_51, %dma_wait3A_52] : memref<32x80x128xi32, #tpu.memory_space<hbm>> -> memref<1x80x128xi32, #tpu.memory_space<hbm>>
      %dma_wait3A_54 = tpu.memref_squeeze %dma_wait3A_53 : memref<1x80x128xi32, #tpu.memory_space<hbm>> -> memref<80x128xi32, #tpu.memory_space<hbm>>
      %dma_wait3A_55 = arith.constant 0 : i32
      %dma_wait3A_56 = arith.constant 0 : i32
      %dma_wait3A_57 = tpu.memref_slice %arg2[%add3A, %dma_wait3A_55, %dma_wait3A_56] : memref<32x80x128xi32, #tpu.memory_space<hbm>> -> memref<1x80x128xi32, #tpu.memory_space<hbm>>
      %dma_wait3A_58 = tpu.memref_squeeze %dma_wait3A_57 : memref<1x80x128xi32, #tpu.memory_space<hbm>> -> memref<80x128xi32, #tpu.memory_space<hbm>>
      tpu.wait_dma2 semaphore(%run_scoped3A : memref<!tpu.dma_semaphore, #tpu.memory_space<semaphore_mem>>) src(%dma_wait3A_58 : memref<80x128xi32, #tpu.memory_space<hbm>>) dst(%arg6 : memref<80x128xi32, #tpu.memory_space<vmem>>)
      tpu.yield
    }) : () -> ()
    "tpu.region"() ({
      %run_scoped3A = tpu.sem_alloc : memref<!tpu.dma_semaphore, #tpu.memory_space<semaphore_mem>>
      %dma_start3A = arith.constant 0 : i32
      %dma_start3A_44 = arith.constant 0 : i32
      %dma_start3A_45 = tpu.memref_slice %arg3[%add3A, %dma_start3A, %dma_start3A_44] : memref<32x80x128xi32, #tpu.memory_space<hbm>> -> memref<1x80x128xi32, #tpu.memory_space<hbm>>
      %dma_start3A_46 = tpu.memref_squeeze %dma_start3A_45 : memref<1x80x128xi32, #tpu.memory_space<hbm>> -> memref<80x128xi32, #tpu.memory_space<hbm>>
      %dma_start3A_47 = arith.constant 0 : i32
      %dma_start3A_48 = arith.constant 0 : i32
      %dma_start3A_49 = tpu.memref_slice %arg3[%add3A, %dma_start3A_47, %dma_start3A_48] : memref<32x80x128xi32, #tpu.memory_space<hbm>> -> memref<1x80x128xi32, #tpu.memory_space<hbm>>
      %dma_start3A_50 = tpu.memref_squeeze %dma_start3A_49 : memref<1x80x128xi32, #tpu.memory_space<hbm>> -> memref<80x128xi32, #tpu.memory_space<hbm>>
      tpu.enqueue_dma source(%dma_start3A_50 : memref<80x128xi32, #tpu.memory_space<hbm>>) target(%arg7 : memref<80x128xi32, #tpu.memory_space<vmem>>) target_semaphore(%run_scoped3A : memref<!tpu.dma_semaphore, #tpu.memory_space<semaphore_mem>>)
      %dma_wait3A_51 = arith.constant 0 : i32
      %dma_wait3A_52 = arith.constant 0 : i32
      %dma_wait3A_53 = tpu.memref_slice %arg3[%add3A, %dma_wait3A_51, %dma_wait3A_52] : memref<32x80x128xi32, #tpu.memory_space<hbm>> -> memref<1x80x128xi32, #tpu.memory_space<hbm>>
      %dma_wait3A_54 = tpu.memref_squeeze %dma_wait3A_53 : memref<1x80x128xi32, #tpu.memory_space<hbm>> -> memref<80x128xi32, #tpu.memory_space<hbm>>
      %dma_wait3A_55 = arith.constant 0 : i32
      %dma_wait3A_56 = arith.constant 0 : i32
      %dma_wait3A_57 = tpu.memref_slice %arg3[%add3A, %dma_wait3A_55, %dma_wait3A_56] : memref<32x80x128xi32, #tpu.memory_space<hbm>> -> memref<1x80x128xi32, #tpu.memory_space<hbm>>
      %dma_wait3A_58 = tpu.memref_squeeze %dma_wait3A_57 : memref<1x80x128xi32, #tpu.memory_space<hbm>> -> memref<80x128xi32, #tpu.memory_space<hbm>>
      tpu.wait_dma2 semaphore(%run_scoped3A : memref<!tpu.dma_semaphore, #tpu.memory_space<semaphore_mem>>) src(%dma_wait3A_58 : memref<80x128xi32, #tpu.memory_space<hbm>>) dst(%arg7 : memref<80x128xi32, #tpu.memory_space<vmem>>)
      tpu.yield
    }) : () -> ()
    %barrier3A = arith.constant 0 : index
    tpu.barrier barrier_id(%barrier3A)
    %scan3A_14 = arith.constant 0 : i32
    %scan3A_15 = arith.constant 0 : i32
    %scan3A_16 = arith.constant 80 : i32
    %scan3A_17 = arith.addi %scan3A_15, %scan3A_16 : i32
    %scan3A_18 = arith.constant 1 : i32
    scf.for %scan3A_44 = %scan3A_15 to %scan3A_17 step %scan3A_18  : i32 {
      %ge3A = arith.constant 2 : i32
      %ge3A_45 = arith.cmpi sge, %scan3A_44, %ge3A : i32
      %convert_element_type3A = arith.extui %ge3A_45 : i1 to i32
      %cond3A = arith.constant 0 : i32
      %cond3A_46 = arith.cmpi ne, %convert_element_type3A, %cond3A : i32
      scf.if %cond3A_46 {
        %dma_wait3A_56 = arith.constant 0 : i32
        %dma_wait3A_57 = arith.constant 0 : i32
        %dma_wait3A_58 = tpu.memref_slice %arg6[%dma_wait3A_56, %dma_wait3A_57] : memref<80x128xi32, #tpu.memory_space<vmem>> -> memref<1x128xi32, #tpu.memory_space<vmem>>
        %dma_wait3A_59 = tpu.memref_squeeze %dma_wait3A_58 : memref<1x128xi32, #tpu.memory_space<vmem>> -> memref<128xi32, #tpu.memory_space<vmem>>
        %dma_wait3A_60 = arith.constant 0 : i32
        %dma_wait3A_61 = tpu.memref_slice %arg10[%dma_wait3A_60] : memref<10240xf32, #tpu.memory_space<vmem_shared>> -> memref<10240xf32, #tpu.memory_space<vmem_shared>>
        tpu.wait_indirect_dma semaphore(%arg12 : memref<!tpu.dma_semaphore, #tpu.memory_space<semaphore_mem>>) src(%arg8 : memref<128xf32, #tpu.memory_space<vmem>>) dst(%dma_wait3A_61 : memref<10240xf32, #tpu.memory_space<vmem_shared>>)
        %dma_wait3A_62 = arith.constant 0 : i32
        %dma_wait3A_63 = arith.constant 0 : i32
        %dma_wait3A_64 = tpu.memref_slice %arg7[%dma_wait3A_62, %dma_wait3A_63] : memref<80x128xi32, #tpu.memory_space<vmem>> -> memref<1x128xi32, #tpu.memory_space<vmem>>
        %dma_wait3A_65 = tpu.memref_squeeze %dma_wait3A_64 : memref<1x128xi32, #tpu.memory_space<vmem>> -> memref<128xi32, #tpu.memory_space<vmem>>
        %dma_wait3A_66 = arith.constant 0 : i32
        %dma_wait3A_67 = tpu.memref_slice %arg11[%dma_wait3A_66] : memref<10240xf32, #tpu.memory_space<vmem_shared>> -> memref<10240xf32, #tpu.memory_space<vmem_shared>>
        tpu.wait_indirect_dma semaphore(%arg13 : memref<!tpu.dma_semaphore, #tpu.memory_space<semaphore_mem>>) src(%arg8 : memref<128xf32, #tpu.memory_space<vmem>>) dst(%dma_wait3A_67 : memref<10240xf32, #tpu.memory_space<vmem_shared>>)
      } else {
      }
      %dma_start3A = arith.constant 0 : i32
      %dma_start3A_47 = tpu.memref_slice %arg6[%scan3A_44, %dma_start3A] : memref<80x128xi32, #tpu.memory_space<vmem>> -> memref<1x128xi32, #tpu.memory_space<vmem>>
      %dma_start3A_48 = tpu.memref_squeeze %dma_start3A_47 : memref<1x128xi32, #tpu.memory_space<vmem>> -> memref<128xi32, #tpu.memory_space<vmem>>
      %dma_start3A_49 = arith.constant 0 : i32
      %dma_start3A_50 = tpu.memref_slice %arg10[%dma_start3A_49] : memref<10240xf32, #tpu.memory_space<vmem_shared>> -> memref<10240xf32, #tpu.memory_space<vmem_shared>>
      tpu.enqueue_indirect_dma source(%arg8 : memref<128xf32, #tpu.memory_space<vmem>>) target(%dma_start3A_50 : memref<10240xf32, #tpu.memory_space<vmem_shared>>) offsets(%dma_start3A_48 : memref<128xi32, #tpu.memory_space<vmem>>) semaphore(%arg12 : memref<!tpu.dma_semaphore, #tpu.memory_space<semaphore_mem>>) {add = true}
      %dma_start3A_51 = arith.constant 0 : i32
      %dma_start3A_52 = tpu.memref_slice %arg7[%scan3A_44, %dma_start3A_51] : memref<80x128xi32, #tpu.memory_space<vmem>> -> memref<1x128xi32, #tpu.memory_space<vmem>>
      %dma_start3A_53 = tpu.memref_squeeze %dma_start3A_52 : memref<1x128xi32, #tpu.memory_space<vmem>> -> memref<128xi32, #tpu.memory_space<vmem>>
      %dma_start3A_54 = arith.constant 0 : i32
      %dma_start3A_55 = tpu.memref_slice %arg11[%dma_start3A_54] : memref<10240xf32, #tpu.memory_space<vmem_shared>> -> memref<10240xf32, #tpu.memory_space<vmem_shared>>
      tpu.enqueue_indirect_dma source(%arg8 : memref<128xf32, #tpu.memory_space<vmem>>) target(%dma_start3A_55 : memref<10240xf32, #tpu.memory_space<vmem_shared>>) offsets(%dma_start3A_53 : memref<128xi32, #tpu.memory_space<vmem>>) semaphore(%arg13 : memref<!tpu.dma_semaphore, #tpu.memory_space<semaphore_mem>>) {add = true}
    }
    %scan3A_19 = arith.constant 80 : i32
    %dma_wait3A = arith.constant 0 : i32
    %dma_wait3A_20 = arith.constant 0 : i32
    %dma_wait3A_21 = tpu.memref_slice %arg6[%dma_wait3A, %dma_wait3A_20] : memref<80x128xi32, #tpu.memory_space<vmem>> -> memref<1x128xi32, #tpu.memory_space<vmem>>
    %dma_wait3A_22 = tpu.memref_squeeze %dma_wait3A_21 : memref<1x128xi32, #tpu.memory_space<vmem>> -> memref<128xi32, #tpu.memory_space<vmem>>
    %dma_wait3A_23 = arith.constant 0 : i32
    %dma_wait3A_24 = tpu.memref_slice %arg10[%dma_wait3A_23] : memref<10240xf32, #tpu.memory_space<vmem_shared>> -> memref<10240xf32, #tpu.memory_space<vmem_shared>>
    tpu.wait_indirect_dma semaphore(%arg12 : memref<!tpu.dma_semaphore, #tpu.memory_space<semaphore_mem>>) src(%arg8 : memref<128xf32, #tpu.memory_space<vmem>>) dst(%dma_wait3A_24 : memref<10240xf32, #tpu.memory_space<vmem_shared>>)
    %dma_wait3A_25 = arith.constant 0 : i32
    %dma_wait3A_26 = arith.constant 0 : i32
    %dma_wait3A_27 = tpu.memref_slice %arg7[%dma_wait3A_25, %dma_wait3A_26] : memref<80x128xi32, #tpu.memory_space<vmem>> -> memref<1x128xi32, #tpu.memory_space<vmem>>
    %dma_wait3A_28 = tpu.memref_squeeze %dma_wait3A_27 : memref<1x128xi32, #tpu.memory_space<vmem>> -> memref<128xi32, #tpu.memory_space<vmem>>
    %dma_wait3A_29 = arith.constant 0 : i32
    %dma_wait3A_30 = tpu.memref_slice %arg11[%dma_wait3A_29] : memref<10240xf32, #tpu.memory_space<vmem_shared>> -> memref<10240xf32, #tpu.memory_space<vmem_shared>>
    tpu.wait_indirect_dma semaphore(%arg13 : memref<!tpu.dma_semaphore, #tpu.memory_space<semaphore_mem>>) src(%arg8 : memref<128xf32, #tpu.memory_space<vmem>>) dst(%dma_wait3A_30 : memref<10240xf32, #tpu.memory_space<vmem_shared>>)
    %dma_wait3A_31 = arith.constant 0 : i32
    %dma_wait3A_32 = arith.constant 0 : i32
    %dma_wait3A_33 = tpu.memref_slice %arg6[%dma_wait3A_31, %dma_wait3A_32] : memref<80x128xi32, #tpu.memory_space<vmem>> -> memref<1x128xi32, #tpu.memory_space<vmem>>
    %dma_wait3A_34 = tpu.memref_squeeze %dma_wait3A_33 : memref<1x128xi32, #tpu.memory_space<vmem>> -> memref<128xi32, #tpu.memory_space<vmem>>
    %dma_wait3A_35 = arith.constant 0 : i32
    %dma_wait3A_36 = tpu.memref_slice %arg10[%dma_wait3A_35] : memref<10240xf32, #tpu.memory_space<vmem_shared>> -> memref<10240xf32, #tpu.memory_space<vmem_shared>>
    tpu.wait_indirect_dma semaphore(%arg12 : memref<!tpu.dma_semaphore, #tpu.memory_space<semaphore_mem>>) src(%arg8 : memref<128xf32, #tpu.memory_space<vmem>>) dst(%dma_wait3A_36 : memref<10240xf32, #tpu.memory_space<vmem_shared>>)
    %dma_wait3A_37 = arith.constant 0 : i32
    %dma_wait3A_38 = arith.constant 0 : i32
    %dma_wait3A_39 = tpu.memref_slice %arg7[%dma_wait3A_37, %dma_wait3A_38] : memref<80x128xi32, #tpu.memory_space<vmem>> -> memref<1x128xi32, #tpu.memory_space<vmem>>
    %dma_wait3A_40 = tpu.memref_squeeze %dma_wait3A_39 : memref<1x128xi32, #tpu.memory_space<vmem>> -> memref<128xi32, #tpu.memory_space<vmem>>
    %dma_wait3A_41 = arith.constant 0 : i32
    %dma_wait3A_42 = tpu.memref_slice %arg11[%dma_wait3A_41] : memref<10240xf32, #tpu.memory_space<vmem_shared>> -> memref<10240xf32, #tpu.memory_space<vmem_shared>>
    tpu.wait_indirect_dma semaphore(%arg13 : memref<!tpu.dma_semaphore, #tpu.memory_space<semaphore_mem>>) src(%arg8 : memref<128xf32, #tpu.memory_space<vmem>>) dst(%dma_wait3A_42 : memref<10240xf32, #tpu.memory_space<vmem_shared>>)
    %barrier3A_43 = arith.constant 0 : index
    tpu.barrier barrier_id(%barrier3A_43)
    "tpu.region"() ({
      %run_scoped3A = tpu.sem_alloc : memref<!tpu.dma_semaphore, #tpu.memory_space<semaphore_mem>>
      %dma_start3A = tpu.memref_slice %arg10[%mul3A_2] : memref<10240xf32, #tpu.memory_space<vmem_shared>> -> memref<640xf32, #tpu.memory_space<vmem_shared>>
      %dma_start3A_44 = tpu.memref_slice %arg10[%mul3A_2] : memref<10240xf32, #tpu.memory_space<vmem_shared>> -> memref<640xf32, #tpu.memory_space<vmem_shared>>
      tpu.enqueue_dma source(%dma_start3A_44 : memref<640xf32, #tpu.memory_space<vmem_shared>>) target(%arg9 : memref<640xf32, #tpu.memory_space<vmem>>) target_semaphore(%run_scoped3A : memref<!tpu.dma_semaphore, #tpu.memory_space<semaphore_mem>>)
      %dma_wait3A_45 = tpu.memref_slice %arg10[%mul3A_2] : memref<10240xf32, #tpu.memory_space<vmem_shared>> -> memref<640xf32, #tpu.memory_space<vmem_shared>>
      %dma_wait3A_46 = tpu.memref_slice %arg10[%mul3A_2] : memref<10240xf32, #tpu.memory_space<vmem_shared>> -> memref<640xf32, #tpu.memory_space<vmem_shared>>
      tpu.wait_dma2 semaphore(%run_scoped3A : memref<!tpu.dma_semaphore, #tpu.memory_space<semaphore_mem>>) src(%dma_wait3A_46 : memref<640xf32, #tpu.memory_space<vmem_shared>>) dst(%arg9 : memref<640xf32, #tpu.memory_space<vmem>>)
      tpu.yield
    }) : () -> ()
    "tpu.region"() ({
      %run_scoped3A = tpu.sem_alloc : memref<!tpu.dma_semaphore, #tpu.memory_space<semaphore_mem>>
      %dma_start3A = tpu.memref_slice %arg4[%arg0, %mul3A_2] : memref<2x10240xf32, #tpu.memory_space<hbm>> -> memref<1x640xf32, #tpu.memory_space<hbm>>
      %dma_start3A_44 = tpu.memref_squeeze %dma_start3A : memref<1x640xf32, #tpu.memory_space<hbm>> -> memref<640xf32, #tpu.memory_space<hbm>>
      %dma_start3A_45 = tpu.memref_slice %arg4[%arg0, %mul3A_2] : memref<2x10240xf32, #tpu.memory_space<hbm>> -> memref<1x640xf32, #tpu.memory_space<hbm>>
      %dma_start3A_46 = tpu.memref_squeeze %dma_start3A_45 : memref<1x640xf32, #tpu.memory_space<hbm>> -> memref<640xf32, #tpu.memory_space<hbm>>
      tpu.enqueue_dma source(%arg9 : memref<640xf32, #tpu.memory_space<vmem>>) target(%dma_start3A_46 : memref<640xf32, #tpu.memory_space<hbm>>) target_semaphore(%run_scoped3A : memref<!tpu.dma_semaphore, #tpu.memory_space<semaphore_mem>>)
      %dma_wait3A_47 = tpu.memref_slice %arg4[%arg0, %mul3A_2] : memref<2x10240xf32, #tpu.memory_space<hbm>> -> memref<1x640xf32, #tpu.memory_space<hbm>>
      %dma_wait3A_48 = tpu.memref_squeeze %dma_wait3A_47 : memref<1x640xf32, #tpu.memory_space<hbm>> -> memref<640xf32, #tpu.memory_space<hbm>>
      %dma_wait3A_49 = tpu.memref_slice %arg4[%arg0, %mul3A_2] : memref<2x10240xf32, #tpu.memory_space<hbm>> -> memref<1x640xf32, #tpu.memory_space<hbm>>
      %dma_wait3A_50 = tpu.memref_squeeze %dma_wait3A_49 : memref<1x640xf32, #tpu.memory_space<hbm>> -> memref<640xf32, #tpu.memory_space<hbm>>
      tpu.wait_dma2 semaphore(%run_scoped3A : memref<!tpu.dma_semaphore, #tpu.memory_space<semaphore_mem>>) src(%arg9 : memref<640xf32, #tpu.memory_space<vmem>>) dst(%dma_wait3A_50 : memref<640xf32, #tpu.memory_space<hbm>>)
      tpu.yield
    }) : () -> ()
    "tpu.region"() ({
      %run_scoped3A = tpu.sem_alloc : memref<!tpu.dma_semaphore, #tpu.memory_space<semaphore_mem>>
      %dma_start3A = tpu.memref_slice %arg11[%mul3A_2] : memref<10240xf32, #tpu.memory_space<vmem_shared>> -> memref<640xf32, #tpu.memory_space<vmem_shared>>
      %dma_start3A_44 = tpu.memref_slice %arg11[%mul3A_2] : memref<10240xf32, #tpu.memory_space<vmem_shared>> -> memref<640xf32, #tpu.memory_space<vmem_shared>>
      tpu.enqueue_dma source(%dma_start3A_44 : memref<640xf32, #tpu.memory_space<vmem_shared>>) target(%arg9 : memref<640xf32, #tpu.memory_space<vmem>>) target_semaphore(%run_scoped3A : memref<!tpu.dma_semaphore, #tpu.memory_space<semaphore_mem>>)
      %dma_wait3A_45 = tpu.memref_slice %arg11[%mul3A_2] : memref<10240xf32, #tpu.memory_space<vmem_shared>> -> memref<640xf32, #tpu.memory_space<vmem_shared>>
      %dma_wait3A_46 = tpu.memref_slice %arg11[%mul3A_2] : memref<10240xf32, #tpu.memory_space<vmem_shared>> -> memref<640xf32, #tpu.memory_space<vmem_shared>>
      tpu.wait_dma2 semaphore(%run_scoped3A : memref<!tpu.dma_semaphore, #tpu.memory_space<semaphore_mem>>) src(%dma_wait3A_46 : memref<640xf32, #tpu.memory_space<vmem_shared>>) dst(%arg9 : memref<640xf32, #tpu.memory_space<vmem>>)
      tpu.yield
    }) : () -> ()
    "tpu.region"() ({
      %run_scoped3A = tpu.sem_alloc : memref<!tpu.dma_semaphore, #tpu.memory_space<semaphore_mem>>
      %dma_start3A = tpu.memref_slice %arg5[%arg0, %mul3A_2] : memref<2x10240xf32, #tpu.memory_space<hbm>> -> memref<1x640xf32, #tpu.memory_space<hbm>>
      %dma_start3A_44 = tpu.memref_squeeze %dma_start3A : memref<1x640xf32, #tpu.memory_space<hbm>> -> memref<640xf32, #tpu.memory_space<hbm>>
      %dma_start3A_45 = tpu.memref_slice %arg5[%arg0, %mul3A_2] : memref<2x10240xf32, #tpu.memory_space<hbm>> -> memref<1x640xf32, #tpu.memory_space<hbm>>
      %dma_start3A_46 = tpu.memref_squeeze %dma_start3A_45 : memref<1x640xf32, #tpu.memory_space<hbm>> -> memref<640xf32, #tpu.memory_space<hbm>>
      tpu.enqueue_dma source(%arg9 : memref<640xf32, #tpu.memory_space<vmem>>) target(%dma_start3A_46 : memref<640xf32, #tpu.memory_space<hbm>>) target_semaphore(%run_scoped3A : memref<!tpu.dma_semaphore, #tpu.memory_space<semaphore_mem>>)
      %dma_wait3A_47 = tpu.memref_slice %arg5[%arg0, %mul3A_2] : memref<2x10240xf32, #tpu.memory_space<hbm>> -> memref<1x640xf32, #tpu.memory_space<hbm>>
      %dma_wait3A_48 = tpu.memref_squeeze %dma_wait3A_47 : memref<1x640xf32, #tpu.memory_space<hbm>> -> memref<640xf32, #tpu.memory_space<hbm>>
      %dma_wait3A_49 = tpu.memref_slice %arg5[%arg0, %mul3A_2] : memref<2x10240xf32, #tpu.memory_space<hbm>> -> memref<1x640xf32, #tpu.memory_space<hbm>>
      %dma_wait3A_50 = tpu.memref_squeeze %dma_wait3A_49 : memref<1x640xf32, #tpu.memory_space<hbm>> -> memref<640xf32, #tpu.memory_space<hbm>>
      tpu.wait_dma2 semaphore(%run_scoped3A : memref<!tpu.dma_semaphore, #tpu.memory_space<semaphore_mem>>) src(%arg9 : memref<640xf32, #tpu.memory_space<vmem>>) dst(%dma_wait3A_50 : memref<640xf32, #tpu.memory_space<hbm>>)
      tpu.yield
    }) : () -> ()
    return
  }
}

module attributes {stable_mosaic.version = 14 : i64} {
  func.func @body(%arg0: i32, %arg1: memref<2x80x128xf32, #tpu.memory_space<vmem>>, %arg2: memref<1024x128xf32, #tpu.memory_space<vmem>>, %arg3: memref<128x64xf32, #tpu.memory_space<vmem>>, %arg4: memref<1024x64xbf16, #tpu.memory_space<vmem>>) attributes {dimension_semantics = [#tpu.dimension_semantics<arbitrary>], iteration_bounds = array<i64: 10>, scalar_prefetch = 0 : i64, scratch_operands = 0 : i64, tpu.core_type = #tpu.core_type<tc>, window_params = [{pipeline_mode = #tpu.pipeline_mode<synchronous>, transform_indices = @transform_0, window_bounds = array<i64: 2, 80, 128>}, {transform_indices = @transform_1, window_bounds = array<i64: 1024, 128>}, {pipeline_mode = #tpu.pipeline_mode<synchronous>, transform_indices = @transform_2, window_bounds = array<i64: 128, 64>}, {transform_indices = @transform_3, window_bounds = array<i64: 1024, 64>}]} {
    %get3A = arith.constant 0 : index
    %get3A_0 = arith.constant 0 : index
    %get3A_1 = vector.load %arg2[%get3A, %get3A_0] : memref<1024x128xf32, #tpu.memory_space<vmem>>, vector<1024x128xf32>
    %get3A_2 = arith.constant 0 : index
    %get3A_3 = arith.constant 0 : index
    %get3A_4 = vector.load %arg3[%get3A_2, %get3A_3] : memref<128x64xf32, #tpu.memory_space<vmem>>, vector<128x64xf32>
    %dot_general3A = arith.constant dense<0.000000e+00> : vector<1024x64xf32>
    %dot_general3A_5 = tpu.matmul %get3A_1, %get3A_4, %dot_general3A {dimension_numbers = #tpu.dot_dimension_numbers<[1], [0], [0], [1], [0, 0, 1, 1], [], []>, transpose_lhs_hint = false} : vector<1024x128xf32>, vector<128x64xf32>, vector<1024x64xf32> -> vector<1024x64xf32>
    %mul3A = arith.constant 8 : i32
    %mul3A_6 = arith.muli %arg0, %mul3A : i32
    %add3A = arith.constant 0 : i32
    %add3A_7 = arith.addi %mul3A_6, %add3A : i32
    %get3A_8 = arith.constant 0 : index
    %get3A_9 = arith.index_cast %add3A_7 : i32 to index
    %get3A_10 = arith.constant 0 : index
    %get3A_11 = vector.load %arg1[%get3A_8, %get3A_9, %get3A_10] : memref<2x80x128xf32, #tpu.memory_space<vmem>>, vector<1x1x128xf32>
    %get3A_12 = vector.shape_cast %get3A_11 : vector<1x1x128xf32> to vector<1x128xf32>
    %get3A_13 = arith.constant 1 : index
    %get3A_14 = arith.index_cast %add3A_7 : i32 to index
    %get3A_15 = arith.constant 0 : index
    %get3A_16 = vector.load %arg1[%get3A_13, %get3A_14, %get3A_15] : memref<2x80x128xf32, #tpu.memory_space<vmem>>, vector<1x1x128xf32>
    %get3A_17 = vector.shape_cast %get3A_16 : vector<1x1x128xf32> to vector<1x128xf32>
    %add3A_18 = arith.addf %get3A_12, %get3A_17 : vector<1x128xf32>
    %max3A = arith.constant 1.000000e+00 : f32
    %max3A_19 = vector.broadcast %max3A : f32 to vector<1x128xf32>
    %max3A_20 = arith.maximumf %add3A_18, %max3A_19 : vector<1x128xf32>
    %rsqrt3A = math.rsqrt %max3A_20 : vector<1x128xf32>
    %iota3A = tpu.iota {dimensions = array<i32: 0>} : vector<128x128xi32>
    %iota3A_21 = tpu.iota {dimensions = array<i32: 1>} : vector<128x128xi32>
    %eq3A = arith.cmpi eq, %iota3A, %iota3A_21 : vector<128x128xi32>
    %jit3A = arith.constant 0.000000e+00 : f32
    %broadcast_in_dim3A = vector.shape_cast %rsqrt3A : vector<1x128xf32> to vector<1x128xf32>
    %broadcast_in_dim3A_22 = vector.broadcast %broadcast_in_dim3A : vector<1x128xf32> to vector<128x128xf32>
    %broadcast_in_dim3A_23 = vector.broadcast %jit3A : f32 to vector<128x128xf32>
    %select_n3A = arith.select %eq3A, %broadcast_in_dim3A_22, %broadcast_in_dim3A_23 : vector<128x128xi1>, vector<128x128xf32>
    %slice3A = vector.extract_strided_slice %dot_general3A_5 {offsets = [0, 0], sizes = [128, 64], strides = [1, 1]} : vector<1024x64xf32> to vector<128x64xf32>
    %dot_general3A_24 = arith.constant dense<0.000000e+00> : vector<128x64xf32>
    %dot_general3A_25 = tpu.matmul %select_n3A, %slice3A, %dot_general3A_24 {dimension_numbers = #tpu.dot_dimension_numbers<[1], [0], [0], [1], [0, 0, 1, 1], [], []>, transpose_lhs_hint = false} : vector<128x128xf32>, vector<128x64xf32>, vector<128x64xf32> -> vector<128x64xf32>
    %convert_element_type3A = arith.truncf %dot_general3A_25 : vector<128x64xf32> to vector<128x64xbf16>
    %swap3A = arith.constant 0 : index
    %swap3A_26 = arith.constant 0 : index
    %swap3A_27 = vector.load %arg4[%swap3A, %swap3A_26] : memref<1024x64xbf16, #tpu.memory_space<vmem>>, vector<128x64xbf16>
    tpu.vector_store %arg4[%swap3A, %swap3A_26], %convert_element_type3A {strides = array<i32>} : memref<1024x64xbf16, #tpu.memory_space<vmem>>, vector<128x64xbf16>,
    %mul3A_28 = arith.constant 8 : i32
    %mul3A_29 = arith.muli %arg0, %mul3A_28 : i32
    %add3A_30 = arith.constant 1 : i32
    %add3A_31 = arith.addi %mul3A_29, %add3A_30 : i32
    %get3A_32 = arith.constant 0 : index
    %get3A_33 = arith.index_cast %add3A_31 : i32 to index
    %get3A_34 = arith.constant 0 : index
    %get3A_35 = vector.load %arg1[%get3A_32, %get3A_33, %get3A_34] : memref<2x80x128xf32, #tpu.memory_space<vmem>>, vector<1x1x128xf32>
    %get3A_36 = vector.shape_cast %get3A_35 : vector<1x1x128xf32> to vector<1x128xf32>
    %get3A_37 = arith.constant 1 : index
    %get3A_38 = arith.index_cast %add3A_31 : i32 to index
    %get3A_39 = arith.constant 0 : index
    %get3A_40 = vector.load %arg1[%get3A_37, %get3A_38, %get3A_39] : memref<2x80x128xf32, #tpu.memory_space<vmem>>, vector<1x1x128xf32>
    %get3A_41 = vector.shape_cast %get3A_40 : vector<1x1x128xf32> to vector<1x128xf32>
    %add3A_42 = arith.addf %get3A_36, %get3A_41 : vector<1x128xf32>
    %max3A_43 = arith.constant 1.000000e+00 : f32
    %max3A_44 = vector.broadcast %max3A_43 : f32 to vector<1x128xf32>
    %max3A_45 = arith.maximumf %add3A_42, %max3A_44 : vector<1x128xf32>
    %rsqrt3A_46 = math.rsqrt %max3A_45 : vector<1x128xf32>
    %iota3A_47 = tpu.iota {dimensions = array<i32: 0>} : vector<128x128xi32>
    %iota3A_48 = tpu.iota {dimensions = array<i32: 1>} : vector<128x128xi32>
    %eq3A_49 = arith.cmpi eq, %iota3A_47, %iota3A_48 : vector<128x128xi32>
    %jit3A_50 = arith.constant 0.000000e+00 : f32
    %broadcast_in_dim3A_51 = vector.shape_cast %rsqrt3A_46 : vector<1x128xf32> to vector<1x128xf32>
    %broadcast_in_dim3A_52 = vector.broadcast %broadcast_in_dim3A_51 : vector<1x128xf32> to vector<128x128xf32>
    %broadcast_in_dim3A_53 = vector.broadcast %jit3A_50 : f32 to vector<128x128xf32>
    %select_n3A_54 = arith.select %eq3A_49, %broadcast_in_dim3A_52, %broadcast_in_dim3A_53 : vector<128x128xi1>, vector<128x128xf32>
    %slice3A_55 = vector.extract_strided_slice %dot_general3A_5 {offsets = [128, 0], sizes = [128, 64], strides = [1, 1]} : vector<1024x64xf32> to vector<128x64xf32>
    %dot_general3A_56 = arith.constant dense<0.000000e+00> : vector<128x64xf32>
    %dot_general3A_57 = tpu.matmul %select_n3A_54, %slice3A_55, %dot_general3A_56 {dimension_numbers = #tpu.dot_dimension_numbers<[1], [0], [0], [1], [0, 0, 1, 1], [], []>, transpose_lhs_hint = false} : vector<128x128xf32>, vector<128x64xf32>, vector<128x64xf32> -> vector<128x64xf32>
    %convert_element_type3A_58 = arith.truncf %dot_general3A_57 : vector<128x64xf32> to vector<128x64xbf16>
    %swap3A_59 = arith.constant 128 : index
    %swap3A_60 = arith.constant 0 : index
    %swap3A_61 = vector.load %arg4[%swap3A_59, %swap3A_60] : memref<1024x64xbf16, #tpu.memory_space<vmem>>, vector<128x64xbf16>
    tpu.vector_store %arg4[%swap3A_59, %swap3A_60], %convert_element_type3A_58 {strides = array<i32>} : memref<1024x64xbf16, #tpu.memory_space<vmem>>, vector<128x64xbf16>,
    %mul3A_62 = arith.constant 8 : i32
    %mul3A_63 = arith.muli %arg0, %mul3A_62 : i32
    %add3A_64 = arith.constant 2 : i32
    %add3A_65 = arith.addi %mul3A_63, %add3A_64 : i32
    %get3A_66 = arith.constant 0 : index
    %get3A_67 = arith.index_cast %add3A_65 : i32 to index
    %get3A_68 = arith.constant 0 : index
    %get3A_69 = vector.load %arg1[%get3A_66, %get3A_67, %get3A_68] : memref<2x80x128xf32, #tpu.memory_space<vmem>>, vector<1x1x128xf32>
    %get3A_70 = vector.shape_cast %get3A_69 : vector<1x1x128xf32> to vector<1x128xf32>
    %get3A_71 = arith.constant 1 : index
    %get3A_72 = arith.index_cast %add3A_65 : i32 to index
    %get3A_73 = arith.constant 0 : index
    %get3A_74 = vector.load %arg1[%get3A_71, %get3A_72, %get3A_73] : memref<2x80x128xf32, #tpu.memory_space<vmem>>, vector<1x1x128xf32>
    %get3A_75 = vector.shape_cast %get3A_74 : vector<1x1x128xf32> to vector<1x128xf32>
    %add3A_76 = arith.addf %get3A_70, %get3A_75 : vector<1x128xf32>
    %max3A_77 = arith.constant 1.000000e+00 : f32
    %max3A_78 = vector.broadcast %max3A_77 : f32 to vector<1x128xf32>
    %max3A_79 = arith.maximumf %add3A_76, %max3A_78 : vector<1x128xf32>
    %rsqrt3A_80 = math.rsqrt %max3A_79 : vector<1x128xf32>
    %iota3A_81 = tpu.iota {dimensions = array<i32: 0>} : vector<128x128xi32>
    %iota3A_82 = tpu.iota {dimensions = array<i32: 1>} : vector<128x128xi32>
    %eq3A_83 = arith.cmpi eq, %iota3A_81, %iota3A_82 : vector<128x128xi32>
    %jit3A_84 = arith.constant 0.000000e+00 : f32
    %broadcast_in_dim3A_85 = vector.shape_cast %rsqrt3A_80 : vector<1x128xf32> to vector<1x128xf32>
    %broadcast_in_dim3A_86 = vector.broadcast %broadcast_in_dim3A_85 : vector<1x128xf32> to vector<128x128xf32>
    %broadcast_in_dim3A_87 = vector.broadcast %jit3A_84 : f32 to vector<128x128xf32>
    %select_n3A_88 = arith.select %eq3A_83, %broadcast_in_dim3A_86, %broadcast_in_dim3A_87 : vector<128x128xi1>, vector<128x128xf32>
    %slice3A_89 = vector.extract_strided_slice %dot_general3A_5 {offsets = [256, 0], sizes = [128, 64], strides = [1, 1]} : vector<1024x64xf32> to vector<128x64xf32>
    %dot_general3A_90 = arith.constant dense<0.000000e+00> : vector<128x64xf32>
    %dot_general3A_91 = tpu.matmul %select_n3A_88, %slice3A_89, %dot_general3A_90 {dimension_numbers = #tpu.dot_dimension_numbers<[1], [0], [0], [1], [0, 0, 1, 1], [], []>, transpose_lhs_hint = false} : vector<128x128xf32>, vector<128x64xf32>, vector<128x64xf32> -> vector<128x64xf32>
    %convert_element_type3A_92 = arith.truncf %dot_general3A_91 : vector<128x64xf32> to vector<128x64xbf16>
    %swap3A_93 = arith.constant 256 : index
    %swap3A_94 = arith.constant 0 : index
    %swap3A_95 = vector.load %arg4[%swap3A_93, %swap3A_94] : memref<1024x64xbf16, #tpu.memory_space<vmem>>, vector<128x64xbf16>
    tpu.vector_store %arg4[%swap3A_93, %swap3A_94], %convert_element_type3A_92 {strides = array<i32>} : memref<1024x64xbf16, #tpu.memory_space<vmem>>, vector<128x64xbf16>,
    %mul3A_96 = arith.constant 8 : i32
    %mul3A_97 = arith.muli %arg0, %mul3A_96 : i32
    %add3A_98 = arith.constant 3 : i32
    %add3A_99 = arith.addi %mul3A_97, %add3A_98 : i32
    %get3A_100 = arith.constant 0 : index
    %get3A_101 = arith.index_cast %add3A_99 : i32 to index
    %get3A_102 = arith.constant 0 : index
    %get3A_103 = vector.load %arg1[%get3A_100, %get3A_101, %get3A_102] : memref<2x80x128xf32, #tpu.memory_space<vmem>>, vector<1x1x128xf32>
    %get3A_104 = vector.shape_cast %get3A_103 : vector<1x1x128xf32> to vector<1x128xf32>
    %get3A_105 = arith.constant 1 : index
    %get3A_106 = arith.index_cast %add3A_99 : i32 to index
    %get3A_107 = arith.constant 0 : index
    %get3A_108 = vector.load %arg1[%get3A_105, %get3A_106, %get3A_107] : memref<2x80x128xf32, #tpu.memory_space<vmem>>, vector<1x1x128xf32>
    %get3A_109 = vector.shape_cast %get3A_108 : vector<1x1x128xf32> to vector<1x128xf32>
    %add3A_110 = arith.addf %get3A_104, %get3A_109 : vector<1x128xf32>
    %max3A_111 = arith.constant 1.000000e+00 : f32
    %max3A_112 = vector.broadcast %max3A_111 : f32 to vector<1x128xf32>
    %max3A_113 = arith.maximumf %add3A_110, %max3A_112 : vector<1x128xf32>
    %rsqrt3A_114 = math.rsqrt %max3A_113 : vector<1x128xf32>
    %iota3A_115 = tpu.iota {dimensions = array<i32: 0>} : vector<128x128xi32>
    %iota3A_116 = tpu.iota {dimensions = array<i32: 1>} : vector<128x128xi32>
    %eq3A_117 = arith.cmpi eq, %iota3A_115, %iota3A_116 : vector<128x128xi32>
    %jit3A_118 = arith.constant 0.000000e+00 : f32
    %broadcast_in_dim3A_119 = vector.shape_cast %rsqrt3A_114 : vector<1x128xf32> to vector<1x128xf32>
    %broadcast_in_dim3A_120 = vector.broadcast %broadcast_in_dim3A_119 : vector<1x128xf32> to vector<128x128xf32>
    %broadcast_in_dim3A_121 = vector.broadcast %jit3A_118 : f32 to vector<128x128xf32>
    %select_n3A_122 = arith.select %eq3A_117, %broadcast_in_dim3A_120, %broadcast_in_dim3A_121 : vector<128x128xi1>, vector<128x128xf32>
    %slice3A_123 = vector.extract_strided_slice %dot_general3A_5 {offsets = [384, 0], sizes = [128, 64], strides = [1, 1]} : vector<1024x64xf32> to vector<128x64xf32>
    %dot_general3A_124 = arith.constant dense<0.000000e+00> : vector<128x64xf32>
    %dot_general3A_125 = tpu.matmul %select_n3A_122, %slice3A_123, %dot_general3A_124 {dimension_numbers = #tpu.dot_dimension_numbers<[1], [0], [0], [1], [0, 0, 1, 1], [], []>, transpose_lhs_hint = false} : vector<128x128xf32>, vector<128x64xf32>, vector<128x64xf32> -> vector<128x64xf32>
    %convert_element_type3A_126 = arith.truncf %dot_general3A_125 : vector<128x64xf32> to vector<128x64xbf16>
    %swap3A_127 = arith.constant 384 : index
    %swap3A_128 = arith.constant 0 : index
    %swap3A_129 = vector.load %arg4[%swap3A_127, %swap3A_128] : memref<1024x64xbf16, #tpu.memory_space<vmem>>, vector<128x64xbf16>
    tpu.vector_store %arg4[%swap3A_127, %swap3A_128], %convert_element_type3A_126 {strides = array<i32>} : memref<1024x64xbf16, #tpu.memory_space<vmem>>, vector<128x64xbf16>,
    %mul3A_130 = arith.constant 8 : i32
    %mul3A_131 = arith.muli %arg0, %mul3A_130 : i32
    %add3A_132 = arith.constant 4 : i32
    %add3A_133 = arith.addi %mul3A_131, %add3A_132 : i32
    %get3A_134 = arith.constant 0 : index
    %get3A_135 = arith.index_cast %add3A_133 : i32 to index
    %get3A_136 = arith.constant 0 : index
    %get3A_137 = vector.load %arg1[%get3A_134, %get3A_135, %get3A_136] : memref<2x80x128xf32, #tpu.memory_space<vmem>>, vector<1x1x128xf32>
    %get3A_138 = vector.shape_cast %get3A_137 : vector<1x1x128xf32> to vector<1x128xf32>
    %get3A_139 = arith.constant 1 : index
    %get3A_140 = arith.index_cast %add3A_133 : i32 to index
    %get3A_141 = arith.constant 0 : index
    %get3A_142 = vector.load %arg1[%get3A_139, %get3A_140, %get3A_141] : memref<2x80x128xf32, #tpu.memory_space<vmem>>, vector<1x1x128xf32>
    %get3A_143 = vector.shape_cast %get3A_142 : vector<1x1x128xf32> to vector<1x128xf32>
    %add3A_144 = arith.addf %get3A_138, %get3A_143 : vector<1x128xf32>
    %max3A_145 = arith.constant 1.000000e+00 : f32
    %max3A_146 = vector.broadcast %max3A_145 : f32 to vector<1x128xf32>
    %max3A_147 = arith.maximumf %add3A_144, %max3A_146 : vector<1x128xf32>
    %rsqrt3A_148 = math.rsqrt %max3A_147 : vector<1x128xf32>
    %iota3A_149 = tpu.iota {dimensions = array<i32: 0>} : vector<128x128xi32>
    %iota3A_150 = tpu.iota {dimensions = array<i32: 1>} : vector<128x128xi32>
    %eq3A_151 = arith.cmpi eq, %iota3A_149, %iota3A_150 : vector<128x128xi32>
    %jit3A_152 = arith.constant 0.000000e+00 : f32
    %broadcast_in_dim3A_153 = vector.shape_cast %rsqrt3A_148 : vector<1x128xf32> to vector<1x128xf32>
    %broadcast_in_dim3A_154 = vector.broadcast %broadcast_in_dim3A_153 : vector<1x128xf32> to vector<128x128xf32>
    %broadcast_in_dim3A_155 = vector.broadcast %jit3A_152 : f32 to vector<128x128xf32>
    %select_n3A_156 = arith.select %eq3A_151, %broadcast_in_dim3A_154, %broadcast_in_dim3A_155 : vector<128x128xi1>, vector<128x128xf32>
    %slice3A_157 = vector.extract_strided_slice %dot_general3A_5 {offsets = [512, 0], sizes = [128, 64], strides = [1, 1]} : vector<1024x64xf32> to vector<128x64xf32>
    %dot_general3A_158 = arith.constant dense<0.000000e+00> : vector<128x64xf32>
    %dot_general3A_159 = tpu.matmul %select_n3A_156, %slice3A_157, %dot_general3A_158 {dimension_numbers = #tpu.dot_dimension_numbers<[1], [0], [0], [1], [0, 0, 1, 1], [], []>, transpose_lhs_hint = false} : vector<128x128xf32>, vector<128x64xf32>, vector<128x64xf32> -> vector<128x64xf32>
    %convert_element_type3A_160 = arith.truncf %dot_general3A_159 : vector<128x64xf32> to vector<128x64xbf16>
    %swap3A_161 = arith.constant 512 : index
    %swap3A_162 = arith.constant 0 : index
    %swap3A_163 = vector.load %arg4[%swap3A_161, %swap3A_162] : memref<1024x64xbf16, #tpu.memory_space<vmem>>, vector<128x64xbf16>
    tpu.vector_store %arg4[%swap3A_161, %swap3A_162], %convert_element_type3A_160 {strides = array<i32>} : memref<1024x64xbf16, #tpu.memory_space<vmem>>, vector<128x64xbf16>,
    %mul3A_164 = arith.constant 8 : i32
    %mul3A_165 = arith.muli %arg0, %mul3A_164 : i32
    %add3A_166 = arith.constant 5 : i32
    %add3A_167 = arith.addi %mul3A_165, %add3A_166 : i32
    %get3A_168 = arith.constant 0 : index
    %get3A_169 = arith.index_cast %add3A_167 : i32 to index
    %get3A_170 = arith.constant 0 : index
    %get3A_171 = vector.load %arg1[%get3A_168, %get3A_169, %get3A_170] : memref<2x80x128xf32, #tpu.memory_space<vmem>>, vector<1x1x128xf32>
    %get3A_172 = vector.shape_cast %get3A_171 : vector<1x1x128xf32> to vector<1x128xf32>
    %get3A_173 = arith.constant 1 : index
    %get3A_174 = arith.index_cast %add3A_167 : i32 to index
    %get3A_175 = arith.constant 0 : index
    %get3A_176 = vector.load %arg1[%get3A_173, %get3A_174, %get3A_175] : memref<2x80x128xf32, #tpu.memory_space<vmem>>, vector<1x1x128xf32>
    %get3A_177 = vector.shape_cast %get3A_176 : vector<1x1x128xf32> to vector<1x128xf32>
    %add3A_178 = arith.addf %get3A_172, %get3A_177 : vector<1x128xf32>
    %max3A_179 = arith.constant 1.000000e+00 : f32
    %max3A_180 = vector.broadcast %max3A_179 : f32 to vector<1x128xf32>
    %max3A_181 = arith.maximumf %add3A_178, %max3A_180 : vector<1x128xf32>
    %rsqrt3A_182 = math.rsqrt %max3A_181 : vector<1x128xf32>
    %iota3A_183 = tpu.iota {dimensions = array<i32: 0>} : vector<128x128xi32>
    %iota3A_184 = tpu.iota {dimensions = array<i32: 1>} : vector<128x128xi32>
    %eq3A_185 = arith.cmpi eq, %iota3A_183, %iota3A_184 : vector<128x128xi32>
    %jit3A_186 = arith.constant 0.000000e+00 : f32
    %broadcast_in_dim3A_187 = vector.shape_cast %rsqrt3A_182 : vector<1x128xf32> to vector<1x128xf32>
    %broadcast_in_dim3A_188 = vector.broadcast %broadcast_in_dim3A_187 : vector<1x128xf32> to vector<128x128xf32>
    %broadcast_in_dim3A_189 = vector.broadcast %jit3A_186 : f32 to vector<128x128xf32>
    %select_n3A_190 = arith.select %eq3A_185, %broadcast_in_dim3A_188, %broadcast_in_dim3A_189 : vector<128x128xi1>, vector<128x128xf32>
    %slice3A_191 = vector.extract_strided_slice %dot_general3A_5 {offsets = [640, 0], sizes = [128, 64], strides = [1, 1]} : vector<1024x64xf32> to vector<128x64xf32>
    %dot_general3A_192 = arith.constant dense<0.000000e+00> : vector<128x64xf32>
    %dot_general3A_193 = tpu.matmul %select_n3A_190, %slice3A_191, %dot_general3A_192 {dimension_numbers = #tpu.dot_dimension_numbers<[1], [0], [0], [1], [0, 0, 1, 1], [], []>, transpose_lhs_hint = false} : vector<128x128xf32>, vector<128x64xf32>, vector<128x64xf32> -> vector<128x64xf32>
    %convert_element_type3A_194 = arith.truncf %dot_general3A_193 : vector<128x64xf32> to vector<128x64xbf16>
    %swap3A_195 = arith.constant 640 : index
    %swap3A_196 = arith.constant 0 : index
    %swap3A_197 = vector.load %arg4[%swap3A_195, %swap3A_196] : memref<1024x64xbf16, #tpu.memory_space<vmem>>, vector<128x64xbf16>
    tpu.vector_store %arg4[%swap3A_195, %swap3A_196], %convert_element_type3A_194 {strides = array<i32>} : memref<1024x64xbf16, #tpu.memory_space<vmem>>, vector<128x64xbf16>,
    %mul3A_198 = arith.constant 8 : i32
    %mul3A_199 = arith.muli %arg0, %mul3A_198 : i32
    %add3A_200 = arith.constant 6 : i32
    %add3A_201 = arith.addi %mul3A_199, %add3A_200 : i32
    %get3A_202 = arith.constant 0 : index
    %get3A_203 = arith.index_cast %add3A_201 : i32 to index
    %get3A_204 = arith.constant 0 : index
    %get3A_205 = vector.load %arg1[%get3A_202, %get3A_203, %get3A_204] : memref<2x80x128xf32, #tpu.memory_space<vmem>>, vector<1x1x128xf32>
    %get3A_206 = vector.shape_cast %get3A_205 : vector<1x1x128xf32> to vector<1x128xf32>
    %get3A_207 = arith.constant 1 : index
    %get3A_208 = arith.index_cast %add3A_201 : i32 to index
    %get3A_209 = arith.constant 0 : index
    %get3A_210 = vector.load %arg1[%get3A_207, %get3A_208, %get3A_209] : memref<2x80x128xf32, #tpu.memory_space<vmem>>, vector<1x1x128xf32>
    %get3A_211 = vector.shape_cast %get3A_210 : vector<1x1x128xf32> to vector<1x128xf32>
    %add3A_212 = arith.addf %get3A_206, %get3A_211 : vector<1x128xf32>
    %max3A_213 = arith.constant 1.000000e+00 : f32
    %max3A_214 = vector.broadcast %max3A_213 : f32 to vector<1x128xf32>
    %max3A_215 = arith.maximumf %add3A_212, %max3A_214 : vector<1x128xf32>
    %rsqrt3A_216 = math.rsqrt %max3A_215 : vector<1x128xf32>
    %iota3A_217 = tpu.iota {dimensions = array<i32: 0>} : vector<128x128xi32>
    %iota3A_218 = tpu.iota {dimensions = array<i32: 1>} : vector<128x128xi32>
    %eq3A_219 = arith.cmpi eq, %iota3A_217, %iota3A_218 : vector<128x128xi32>
    %jit3A_220 = arith.constant 0.000000e+00 : f32
    %broadcast_in_dim3A_221 = vector.shape_cast %rsqrt3A_216 : vector<1x128xf32> to vector<1x128xf32>
    %broadcast_in_dim3A_222 = vector.broadcast %broadcast_in_dim3A_221 : vector<1x128xf32> to vector<128x128xf32>
    %broadcast_in_dim3A_223 = vector.broadcast %jit3A_220 : f32 to vector<128x128xf32>
    %select_n3A_224 = arith.select %eq3A_219, %broadcast_in_dim3A_222, %broadcast_in_dim3A_223 : vector<128x128xi1>, vector<128x128xf32>
    %slice3A_225 = vector.extract_strided_slice %dot_general3A_5 {offsets = [768, 0], sizes = [128, 64], strides = [1, 1]} : vector<1024x64xf32> to vector<128x64xf32>
    %dot_general3A_226 = arith.constant dense<0.000000e+00> : vector<128x64xf32>
    %dot_general3A_227 = tpu.matmul %select_n3A_224, %slice3A_225, %dot_general3A_226 {dimension_numbers = #tpu.dot_dimension_numbers<[1], [0], [0], [1], [0, 0, 1, 1], [], []>, transpose_lhs_hint = false} : vector<128x128xf32>, vector<128x64xf32>, vector<128x64xf32> -> vector<128x64xf32>
    %convert_element_type3A_228 = arith.truncf %dot_general3A_227 : vector<128x64xf32> to vector<128x64xbf16>
    %swap3A_229 = arith.constant 768 : index
    %swap3A_230 = arith.constant 0 : index
    %swap3A_231 = vector.load %arg4[%swap3A_229, %swap3A_230] : memref<1024x64xbf16, #tpu.memory_space<vmem>>, vector<128x64xbf16>
    tpu.vector_store %arg4[%swap3A_229, %swap3A_230], %convert_element_type3A_228 {strides = array<i32>} : memref<1024x64xbf16, #tpu.memory_space<vmem>>, vector<128x64xbf16>,
    %mul3A_232 = arith.constant 8 : i32
    %mul3A_233 = arith.muli %arg0, %mul3A_232 : i32
    %add3A_234 = arith.constant 7 : i32
    %add3A_235 = arith.addi %mul3A_233, %add3A_234 : i32
    %get3A_236 = arith.constant 0 : index
    %get3A_237 = arith.index_cast %add3A_235 : i32 to index
    %get3A_238 = arith.constant 0 : index
    %get3A_239 = vector.load %arg1[%get3A_236, %get3A_237, %get3A_238] : memref<2x80x128xf32, #tpu.memory_space<vmem>>, vector<1x1x128xf32>
    %get3A_240 = vector.shape_cast %get3A_239 : vector<1x1x128xf32> to vector<1x128xf32>
    %get3A_241 = arith.constant 1 : index
    %get3A_242 = arith.index_cast %add3A_235 : i32 to index
    %get3A_243 = arith.constant 0 : index
    %get3A_244 = vector.load %arg1[%get3A_241, %get3A_242, %get3A_243] : memref<2x80x128xf32, #tpu.memory_space<vmem>>, vector<1x1x128xf32>
    %get3A_245 = vector.shape_cast %get3A_244 : vector<1x1x128xf32> to vector<1x128xf32>
    %add3A_246 = arith.addf %get3A_240, %get3A_245 : vector<1x128xf32>
    %max3A_247 = arith.constant 1.000000e+00 : f32
    %max3A_248 = vector.broadcast %max3A_247 : f32 to vector<1x128xf32>
    %max3A_249 = arith.maximumf %add3A_246, %max3A_248 : vector<1x128xf32>
    %rsqrt3A_250 = math.rsqrt %max3A_249 : vector<1x128xf32>
    %iota3A_251 = tpu.iota {dimensions = array<i32: 0>} : vector<128x128xi32>
    %iota3A_252 = tpu.iota {dimensions = array<i32: 1>} : vector<128x128xi32>
    %eq3A_253 = arith.cmpi eq, %iota3A_251, %iota3A_252 : vector<128x128xi32>
    %jit3A_254 = arith.constant 0.000000e+00 : f32
    %broadcast_in_dim3A_255 = vector.shape_cast %rsqrt3A_250 : vector<1x128xf32> to vector<1x128xf32>
    %broadcast_in_dim3A_256 = vector.broadcast %broadcast_in_dim3A_255 : vector<1x128xf32> to vector<128x128xf32>
    %broadcast_in_dim3A_257 = vector.broadcast %jit3A_254 : f32 to vector<128x128xf32>
    %select_n3A_258 = arith.select %eq3A_253, %broadcast_in_dim3A_256, %broadcast_in_dim3A_257 : vector<128x128xi1>, vector<128x128xf32>
    %slice3A_259 = vector.extract_strided_slice %dot_general3A_5 {offsets = [896, 0], sizes = [128, 64], strides = [1, 1]} : vector<1024x64xf32> to vector<128x64xf32>
    %dot_general3A_260 = arith.constant dense<0.000000e+00> : vector<128x64xf32>
    %dot_general3A_261 = tpu.matmul %select_n3A_258, %slice3A_259, %dot_general3A_260 {dimension_numbers = #tpu.dot_dimension_numbers<[1], [0], [0], [1], [0, 0, 1, 1], [], []>, transpose_lhs_hint = false} : vector<128x128xf32>, vector<128x64xf32>, vector<128x64xf32> -> vector<128x64xf32>
    %convert_element_type3A_262 = arith.truncf %dot_general3A_261 : vector<128x64xf32> to vector<128x64xbf16>
    %swap3A_263 = arith.constant 896 : index
    %swap3A_264 = arith.constant 0 : index
    %swap3A_265 = vector.load %arg4[%swap3A_263, %swap3A_264] : memref<1024x64xbf16, #tpu.memory_space<vmem>>, vector<128x64xbf16>
    tpu.vector_store %arg4[%swap3A_263, %swap3A_264], %convert_element_type3A_262 {strides = array<i32>} : memref<1024x64xbf16, #tpu.memory_space<vmem>>, vector<128x64xbf16>,
    return
  }
  func.func @transform_0(%arg0: i32) -> (i32, i32, i32) {
    %c0_i32 = arith.constant 0 : i32
    %c0_i32_0 = arith.constant 0 : i32
    %c0_i32_1 = arith.constant 0 : i32
    %c0_i32_2 = arith.constant 0 : i32
    return %c0_i32, %c0_i32_0, %c0_i32_1 : i32, i32, i32
  }
  func.func @transform_1(%arg0: i32) -> (i32, i32) {
    %c0_i32 = arith.constant 0 : i32
    %c0_i32_0 = arith.constant 0 : i32
    return %arg0, %c0_i32 : i32, i32
  }
  func.func @transform_2(%arg0: i32) -> (i32, i32) {
    %c0_i32 = arith.constant 0 : i32
    %c0_i32_0 = arith.constant 0 : i32
    %c0_i32_1 = arith.constant 0 : i32
    return %c0_i32, %c0_i32_0 : i32, i32
  }
  func.func @transform_3(%arg0: i32) -> (i32, i32) {
    %c0_i32 = arith.constant 0 : i32
    %c0_i32_0 = arith.constant 0 : i32
    return %arg0, %c0_i32 : i32, i32
  }
}

module attributes {stable_mosaic.version = 14 : i64} {
  func.func @body(%arg0: i32, %arg1: memref<2x80x128xf32, #tpu.memory_space<vmem>>, %arg2: memref<2x80x128xf32, #tpu.memory_space<vmem>>, %arg3: memref<1x1024x64xbf16, #tpu.memory_space<vmem>>, %arg4: memref<1x1024x64xbf16, #tpu.memory_space<vmem>>, %arg5: memref<1x64xf32, #tpu.memory_space<vmem>>, %arg6: memref<64x128xf32, #tpu.memory_space<vmem>>, %arg7: memref<1024x128xbf16, #tpu.memory_space<vmem>>) attributes {dimension_semantics = [#tpu.dimension_semantics<arbitrary>], iteration_bounds = array<i64: 10>, scalar_prefetch = 0 : i64, scratch_operands = 0 : i64, tpu.core_type = #tpu.core_type<tc>, window_params = [{pipeline_mode = #tpu.pipeline_mode<synchronous>, transform_indices = @transform_0, window_bounds = array<i64: 2, 80, 128>}, {pipeline_mode = #tpu.pipeline_mode<synchronous>, transform_indices = @transform_1, window_bounds = array<i64: 2, 80, 128>}, {transform_indices = @transform_2, window_bounds = array<i64: 1, 1024, 64>}, {transform_indices = @transform_3, window_bounds = array<i64: 1, 1024, 64>}, {pipeline_mode = #tpu.pipeline_mode<synchronous>, transform_indices = @transform_4, window_bounds = array<i64: 1, 64>}, {pipeline_mode = #tpu.pipeline_mode<synchronous>, transform_indices = @transform_5, window_bounds = array<i64: 64, 128>}, {transform_indices = @transform_6, window_bounds = array<i64: 1024, 128>}]} {
    %get3A = arith.constant 0 : index
    %get3A_0 = arith.constant 0 : index
    %get3A_1 = arith.constant 0 : index
    %get3A_2 = vector.load %arg3[%get3A, %get3A_0, %get3A_1] : memref<1x1024x64xbf16, #tpu.memory_space<vmem>>, vector<1x1024x64xbf16>
    %get3A_3 = vector.shape_cast %get3A_2 : vector<1x1024x64xbf16> to vector<1024x64xbf16>
    %convert_element_type3A = arith.extf %get3A_3 : vector<1024x64xbf16> to vector<1024x64xf32>
    %get3A_4 = arith.constant 0 : index
    %get3A_5 = arith.constant 0 : index
    %get3A_6 = arith.constant 0 : index
    %get3A_7 = vector.load %arg4[%get3A_4, %get3A_5, %get3A_6] : memref<1x1024x64xbf16, #tpu.memory_space<vmem>>, vector<1x1024x64xbf16>
    %get3A_8 = vector.shape_cast %get3A_7 : vector<1x1024x64xbf16> to vector<1024x64xbf16>
    %convert_element_type3A_9 = arith.extf %get3A_8 : vector<1024x64xbf16> to vector<1024x64xf32>
    %add3A = arith.addf %convert_element_type3A, %convert_element_type3A_9 : vector<1024x64xf32>
    %mul3A = arith.constant 8 : i32
    %mul3A_10 = arith.muli %arg0, %mul3A : i32
    %add3A_11 = arith.constant 0 : i32
    %add3A_12 = arith.addi %mul3A_10, %add3A_11 : i32
    %get3A_13 = arith.constant 0 : index
    %get3A_14 = arith.index_cast %add3A_12 : i32 to index
    %get3A_15 = arith.constant 0 : index
    %get3A_16 = vector.load %arg1[%get3A_13, %get3A_14, %get3A_15] : memref<2x80x128xf32, #tpu.memory_space<vmem>>, vector<1x1x128xf32>
    %get3A_17 = vector.shape_cast %get3A_16 : vector<1x1x128xf32> to vector<1x128xf32>
    %get3A_18 = arith.constant 1 : index
    %get3A_19 = arith.index_cast %add3A_12 : i32 to index
    %get3A_20 = arith.constant 0 : index
    %get3A_21 = vector.load %arg1[%get3A_18, %get3A_19, %get3A_20] : memref<2x80x128xf32, #tpu.memory_space<vmem>>, vector<1x1x128xf32>
    %get3A_22 = vector.shape_cast %get3A_21 : vector<1x1x128xf32> to vector<1x128xf32>
    %add3A_23 = arith.addf %get3A_17, %get3A_22 : vector<1x128xf32>
    %max3A = arith.constant 1.000000e+00 : f32
    %max3A_24 = vector.broadcast %max3A : f32 to vector<1x128xf32>
    %max3A_25 = arith.maximumf %add3A_23, %max3A_24 : vector<1x128xf32>
    %rsqrt3A = math.rsqrt %max3A_25 : vector<1x128xf32>
    %iota3A = tpu.iota {dimensions = array<i32: 0>} : vector<128x128xi32>
    %iota3A_26 = tpu.iota {dimensions = array<i32: 1>} : vector<128x128xi32>
    %eq3A = arith.cmpi eq, %iota3A, %iota3A_26 : vector<128x128xi32>
    %jit3A = arith.constant 0.000000e+00 : f32
    %broadcast_in_dim3A = vector.shape_cast %rsqrt3A : vector<1x128xf32> to vector<1x128xf32>
    %broadcast_in_dim3A_27 = vector.broadcast %broadcast_in_dim3A : vector<1x128xf32> to vector<128x128xf32>
    %broadcast_in_dim3A_28 = vector.broadcast %jit3A : f32 to vector<128x128xf32>
    %select_n3A = arith.select %eq3A, %broadcast_in_dim3A_27, %broadcast_in_dim3A_28 : vector<128x128xi1>, vector<128x128xf32>
    %mul3A_29 = arith.constant 8 : i32
    %mul3A_30 = arith.muli %arg0, %mul3A_29 : i32
    %add3A_31 = arith.constant 0 : i32
    %add3A_32 = arith.addi %mul3A_30, %add3A_31 : i32
    %get3A_33 = arith.constant 0 : index
    %get3A_34 = arith.index_cast %add3A_32 : i32 to index
    %get3A_35 = arith.constant 0 : index
    %get3A_36 = vector.load %arg2[%get3A_33, %get3A_34, %get3A_35] : memref<2x80x128xf32, #tpu.memory_space<vmem>>, vector<1x1x128xf32>
    %get3A_37 = vector.shape_cast %get3A_36 : vector<1x1x128xf32> to vector<1x128xf32>
    %get3A_38 = arith.constant 1 : index
    %get3A_39 = arith.index_cast %add3A_32 : i32 to index
    %get3A_40 = arith.constant 0 : index
    %get3A_41 = vector.load %arg2[%get3A_38, %get3A_39, %get3A_40] : memref<2x80x128xf32, #tpu.memory_space<vmem>>, vector<1x1x128xf32>
    %get3A_42 = vector.shape_cast %get3A_41 : vector<1x1x128xf32> to vector<1x128xf32>
    %add3A_43 = arith.addf %get3A_37, %get3A_42 : vector<1x128xf32>
    %max3A_44 = arith.constant 1.000000e+00 : f32
    %max3A_45 = vector.broadcast %max3A_44 : f32 to vector<1x128xf32>
    %max3A_46 = arith.maximumf %add3A_43, %max3A_45 : vector<1x128xf32>
    %rsqrt3A_47 = math.rsqrt %max3A_46 : vector<1x128xf32>
    %iota3A_48 = tpu.iota {dimensions = array<i32: 0>} : vector<128x128xi32>
    %iota3A_49 = tpu.iota {dimensions = array<i32: 1>} : vector<128x128xi32>
    %eq3A_50 = arith.cmpi eq, %iota3A_48, %iota3A_49 : vector<128x128xi32>
    %jit3A_51 = arith.constant 0.000000e+00 : f32
    %broadcast_in_dim3A_52 = vector.shape_cast %rsqrt3A_47 : vector<1x128xf32> to vector<1x128xf32>
    %broadcast_in_dim3A_53 = vector.broadcast %broadcast_in_dim3A_52 : vector<1x128xf32> to vector<128x128xf32>
    %broadcast_in_dim3A_54 = vector.broadcast %jit3A_51 : f32 to vector<128x128xf32>
    %select_n3A_55 = arith.select %eq3A_50, %broadcast_in_dim3A_53, %broadcast_in_dim3A_54 : vector<128x128xi1>, vector<128x128xf32>
    %slice3A = vector.extract_strided_slice %add3A {offsets = [0, 0], sizes = [128, 64], strides = [1, 1]} : vector<1024x64xf32> to vector<128x64xf32>
    %dot_general3A = arith.constant dense<0.000000e+00> : vector<128x64xf32>
    %dot_general3A_56 = tpu.matmul %select_n3A, %slice3A, %dot_general3A {dimension_numbers = #tpu.dot_dimension_numbers<[1], [0], [0], [1], [0, 0, 1, 1], [], []>, transpose_lhs_hint = false} : vector<128x128xf32>, vector<128x64xf32>, vector<128x64xf32> -> vector<128x64xf32>
    %get3A_57 = arith.constant 0 : index
    %get3A_58 = arith.constant 0 : index
    %get3A_59 = vector.load %arg5[%get3A_57, %get3A_58] : memref<1x64xf32, #tpu.memory_space<vmem>>, vector<1x64xf32>
    %add3A_60 = vector.broadcast %get3A_59 : vector<1x64xf32> to vector<128x64xf32>
    %add3A_61 = arith.addf %dot_general3A_56, %add3A_60 : vector<128x64xf32>
    %max3A_62 = arith.constant 0.000000e+00 : f32
    %max3A_63 = vector.broadcast %max3A_62 : f32 to vector<128x64xf32>
    %max3A_64 = arith.maximumf %add3A_61, %max3A_63 : vector<128x64xf32>
    %dot_general3A_65 = arith.constant dense<0.000000e+00> : vector<128x64xf32>
    %dot_general3A_66 = tpu.matmul %select_n3A_55, %max3A_64, %dot_general3A_65 {dimension_numbers = #tpu.dot_dimension_numbers<[1], [0], [0], [1], [0, 0, 1, 1], [], []>, transpose_lhs_hint = false} : vector<128x128xf32>, vector<128x64xf32>, vector<128x64xf32> -> vector<128x64xf32>
    %get3A_67 = arith.constant 0 : index
    %get3A_68 = arith.constant 0 : index
    %get3A_69 = vector.load %arg6[%get3A_67, %get3A_68] : memref<64x128xf32, #tpu.memory_space<vmem>>, vector<64x128xf32>
    %dot_general3A_70 = arith.constant dense<0.000000e+00> : vector<128x128xf32>
    %dot_general3A_71 = tpu.matmul %dot_general3A_66, %get3A_69, %dot_general3A_70 {dimension_numbers = #tpu.dot_dimension_numbers<[1], [0], [0], [1], [0, 0, 1, 1], [], []>, transpose_lhs_hint = false} : vector<128x64xf32>, vector<64x128xf32>, vector<128x128xf32> -> vector<128x128xf32>
    %convert_element_type3A_72 = arith.truncf %dot_general3A_71 : vector<128x128xf32> to vector<128x128xbf16>
    %swap3A = arith.constant 0 : index
    %swap3A_73 = arith.constant 0 : index
    %swap3A_74 = vector.load %arg7[%swap3A, %swap3A_73] : memref<1024x128xbf16, #tpu.memory_space<vmem>>, vector<128x128xbf16>
    tpu.vector_store %arg7[%swap3A, %swap3A_73], %convert_element_type3A_72 {strides = array<i32>} : memref<1024x128xbf16, #tpu.memory_space<vmem>>, vector<128x128xbf16>,
    %mul3A_75 = arith.constant 8 : i32
    %mul3A_76 = arith.muli %arg0, %mul3A_75 : i32
    %add3A_77 = arith.constant 1 : i32
    %add3A_78 = arith.addi %mul3A_76, %add3A_77 : i32
    %get3A_79 = arith.constant 0 : index
    %get3A_80 = arith.index_cast %add3A_78 : i32 to index
    %get3A_81 = arith.constant 0 : index
    %get3A_82 = vector.load %arg1[%get3A_79, %get3A_80, %get3A_81] : memref<2x80x128xf32, #tpu.memory_space<vmem>>, vector<1x1x128xf32>
    %get3A_83 = vector.shape_cast %get3A_82 : vector<1x1x128xf32> to vector<1x128xf32>
    %get3A_84 = arith.constant 1 : index
    %get3A_85 = arith.index_cast %add3A_78 : i32 to index
    %get3A_86 = arith.constant 0 : index
    %get3A_87 = vector.load %arg1[%get3A_84, %get3A_85, %get3A_86] : memref<2x80x128xf32, #tpu.memory_space<vmem>>, vector<1x1x128xf32>
    %get3A_88 = vector.shape_cast %get3A_87 : vector<1x1x128xf32> to vector<1x128xf32>
    %add3A_89 = arith.addf %get3A_83, %get3A_88 : vector<1x128xf32>
    %max3A_90 = arith.constant 1.000000e+00 : f32
    %max3A_91 = vector.broadcast %max3A_90 : f32 to vector<1x128xf32>
    %max3A_92 = arith.maximumf %add3A_89, %max3A_91 : vector<1x128xf32>
    %rsqrt3A_93 = math.rsqrt %max3A_92 : vector<1x128xf32>
    %iota3A_94 = tpu.iota {dimensions = array<i32: 0>} : vector<128x128xi32>
    %iota3A_95 = tpu.iota {dimensions = array<i32: 1>} : vector<128x128xi32>
    %eq3A_96 = arith.cmpi eq, %iota3A_94, %iota3A_95 : vector<128x128xi32>
    %jit3A_97 = arith.constant 0.000000e+00 : f32
    %broadcast_in_dim3A_98 = vector.shape_cast %rsqrt3A_93 : vector<1x128xf32> to vector<1x128xf32>
    %broadcast_in_dim3A_99 = vector.broadcast %broadcast_in_dim3A_98 : vector<1x128xf32> to vector<128x128xf32>
    %broadcast_in_dim3A_100 = vector.broadcast %jit3A_97 : f32 to vector<128x128xf32>
    %select_n3A_101 = arith.select %eq3A_96, %broadcast_in_dim3A_99, %broadcast_in_dim3A_100 : vector<128x128xi1>, vector<128x128xf32>
    %mul3A_102 = arith.constant 8 : i32
    %mul3A_103 = arith.muli %arg0, %mul3A_102 : i32
    %add3A_104 = arith.constant 1 : i32
    %add3A_105 = arith.addi %mul3A_103, %add3A_104 : i32
    %get3A_106 = arith.constant 0 : index
    %get3A_107 = arith.index_cast %add3A_105 : i32 to index
    %get3A_108 = arith.constant 0 : index
    %get3A_109 = vector.load %arg2[%get3A_106, %get3A_107, %get3A_108] : memref<2x80x128xf32, #tpu.memory_space<vmem>>, vector<1x1x128xf32>
    %get3A_110 = vector.shape_cast %get3A_109 : vector<1x1x128xf32> to vector<1x128xf32>
    %get3A_111 = arith.constant 1 : index
    %get3A_112 = arith.index_cast %add3A_105 : i32 to index
    %get3A_113 = arith.constant 0 : index
    %get3A_114 = vector.load %arg2[%get3A_111, %get3A_112, %get3A_113] : memref<2x80x128xf32, #tpu.memory_space<vmem>>, vector<1x1x128xf32>
    %get3A_115 = vector.shape_cast %get3A_114 : vector<1x1x128xf32> to vector<1x128xf32>
    %add3A_116 = arith.addf %get3A_110, %get3A_115 : vector<1x128xf32>
    %max3A_117 = arith.constant 1.000000e+00 : f32
    %max3A_118 = vector.broadcast %max3A_117 : f32 to vector<1x128xf32>
    %max3A_119 = arith.maximumf %add3A_116, %max3A_118 : vector<1x128xf32>
    %rsqrt3A_120 = math.rsqrt %max3A_119 : vector<1x128xf32>
    %iota3A_121 = tpu.iota {dimensions = array<i32: 0>} : vector<128x128xi32>
    %iota3A_122 = tpu.iota {dimensions = array<i32: 1>} : vector<128x128xi32>
    %eq3A_123 = arith.cmpi eq, %iota3A_121, %iota3A_122 : vector<128x128xi32>
    %jit3A_124 = arith.constant 0.000000e+00 : f32
    %broadcast_in_dim3A_125 = vector.shape_cast %rsqrt3A_120 : vector<1x128xf32> to vector<1x128xf32>
    %broadcast_in_dim3A_126 = vector.broadcast %broadcast_in_dim3A_125 : vector<1x128xf32> to vector<128x128xf32>
    %broadcast_in_dim3A_127 = vector.broadcast %jit3A_124 : f32 to vector<128x128xf32>
    %select_n3A_128 = arith.select %eq3A_123, %broadcast_in_dim3A_126, %broadcast_in_dim3A_127 : vector<128x128xi1>, vector<128x128xf32>
    %slice3A_129 = vector.extract_strided_slice %add3A {offsets = [128, 0], sizes = [128, 64], strides = [1, 1]} : vector<1024x64xf32> to vector<128x64xf32>
    %dot_general3A_130 = arith.constant dense<0.000000e+00> : vector<128x64xf32>
    %dot_general3A_131 = tpu.matmul %select_n3A_101, %slice3A_129, %dot_general3A_130 {dimension_numbers = #tpu.dot_dimension_numbers<[1], [0], [0], [1], [0, 0, 1, 1], [], []>, transpose_lhs_hint = false} : vector<128x128xf32>, vector<128x64xf32>, vector<128x64xf32> -> vector<128x64xf32>
    %get3A_132 = arith.constant 0 : index
    %get3A_133 = arith.constant 0 : index
    %get3A_134 = vector.load %arg5[%get3A_132, %get3A_133] : memref<1x64xf32, #tpu.memory_space<vmem>>, vector<1x64xf32>
    %add3A_135 = vector.broadcast %get3A_134 : vector<1x64xf32> to vector<128x64xf32>
    %add3A_136 = arith.addf %dot_general3A_131, %add3A_135 : vector<128x64xf32>
    %max3A_137 = arith.constant 0.000000e+00 : f32
    %max3A_138 = vector.broadcast %max3A_137 : f32 to vector<128x64xf32>
    %max3A_139 = arith.maximumf %add3A_136, %max3A_138 : vector<128x64xf32>
    %dot_general3A_140 = arith.constant dense<0.000000e+00> : vector<128x64xf32>
    %dot_general3A_141 = tpu.matmul %select_n3A_128, %max3A_139, %dot_general3A_140 {dimension_numbers = #tpu.dot_dimension_numbers<[1], [0], [0], [1], [0, 0, 1, 1], [], []>, transpose_lhs_hint = false} : vector<128x128xf32>, vector<128x64xf32>, vector<128x64xf32> -> vector<128x64xf32>
    %get3A_142 = arith.constant 0 : index
    %get3A_143 = arith.constant 0 : index
    %get3A_144 = vector.load %arg6[%get3A_142, %get3A_143] : memref<64x128xf32, #tpu.memory_space<vmem>>, vector<64x128xf32>
    %dot_general3A_145 = arith.constant dense<0.000000e+00> : vector<128x128xf32>
    %dot_general3A_146 = tpu.matmul %dot_general3A_141, %get3A_144, %dot_general3A_145 {dimension_numbers = #tpu.dot_dimension_numbers<[1], [0], [0], [1], [0, 0, 1, 1], [], []>, transpose_lhs_hint = false} : vector<128x64xf32>, vector<64x128xf32>, vector<128x128xf32> -> vector<128x128xf32>
    %convert_element_type3A_147 = arith.truncf %dot_general3A_146 : vector<128x128xf32> to vector<128x128xbf16>
    %swap3A_148 = arith.constant 128 : index
    %swap3A_149 = arith.constant 0 : index
    %swap3A_150 = vector.load %arg7[%swap3A_148, %swap3A_149] : memref<1024x128xbf16, #tpu.memory_space<vmem>>, vector<128x128xbf16>
    tpu.vector_store %arg7[%swap3A_148, %swap3A_149], %convert_element_type3A_147 {strides = array<i32>} : memref<1024x128xbf16, #tpu.memory_space<vmem>>, vector<128x128xbf16>,
    %mul3A_151 = arith.constant 8 : i32
    %mul3A_152 = arith.muli %arg0, %mul3A_151 : i32
    %add3A_153 = arith.constant 2 : i32
    %add3A_154 = arith.addi %mul3A_152, %add3A_153 : i32
    %get3A_155 = arith.constant 0 : index
    %get3A_156 = arith.index_cast %add3A_154 : i32 to index
    %get3A_157 = arith.constant 0 : index
    %get3A_158 = vector.load %arg1[%get3A_155, %get3A_156, %get3A_157] : memref<2x80x128xf32, #tpu.memory_space<vmem>>, vector<1x1x128xf32>
    %get3A_159 = vector.shape_cast %get3A_158 : vector<1x1x128xf32> to vector<1x128xf32>
    %get3A_160 = arith.constant 1 : index
    %get3A_161 = arith.index_cast %add3A_154 : i32 to index
    %get3A_162 = arith.constant 0 : index
    %get3A_163 = vector.load %arg1[%get3A_160, %get3A_161, %get3A_162] : memref<2x80x128xf32, #tpu.memory_space<vmem>>, vector<1x1x128xf32>
    %get3A_164 = vector.shape_cast %get3A_163 : vector<1x1x128xf32> to vector<1x128xf32>
    %add3A_165 = arith.addf %get3A_159, %get3A_164 : vector<1x128xf32>
    %max3A_166 = arith.constant 1.000000e+00 : f32
    %max3A_167 = vector.broadcast %max3A_166 : f32 to vector<1x128xf32>
    %max3A_168 = arith.maximumf %add3A_165, %max3A_167 : vector<1x128xf32>
    %rsqrt3A_169 = math.rsqrt %max3A_168 : vector<1x128xf32>
    %iota3A_170 = tpu.iota {dimensions = array<i32: 0>} : vector<128x128xi32>
    %iota3A_171 = tpu.iota {dimensions = array<i32: 1>} : vector<128x128xi32>
    %eq3A_172 = arith.cmpi eq, %iota3A_170, %iota3A_171 : vector<128x128xi32>
    %jit3A_173 = arith.constant 0.000000e+00 : f32
    %broadcast_in_dim3A_174 = vector.shape_cast %rsqrt3A_169 : vector<1x128xf32> to vector<1x128xf32>
    %broadcast_in_dim3A_175 = vector.broadcast %broadcast_in_dim3A_174 : vector<1x128xf32> to vector<128x128xf32>
    %broadcast_in_dim3A_176 = vector.broadcast %jit3A_173 : f32 to vector<128x128xf32>
    %select_n3A_177 = arith.select %eq3A_172, %broadcast_in_dim3A_175, %broadcast_in_dim3A_176 : vector<128x128xi1>, vector<128x128xf32>
    %mul3A_178 = arith.constant 8 : i32
    %mul3A_179 = arith.muli %arg0, %mul3A_178 : i32
    %add3A_180 = arith.constant 2 : i32
    %add3A_181 = arith.addi %mul3A_179, %add3A_180 : i32
    %get3A_182 = arith.constant 0 : index
    %get3A_183 = arith.index_cast %add3A_181 : i32 to index
    %get3A_184 = arith.constant 0 : index
    %get3A_185 = vector.load %arg2[%get3A_182, %get3A_183, %get3A_184] : memref<2x80x128xf32, #tpu.memory_space<vmem>>, vector<1x1x128xf32>
    %get3A_186 = vector.shape_cast %get3A_185 : vector<1x1x128xf32> to vector<1x128xf32>
    %get3A_187 = arith.constant 1 : index
    %get3A_188 = arith.index_cast %add3A_181 : i32 to index
    %get3A_189 = arith.constant 0 : index
    %get3A_190 = vector.load %arg2[%get3A_187, %get3A_188, %get3A_189] : memref<2x80x128xf32, #tpu.memory_space<vmem>>, vector<1x1x128xf32>
    %get3A_191 = vector.shape_cast %get3A_190 : vector<1x1x128xf32> to vector<1x128xf32>
    %add3A_192 = arith.addf %get3A_186, %get3A_191 : vector<1x128xf32>
    %max3A_193 = arith.constant 1.000000e+00 : f32
    %max3A_194 = vector.broadcast %max3A_193 : f32 to vector<1x128xf32>
    %max3A_195 = arith.maximumf %add3A_192, %max3A_194 : vector<1x128xf32>
    %rsqrt3A_196 = math.rsqrt %max3A_195 : vector<1x128xf32>
    %iota3A_197 = tpu.iota {dimensions = array<i32: 0>} : vector<128x128xi32>
    %iota3A_198 = tpu.iota {dimensions = array<i32: 1>} : vector<128x128xi32>
    %eq3A_199 = arith.cmpi eq, %iota3A_197, %iota3A_198 : vector<128x128xi32>
    %jit3A_200 = arith.constant 0.000000e+00 : f32
    %broadcast_in_dim3A_201 = vector.shape_cast %rsqrt3A_196 : vector<1x128xf32> to vector<1x128xf32>
    %broadcast_in_dim3A_202 = vector.broadcast %broadcast_in_dim3A_201 : vector<1x128xf32> to vector<128x128xf32>
    %broadcast_in_dim3A_203 = vector.broadcast %jit3A_200 : f32 to vector<128x128xf32>
    %select_n3A_204 = arith.select %eq3A_199, %broadcast_in_dim3A_202, %broadcast_in_dim3A_203 : vector<128x128xi1>, vector<128x128xf32>
    %slice3A_205 = vector.extract_strided_slice %add3A {offsets = [256, 0], sizes = [128, 64], strides = [1, 1]} : vector<1024x64xf32> to vector<128x64xf32>
    %dot_general3A_206 = arith.constant dense<0.000000e+00> : vector<128x64xf32>
    %dot_general3A_207 = tpu.matmul %select_n3A_177, %slice3A_205, %dot_general3A_206 {dimension_numbers = #tpu.dot_dimension_numbers<[1], [0], [0], [1], [0, 0, 1, 1], [], []>, transpose_lhs_hint = false} : vector<128x128xf32>, vector<128x64xf32>, vector<128x64xf32> -> vector<128x64xf32>
    %get3A_208 = arith.constant 0 : index
    %get3A_209 = arith.constant 0 : index
    %get3A_210 = vector.load %arg5[%get3A_208, %get3A_209] : memref<1x64xf32, #tpu.memory_space<vmem>>, vector<1x64xf32>
    %add3A_211 = vector.broadcast %get3A_210 : vector<1x64xf32> to vector<128x64xf32>
    %add3A_212 = arith.addf %dot_general3A_207, %add3A_211 : vector<128x64xf32>
    %max3A_213 = arith.constant 0.000000e+00 : f32
    %max3A_214 = vector.broadcast %max3A_213 : f32 to vector<128x64xf32>
    %max3A_215 = arith.maximumf %add3A_212, %max3A_214 : vector<128x64xf32>
    %dot_general3A_216 = arith.constant dense<0.000000e+00> : vector<128x64xf32>
    %dot_general3A_217 = tpu.matmul %select_n3A_204, %max3A_215, %dot_general3A_216 {dimension_numbers = #tpu.dot_dimension_numbers<[1], [0], [0], [1], [0, 0, 1, 1], [], []>, transpose_lhs_hint = false} : vector<128x128xf32>, vector<128x64xf32>, vector<128x64xf32> -> vector<128x64xf32>
    %get3A_218 = arith.constant 0 : index
    %get3A_219 = arith.constant 0 : index
    %get3A_220 = vector.load %arg6[%get3A_218, %get3A_219] : memref<64x128xf32, #tpu.memory_space<vmem>>, vector<64x128xf32>
    %dot_general3A_221 = arith.constant dense<0.000000e+00> : vector<128x128xf32>
    %dot_general3A_222 = tpu.matmul %dot_general3A_217, %get3A_220, %dot_general3A_221 {dimension_numbers = #tpu.dot_dimension_numbers<[1], [0], [0], [1], [0, 0, 1, 1], [], []>, transpose_lhs_hint = false} : vector<128x64xf32>, vector<64x128xf32>, vector<128x128xf32> -> vector<128x128xf32>
    %convert_element_type3A_223 = arith.truncf %dot_general3A_222 : vector<128x128xf32> to vector<128x128xbf16>
    %swap3A_224 = arith.constant 256 : index
    %swap3A_225 = arith.constant 0 : index
    %swap3A_226 = vector.load %arg7[%swap3A_224, %swap3A_225] : memref<1024x128xbf16, #tpu.memory_space<vmem>>, vector<128x128xbf16>
    tpu.vector_store %arg7[%swap3A_224, %swap3A_225], %convert_element_type3A_223 {strides = array<i32>} : memref<1024x128xbf16, #tpu.memory_space<vmem>>, vector<128x128xbf16>,
    %mul3A_227 = arith.constant 8 : i32
    %mul3A_228 = arith.muli %arg0, %mul3A_227 : i32
    %add3A_229 = arith.constant 3 : i32
    %add3A_230 = arith.addi %mul3A_228, %add3A_229 : i32
    %get3A_231 = arith.constant 0 : index
    %get3A_232 = arith.index_cast %add3A_230 : i32 to index
    %get3A_233 = arith.constant 0 : index
    %get3A_234 = vector.load %arg1[%get3A_231, %get3A_232, %get3A_233] : memref<2x80x128xf32, #tpu.memory_space<vmem>>, vector<1x1x128xf32>
    %get3A_235 = vector.shape_cast %get3A_234 : vector<1x1x128xf32> to vector<1x128xf32>
    %get3A_236 = arith.constant 1 : index
    %get3A_237 = arith.index_cast %add3A_230 : i32 to index
    %get3A_238 = arith.constant 0 : index
    %get3A_239 = vector.load %arg1[%get3A_236, %get3A_237, %get3A_238] : memref<2x80x128xf32, #tpu.memory_space<vmem>>, vector<1x1x128xf32>
    %get3A_240 = vector.shape_cast %get3A_239 : vector<1x1x128xf32> to vector<1x128xf32>
    %add3A_241 = arith.addf %get3A_235, %get3A_240 : vector<1x128xf32>
    %max3A_242 = arith.constant 1.000000e+00 : f32
    %max3A_243 = vector.broadcast %max3A_242 : f32 to vector<1x128xf32>
    %max3A_244 = arith.maximumf %add3A_241, %max3A_243 : vector<1x128xf32>
    %rsqrt3A_245 = math.rsqrt %max3A_244 : vector<1x128xf32>
    %iota3A_246 = tpu.iota {dimensions = array<i32: 0>} : vector<128x128xi32>
    %iota3A_247 = tpu.iota {dimensions = array<i32: 1>} : vector<128x128xi32>
    %eq3A_248 = arith.cmpi eq, %iota3A_246, %iota3A_247 : vector<128x128xi32>
    %jit3A_249 = arith.constant 0.000000e+00 : f32
    %broadcast_in_dim3A_250 = vector.shape_cast %rsqrt3A_245 : vector<1x128xf32> to vector<1x128xf32>
    %broadcast_in_dim3A_251 = vector.broadcast %broadcast_in_dim3A_250 : vector<1x128xf32> to vector<128x128xf32>
    %broadcast_in_dim3A_252 = vector.broadcast %jit3A_249 : f32 to vector<128x128xf32>
    %select_n3A_253 = arith.select %eq3A_248, %broadcast_in_dim3A_251, %broadcast_in_dim3A_252 : vector<128x128xi1>, vector<128x128xf32>
    %mul3A_254 = arith.constant 8 : i32
    %mul3A_255 = arith.muli %arg0, %mul3A_254 : i32
    %add3A_256 = arith.constant 3 : i32
    %add3A_257 = arith.addi %mul3A_255, %add3A_256 : i32
    %get3A_258 = arith.constant 0 : index
    %get3A_259 = arith.index_cast %add3A_257 : i32 to index
    %get3A_260 = arith.constant 0 : index
    %get3A_261 = vector.load %arg2[%get3A_258, %get3A_259, %get3A_260] : memref<2x80x128xf32, #tpu.memory_space<vmem>>, vector<1x1x128xf32>
    %get3A_262 = vector.shape_cast %get3A_261 : vector<1x1x128xf32> to vector<1x128xf32>
    %get3A_263 = arith.constant 1 : index
    %get3A_264 = arith.index_cast %add3A_257 : i32 to index
    %get3A_265 = arith.constant 0 : index
    %get3A_266 = vector.load %arg2[%get3A_263, %get3A_264, %get3A_265] : memref<2x80x128xf32, #tpu.memory_space<vmem>>, vector<1x1x128xf32>
    %get3A_267 = vector.shape_cast %get3A_266 : vector<1x1x128xf32> to vector<1x128xf32>
    %add3A_268 = arith.addf %get3A_262, %get3A_267 : vector<1x128xf32>
    %max3A_269 = arith.constant 1.000000e+00 : f32
    %max3A_270 = vector.broadcast %max3A_269 : f32 to vector<1x128xf32>
    %max3A_271 = arith.maximumf %add3A_268, %max3A_270 : vector<1x128xf32>
    %rsqrt3A_272 = math.rsqrt %max3A_271 : vector<1x128xf32>
    %iota3A_273 = tpu.iota {dimensions = array<i32: 0>} : vector<128x128xi32>
    %iota3A_274 = tpu.iota {dimensions = array<i32: 1>} : vector<128x128xi32>
    %eq3A_275 = arith.cmpi eq, %iota3A_273, %iota3A_274 : vector<128x128xi32>
    %jit3A_276 = arith.constant 0.000000e+00 : f32
    %broadcast_in_dim3A_277 = vector.shape_cast %rsqrt3A_272 : vector<1x128xf32> to vector<1x128xf32>
    %broadcast_in_dim3A_278 = vector.broadcast %broadcast_in_dim3A_277 : vector<1x128xf32> to vector<128x128xf32>
    %broadcast_in_dim3A_279 = vector.broadcast %jit3A_276 : f32 to vector<128x128xf32>
    %select_n3A_280 = arith.select %eq3A_275, %broadcast_in_dim3A_278, %broadcast_in_dim3A_279 : vector<128x128xi1>, vector<128x128xf32>
    %slice3A_281 = vector.extract_strided_slice %add3A {offsets = [384, 0], sizes = [128, 64], strides = [1, 1]} : vector<1024x64xf32> to vector<128x64xf32>
    %dot_general3A_282 = arith.constant dense<0.000000e+00> : vector<128x64xf32>
    %dot_general3A_283 = tpu.matmul %select_n3A_253, %slice3A_281, %dot_general3A_282 {dimension_numbers = #tpu.dot_dimension_numbers<[1], [0], [0], [1], [0, 0, 1, 1], [], []>, transpose_lhs_hint = false} : vector<128x128xf32>, vector<128x64xf32>, vector<128x64xf32> -> vector<128x64xf32>
    %get3A_284 = arith.constant 0 : index
    %get3A_285 = arith.constant 0 : index
    %get3A_286 = vector.load %arg5[%get3A_284, %get3A_285] : memref<1x64xf32, #tpu.memory_space<vmem>>, vector<1x64xf32>
    %add3A_287 = vector.broadcast %get3A_286 : vector<1x64xf32> to vector<128x64xf32>
    %add3A_288 = arith.addf %dot_general3A_283, %add3A_287 : vector<128x64xf32>
    %max3A_289 = arith.constant 0.000000e+00 : f32
    %max3A_290 = vector.broadcast %max3A_289 : f32 to vector<128x64xf32>
    %max3A_291 = arith.maximumf %add3A_288, %max3A_290 : vector<128x64xf32>
    %dot_general3A_292 = arith.constant dense<0.000000e+00> : vector<128x64xf32>
    %dot_general3A_293 = tpu.matmul %select_n3A_280, %max3A_291, %dot_general3A_292 {dimension_numbers = #tpu.dot_dimension_numbers<[1], [0], [0], [1], [0, 0, 1, 1], [], []>, transpose_lhs_hint = false} : vector<128x128xf32>, vector<128x64xf32>, vector<128x64xf32> -> vector<128x64xf32>
    %get3A_294 = arith.constant 0 : index
    %get3A_295 = arith.constant 0 : index
    %get3A_296 = vector.load %arg6[%get3A_294, %get3A_295] : memref<64x128xf32, #tpu.memory_space<vmem>>, vector<64x128xf32>
    %dot_general3A_297 = arith.constant dense<0.000000e+00> : vector<128x128xf32>
    %dot_general3A_298 = tpu.matmul %dot_general3A_293, %get3A_296, %dot_general3A_297 {dimension_numbers = #tpu.dot_dimension_numbers<[1], [0], [0], [1], [0, 0, 1, 1], [], []>, transpose_lhs_hint = false} : vector<128x64xf32>, vector<64x128xf32>, vector<128x128xf32> -> vector<128x128xf32>
    %convert_element_type3A_299 = arith.truncf %dot_general3A_298 : vector<128x128xf32> to vector<128x128xbf16>
    %swap3A_300 = arith.constant 384 : index
    %swap3A_301 = arith.constant 0 : index
    %swap3A_302 = vector.load %arg7[%swap3A_300, %swap3A_301] : memref<1024x128xbf16, #tpu.memory_space<vmem>>, vector<128x128xbf16>
    tpu.vector_store %arg7[%swap3A_300, %swap3A_301], %convert_element_type3A_299 {strides = array<i32>} : memref<1024x128xbf16, #tpu.memory_space<vmem>>, vector<128x128xbf16>,
    %mul3A_303 = arith.constant 8 : i32
    %mul3A_304 = arith.muli %arg0, %mul3A_303 : i32
    %add3A_305 = arith.constant 4 : i32
    %add3A_306 = arith.addi %mul3A_304, %add3A_305 : i32
    %get3A_307 = arith.constant 0 : index
    %get3A_308 = arith.index_cast %add3A_306 : i32 to index
    %get3A_309 = arith.constant 0 : index
    %get3A_310 = vector.load %arg1[%get3A_307, %get3A_308, %get3A_309] : memref<2x80x128xf32, #tpu.memory_space<vmem>>, vector<1x1x128xf32>
    %get3A_311 = vector.shape_cast %get3A_310 : vector<1x1x128xf32> to vector<1x128xf32>
    %get3A_312 = arith.constant 1 : index
    %get3A_313 = arith.index_cast %add3A_306 : i32 to index
    %get3A_314 = arith.constant 0 : index
    %get3A_315 = vector.load %arg1[%get3A_312, %get3A_313, %get3A_314] : memref<2x80x128xf32, #tpu.memory_space<vmem>>, vector<1x1x128xf32>
    %get3A_316 = vector.shape_cast %get3A_315 : vector<1x1x128xf32> to vector<1x128xf32>
    %add3A_317 = arith.addf %get3A_311, %get3A_316 : vector<1x128xf32>
    %max3A_318 = arith.constant 1.000000e+00 : f32
    %max3A_319 = vector.broadcast %max3A_318 : f32 to vector<1x128xf32>
    %max3A_320 = arith.maximumf %add3A_317, %max3A_319 : vector<1x128xf32>
    %rsqrt3A_321 = math.rsqrt %max3A_320 : vector<1x128xf32>
    %iota3A_322 = tpu.iota {dimensions = array<i32: 0>} : vector<128x128xi32>
    %iota3A_323 = tpu.iota {dimensions = array<i32: 1>} : vector<128x128xi32>
    %eq3A_324 = arith.cmpi eq, %iota3A_322, %iota3A_323 : vector<128x128xi32>
    %jit3A_325 = arith.constant 0.000000e+00 : f32
    %broadcast_in_dim3A_326 = vector.shape_cast %rsqrt3A_321 : vector<1x128xf32> to vector<1x128xf32>
    %broadcast_in_dim3A_327 = vector.broadcast %broadcast_in_dim3A_326 : vector<1x128xf32> to vector<128x128xf32>
    %broadcast_in_dim3A_328 = vector.broadcast %jit3A_325 : f32 to vector<128x128xf32>
    %select_n3A_329 = arith.select %eq3A_324, %broadcast_in_dim3A_327, %broadcast_in_dim3A_328 : vector<128x128xi1>, vector<128x128xf32>
    %mul3A_330 = arith.constant 8 : i32
    %mul3A_331 = arith.muli %arg0, %mul3A_330 : i32
    %add3A_332 = arith.constant 4 : i32
    %add3A_333 = arith.addi %mul3A_331, %add3A_332 : i32
    %get3A_334 = arith.constant 0 : index
    %get3A_335 = arith.index_cast %add3A_333 : i32 to index
    %get3A_336 = arith.constant 0 : index
    %get3A_337 = vector.load %arg2[%get3A_334, %get3A_335, %get3A_336] : memref<2x80x128xf32, #tpu.memory_space<vmem>>, vector<1x1x128xf32>
    %get3A_338 = vector.shape_cast %get3A_337 : vector<1x1x128xf32> to vector<1x128xf32>
    %get3A_339 = arith.constant 1 : index
    %get3A_340 = arith.index_cast %add3A_333 : i32 to index
    %get3A_341 = arith.constant 0 : index
    %get3A_342 = vector.load %arg2[%get3A_339, %get3A_340, %get3A_341] : memref<2x80x128xf32, #tpu.memory_space<vmem>>, vector<1x1x128xf32>
    %get3A_343 = vector.shape_cast %get3A_342 : vector<1x1x128xf32> to vector<1x128xf32>
    %add3A_344 = arith.addf %get3A_338, %get3A_343 : vector<1x128xf32>
    %max3A_345 = arith.constant 1.000000e+00 : f32
    %max3A_346 = vector.broadcast %max3A_345 : f32 to vector<1x128xf32>
    %max3A_347 = arith.maximumf %add3A_344, %max3A_346 : vector<1x128xf32>
    %rsqrt3A_348 = math.rsqrt %max3A_347 : vector<1x128xf32>
    %iota3A_349 = tpu.iota {dimensions = array<i32: 0>} : vector<128x128xi32>
    %iota3A_350 = tpu.iota {dimensions = array<i32: 1>} : vector<128x128xi32>
    %eq3A_351 = arith.cmpi eq, %iota3A_349, %iota3A_350 : vector<128x128xi32>
    %jit3A_352 = arith.constant 0.000000e+00 : f32
    %broadcast_in_dim3A_353 = vector.shape_cast %rsqrt3A_348 : vector<1x128xf32> to vector<1x128xf32>
    %broadcast_in_dim3A_354 = vector.broadcast %broadcast_in_dim3A_353 : vector<1x128xf32> to vector<128x128xf32>
    %broadcast_in_dim3A_355 = vector.broadcast %jit3A_352 : f32 to vector<128x128xf32>
    %select_n3A_356 = arith.select %eq3A_351, %broadcast_in_dim3A_354, %broadcast_in_dim3A_355 : vector<128x128xi1>, vector<128x128xf32>
    %slice3A_357 = vector.extract_strided_slice %add3A {offsets = [512, 0], sizes = [128, 64], strides = [1, 1]} : vector<1024x64xf32> to vector<128x64xf32>
    %dot_general3A_358 = arith.constant dense<0.000000e+00> : vector<128x64xf32>
    %dot_general3A_359 = tpu.matmul %select_n3A_329, %slice3A_357, %dot_general3A_358 {dimension_numbers = #tpu.dot_dimension_numbers<[1], [0], [0], [1], [0, 0, 1, 1], [], []>, transpose_lhs_hint = false} : vector<128x128xf32>, vector<128x64xf32>, vector<128x64xf32> -> vector<128x64xf32>
    %get3A_360 = arith.constant 0 : index
    %get3A_361 = arith.constant 0 : index
    %get3A_362 = vector.load %arg5[%get3A_360, %get3A_361] : memref<1x64xf32, #tpu.memory_space<vmem>>, vector<1x64xf32>
    %add3A_363 = vector.broadcast %get3A_362 : vector<1x64xf32> to vector<128x64xf32>
    %add3A_364 = arith.addf %dot_general3A_359, %add3A_363 : vector<128x64xf32>
    %max3A_365 = arith.constant 0.000000e+00 : f32
    %max3A_366 = vector.broadcast %max3A_365 : f32 to vector<128x64xf32>
    %max3A_367 = arith.maximumf %add3A_364, %max3A_366 : vector<128x64xf32>
    %dot_general3A_368 = arith.constant dense<0.000000e+00> : vector<128x64xf32>
    %dot_general3A_369 = tpu.matmul %select_n3A_356, %max3A_367, %dot_general3A_368 {dimension_numbers = #tpu.dot_dimension_numbers<[1], [0], [0], [1], [0, 0, 1, 1], [], []>, transpose_lhs_hint = false} : vector<128x128xf32>, vector<128x64xf32>, vector<128x64xf32> -> vector<128x64xf32>
    %get3A_370 = arith.constant 0 : index
    %get3A_371 = arith.constant 0 : index
    %get3A_372 = vector.load %arg6[%get3A_370, %get3A_371] : memref<64x128xf32, #tpu.memory_space<vmem>>, vector<64x128xf32>
    %dot_general3A_373 = arith.constant dense<0.000000e+00> : vector<128x128xf32>
    %dot_general3A_374 = tpu.matmul %dot_general3A_369, %get3A_372, %dot_general3A_373 {dimension_numbers = #tpu.dot_dimension_numbers<[1], [0], [0], [1], [0, 0, 1, 1], [], []>, transpose_lhs_hint = false} : vector<128x64xf32>, vector<64x128xf32>, vector<128x128xf32> -> vector<128x128xf32>
    %convert_element_type3A_375 = arith.truncf %dot_general3A_374 : vector<128x128xf32> to vector<128x128xbf16>
    %swap3A_376 = arith.constant 512 : index
    %swap3A_377 = arith.constant 0 : index
    %swap3A_378 = vector.load %arg7[%swap3A_376, %swap3A_377] : memref<1024x128xbf16, #tpu.memory_space<vmem>>, vector<128x128xbf16>
    tpu.vector_store %arg7[%swap3A_376, %swap3A_377], %convert_element_type3A_375 {strides = array<i32>} : memref<1024x128xbf16, #tpu.memory_space<vmem>>, vector<128x128xbf16>,
    %mul3A_379 = arith.constant 8 : i32
    %mul3A_380 = arith.muli %arg0, %mul3A_379 : i32
    %add3A_381 = arith.constant 5 : i32
    %add3A_382 = arith.addi %mul3A_380, %add3A_381 : i32
    %get3A_383 = arith.constant 0 : index
    %get3A_384 = arith.index_cast %add3A_382 : i32 to index
    %get3A_385 = arith.constant 0 : index
    %get3A_386 = vector.load %arg1[%get3A_383, %get3A_384, %get3A_385] : memref<2x80x128xf32, #tpu.memory_space<vmem>>, vector<1x1x128xf32>
    %get3A_387 = vector.shape_cast %get3A_386 : vector<1x1x128xf32> to vector<1x128xf32>
    %get3A_388 = arith.constant 1 : index
    %get3A_389 = arith.index_cast %add3A_382 : i32 to index
    %get3A_390 = arith.constant 0 : index
    %get3A_391 = vector.load %arg1[%get3A_388, %get3A_389, %get3A_390] : memref<2x80x128xf32, #tpu.memory_space<vmem>>, vector<1x1x128xf32>
    %get3A_392 = vector.shape_cast %get3A_391 : vector<1x1x128xf32> to vector<1x128xf32>
    %add3A_393 = arith.addf %get3A_387, %get3A_392 : vector<1x128xf32>
    %max3A_394 = arith.constant 1.000000e+00 : f32
    %max3A_395 = vector.broadcast %max3A_394 : f32 to vector<1x128xf32>
    %max3A_396 = arith.maximumf %add3A_393, %max3A_395 : vector<1x128xf32>
    %rsqrt3A_397 = math.rsqrt %max3A_396 : vector<1x128xf32>
    %iota3A_398 = tpu.iota {dimensions = array<i32: 0>} : vector<128x128xi32>
    %iota3A_399 = tpu.iota {dimensions = array<i32: 1>} : vector<128x128xi32>
    %eq3A_400 = arith.cmpi eq, %iota3A_398, %iota3A_399 : vector<128x128xi32>
    %jit3A_401 = arith.constant 0.000000e+00 : f32
    %broadcast_in_dim3A_402 = vector.shape_cast %rsqrt3A_397 : vector<1x128xf32> to vector<1x128xf32>
    %broadcast_in_dim3A_403 = vector.broadcast %broadcast_in_dim3A_402 : vector<1x128xf32> to vector<128x128xf32>
    %broadcast_in_dim3A_404 = vector.broadcast %jit3A_401 : f32 to vector<128x128xf32>
    %select_n3A_405 = arith.select %eq3A_400, %broadcast_in_dim3A_403, %broadcast_in_dim3A_404 : vector<128x128xi1>, vector<128x128xf32>
    %mul3A_406 = arith.constant 8 : i32
    %mul3A_407 = arith.muli %arg0, %mul3A_406 : i32
    %add3A_408 = arith.constant 5 : i32
    %add3A_409 = arith.addi %mul3A_407, %add3A_408 : i32
    %get3A_410 = arith.constant 0 : index
    %get3A_411 = arith.index_cast %add3A_409 : i32 to index
    %get3A_412 = arith.constant 0 : index
    %get3A_413 = vector.load %arg2[%get3A_410, %get3A_411, %get3A_412] : memref<2x80x128xf32, #tpu.memory_space<vmem>>, vector<1x1x128xf32>
    %get3A_414 = vector.shape_cast %get3A_413 : vector<1x1x128xf32> to vector<1x128xf32>
    %get3A_415 = arith.constant 1 : index
    %get3A_416 = arith.index_cast %add3A_409 : i32 to index
    %get3A_417 = arith.constant 0 : index
    %get3A_418 = vector.load %arg2[%get3A_415, %get3A_416, %get3A_417] : memref<2x80x128xf32, #tpu.memory_space<vmem>>, vector<1x1x128xf32>
    %get3A_419 = vector.shape_cast %get3A_418 : vector<1x1x128xf32> to vector<1x128xf32>
    %add3A_420 = arith.addf %get3A_414, %get3A_419 : vector<1x128xf32>
    %max3A_421 = arith.constant 1.000000e+00 : f32
    %max3A_422 = vector.broadcast %max3A_421 : f32 to vector<1x128xf32>
    %max3A_423 = arith.maximumf %add3A_420, %max3A_422 : vector<1x128xf32>
    %rsqrt3A_424 = math.rsqrt %max3A_423 : vector<1x128xf32>
    %iota3A_425 = tpu.iota {dimensions = array<i32: 0>} : vector<128x128xi32>
    %iota3A_426 = tpu.iota {dimensions = array<i32: 1>} : vector<128x128xi32>
    %eq3A_427 = arith.cmpi eq, %iota3A_425, %iota3A_426 : vector<128x128xi32>
    %jit3A_428 = arith.constant 0.000000e+00 : f32
    %broadcast_in_dim3A_429 = vector.shape_cast %rsqrt3A_424 : vector<1x128xf32> to vector<1x128xf32>
    %broadcast_in_dim3A_430 = vector.broadcast %broadcast_in_dim3A_429 : vector<1x128xf32> to vector<128x128xf32>
    %broadcast_in_dim3A_431 = vector.broadcast %jit3A_428 : f32 to vector<128x128xf32>
    %select_n3A_432 = arith.select %eq3A_427, %broadcast_in_dim3A_430, %broadcast_in_dim3A_431 : vector<128x128xi1>, vector<128x128xf32>
    %slice3A_433 = vector.extract_strided_slice %add3A {offsets = [640, 0], sizes = [128, 64], strides = [1, 1]} : vector<1024x64xf32> to vector<128x64xf32>
    %dot_general3A_434 = arith.constant dense<0.000000e+00> : vector<128x64xf32>
    %dot_general3A_435 = tpu.matmul %select_n3A_405, %slice3A_433, %dot_general3A_434 {dimension_numbers = #tpu.dot_dimension_numbers<[1], [0], [0], [1], [0, 0, 1, 1], [], []>, transpose_lhs_hint = false} : vector<128x128xf32>, vector<128x64xf32>, vector<128x64xf32> -> vector<128x64xf32>
    %get3A_436 = arith.constant 0 : index
    %get3A_437 = arith.constant 0 : index
    %get3A_438 = vector.load %arg5[%get3A_436, %get3A_437] : memref<1x64xf32, #tpu.memory_space<vmem>>, vector<1x64xf32>
    %add3A_439 = vector.broadcast %get3A_438 : vector<1x64xf32> to vector<128x64xf32>
    %add3A_440 = arith.addf %dot_general3A_435, %add3A_439 : vector<128x64xf32>
    %max3A_441 = arith.constant 0.000000e+00 : f32
    %max3A_442 = vector.broadcast %max3A_441 : f32 to vector<128x64xf32>
    %max3A_443 = arith.maximumf %add3A_440, %max3A_442 : vector<128x64xf32>
    %dot_general3A_444 = arith.constant dense<0.000000e+00> : vector<128x64xf32>
    %dot_general3A_445 = tpu.matmul %select_n3A_432, %max3A_443, %dot_general3A_444 {dimension_numbers = #tpu.dot_dimension_numbers<[1], [0], [0], [1], [0, 0, 1, 1], [], []>, transpose_lhs_hint = false} : vector<128x128xf32>, vector<128x64xf32>, vector<128x64xf32> -> vector<128x64xf32>
    %get3A_446 = arith.constant 0 : index
    %get3A_447 = arith.constant 0 : index
    %get3A_448 = vector.load %arg6[%get3A_446, %get3A_447] : memref<64x128xf32, #tpu.memory_space<vmem>>, vector<64x128xf32>
    %dot_general3A_449 = arith.constant dense<0.000000e+00> : vector<128x128xf32>
    %dot_general3A_450 = tpu.matmul %dot_general3A_445, %get3A_448, %dot_general3A_449 {dimension_numbers = #tpu.dot_dimension_numbers<[1], [0], [0], [1], [0, 0, 1, 1], [], []>, transpose_lhs_hint = false} : vector<128x64xf32>, vector<64x128xf32>, vector<128x128xf32> -> vector<128x128xf32>
    %convert_element_type3A_451 = arith.truncf %dot_general3A_450 : vector<128x128xf32> to vector<128x128xbf16>
    %swap3A_452 = arith.constant 640 : index
    %swap3A_453 = arith.constant 0 : index
    %swap3A_454 = vector.load %arg7[%swap3A_452, %swap3A_453] : memref<1024x128xbf16, #tpu.memory_space<vmem>>, vector<128x128xbf16>
    tpu.vector_store %arg7[%swap3A_452, %swap3A_453], %convert_element_type3A_451 {strides = array<i32>} : memref<1024x128xbf16, #tpu.memory_space<vmem>>, vector<128x128xbf16>,
    %mul3A_455 = arith.constant 8 : i32
    %mul3A_456 = arith.muli %arg0, %mul3A_455 : i32
    %add3A_457 = arith.constant 6 : i32
    %add3A_458 = arith.addi %mul3A_456, %add3A_457 : i32
    %get3A_459 = arith.constant 0 : index
    %get3A_460 = arith.index_cast %add3A_458 : i32 to index
    %get3A_461 = arith.constant 0 : index
    %get3A_462 = vector.load %arg1[%get3A_459, %get3A_460, %get3A_461] : memref<2x80x128xf32, #tpu.memory_space<vmem>>, vector<1x1x128xf32>
    %get3A_463 = vector.shape_cast %get3A_462 : vector<1x1x128xf32> to vector<1x128xf32>
    %get3A_464 = arith.constant 1 : index
    %get3A_465 = arith.index_cast %add3A_458 : i32 to index
    %get3A_466 = arith.constant 0 : index
    %get3A_467 = vector.load %arg1[%get3A_464, %get3A_465, %get3A_466] : memref<2x80x128xf32, #tpu.memory_space<vmem>>, vector<1x1x128xf32>
    %get3A_468 = vector.shape_cast %get3A_467 : vector<1x1x128xf32> to vector<1x128xf32>
    %add3A_469 = arith.addf %get3A_463, %get3A_468 : vector<1x128xf32>
    %max3A_470 = arith.constant 1.000000e+00 : f32
    %max3A_471 = vector.broadcast %max3A_470 : f32 to vector<1x128xf32>
    %max3A_472 = arith.maximumf %add3A_469, %max3A_471 : vector<1x128xf32>
    %rsqrt3A_473 = math.rsqrt %max3A_472 : vector<1x128xf32>
    %iota3A_474 = tpu.iota {dimensions = array<i32: 0>} : vector<128x128xi32>
    %iota3A_475 = tpu.iota {dimensions = array<i32: 1>} : vector<128x128xi32>
    %eq3A_476 = arith.cmpi eq, %iota3A_474, %iota3A_475 : vector<128x128xi32>
    %jit3A_477 = arith.constant 0.000000e+00 : f32
    %broadcast_in_dim3A_478 = vector.shape_cast %rsqrt3A_473 : vector<1x128xf32> to vector<1x128xf32>
    %broadcast_in_dim3A_479 = vector.broadcast %broadcast_in_dim3A_478 : vector<1x128xf32> to vector<128x128xf32>
    %broadcast_in_dim3A_480 = vector.broadcast %jit3A_477 : f32 to vector<128x128xf32>
    %select_n3A_481 = arith.select %eq3A_476, %broadcast_in_dim3A_479, %broadcast_in_dim3A_480 : vector<128x128xi1>, vector<128x128xf32>
    %mul3A_482 = arith.constant 8 : i32
    %mul3A_483 = arith.muli %arg0, %mul3A_482 : i32
    %add3A_484 = arith.constant 6 : i32
    %add3A_485 = arith.addi %mul3A_483, %add3A_484 : i32
    %get3A_486 = arith.constant 0 : index
    %get3A_487 = arith.index_cast %add3A_485 : i32 to index
    %get3A_488 = arith.constant 0 : index
    %get3A_489 = vector.load %arg2[%get3A_486, %get3A_487, %get3A_488] : memref<2x80x128xf32, #tpu.memory_space<vmem>>, vector<1x1x128xf32>
    %get3A_490 = vector.shape_cast %get3A_489 : vector<1x1x128xf32> to vector<1x128xf32>
    %get3A_491 = arith.constant 1 : index
    %get3A_492 = arith.index_cast %add3A_485 : i32 to index
    %get3A_493 = arith.constant 0 : index
    %get3A_494 = vector.load %arg2[%get3A_491, %get3A_492, %get3A_493] : memref<2x80x128xf32, #tpu.memory_space<vmem>>, vector<1x1x128xf32>
    %get3A_495 = vector.shape_cast %get3A_494 : vector<1x1x128xf32> to vector<1x128xf32>
    %add3A_496 = arith.addf %get3A_490, %get3A_495 : vector<1x128xf32>
    %max3A_497 = arith.constant 1.000000e+00 : f32
    %max3A_498 = vector.broadcast %max3A_497 : f32 to vector<1x128xf32>
    %max3A_499 = arith.maximumf %add3A_496, %max3A_498 : vector<1x128xf32>
    %rsqrt3A_500 = math.rsqrt %max3A_499 : vector<1x128xf32>
    %iota3A_501 = tpu.iota {dimensions = array<i32: 0>} : vector<128x128xi32>
    %iota3A_502 = tpu.iota {dimensions = array<i32: 1>} : vector<128x128xi32>
    %eq3A_503 = arith.cmpi eq, %iota3A_501, %iota3A_502 : vector<128x128xi32>
    %jit3A_504 = arith.constant 0.000000e+00 : f32
    %broadcast_in_dim3A_505 = vector.shape_cast %rsqrt3A_500 : vector<1x128xf32> to vector<1x128xf32>
    %broadcast_in_dim3A_506 = vector.broadcast %broadcast_in_dim3A_505 : vector<1x128xf32> to vector<128x128xf32>
    %broadcast_in_dim3A_507 = vector.broadcast %jit3A_504 : f32 to vector<128x128xf32>
    %select_n3A_508 = arith.select %eq3A_503, %broadcast_in_dim3A_506, %broadcast_in_dim3A_507 : vector<128x128xi1>, vector<128x128xf32>
    %slice3A_509 = vector.extract_strided_slice %add3A {offsets = [768, 0], sizes = [128, 64], strides = [1, 1]} : vector<1024x64xf32> to vector<128x64xf32>
    %dot_general3A_510 = arith.constant dense<0.000000e+00> : vector<128x64xf32>
    %dot_general3A_511 = tpu.matmul %select_n3A_481, %slice3A_509, %dot_general3A_510 {dimension_numbers = #tpu.dot_dimension_numbers<[1], [0], [0], [1], [0, 0, 1, 1], [], []>, transpose_lhs_hint = false} : vector<128x128xf32>, vector<128x64xf32>, vector<128x64xf32> -> vector<128x64xf32>
    %get3A_512 = arith.constant 0 : index
    %get3A_513 = arith.constant 0 : index
    %get3A_514 = vector.load %arg5[%get3A_512, %get3A_513] : memref<1x64xf32, #tpu.memory_space<vmem>>, vector<1x64xf32>
    %add3A_515 = vector.broadcast %get3A_514 : vector<1x64xf32> to vector<128x64xf32>
    %add3A_516 = arith.addf %dot_general3A_511, %add3A_515 : vector<128x64xf32>
    %max3A_517 = arith.constant 0.000000e+00 : f32
    %max3A_518 = vector.broadcast %max3A_517 : f32 to vector<128x64xf32>
    %max3A_519 = arith.maximumf %add3A_516, %max3A_518 : vector<128x64xf32>
    %dot_general3A_520 = arith.constant dense<0.000000e+00> : vector<128x64xf32>
    %dot_general3A_521 = tpu.matmul %select_n3A_508, %max3A_519, %dot_general3A_520 {dimension_numbers = #tpu.dot_dimension_numbers<[1], [0], [0], [1], [0, 0, 1, 1], [], []>, transpose_lhs_hint = false} : vector<128x128xf32>, vector<128x64xf32>, vector<128x64xf32> -> vector<128x64xf32>
    %get3A_522 = arith.constant 0 : index
    %get3A_523 = arith.constant 0 : index
    %get3A_524 = vector.load %arg6[%get3A_522, %get3A_523] : memref<64x128xf32, #tpu.memory_space<vmem>>, vector<64x128xf32>
    %dot_general3A_525 = arith.constant dense<0.000000e+00> : vector<128x128xf32>
    %dot_general3A_526 = tpu.matmul %dot_general3A_521, %get3A_524, %dot_general3A_525 {dimension_numbers = #tpu.dot_dimension_numbers<[1], [0], [0], [1], [0, 0, 1, 1], [], []>, transpose_lhs_hint = false} : vector<128x64xf32>, vector<64x128xf32>, vector<128x128xf32> -> vector<128x128xf32>
    %convert_element_type3A_527 = arith.truncf %dot_general3A_526 : vector<128x128xf32> to vector<128x128xbf16>
    %swap3A_528 = arith.constant 768 : index
    %swap3A_529 = arith.constant 0 : index
    %swap3A_530 = vector.load %arg7[%swap3A_528, %swap3A_529] : memref<1024x128xbf16, #tpu.memory_space<vmem>>, vector<128x128xbf16>
    tpu.vector_store %arg7[%swap3A_528, %swap3A_529], %convert_element_type3A_527 {strides = array<i32>} : memref<1024x128xbf16, #tpu.memory_space<vmem>>, vector<128x128xbf16>,
    %mul3A_531 = arith.constant 8 : i32
    %mul3A_532 = arith.muli %arg0, %mul3A_531 : i32
    %add3A_533 = arith.constant 7 : i32
    %add3A_534 = arith.addi %mul3A_532, %add3A_533 : i32
    %get3A_535 = arith.constant 0 : index
    %get3A_536 = arith.index_cast %add3A_534 : i32 to index
    %get3A_537 = arith.constant 0 : index
    %get3A_538 = vector.load %arg1[%get3A_535, %get3A_536, %get3A_537] : memref<2x80x128xf32, #tpu.memory_space<vmem>>, vector<1x1x128xf32>
    %get3A_539 = vector.shape_cast %get3A_538 : vector<1x1x128xf32> to vector<1x128xf32>
    %get3A_540 = arith.constant 1 : index
    %get3A_541 = arith.index_cast %add3A_534 : i32 to index
    %get3A_542 = arith.constant 0 : index
    %get3A_543 = vector.load %arg1[%get3A_540, %get3A_541, %get3A_542] : memref<2x80x128xf32, #tpu.memory_space<vmem>>, vector<1x1x128xf32>
    %get3A_544 = vector.shape_cast %get3A_543 : vector<1x1x128xf32> to vector<1x128xf32>
    %add3A_545 = arith.addf %get3A_539, %get3A_544 : vector<1x128xf32>
    %max3A_546 = arith.constant 1.000000e+00 : f32
    %max3A_547 = vector.broadcast %max3A_546 : f32 to vector<1x128xf32>
    %max3A_548 = arith.maximumf %add3A_545, %max3A_547 : vector<1x128xf32>
    %rsqrt3A_549 = math.rsqrt %max3A_548 : vector<1x128xf32>
    %iota3A_550 = tpu.iota {dimensions = array<i32: 0>} : vector<128x128xi32>
    %iota3A_551 = tpu.iota {dimensions = array<i32: 1>} : vector<128x128xi32>
    %eq3A_552 = arith.cmpi eq, %iota3A_550, %iota3A_551 : vector<128x128xi32>
    %jit3A_553 = arith.constant 0.000000e+00 : f32
    %broadcast_in_dim3A_554 = vector.shape_cast %rsqrt3A_549 : vector<1x128xf32> to vector<1x128xf32>
    %broadcast_in_dim3A_555 = vector.broadcast %broadcast_in_dim3A_554 : vector<1x128xf32> to vector<128x128xf32>
    %broadcast_in_dim3A_556 = vector.broadcast %jit3A_553 : f32 to vector<128x128xf32>
    %select_n3A_557 = arith.select %eq3A_552, %broadcast_in_dim3A_555, %broadcast_in_dim3A_556 : vector<128x128xi1>, vector<128x128xf32>
    %mul3A_558 = arith.constant 8 : i32
    %mul3A_559 = arith.muli %arg0, %mul3A_558 : i32
    %add3A_560 = arith.constant 7 : i32
    %add3A_561 = arith.addi %mul3A_559, %add3A_560 : i32
    %get3A_562 = arith.constant 0 : index
    %get3A_563 = arith.index_cast %add3A_561 : i32 to index
    %get3A_564 = arith.constant 0 : index
    %get3A_565 = vector.load %arg2[%get3A_562, %get3A_563, %get3A_564] : memref<2x80x128xf32, #tpu.memory_space<vmem>>, vector<1x1x128xf32>
    %get3A_566 = vector.shape_cast %get3A_565 : vector<1x1x128xf32> to vector<1x128xf32>
    %get3A_567 = arith.constant 1 : index
    %get3A_568 = arith.index_cast %add3A_561 : i32 to index
    %get3A_569 = arith.constant 0 : index
    %get3A_570 = vector.load %arg2[%get3A_567, %get3A_568, %get3A_569] : memref<2x80x128xf32, #tpu.memory_space<vmem>>, vector<1x1x128xf32>
    %get3A_571 = vector.shape_cast %get3A_570 : vector<1x1x128xf32> to vector<1x128xf32>
    %add3A_572 = arith.addf %get3A_566, %get3A_571 : vector<1x128xf32>
    %max3A_573 = arith.constant 1.000000e+00 : f32
    %max3A_574 = vector.broadcast %max3A_573 : f32 to vector<1x128xf32>
    %max3A_575 = arith.maximumf %add3A_572, %max3A_574 : vector<1x128xf32>
    %rsqrt3A_576 = math.rsqrt %max3A_575 : vector<1x128xf32>
    %iota3A_577 = tpu.iota {dimensions = array<i32: 0>} : vector<128x128xi32>
    %iota3A_578 = tpu.iota {dimensions = array<i32: 1>} : vector<128x128xi32>
    %eq3A_579 = arith.cmpi eq, %iota3A_577, %iota3A_578 : vector<128x128xi32>
    %jit3A_580 = arith.constant 0.000000e+00 : f32
    %broadcast_in_dim3A_581 = vector.shape_cast %rsqrt3A_576 : vector<1x128xf32> to vector<1x128xf32>
    %broadcast_in_dim3A_582 = vector.broadcast %broadcast_in_dim3A_581 : vector<1x128xf32> to vector<128x128xf32>
    %broadcast_in_dim3A_583 = vector.broadcast %jit3A_580 : f32 to vector<128x128xf32>
    %select_n3A_584 = arith.select %eq3A_579, %broadcast_in_dim3A_582, %broadcast_in_dim3A_583 : vector<128x128xi1>, vector<128x128xf32>
    %slice3A_585 = vector.extract_strided_slice %add3A {offsets = [896, 0], sizes = [128, 64], strides = [1, 1]} : vector<1024x64xf32> to vector<128x64xf32>
    %dot_general3A_586 = arith.constant dense<0.000000e+00> : vector<128x64xf32>
    %dot_general3A_587 = tpu.matmul %select_n3A_557, %slice3A_585, %dot_general3A_586 {dimension_numbers = #tpu.dot_dimension_numbers<[1], [0], [0], [1], [0, 0, 1, 1], [], []>, transpose_lhs_hint = false} : vector<128x128xf32>, vector<128x64xf32>, vector<128x64xf32> -> vector<128x64xf32>
    %get3A_588 = arith.constant 0 : index
    %get3A_589 = arith.constant 0 : index
    %get3A_590 = vector.load %arg5[%get3A_588, %get3A_589] : memref<1x64xf32, #tpu.memory_space<vmem>>, vector<1x64xf32>
    %add3A_591 = vector.broadcast %get3A_590 : vector<1x64xf32> to vector<128x64xf32>
    %add3A_592 = arith.addf %dot_general3A_587, %add3A_591 : vector<128x64xf32>
    %max3A_593 = arith.constant 0.000000e+00 : f32
    %max3A_594 = vector.broadcast %max3A_593 : f32 to vector<128x64xf32>
    %max3A_595 = arith.maximumf %add3A_592, %max3A_594 : vector<128x64xf32>
    %dot_general3A_596 = arith.constant dense<0.000000e+00> : vector<128x64xf32>
    %dot_general3A_597 = tpu.matmul %select_n3A_584, %max3A_595, %dot_general3A_596 {dimension_numbers = #tpu.dot_dimension_numbers<[1], [0], [0], [1], [0, 0, 1, 1], [], []>, transpose_lhs_hint = false} : vector<128x128xf32>, vector<128x64xf32>, vector<128x64xf32> -> vector<128x64xf32>
    %get3A_598 = arith.constant 0 : index
    %get3A_599 = arith.constant 0 : index
    %get3A_600 = vector.load %arg6[%get3A_598, %get3A_599] : memref<64x128xf32, #tpu.memory_space<vmem>>, vector<64x128xf32>
    %dot_general3A_601 = arith.constant dense<0.000000e+00> : vector<128x128xf32>
    %dot_general3A_602 = tpu.matmul %dot_general3A_597, %get3A_600, %dot_general3A_601 {dimension_numbers = #tpu.dot_dimension_numbers<[1], [0], [0], [1], [0, 0, 1, 1], [], []>, transpose_lhs_hint = false} : vector<128x64xf32>, vector<64x128xf32>, vector<128x128xf32> -> vector<128x128xf32>
    %convert_element_type3A_603 = arith.truncf %dot_general3A_602 : vector<128x128xf32> to vector<128x128xbf16>
    %swap3A_604 = arith.constant 896 : index
    %swap3A_605 = arith.constant 0 : index
    %swap3A_606 = vector.load %arg7[%swap3A_604, %swap3A_605] : memref<1024x128xbf16, #tpu.memory_space<vmem>>, vector<128x128xbf16>
    tpu.vector_store %arg7[%swap3A_604, %swap3A_605], %convert_element_type3A_603 {strides = array<i32>} : memref<1024x128xbf16, #tpu.memory_space<vmem>>, vector<128x128xbf16>,
    return
  }
  func.func @transform_0(%arg0: i32) -> (i32, i32, i32) {
    %c0_i32 = arith.constant 0 : i32
    %c0_i32_0 = arith.constant 0 : i32
    %c0_i32_1 = arith.constant 0 : i32
    %c0_i32_2 = arith.constant 0 : i32
    return %c0_i32, %c0_i32_0, %c0_i32_1 : i32, i32, i32
  }
  func.func @transform_1(%arg0: i32) -> (i32, i32, i32) {
    %c0_i32 = arith.constant 0 : i32
    %c0_i32_0 = arith.constant 0 : i32
    %c0_i32_1 = arith.constant 0 : i32
    %c0_i32_2 = arith.constant 0 : i32
    return %c0_i32, %c0_i32_0, %c0_i32_1 : i32, i32, i32
  }
  func.func @transform_2(%arg0: i32) -> (i32, i32, i32) {
    %c0_i32 = arith.constant 0 : i32
    %c0_i32_0 = arith.constant 0 : i32
    %c0_i32_1 = arith.constant 0 : i32
    return %c0_i32, %arg0, %c0_i32_0 : i32, i32, i32
  }
  func.func @transform_3(%arg0: i32) -> (i32, i32, i32) {
    %c1_i32 = arith.constant 1 : i32
    %c0_i32 = arith.constant 0 : i32
    %c0_i32_0 = arith.constant 0 : i32
    return %c1_i32, %arg0, %c0_i32 : i32, i32, i32
  }
  func.func @transform_4(%arg0: i32) -> (i32, i32) {
    %c0_i32 = arith.constant 0 : i32
    %c0_i32_0 = arith.constant 0 : i32
    %c0_i32_1 = arith.constant 0 : i32
    return %c0_i32, %c0_i32_0 : i32, i32
  }
  func.func @transform_5(%arg0: i32) -> (i32, i32) {
    %c0_i32 = arith.constant 0 : i32
    %c0_i32_0 = arith.constant 0 : i32
    %c0_i32_1 = arith.constant 0 : i32
    return %c0_i32, %c0_i32_0 : i32, i32
  }
  func.func @transform_6(%arg0: i32) -> (i32, i32) {
    %c0_i32 = arith.constant 0 : i32
    %c0_i32_0 = arith.constant 0 : i32
    return %arg0, %c0_i32 : i32, i32
  }
}

module attributes {stable_mosaic.version = 14 : i64} {
  func.func @body(%arg0: i32, %arg1: memref<2x80x128xf32, #tpu.memory_space<vmem>>, %arg2: memref<1x1024x128xbf16, #tpu.memory_space<vmem>>, %arg3: memref<1x1024x128xbf16, #tpu.memory_space<vmem>>, %arg4: memref<1x128xf32, #tpu.memory_space<vmem>>, %arg5: memref<1024x128xf32, #tpu.memory_space<vmem>>, %arg6: memref<128x64xf32, #tpu.memory_space<vmem>>, %arg7: memref<1024x64xf32, #tpu.memory_space<vmem>>) attributes {dimension_semantics = [#tpu.dimension_semantics<arbitrary>], iteration_bounds = array<i64: 10>, scalar_prefetch = 0 : i64, scratch_operands = 0 : i64, tpu.core_type = #tpu.core_type<tc>, window_params = [{pipeline_mode = #tpu.pipeline_mode<synchronous>, transform_indices = @transform_0, window_bounds = array<i64: 2, 80, 128>}, {transform_indices = @transform_1, window_bounds = array<i64: 1, 1024, 128>}, {transform_indices = @transform_2, window_bounds = array<i64: 1, 1024, 128>}, {pipeline_mode = #tpu.pipeline_mode<synchronous>, transform_indices = @transform_3, window_bounds = array<i64: 1, 128>}, {transform_indices = @transform_4, window_bounds = array<i64: 1024, 128>}, {pipeline_mode = #tpu.pipeline_mode<synchronous>, transform_indices = @transform_5, window_bounds = array<i64: 128, 64>}, {transform_indices = @transform_6, window_bounds = array<i64: 1024, 64>}]} {
    %get3A = arith.constant 0 : index
    %get3A_0 = arith.constant 0 : index
    %get3A_1 = arith.constant 0 : index
    %get3A_2 = vector.load %arg2[%get3A, %get3A_0, %get3A_1] : memref<1x1024x128xbf16, #tpu.memory_space<vmem>>, vector<1x1024x128xbf16>
    %get3A_3 = vector.shape_cast %get3A_2 : vector<1x1024x128xbf16> to vector<1024x128xbf16>
    %convert_element_type3A = arith.extf %get3A_3 : vector<1024x128xbf16> to vector<1024x128xf32>
    %get3A_4 = arith.constant 0 : index
    %get3A_5 = arith.constant 0 : index
    %get3A_6 = arith.constant 0 : index
    %get3A_7 = vector.load %arg3[%get3A_4, %get3A_5, %get3A_6] : memref<1x1024x128xbf16, #tpu.memory_space<vmem>>, vector<1x1024x128xbf16>
    %get3A_8 = vector.shape_cast %get3A_7 : vector<1x1024x128xbf16> to vector<1024x128xbf16>
    %convert_element_type3A_9 = arith.extf %get3A_8 : vector<1024x128xbf16> to vector<1024x128xf32>
    %add3A = arith.addf %convert_element_type3A, %convert_element_type3A_9 : vector<1024x128xf32>
    %mul3A = arith.constant 8 : i32
    %mul3A_10 = arith.muli %arg0, %mul3A : i32
    %add3A_11 = arith.constant 0 : i32
    %add3A_12 = arith.addi %mul3A_10, %add3A_11 : i32
    %get3A_13 = arith.constant 0 : index
    %get3A_14 = arith.index_cast %add3A_12 : i32 to index
    %get3A_15 = arith.constant 0 : index
    %get3A_16 = vector.load %arg1[%get3A_13, %get3A_14, %get3A_15] : memref<2x80x128xf32, #tpu.memory_space<vmem>>, vector<1x1x128xf32>
    %get3A_17 = vector.shape_cast %get3A_16 : vector<1x1x128xf32> to vector<1x128xf32>
    %get3A_18 = arith.constant 1 : index
    %get3A_19 = arith.index_cast %add3A_12 : i32 to index
    %get3A_20 = arith.constant 0 : index
    %get3A_21 = vector.load %arg1[%get3A_18, %get3A_19, %get3A_20] : memref<2x80x128xf32, #tpu.memory_space<vmem>>, vector<1x1x128xf32>
    %get3A_22 = vector.shape_cast %get3A_21 : vector<1x1x128xf32> to vector<1x128xf32>
    %add3A_23 = arith.addf %get3A_17, %get3A_22 : vector<1x128xf32>
    %max3A = arith.constant 1.000000e+00 : f32
    %max3A_24 = vector.broadcast %max3A : f32 to vector<1x128xf32>
    %max3A_25 = arith.maximumf %add3A_23, %max3A_24 : vector<1x128xf32>
    %rsqrt3A = math.rsqrt %max3A_25 : vector<1x128xf32>
    %iota3A = tpu.iota {dimensions = array<i32: 0>} : vector<128x128xi32>
    %iota3A_26 = tpu.iota {dimensions = array<i32: 1>} : vector<128x128xi32>
    %eq3A = arith.cmpi eq, %iota3A, %iota3A_26 : vector<128x128xi32>
    %jit3A = arith.constant 0.000000e+00 : f32
    %broadcast_in_dim3A = vector.shape_cast %rsqrt3A : vector<1x128xf32> to vector<1x128xf32>
    %broadcast_in_dim3A_27 = vector.broadcast %broadcast_in_dim3A : vector<1x128xf32> to vector<128x128xf32>
    %broadcast_in_dim3A_28 = vector.broadcast %jit3A : f32 to vector<128x128xf32>
    %select_n3A = arith.select %eq3A, %broadcast_in_dim3A_27, %broadcast_in_dim3A_28 : vector<128x128xi1>, vector<128x128xf32>
    %slice3A = vector.extract_strided_slice %add3A {offsets = [0, 0], sizes = [128, 128], strides = [1, 1]} : vector<1024x128xf32> to vector<128x128xf32>
    %dot_general3A = arith.constant dense<0.000000e+00> : vector<128x128xf32>
    %dot_general3A_29 = tpu.matmul %select_n3A, %slice3A, %dot_general3A {dimension_numbers = #tpu.dot_dimension_numbers<[1], [0], [0], [1], [0, 0, 1, 1], [], []>, transpose_lhs_hint = false} : vector<128x128xf32>, vector<128x128xf32>, vector<128x128xf32> -> vector<128x128xf32>
    %get3A_30 = arith.constant 0 : index
    %get3A_31 = arith.constant 0 : index
    %get3A_32 = vector.load %arg4[%get3A_30, %get3A_31] : memref<1x128xf32, #tpu.memory_space<vmem>>, vector<1x128xf32>
    %add3A_33 = vector.broadcast %get3A_32 : vector<1x128xf32> to vector<128x128xf32>
    %add3A_34 = arith.addf %dot_general3A_29, %add3A_33 : vector<128x128xf32>
    %get3A_35 = arith.constant 0 : index
    %get3A_36 = arith.constant 0 : index
    %get3A_37 = vector.load %arg5[%get3A_35, %get3A_36] : memref<1024x128xf32, #tpu.memory_space<vmem>>, vector<128x128xf32>
    %mul3A_38 = arith.mulf %add3A_34, %get3A_37 : vector<128x128xf32>
    %get3A_39 = arith.constant 0 : index
    %get3A_40 = arith.constant 0 : index
    %get3A_41 = vector.load %arg6[%get3A_39, %get3A_40] : memref<128x64xf32, #tpu.memory_space<vmem>>, vector<128x64xf32>
    %dot_general3A_42 = arith.constant dense<0.000000e+00> : vector<128x64xf32>
    %dot_general3A_43 = tpu.matmul %mul3A_38, %get3A_41, %dot_general3A_42 {dimension_numbers = #tpu.dot_dimension_numbers<[1], [0], [0], [1], [0, 0, 1, 1], [], []>, transpose_lhs_hint = false} : vector<128x128xf32>, vector<128x64xf32>, vector<128x64xf32> -> vector<128x64xf32>
    %swap3A = arith.constant 0 : index
    %swap3A_44 = arith.constant 0 : index
    %swap3A_45 = vector.load %arg7[%swap3A, %swap3A_44] : memref<1024x64xf32, #tpu.memory_space<vmem>>, vector<128x64xf32>
    tpu.vector_store %arg7[%swap3A, %swap3A_44], %dot_general3A_43 {strides = array<i32>} : memref<1024x64xf32, #tpu.memory_space<vmem>>, vector<128x64xf32>,
    %mul3A_46 = arith.constant 8 : i32
    %mul3A_47 = arith.muli %arg0, %mul3A_46 : i32
    %add3A_48 = arith.constant 1 : i32
    %add3A_49 = arith.addi %mul3A_47, %add3A_48 : i32
    %get3A_50 = arith.constant 0 : index
    %get3A_51 = arith.index_cast %add3A_49 : i32 to index
    %get3A_52 = arith.constant 0 : index
    %get3A_53 = vector.load %arg1[%get3A_50, %get3A_51, %get3A_52] : memref<2x80x128xf32, #tpu.memory_space<vmem>>, vector<1x1x128xf32>
    %get3A_54 = vector.shape_cast %get3A_53 : vector<1x1x128xf32> to vector<1x128xf32>
    %get3A_55 = arith.constant 1 : index
    %get3A_56 = arith.index_cast %add3A_49 : i32 to index
    %get3A_57 = arith.constant 0 : index
    %get3A_58 = vector.load %arg1[%get3A_55, %get3A_56, %get3A_57] : memref<2x80x128xf32, #tpu.memory_space<vmem>>, vector<1x1x128xf32>
    %get3A_59 = vector.shape_cast %get3A_58 : vector<1x1x128xf32> to vector<1x128xf32>
    %add3A_60 = arith.addf %get3A_54, %get3A_59 : vector<1x128xf32>
    %max3A_61 = arith.constant 1.000000e+00 : f32
    %max3A_62 = vector.broadcast %max3A_61 : f32 to vector<1x128xf32>
    %max3A_63 = arith.maximumf %add3A_60, %max3A_62 : vector<1x128xf32>
    %rsqrt3A_64 = math.rsqrt %max3A_63 : vector<1x128xf32>
    %iota3A_65 = tpu.iota {dimensions = array<i32: 0>} : vector<128x128xi32>
    %iota3A_66 = tpu.iota {dimensions = array<i32: 1>} : vector<128x128xi32>
    %eq3A_67 = arith.cmpi eq, %iota3A_65, %iota3A_66 : vector<128x128xi32>
    %jit3A_68 = arith.constant 0.000000e+00 : f32
    %broadcast_in_dim3A_69 = vector.shape_cast %rsqrt3A_64 : vector<1x128xf32> to vector<1x128xf32>
    %broadcast_in_dim3A_70 = vector.broadcast %broadcast_in_dim3A_69 : vector<1x128xf32> to vector<128x128xf32>
    %broadcast_in_dim3A_71 = vector.broadcast %jit3A_68 : f32 to vector<128x128xf32>
    %select_n3A_72 = arith.select %eq3A_67, %broadcast_in_dim3A_70, %broadcast_in_dim3A_71 : vector<128x128xi1>, vector<128x128xf32>
    %slice3A_73 = vector.extract_strided_slice %add3A {offsets = [128, 0], sizes = [128, 128], strides = [1, 1]} : vector<1024x128xf32> to vector<128x128xf32>
    %dot_general3A_74 = arith.constant dense<0.000000e+00> : vector<128x128xf32>
    %dot_general3A_75 = tpu.matmul %select_n3A_72, %slice3A_73, %dot_general3A_74 {dimension_numbers = #tpu.dot_dimension_numbers<[1], [0], [0], [1], [0, 0, 1, 1], [], []>, transpose_lhs_hint = false} : vector<128x128xf32>, vector<128x128xf32>, vector<128x128xf32> -> vector<128x128xf32>
    %get3A_76 = arith.constant 0 : index
    %get3A_77 = arith.constant 0 : index
    %get3A_78 = vector.load %arg4[%get3A_76, %get3A_77] : memref<1x128xf32, #tpu.memory_space<vmem>>, vector<1x128xf32>
    %add3A_79 = vector.broadcast %get3A_78 : vector<1x128xf32> to vector<128x128xf32>
    %add3A_80 = arith.addf %dot_general3A_75, %add3A_79 : vector<128x128xf32>
    %get3A_81 = arith.constant 128 : index
    %get3A_82 = arith.constant 0 : index
    %get3A_83 = vector.load %arg5[%get3A_81, %get3A_82] : memref<1024x128xf32, #tpu.memory_space<vmem>>, vector<128x128xf32>
    %mul3A_84 = arith.mulf %add3A_80, %get3A_83 : vector<128x128xf32>
    %get3A_85 = arith.constant 0 : index
    %get3A_86 = arith.constant 0 : index
    %get3A_87 = vector.load %arg6[%get3A_85, %get3A_86] : memref<128x64xf32, #tpu.memory_space<vmem>>, vector<128x64xf32>
    %dot_general3A_88 = arith.constant dense<0.000000e+00> : vector<128x64xf32>
    %dot_general3A_89 = tpu.matmul %mul3A_84, %get3A_87, %dot_general3A_88 {dimension_numbers = #tpu.dot_dimension_numbers<[1], [0], [0], [1], [0, 0, 1, 1], [], []>, transpose_lhs_hint = false} : vector<128x128xf32>, vector<128x64xf32>, vector<128x64xf32> -> vector<128x64xf32>
    %swap3A_90 = arith.constant 128 : index
    %swap3A_91 = arith.constant 0 : index
    %swap3A_92 = vector.load %arg7[%swap3A_90, %swap3A_91] : memref<1024x64xf32, #tpu.memory_space<vmem>>, vector<128x64xf32>
    tpu.vector_store %arg7[%swap3A_90, %swap3A_91], %dot_general3A_89 {strides = array<i32>} : memref<1024x64xf32, #tpu.memory_space<vmem>>, vector<128x64xf32>,
    %mul3A_93 = arith.constant 8 : i32
    %mul3A_94 = arith.muli %arg0, %mul3A_93 : i32
    %add3A_95 = arith.constant 2 : i32
    %add3A_96 = arith.addi %mul3A_94, %add3A_95 : i32
    %get3A_97 = arith.constant 0 : index
    %get3A_98 = arith.index_cast %add3A_96 : i32 to index
    %get3A_99 = arith.constant 0 : index
    %get3A_100 = vector.load %arg1[%get3A_97, %get3A_98, %get3A_99] : memref<2x80x128xf32, #tpu.memory_space<vmem>>, vector<1x1x128xf32>
    %get3A_101 = vector.shape_cast %get3A_100 : vector<1x1x128xf32> to vector<1x128xf32>
    %get3A_102 = arith.constant 1 : index
    %get3A_103 = arith.index_cast %add3A_96 : i32 to index
    %get3A_104 = arith.constant 0 : index
    %get3A_105 = vector.load %arg1[%get3A_102, %get3A_103, %get3A_104] : memref<2x80x128xf32, #tpu.memory_space<vmem>>, vector<1x1x128xf32>
    %get3A_106 = vector.shape_cast %get3A_105 : vector<1x1x128xf32> to vector<1x128xf32>
    %add3A_107 = arith.addf %get3A_101, %get3A_106 : vector<1x128xf32>
    %max3A_108 = arith.constant 1.000000e+00 : f32
    %max3A_109 = vector.broadcast %max3A_108 : f32 to vector<1x128xf32>
    %max3A_110 = arith.maximumf %add3A_107, %max3A_109 : vector<1x128xf32>
    %rsqrt3A_111 = math.rsqrt %max3A_110 : vector<1x128xf32>
    %iota3A_112 = tpu.iota {dimensions = array<i32: 0>} : vector<128x128xi32>
    %iota3A_113 = tpu.iota {dimensions = array<i32: 1>} : vector<128x128xi32>
    %eq3A_114 = arith.cmpi eq, %iota3A_112, %iota3A_113 : vector<128x128xi32>
    %jit3A_115 = arith.constant 0.000000e+00 : f32
    %broadcast_in_dim3A_116 = vector.shape_cast %rsqrt3A_111 : vector<1x128xf32> to vector<1x128xf32>
    %broadcast_in_dim3A_117 = vector.broadcast %broadcast_in_dim3A_116 : vector<1x128xf32> to vector<128x128xf32>
    %broadcast_in_dim3A_118 = vector.broadcast %jit3A_115 : f32 to vector<128x128xf32>
    %select_n3A_119 = arith.select %eq3A_114, %broadcast_in_dim3A_117, %broadcast_in_dim3A_118 : vector<128x128xi1>, vector<128x128xf32>
    %slice3A_120 = vector.extract_strided_slice %add3A {offsets = [256, 0], sizes = [128, 128], strides = [1, 1]} : vector<1024x128xf32> to vector<128x128xf32>
    %dot_general3A_121 = arith.constant dense<0.000000e+00> : vector<128x128xf32>
    %dot_general3A_122 = tpu.matmul %select_n3A_119, %slice3A_120, %dot_general3A_121 {dimension_numbers = #tpu.dot_dimension_numbers<[1], [0], [0], [1], [0, 0, 1, 1], [], []>, transpose_lhs_hint = false} : vector<128x128xf32>, vector<128x128xf32>, vector<128x128xf32> -> vector<128x128xf32>
    %get3A_123 = arith.constant 0 : index
    %get3A_124 = arith.constant 0 : index
    %get3A_125 = vector.load %arg4[%get3A_123, %get3A_124] : memref<1x128xf32, #tpu.memory_space<vmem>>, vector<1x128xf32>
    %add3A_126 = vector.broadcast %get3A_125 : vector<1x128xf32> to vector<128x128xf32>
    %add3A_127 = arith.addf %dot_general3A_122, %add3A_126 : vector<128x128xf32>
    %get3A_128 = arith.constant 256 : index
    %get3A_129 = arith.constant 0 : index
    %get3A_130 = vector.load %arg5[%get3A_128, %get3A_129] : memref<1024x128xf32, #tpu.memory_space<vmem>>, vector<128x128xf32>
    %mul3A_131 = arith.mulf %add3A_127, %get3A_130 : vector<128x128xf32>
    %get3A_132 = arith.constant 0 : index
    %get3A_133 = arith.constant 0 : index
    %get3A_134 = vector.load %arg6[%get3A_132, %get3A_133] : memref<128x64xf32, #tpu.memory_space<vmem>>, vector<128x64xf32>
    %dot_general3A_135 = arith.constant dense<0.000000e+00> : vector<128x64xf32>
    %dot_general3A_136 = tpu.matmul %mul3A_131, %get3A_134, %dot_general3A_135 {dimension_numbers = #tpu.dot_dimension_numbers<[1], [0], [0], [1], [0, 0, 1, 1], [], []>, transpose_lhs_hint = false} : vector<128x128xf32>, vector<128x64xf32>, vector<128x64xf32> -> vector<128x64xf32>
    %swap3A_137 = arith.constant 256 : index
    %swap3A_138 = arith.constant 0 : index
    %swap3A_139 = vector.load %arg7[%swap3A_137, %swap3A_138] : memref<1024x64xf32, #tpu.memory_space<vmem>>, vector<128x64xf32>
    tpu.vector_store %arg7[%swap3A_137, %swap3A_138], %dot_general3A_136 {strides = array<i32>} : memref<1024x64xf32, #tpu.memory_space<vmem>>, vector<128x64xf32>,
    %mul3A_140 = arith.constant 8 : i32
    %mul3A_141 = arith.muli %arg0, %mul3A_140 : i32
    %add3A_142 = arith.constant 3 : i32
    %add3A_143 = arith.addi %mul3A_141, %add3A_142 : i32
    %get3A_144 = arith.constant 0 : index
    %get3A_145 = arith.index_cast %add3A_143 : i32 to index
    %get3A_146 = arith.constant 0 : index
    %get3A_147 = vector.load %arg1[%get3A_144, %get3A_145, %get3A_146] : memref<2x80x128xf32, #tpu.memory_space<vmem>>, vector<1x1x128xf32>
    %get3A_148 = vector.shape_cast %get3A_147 : vector<1x1x128xf32> to vector<1x128xf32>
    %get3A_149 = arith.constant 1 : index
    %get3A_150 = arith.index_cast %add3A_143 : i32 to index
    %get3A_151 = arith.constant 0 : index
    %get3A_152 = vector.load %arg1[%get3A_149, %get3A_150, %get3A_151] : memref<2x80x128xf32, #tpu.memory_space<vmem>>, vector<1x1x128xf32>
    %get3A_153 = vector.shape_cast %get3A_152 : vector<1x1x128xf32> to vector<1x128xf32>
    %add3A_154 = arith.addf %get3A_148, %get3A_153 : vector<1x128xf32>
    %max3A_155 = arith.constant 1.000000e+00 : f32
    %max3A_156 = vector.broadcast %max3A_155 : f32 to vector<1x128xf32>
    %max3A_157 = arith.maximumf %add3A_154, %max3A_156 : vector<1x128xf32>
    %rsqrt3A_158 = math.rsqrt %max3A_157 : vector<1x128xf32>
    %iota3A_159 = tpu.iota {dimensions = array<i32: 0>} : vector<128x128xi32>
    %iota3A_160 = tpu.iota {dimensions = array<i32: 1>} : vector<128x128xi32>
    %eq3A_161 = arith.cmpi eq, %iota3A_159, %iota3A_160 : vector<128x128xi32>
    %jit3A_162 = arith.constant 0.000000e+00 : f32
    %broadcast_in_dim3A_163 = vector.shape_cast %rsqrt3A_158 : vector<1x128xf32> to vector<1x128xf32>
    %broadcast_in_dim3A_164 = vector.broadcast %broadcast_in_dim3A_163 : vector<1x128xf32> to vector<128x128xf32>
    %broadcast_in_dim3A_165 = vector.broadcast %jit3A_162 : f32 to vector<128x128xf32>
    %select_n3A_166 = arith.select %eq3A_161, %broadcast_in_dim3A_164, %broadcast_in_dim3A_165 : vector<128x128xi1>, vector<128x128xf32>
    %slice3A_167 = vector.extract_strided_slice %add3A {offsets = [384, 0], sizes = [128, 128], strides = [1, 1]} : vector<1024x128xf32> to vector<128x128xf32>
    %dot_general3A_168 = arith.constant dense<0.000000e+00> : vector<128x128xf32>
    %dot_general3A_169 = tpu.matmul %select_n3A_166, %slice3A_167, %dot_general3A_168 {dimension_numbers = #tpu.dot_dimension_numbers<[1], [0], [0], [1], [0, 0, 1, 1], [], []>, transpose_lhs_hint = false} : vector<128x128xf32>, vector<128x128xf32>, vector<128x128xf32> -> vector<128x128xf32>
    %get3A_170 = arith.constant 0 : index
    %get3A_171 = arith.constant 0 : index
    %get3A_172 = vector.load %arg4[%get3A_170, %get3A_171] : memref<1x128xf32, #tpu.memory_space<vmem>>, vector<1x128xf32>
    %add3A_173 = vector.broadcast %get3A_172 : vector<1x128xf32> to vector<128x128xf32>
    %add3A_174 = arith.addf %dot_general3A_169, %add3A_173 : vector<128x128xf32>
    %get3A_175 = arith.constant 384 : index
    %get3A_176 = arith.constant 0 : index
    %get3A_177 = vector.load %arg5[%get3A_175, %get3A_176] : memref<1024x128xf32, #tpu.memory_space<vmem>>, vector<128x128xf32>
    %mul3A_178 = arith.mulf %add3A_174, %get3A_177 : vector<128x128xf32>
    %get3A_179 = arith.constant 0 : index
    %get3A_180 = arith.constant 0 : index
    %get3A_181 = vector.load %arg6[%get3A_179, %get3A_180] : memref<128x64xf32, #tpu.memory_space<vmem>>, vector<128x64xf32>
    %dot_general3A_182 = arith.constant dense<0.000000e+00> : vector<128x64xf32>
    %dot_general3A_183 = tpu.matmul %mul3A_178, %get3A_181, %dot_general3A_182 {dimension_numbers = #tpu.dot_dimension_numbers<[1], [0], [0], [1], [0, 0, 1, 1], [], []>, transpose_lhs_hint = false} : vector<128x128xf32>, vector<128x64xf32>, vector<128x64xf32> -> vector<128x64xf32>
    %swap3A_184 = arith.constant 384 : index
    %swap3A_185 = arith.constant 0 : index
    %swap3A_186 = vector.load %arg7[%swap3A_184, %swap3A_185] : memref<1024x64xf32, #tpu.memory_space<vmem>>, vector<128x64xf32>
    tpu.vector_store %arg7[%swap3A_184, %swap3A_185], %dot_general3A_183 {strides = array<i32>} : memref<1024x64xf32, #tpu.memory_space<vmem>>, vector<128x64xf32>,
    %mul3A_187 = arith.constant 8 : i32
    %mul3A_188 = arith.muli %arg0, %mul3A_187 : i32
    %add3A_189 = arith.constant 4 : i32
    %add3A_190 = arith.addi %mul3A_188, %add3A_189 : i32
    %get3A_191 = arith.constant 0 : index
    %get3A_192 = arith.index_cast %add3A_190 : i32 to index
    %get3A_193 = arith.constant 0 : index
    %get3A_194 = vector.load %arg1[%get3A_191, %get3A_192, %get3A_193] : memref<2x80x128xf32, #tpu.memory_space<vmem>>, vector<1x1x128xf32>
    %get3A_195 = vector.shape_cast %get3A_194 : vector<1x1x128xf32> to vector<1x128xf32>
    %get3A_196 = arith.constant 1 : index
    %get3A_197 = arith.index_cast %add3A_190 : i32 to index
    %get3A_198 = arith.constant 0 : index
    %get3A_199 = vector.load %arg1[%get3A_196, %get3A_197, %get3A_198] : memref<2x80x128xf32, #tpu.memory_space<vmem>>, vector<1x1x128xf32>
    %get3A_200 = vector.shape_cast %get3A_199 : vector<1x1x128xf32> to vector<1x128xf32>
    %add3A_201 = arith.addf %get3A_195, %get3A_200 : vector<1x128xf32>
    %max3A_202 = arith.constant 1.000000e+00 : f32
    %max3A_203 = vector.broadcast %max3A_202 : f32 to vector<1x128xf32>
    %max3A_204 = arith.maximumf %add3A_201, %max3A_203 : vector<1x128xf32>
    %rsqrt3A_205 = math.rsqrt %max3A_204 : vector<1x128xf32>
    %iota3A_206 = tpu.iota {dimensions = array<i32: 0>} : vector<128x128xi32>
    %iota3A_207 = tpu.iota {dimensions = array<i32: 1>} : vector<128x128xi32>
    %eq3A_208 = arith.cmpi eq, %iota3A_206, %iota3A_207 : vector<128x128xi32>
    %jit3A_209 = arith.constant 0.000000e+00 : f32
    %broadcast_in_dim3A_210 = vector.shape_cast %rsqrt3A_205 : vector<1x128xf32> to vector<1x128xf32>
    %broadcast_in_dim3A_211 = vector.broadcast %broadcast_in_dim3A_210 : vector<1x128xf32> to vector<128x128xf32>
    %broadcast_in_dim3A_212 = vector.broadcast %jit3A_209 : f32 to vector<128x128xf32>
    %select_n3A_213 = arith.select %eq3A_208, %broadcast_in_dim3A_211, %broadcast_in_dim3A_212 : vector<128x128xi1>, vector<128x128xf32>
    %slice3A_214 = vector.extract_strided_slice %add3A {offsets = [512, 0], sizes = [128, 128], strides = [1, 1]} : vector<1024x128xf32> to vector<128x128xf32>
    %dot_general3A_215 = arith.constant dense<0.000000e+00> : vector<128x128xf32>
    %dot_general3A_216 = tpu.matmul %select_n3A_213, %slice3A_214, %dot_general3A_215 {dimension_numbers = #tpu.dot_dimension_numbers<[1], [0], [0], [1], [0, 0, 1, 1], [], []>, transpose_lhs_hint = false} : vector<128x128xf32>, vector<128x128xf32>, vector<128x128xf32> -> vector<128x128xf32>
    %get3A_217 = arith.constant 0 : index
    %get3A_218 = arith.constant 0 : index
    %get3A_219 = vector.load %arg4[%get3A_217, %get3A_218] : memref<1x128xf32, #tpu.memory_space<vmem>>, vector<1x128xf32>
    %add3A_220 = vector.broadcast %get3A_219 : vector<1x128xf32> to vector<128x128xf32>
    %add3A_221 = arith.addf %dot_general3A_216, %add3A_220 : vector<128x128xf32>
    %get3A_222 = arith.constant 512 : index
    %get3A_223 = arith.constant 0 : index
    %get3A_224 = vector.load %arg5[%get3A_222, %get3A_223] : memref<1024x128xf32, #tpu.memory_space<vmem>>, vector<128x128xf32>
    %mul3A_225 = arith.mulf %add3A_221, %get3A_224 : vector<128x128xf32>
    %get3A_226 = arith.constant 0 : index
    %get3A_227 = arith.constant 0 : index
    %get3A_228 = vector.load %arg6[%get3A_226, %get3A_227] : memref<128x64xf32, #tpu.memory_space<vmem>>, vector<128x64xf32>
    %dot_general3A_229 = arith.constant dense<0.000000e+00> : vector<128x64xf32>
    %dot_general3A_230 = tpu.matmul %mul3A_225, %get3A_228, %dot_general3A_229 {dimension_numbers = #tpu.dot_dimension_numbers<[1], [0], [0], [1], [0, 0, 1, 1], [], []>, transpose_lhs_hint = false} : vector<128x128xf32>, vector<128x64xf32>, vector<128x64xf32> -> vector<128x64xf32>
    %swap3A_231 = arith.constant 512 : index
    %swap3A_232 = arith.constant 0 : index
    %swap3A_233 = vector.load %arg7[%swap3A_231, %swap3A_232] : memref<1024x64xf32, #tpu.memory_space<vmem>>, vector<128x64xf32>
    tpu.vector_store %arg7[%swap3A_231, %swap3A_232], %dot_general3A_230 {strides = array<i32>} : memref<1024x64xf32, #tpu.memory_space<vmem>>, vector<128x64xf32>,
    %mul3A_234 = arith.constant 8 : i32
    %mul3A_235 = arith.muli %arg0, %mul3A_234 : i32
    %add3A_236 = arith.constant 5 : i32
    %add3A_237 = arith.addi %mul3A_235, %add3A_236 : i32
    %get3A_238 = arith.constant 0 : index
    %get3A_239 = arith.index_cast %add3A_237 : i32 to index
    %get3A_240 = arith.constant 0 : index
    %get3A_241 = vector.load %arg1[%get3A_238, %get3A_239, %get3A_240] : memref<2x80x128xf32, #tpu.memory_space<vmem>>, vector<1x1x128xf32>
    %get3A_242 = vector.shape_cast %get3A_241 : vector<1x1x128xf32> to vector<1x128xf32>
    %get3A_243 = arith.constant 1 : index
    %get3A_244 = arith.index_cast %add3A_237 : i32 to index
    %get3A_245 = arith.constant 0 : index
    %get3A_246 = vector.load %arg1[%get3A_243, %get3A_244, %get3A_245] : memref<2x80x128xf32, #tpu.memory_space<vmem>>, vector<1x1x128xf32>
    %get3A_247 = vector.shape_cast %get3A_246 : vector<1x1x128xf32> to vector<1x128xf32>
    %add3A_248 = arith.addf %get3A_242, %get3A_247 : vector<1x128xf32>
    %max3A_249 = arith.constant 1.000000e+00 : f32
    %max3A_250 = vector.broadcast %max3A_249 : f32 to vector<1x128xf32>
    %max3A_251 = arith.maximumf %add3A_248, %max3A_250 : vector<1x128xf32>
    %rsqrt3A_252 = math.rsqrt %max3A_251 : vector<1x128xf32>
    %iota3A_253 = tpu.iota {dimensions = array<i32: 0>} : vector<128x128xi32>
    %iota3A_254 = tpu.iota {dimensions = array<i32: 1>} : vector<128x128xi32>
    %eq3A_255 = arith.cmpi eq, %iota3A_253, %iota3A_254 : vector<128x128xi32>
    %jit3A_256 = arith.constant 0.000000e+00 : f32
    %broadcast_in_dim3A_257 = vector.shape_cast %rsqrt3A_252 : vector<1x128xf32> to vector<1x128xf32>
    %broadcast_in_dim3A_258 = vector.broadcast %broadcast_in_dim3A_257 : vector<1x128xf32> to vector<128x128xf32>
    %broadcast_in_dim3A_259 = vector.broadcast %jit3A_256 : f32 to vector<128x128xf32>
    %select_n3A_260 = arith.select %eq3A_255, %broadcast_in_dim3A_258, %broadcast_in_dim3A_259 : vector<128x128xi1>, vector<128x128xf32>
    %slice3A_261 = vector.extract_strided_slice %add3A {offsets = [640, 0], sizes = [128, 128], strides = [1, 1]} : vector<1024x128xf32> to vector<128x128xf32>
    %dot_general3A_262 = arith.constant dense<0.000000e+00> : vector<128x128xf32>
    %dot_general3A_263 = tpu.matmul %select_n3A_260, %slice3A_261, %dot_general3A_262 {dimension_numbers = #tpu.dot_dimension_numbers<[1], [0], [0], [1], [0, 0, 1, 1], [], []>, transpose_lhs_hint = false} : vector<128x128xf32>, vector<128x128xf32>, vector<128x128xf32> -> vector<128x128xf32>
    %get3A_264 = arith.constant 0 : index
    %get3A_265 = arith.constant 0 : index
    %get3A_266 = vector.load %arg4[%get3A_264, %get3A_265] : memref<1x128xf32, #tpu.memory_space<vmem>>, vector<1x128xf32>
    %add3A_267 = vector.broadcast %get3A_266 : vector<1x128xf32> to vector<128x128xf32>
    %add3A_268 = arith.addf %dot_general3A_263, %add3A_267 : vector<128x128xf32>
    %get3A_269 = arith.constant 640 : index
    %get3A_270 = arith.constant 0 : index
    %get3A_271 = vector.load %arg5[%get3A_269, %get3A_270] : memref<1024x128xf32, #tpu.memory_space<vmem>>, vector<128x128xf32>
    %mul3A_272 = arith.mulf %add3A_268, %get3A_271 : vector<128x128xf32>
    %get3A_273 = arith.constant 0 : index
    %get3A_274 = arith.constant 0 : index
    %get3A_275 = vector.load %arg6[%get3A_273, %get3A_274] : memref<128x64xf32, #tpu.memory_space<vmem>>, vector<128x64xf32>
    %dot_general3A_276 = arith.constant dense<0.000000e+00> : vector<128x64xf32>
    %dot_general3A_277 = tpu.matmul %mul3A_272, %get3A_275, %dot_general3A_276 {dimension_numbers = #tpu.dot_dimension_numbers<[1], [0], [0], [1], [0, 0, 1, 1], [], []>, transpose_lhs_hint = false} : vector<128x128xf32>, vector<128x64xf32>, vector<128x64xf32> -> vector<128x64xf32>
    %swap3A_278 = arith.constant 640 : index
    %swap3A_279 = arith.constant 0 : index
    %swap3A_280 = vector.load %arg7[%swap3A_278, %swap3A_279] : memref<1024x64xf32, #tpu.memory_space<vmem>>, vector<128x64xf32>
    tpu.vector_store %arg7[%swap3A_278, %swap3A_279], %dot_general3A_277 {strides = array<i32>} : memref<1024x64xf32, #tpu.memory_space<vmem>>, vector<128x64xf32>,
    %mul3A_281 = arith.constant 8 : i32
    %mul3A_282 = arith.muli %arg0, %mul3A_281 : i32
    %add3A_283 = arith.constant 6 : i32
    %add3A_284 = arith.addi %mul3A_282, %add3A_283 : i32
    %get3A_285 = arith.constant 0 : index
    %get3A_286 = arith.index_cast %add3A_284 : i32 to index
    %get3A_287 = arith.constant 0 : index
    %get3A_288 = vector.load %arg1[%get3A_285, %get3A_286, %get3A_287] : memref<2x80x128xf32, #tpu.memory_space<vmem>>, vector<1x1x128xf32>
    %get3A_289 = vector.shape_cast %get3A_288 : vector<1x1x128xf32> to vector<1x128xf32>
    %get3A_290 = arith.constant 1 : index
    %get3A_291 = arith.index_cast %add3A_284 : i32 to index
    %get3A_292 = arith.constant 0 : index
    %get3A_293 = vector.load %arg1[%get3A_290, %get3A_291, %get3A_292] : memref<2x80x128xf32, #tpu.memory_space<vmem>>, vector<1x1x128xf32>
    %get3A_294 = vector.shape_cast %get3A_293 : vector<1x1x128xf32> to vector<1x128xf32>
    %add3A_295 = arith.addf %get3A_289, %get3A_294 : vector<1x128xf32>
    %max3A_296 = arith.constant 1.000000e+00 : f32
    %max3A_297 = vector.broadcast %max3A_296 : f32 to vector<1x128xf32>
    %max3A_298 = arith.maximumf %add3A_295, %max3A_297 : vector<1x128xf32>
    %rsqrt3A_299 = math.rsqrt %max3A_298 : vector<1x128xf32>
    %iota3A_300 = tpu.iota {dimensions = array<i32: 0>} : vector<128x128xi32>
    %iota3A_301 = tpu.iota {dimensions = array<i32: 1>} : vector<128x128xi32>
    %eq3A_302 = arith.cmpi eq, %iota3A_300, %iota3A_301 : vector<128x128xi32>
    %jit3A_303 = arith.constant 0.000000e+00 : f32
    %broadcast_in_dim3A_304 = vector.shape_cast %rsqrt3A_299 : vector<1x128xf32> to vector<1x128xf32>
    %broadcast_in_dim3A_305 = vector.broadcast %broadcast_in_dim3A_304 : vector<1x128xf32> to vector<128x128xf32>
    %broadcast_in_dim3A_306 = vector.broadcast %jit3A_303 : f32 to vector<128x128xf32>
    %select_n3A_307 = arith.select %eq3A_302, %broadcast_in_dim3A_305, %broadcast_in_dim3A_306 : vector<128x128xi1>, vector<128x128xf32>
    %slice3A_308 = vector.extract_strided_slice %add3A {offsets = [768, 0], sizes = [128, 128], strides = [1, 1]} : vector<1024x128xf32> to vector<128x128xf32>
    %dot_general3A_309 = arith.constant dense<0.000000e+00> : vector<128x128xf32>
    %dot_general3A_310 = tpu.matmul %select_n3A_307, %slice3A_308, %dot_general3A_309 {dimension_numbers = #tpu.dot_dimension_numbers<[1], [0], [0], [1], [0, 0, 1, 1], [], []>, transpose_lhs_hint = false} : vector<128x128xf32>, vector<128x128xf32>, vector<128x128xf32> -> vector<128x128xf32>
    %get3A_311 = arith.constant 0 : index
    %get3A_312 = arith.constant 0 : index
    %get3A_313 = vector.load %arg4[%get3A_311, %get3A_312] : memref<1x128xf32, #tpu.memory_space<vmem>>, vector<1x128xf32>
    %add3A_314 = vector.broadcast %get3A_313 : vector<1x128xf32> to vector<128x128xf32>
    %add3A_315 = arith.addf %dot_general3A_310, %add3A_314 : vector<128x128xf32>
    %get3A_316 = arith.constant 768 : index
    %get3A_317 = arith.constant 0 : index
    %get3A_318 = vector.load %arg5[%get3A_316, %get3A_317] : memref<1024x128xf32, #tpu.memory_space<vmem>>, vector<128x128xf32>
    %mul3A_319 = arith.mulf %add3A_315, %get3A_318 : vector<128x128xf32>
    %get3A_320 = arith.constant 0 : index
    %get3A_321 = arith.constant 0 : index
    %get3A_322 = vector.load %arg6[%get3A_320, %get3A_321] : memref<128x64xf32, #tpu.memory_space<vmem>>, vector<128x64xf32>
    %dot_general3A_323 = arith.constant dense<0.000000e+00> : vector<128x64xf32>
    %dot_general3A_324 = tpu.matmul %mul3A_319, %get3A_322, %dot_general3A_323 {dimension_numbers = #tpu.dot_dimension_numbers<[1], [0], [0], [1], [0, 0, 1, 1], [], []>, transpose_lhs_hint = false} : vector<128x128xf32>, vector<128x64xf32>, vector<128x64xf32> -> vector<128x64xf32>
    %swap3A_325 = arith.constant 768 : index
    %swap3A_326 = arith.constant 0 : index
    %swap3A_327 = vector.load %arg7[%swap3A_325, %swap3A_326] : memref<1024x64xf32, #tpu.memory_space<vmem>>, vector<128x64xf32>
    tpu.vector_store %arg7[%swap3A_325, %swap3A_326], %dot_general3A_324 {strides = array<i32>} : memref<1024x64xf32, #tpu.memory_space<vmem>>, vector<128x64xf32>,
    %mul3A_328 = arith.constant 8 : i32
    %mul3A_329 = arith.muli %arg0, %mul3A_328 : i32
    %add3A_330 = arith.constant 7 : i32
    %add3A_331 = arith.addi %mul3A_329, %add3A_330 : i32
    %get3A_332 = arith.constant 0 : index
    %get3A_333 = arith.index_cast %add3A_331 : i32 to index
    %get3A_334 = arith.constant 0 : index
    %get3A_335 = vector.load %arg1[%get3A_332, %get3A_333, %get3A_334] : memref<2x80x128xf32, #tpu.memory_space<vmem>>, vector<1x1x128xf32>
    %get3A_336 = vector.shape_cast %get3A_335 : vector<1x1x128xf32> to vector<1x128xf32>
    %get3A_337 = arith.constant 1 : index
    %get3A_338 = arith.index_cast %add3A_331 : i32 to index
    %get3A_339 = arith.constant 0 : index
    %get3A_340 = vector.load %arg1[%get3A_337, %get3A_338, %get3A_339] : memref<2x80x128xf32, #tpu.memory_space<vmem>>, vector<1x1x128xf32>
    %get3A_341 = vector.shape_cast %get3A_340 : vector<1x1x128xf32> to vector<1x128xf32>
    %add3A_342 = arith.addf %get3A_336, %get3A_341 : vector<1x128xf32>
    %max3A_343 = arith.constant 1.000000e+00 : f32
    %max3A_344 = vector.broadcast %max3A_343 : f32 to vector<1x128xf32>
    %max3A_345 = arith.maximumf %add3A_342, %max3A_344 : vector<1x128xf32>
    %rsqrt3A_346 = math.rsqrt %max3A_345 : vector<1x128xf32>
    %iota3A_347 = tpu.iota {dimensions = array<i32: 0>} : vector<128x128xi32>
    %iota3A_348 = tpu.iota {dimensions = array<i32: 1>} : vector<128x128xi32>
    %eq3A_349 = arith.cmpi eq, %iota3A_347, %iota3A_348 : vector<128x128xi32>
    %jit3A_350 = arith.constant 0.000000e+00 : f32
    %broadcast_in_dim3A_351 = vector.shape_cast %rsqrt3A_346 : vector<1x128xf32> to vector<1x128xf32>
    %broadcast_in_dim3A_352 = vector.broadcast %broadcast_in_dim3A_351 : vector<1x128xf32> to vector<128x128xf32>
    %broadcast_in_dim3A_353 = vector.broadcast %jit3A_350 : f32 to vector<128x128xf32>
    %select_n3A_354 = arith.select %eq3A_349, %broadcast_in_dim3A_352, %broadcast_in_dim3A_353 : vector<128x128xi1>, vector<128x128xf32>
    %slice3A_355 = vector.extract_strided_slice %add3A {offsets = [896, 0], sizes = [128, 128], strides = [1, 1]} : vector<1024x128xf32> to vector<128x128xf32>
    %dot_general3A_356 = arith.constant dense<0.000000e+00> : vector<128x128xf32>
    %dot_general3A_357 = tpu.matmul %select_n3A_354, %slice3A_355, %dot_general3A_356 {dimension_numbers = #tpu.dot_dimension_numbers<[1], [0], [0], [1], [0, 0, 1, 1], [], []>, transpose_lhs_hint = false} : vector<128x128xf32>, vector<128x128xf32>, vector<128x128xf32> -> vector<128x128xf32>
    %get3A_358 = arith.constant 0 : index
    %get3A_359 = arith.constant 0 : index
    %get3A_360 = vector.load %arg4[%get3A_358, %get3A_359] : memref<1x128xf32, #tpu.memory_space<vmem>>, vector<1x128xf32>
    %add3A_361 = vector.broadcast %get3A_360 : vector<1x128xf32> to vector<128x128xf32>
    %add3A_362 = arith.addf %dot_general3A_357, %add3A_361 : vector<128x128xf32>
    %get3A_363 = arith.constant 896 : index
    %get3A_364 = arith.constant 0 : index
    %get3A_365 = vector.load %arg5[%get3A_363, %get3A_364] : memref<1024x128xf32, #tpu.memory_space<vmem>>, vector<128x128xf32>
    %mul3A_366 = arith.mulf %add3A_362, %get3A_365 : vector<128x128xf32>
    %get3A_367 = arith.constant 0 : index
    %get3A_368 = arith.constant 0 : index
    %get3A_369 = vector.load %arg6[%get3A_367, %get3A_368] : memref<128x64xf32, #tpu.memory_space<vmem>>, vector<128x64xf32>
    %dot_general3A_370 = arith.constant dense<0.000000e+00> : vector<128x64xf32>
    %dot_general3A_371 = tpu.matmul %mul3A_366, %get3A_369, %dot_general3A_370 {dimension_numbers = #tpu.dot_dimension_numbers<[1], [0], [0], [1], [0, 0, 1, 1], [], []>, transpose_lhs_hint = false} : vector<128x128xf32>, vector<128x64xf32>, vector<128x64xf32> -> vector<128x64xf32>
    %swap3A_372 = arith.constant 896 : index
    %swap3A_373 = arith.constant 0 : index
    %swap3A_374 = vector.load %arg7[%swap3A_372, %swap3A_373] : memref<1024x64xf32, #tpu.memory_space<vmem>>, vector<128x64xf32>
    tpu.vector_store %arg7[%swap3A_372, %swap3A_373], %dot_general3A_371 {strides = array<i32>} : memref<1024x64xf32, #tpu.memory_space<vmem>>, vector<128x64xf32>,
    return
  }
  func.func @transform_0(%arg0: i32) -> (i32, i32, i32) {
    %c0_i32 = arith.constant 0 : i32
    %c0_i32_0 = arith.constant 0 : i32
    %c0_i32_1 = arith.constant 0 : i32
    %c0_i32_2 = arith.constant 0 : i32
    return %c0_i32, %c0_i32_0, %c0_i32_1 : i32, i32, i32
  }
  func.func @transform_1(%arg0: i32) -> (i32, i32, i32) {
    %c0_i32 = arith.constant 0 : i32
    %c0_i32_0 = arith.constant 0 : i32
    %c0_i32_1 = arith.constant 0 : i32
    return %c0_i32, %arg0, %c0_i32_0 : i32, i32, i32
  }
  func.func @transform_2(%arg0: i32) -> (i32, i32, i32) {
    %c1_i32 = arith.constant 1 : i32
    %c0_i32 = arith.constant 0 : i32
    %c0_i32_0 = arith.constant 0 : i32
    return %c1_i32, %arg0, %c0_i32 : i32, i32, i32
  }
  func.func @transform_3(%arg0: i32) -> (i32, i32) {
    %c0_i32 = arith.constant 0 : i32
    %c0_i32_0 = arith.constant 0 : i32
    %c0_i32_1 = arith.constant 0 : i32
    return %c0_i32, %c0_i32_0 : i32, i32
  }
  func.func @transform_4(%arg0: i32) -> (i32, i32) {
    %c0_i32 = arith.constant 0 : i32
    %c0_i32_0 = arith.constant 0 : i32
    return %arg0, %c0_i32 : i32, i32
  }
  func.func @transform_5(%arg0: i32) -> (i32, i32) {
    %c0_i32 = arith.constant 0 : i32
    %c0_i32_0 = arith.constant 0 : i32
    %c0_i32_1 = arith.constant 0 : i32
    return %c0_i32, %c0_i32_0 : i32, i32
  }
  func.func @transform_6(%arg0: i32) -> (i32, i32) {
    %c0_i32 = arith.constant 0 : i32
    %c0_i32_0 = arith.constant 0 : i32
    return %arg0, %c0_i32 : i32, i32
  }
}

</mosaic_0001>

<sc_bundles>
// kernel: kernel.11.cloned.1.call-start
scs
__scs_entry_jumppad:
0x0: {  	(pc) =	sbr.rel $0x88, $3  }
0x1: {  	(tag) =	ssettag $0x0;
	lr =	simm.s32 $0x1  }
0x2: {  	[smem:$0x3F9A] =	sst lr;
	_ =	strace $0xD0000000  }
0x3: {  	_ = 	snop  }
0x4: {  	_ = 	snop  }
0x5: {  	_ = 	snop  }
0x6: {  	_ = 	snop  }
0x7: {  	_ = 	snop  }
__scs_overlays_trampoline_lowered:
0x8: {  	[smem:$0x3FA9] =	sst s0  }
0x9: {  	[smem:$0x3FAA] =	sst s1  }
0xa: {  	[smem:$0x3FAB] =	sst s2  }
0xb: {  	[smem:$0x3FAC] =	sst s3  }
0xc: {  	[smem:$0x3FAD] =	sst s4  }
0xd: {  	[smem:$0x3FAE] =	sst s5  }
0xe: {  	[smem:$0x3FAF] =	sst s6  }
0xf: {  	[smem:$0x3FB0] =	sst s7  }
0x10: {  	[smem:$0x3FB1] =	sst s8  }
0x11: {  	[smem:$0x3FB2] =	sst s9;
	s0 =	simm.s32 @!p0 $0x0  }
0x12: {  	s1 =	sld [smem:$0x3F98];
	s0 =	simm.s32 @p0 $0x1  }
0x13: {  	[smem:$0x3FB3] =	sst s0;
	s0 =	simm.s32 @!p1 $0x0  }
0x14: {  	s2 =	sld [smem:$0x3F97];
	s0 =	simm.s32 @p1 $0x1  }
0x15: {  	[smem:$0x3FB4] =	sst s0;
	s0 =	simm.s32 @!p2 $0x0  }
0x16: {  	s3 =	sld [smem:$0x3FDB];
	s0 =	simm.s32 @p2 $0x1  }
0x17: {  	s4 =	simm.s32 $0x1BF5;
	[smem:$0x3FB6] =	sst s0  }
0x18: {  	s0 =	sld [smem:$0x3F99];
	_ =	swait.ge [sflag:s4], $0x0  }
0x19: {  	s7 =	sld [smem:$0x3F9A]  }
0x1a: {  	s8 =	sadd.s32 $0xFFFFE003, lr  }
0x1b: {  	s9 =	sadd.s32 $0xFFFFFEF7, lr;
	s5 =	simm.s32 $0xFFFFFFFF;
	p2 =	slt.u32 s8, $0xFFFFF086  }
0x1c: {  	p1 =	slt.u32 s9, $0xF7A;
	s5 =	simm.s32 @!p2 $0x0  }
0x1d: {  	s5 =	simm.s32 @p1 $0x1;
	p0 =	seq.s32 s7, s2  }
0x1e: {  	s7 =	smul.u32 @!p0 $0xF7A, s2;
	p2 =	seq.s32 @!p0 s5, $0x0  }
0x1f: {  	s9 =	smul.u32 $0xF7A, s1;
	s8 =	simm.s32 @!p0 $0x1BF5;
	p2 =	por !p2, p0  }
0x20: {  	[sflag:s8] =	ssyncset.s32 @!p0 $0xFFFFF086;
	s6 =	sadd.s32 @!p0 s3, s7;
	s7 =	simm.s32 @!p0 $0x108  }
0x21: {  	s3 =	sadd.s32 s3, s9;
	s6 =	sadd.s32 @!p0 $0x88, s6;
	s7 =	simm.s32 @p2 $0x1082  }
0x22: {  	[simem:s7], [sflag:s8] =	dma.local @!p0 [hbm:s6], $0xF7A  }
0x23: {  	s9 =	sor.u32 $0xD0000000, s2;
	s6 =	simm.s32 $0x108;
	_ =	swait.ge @!p0 [sflag:s8], $0x0  }
0x24: {  	s3 =	sadd.s32 $0x88, s3;
	s6 =	simm.s32 @!p1 $0x1082;
	[sflag:s4] =	ssyncset.s32 $0xFFFFF086  }
0x25: {  	[simem:s6], [sflag:s4] =	dma.local [hbm:s3], $0xF7A  }
0x26: {  	[smem:$0x3F9A] =	sst s1;
	(tag) =	ssettag s2;
	_ =	strace s9  }
0x27: {  	s1 =	sld [smem:$0x3FAA]  }
0x28: {  	s2 =	sld [smem:$0x3FAB]  }
0x29: {  	s4 =	sld [smem:$0x3FAD]  }
0x2a: {  	p0 =	seq.s32 s5, $0x0;
	s5 =	sld [smem:$0x3FAE]  }
0x2b: {  	s6 =	sld [smem:$0x3FAF]  }
0x2c: {  	s7 =	sld [smem:$0x3FB0]  }
0x2d: {  	s3 =	simm.s32 $0x108;
	s8 =	sld [smem:$0x3FB1]  }
0x2e: {  	s3 =	simm.s32 @!p0 $0x1082;
	s9 =	sld [smem:$0x3FB2]  }
0x2f: {  	lr =	sadd.s32 s0, s3;
	s0 =	sld [smem:$0x3FA9]  }
0x30: {  	s3 =	sld [smem:$0x3FAC]  }
0x31: {  	[smem:$0x3FB5] =	sst s10  }
0x32: {  	s10 =	sld [smem:$0x3FB3];
	_ =	sdelay $0x3  }
0x33: {  	p0 =	seq.s32 s10, $0x1;
	s10 =	sld [smem:$0x3FB5];
	_ =	sdelay $0x3  }
0x34: {  	[smem:$0x3FB5] =	sst s10  }
0x35: {  	s10 =	sld [smem:$0x3FB4];
	_ =	sdelay $0x3  }
0x36: {  	p1 =	seq.s32 s10, $0x1;
	s10 =	sld [smem:$0x3FB5];
	_ =	sdelay $0x3  }
0x37: {  	[smem:$0x3FB5] =	sst s10  }
0x38: {  	s10 =	sld [smem:$0x3FB6]  }
0x39: {  	_ = 	snop;
	(pc) =	sbr.ind lr, $3  }
0x3a: {  	_ = 	snop  }
0x3b: {  	_ = 	snop  }
0x3c: {  	p2 =	seq.s32 s10, $0x1;
	s10 =	sld [smem:$0x3FB5]  }
0x3d: {  	_ =	shalt  }
0x3e: {  	_ =	shalt  }
0x3f: {  	_ =	shalt  }
0x40: {  	_ =	shalt  }
0x41: {  	_ =	shalt  }
0x42: {  	_ =	shalt  }
0x43: {  	_ =	shalt  }
0x44: {  	_ =	shalt  }
0x45: {  	_ =	shalt  }
0x46: {  	_ =	shalt  }
0x47: {  	_ =	shalt  }
0x48: {  	_ =	shalt  }
0x49: {  	_ =	shalt  }
0x4a: {  	_ =	shalt  }
0x4b: {  	_ =	shalt  }
0x4c: {  	_ =	shalt  }
0x4d: {  	_ =	shalt  }
0x4e: {  	_ =	shalt  }
0x4f: {  	_ =	shalt  }
0x50: {  	_ =	shalt  }
0x51: {  	_ =	shalt  }
0x52: {  	_ =	shalt  }
0x53: {  	_ =	shalt  }
0x54: {  	_ =	shalt  }
0x55: {  	_ =	shalt  }
0x56: {  	_ =	shalt  }
0x57: {  	_ =	shalt  }
0x58: {  	_ =	shalt  }
0x59: {  	_ =	shalt  }
0x5a: {  	_ =	shalt  }
0x5b: {  	_ =	shalt  }
0x5c: {  	_ =	shalt  }
0x5d: {  	_ =	shalt  }
0x5e: {  	_ =	shalt  }
0x5f: {  	_ =	shalt  }
0x60: {  	_ =	shalt  }
0x61: {  	_ =	shalt  }
0x62: {  	_ =	shalt  }
0x63: {  	_ =	shalt  }
0x64: {  	_ =	shalt  }
0x65: {  	_ =	shalt  }
0x66: {  	_ =	shalt  }
0x67: {  	_ =	shalt  }
0x68: {  	_ =	shalt  }
0x69: {  	_ =	shalt  }
0x6a: {  	_ =	shalt  }
0x6b: {  	_ =	shalt  }
0x6c: {  	_ =	shalt  }
0x6d: {  	_ =	shalt  }
0x6e: {  	_ =	shalt  }
0x6f: {  	_ =	shalt  }
0x70: {  	_ =	shalt  }
0x71: {  	_ =	shalt  }
0x72: {  	_ =	shalt  }
0x73: {  	_ =	shalt  }
0x74: {  	_ =	shalt  }
0x75: {  	_ =	shalt  }
0x76: {  	_ =	shalt  }
0x77: {  	_ =	shalt  }
0x78: {  	_ =	shalt  }
0x79: {  	_ =	shalt  }
0x7a: {  	_ =	shalt  }
0x7b: {  	_ =	shalt  }
0x7c: {  	_ =	shalt  }
0x7d: {  	_ =	shalt  }
0x7e: {  	_ =	shalt  }
0x7f: {  	_ =	shalt  }
0x80: {  	_ =	shalt  }
0x81: {  	_ =	shalt  }
0x82: {  	_ =	shalt  }
0x83: {  	_ =	shalt  }
0x84: {  	_ =	shalt  }
0x85: {  	_ =	shalt  }
0x86: {  	_ =	shalt  }
0x87: {  	_ =	shalt  }
.Lfunc_end0:
.L_simem_size_0:
called_computation.1_lowered:
.L_overlay_start_0:
0x88: {  	s2 =	sld [smem:$0x3FD9]  }
0x89: {  	s3 =	sld [smem:$0x3FFE];
	_ =	sdelay $0x1  }
0x8a: {  	s1 =	srdreg.scid  }
0x8b: {  	s0 =	sand.u32 $0x1, s1  }
0x8c: {  	s17 =	sshll.u32 s0, $0xA;
	s2 =	sadd.s32 s3, s2  }
0x8d: {  	s2 =	sadd.s32 s2, s17  }
0x8e: {  	[smem:$0x3FC1] =	sst s2  }
0x8f: {  	_ = 	snop  }
0x90: {  	s2 =	sld [smem:$0x3FD0];
	(tm) =	ssettm $0x1  }
0x91: {  	s18 =	sld [smem:$0x3FFB];
	_ =	sdelay $0x3  }
0x92: {  	_ =	strace s18  }
0x93: {  	s3 =	sld [smem:$0x3FFC];
	_ =	sdelay $0x3  }
0x94: {  	_ =	strace s3  }
0x95: {  	s3 =	sld [smem:$0x3FFD];
	_ =	sdelay $0x3  }
0x96: {  	_ =	strace s3  }
0x97: {  	_ =	strace $0x8FFFFFFF  }
0x98: {  	s19 =	sld [smem:$0x3FDB];
	_ =	sdelay $0x1  }
0x99: {  	s4 =	simm.s32 $_scs_section_size  }
0x9a: {  	s5 =	simm.s32 $_size__tile_overlayer_lowered;
	s6 =	simm.s32 $_tile_overlayer_lowered  }
0x9b: {  	s22 =	simm.s32 $0x1BFF;
	s21 =	sshll.u32 s6, $0x1;
	s3 =	sadd.s32 s4, s19  }
0x9c: {  	s7 =	simm.s32 $0x0;
	s20 =	sshll.u32 s5, $0x1;
	s5 =	sadd.s32 s21, s3  }
0x9d: {  	[timem:s7], [sflag:s22] =	dma.local [hbm:s5], s20  }
0x9e: {  	_ =	swait.ge [sflag:s22], s20  }
0x9f: {  	s4 =	ssub.s32 $0x0, s20;
	[sflag:s22] =	ssyncset.done $0x0  }
0xa0: {  	[sflag:s22] =	ssyncadd.s32 s4;
	_ =	sdelay $0x1  }
0xa1: {  	s23 =	simm.s32 $0x1B8B  }
0xa2: {  	_ =	swait.ge [sflag:s23], $0x1  }
0xa3: {  	[sflag:s23] =	ssyncset.done $0x0  }
0xa4: {  	s25 =	simm.s32 $0x1B8E;
	s24 =	sld [smem:$0x3FFE];
	[sflag:s23] =	ssyncadd.s32 $0xFFFFFFFF  }
0xa5: {  	s26 =	simm.s32 $execute0_lowered;
	[smem:$0x3FD2] =	sst s25  }
0xa6: {  	s5 =	sshll.u32 s26, $0x1;
	_ =	strace $0x80000049;
	[dreg:$0x1] =	wrdreg $0xFFFFFFFF  }
0xa7: {  	s28 =	simm.s32 $_size_execute0_lowered;
	s3 =	sadd.s32 s3, s5;
	[dreg:$0x0] =	wrdreg $0x0  }
0xa8: {  	s5 =	sshll.u32 s28, $0x1;
	[dreg:$0x2] =	wrdreg s3  }
0xa9: {  	[dreg:$0x3] =	wrdreg s5  }
0xaa: {  	[dreg:$0x4] =	wrdreg $0xC0  }
0xab: {  	_ =	task [dreg:s7], $0x5FFFF  }
0xac: {  	[dreg:$0x1] =	wrdreg $0xFFFFFFFF  }
0xad: {  	[dreg:$0x0] =	wrdreg $0x60  }
0xae: {  	[dreg:$0x2] =	wrdreg s24  }
0xaf: {  	[dreg:$0x3] =	wrdreg s2  }
0xb0: {  	[dreg:$0x4] =	wrdreg $0x90000  }
0xb1: {  	[dreg:$0x5] =	wrdreg $0x9  }
0xb2: {  	_ =	task.clear_ibuf [dreg:s7], $0x6FFFF;
	_ =	strace $0x90000049  }
0xb3: {  	s29 =	simm.s32 $0x9;
	_ =	strace $0x8000004B  }
0xb4: {  	_ =	swait.ge [sflag:s29], $0x1  }
0xb5: {  	[sflag:s29] =	ssyncadd.s32 $0xFFFFFFFF  }
0xb6: {  	_ =	strace $0x9000004B  }
0xb7: {  	_ =	sfence  }
0xb8: {  	s30 =	sld [smem:$0x0];
	_ =	sdelay $0x2  }
0xb9: {  	s31 =	sshll.u32 s1, $0xD;
	s1 =	sshrl.u32 s1, $0x2  }
0xba: {  	s3 =	sand.u32 $0x4000, s31;
	s1 =	sadd.s32 s1, s30  }
0xbb: {  	s0 =	sor.u32 s3, s0;
	s1 =	sshll.u32 s1, $0x11  }
0xbc: {  	s0 =	sor.u32 s1, s0  }
0xbd: {  	s0 =	sadd.s32 $0x8F2B, s0  }
0xbe: {  	[sflag:s0] =	ssyncadd.remote.s32 $0x1  }
0xbf: {  	_ =	sfence.sel $0xFFFF  }
0xc0: {  	[dreg:$0x0] =	wrdreg $0xFFFFFFFF;
	(pc) =	sbr.abs _section_cstart, $3  }
0xc1: {  	[dreg:$0x1] =	wrdreg $0xFFFFFFFF  }
0xc2: {  	_ =	task.clear_ibuf [dreg:s7], $0x2FFFF;
	_ =	strace $0x9FFFFFFF  }
0xc3: {  	(tm) =	ssettm $0x7FFFFFFF  }
tec
execute0_lowered:
.L_overlay_start_1:
0x0: {  	(tag) =	ssettag $0x1  }
0x1: {  	s0 =	rddreg [dreg:$0x0]  }
0x2: {  	s10 =	rddreg [dreg:$0x1]  }
0x3: {  	s1 =	srdreg.scid;
	s2 =	rddreg [dreg:$0x2]  }
0x4: {  	s6 =	stileid.u32;
	s3 =	simm.s32 $0x0;
	s28 =	simm.s32 $0x7000  }
0x5: {  	s29 =	simm.s32 $0x3;
	s31 =	simm.s32 $0x6;
	s30 =	simm.s32 $0x8  }
0x6: {  	s1 =	sand.u32 $0x1, s1;
	[smem:$0x7FF] =	sst s3;
	s12 =	smul.u32 $0xA000, s6  }
0x7: {  	s4 =	sshll.u32 s1, $0x4;
	_ =	strace $0x8000004A;
	s5 =	ssub.s32 $0x2, s1  }
0x8: {  	s1 =	smul.u32 $0xA0000, s1;
	s4 =	sor.u32 s6, s4;
	s19 =	sshrl.u32 s5, $0x1  }
0x9: {  	s14 =	sadd.s32 $0x2000, s12;
	s20 =	sshrl.u32 s12, $0x1;
	s15 =	sadd.s32 $0x4000, s12  }
0xa: {  	s16 =	sadd.s32 $0x6000, s12;
	s18 =	sadd.s32 $0x8000, s12;
	s11 =	smul.u32 $0x500, s4  }
0xb: {  	s4 =	sadd.s32 $0xBA00, s0;
	s17 =	ssub.s32 s5, s19;
	s21 =	sshrl.u32 s14, $0x1  }
0xc: {  	s5 =	sadd.s32 s20, s2;
	s7 =	sshrl.u32 s15, $0x1;
	s8 =	sshrl.u32 s16, $0x1  }
0xd: {  	s9 =	sshrl.u32 s18, $0x1;
	s12 =	sadd.s32 s12, s1;
	s22 =	sadd.s32 s1, s14  }
0xe: {  	s25 =	sadd.s32 s1, s15;
	s26 =	sadd.s32 s1, s16;
	s1 =	sadd.s32 s1, s18  }
0xf: {  	s18 =	simm.s32 $0x5000;
	s19 =	simm.s32 $0x9;
	s20 =	simm.s32 $0x2800  }
0x10: {  	s6 =	sadd.s32 s21, s2;
	s7 =	sadd.s32 s7, s2;
	s8 =	sadd.s32 s8, s2  }
0x11: {  	s9 =	sadd.s32 s9, s2;
	s12 =	sshrl.u32 s12, $0x4;
	s24 =	sshrl.u32 s22, $0x4  }
0x12: {  	s1 =	sshrl.u32 s1, $0x4;
	s17 =	smax.u32 s17, $0x1;
	s21 =	simm.s32 $0x1  }
0x13: {  	s22 =	simm.s32 $0x80;
	s13 =	sadd.s32 s11, s0;
	s0 =	sadd.s32 $0x15A00, s0  }
0x14: {  	s10 =	sadd.s32 s10, s11;
	s11 =	sshrl.u32 s26, $0x4;
	s26 =	simm.s32 $0x5  }
0x15: {  	s13 =	sadd.s32 $0x1A00, s13;
	[dreg:$0x5] =	wrdreg s10;
	s23 =	sadd.s32 s0, s12  }
.Ltmp0:
0x16: {  	s10 =	sadd.s32 s0, s24;
	[dreg:$0x4] =	wrdreg s13;
	(pc) =	sbr.rel .LBB2_1-.Ltmp0, $4  }
0x17: {  	s15 =	sadd.s32 s0, s11;
	s16 =	sadd.s32 s0, s1;
	[dreg:$0x6] =	wrdreg s23  }
0x18: {  	s24 =	simm.s32 $0x2;
	s1 =	simm.s32 $0x4;
	[dreg:$0x7] =	wrdreg s10  }
0x19: {  	s10 =	sshrl.u32 s25, $0x4;
	s23 =	simm.s32 $0x6000;
	s25 =	simm.s32 $0x7  }
0x1a: {  	v0 =	vimm.bf16 $0.0e+00;
	s14 =	sadd.s32 s0, s10;
	s0 =	simm.s32 $0x8000;
	s10 =	simm.s32 $0x0  }
.LBB2_6:
0x1b: {  	_ =	swait.ge [sflag:s31], $0x1000  }
0x1c: {  	[sflag:s31] =	ssyncset.done $0x0  }
0x1d: {  	[sflag:s31] =	ssyncadd.s32 $0xFFFFF000  }
0x1e: {  	_ =	swait.ge [sflag:s25], $0x1000  }
0x1f: {  	[sflag:s25] =	ssyncset.done $0x0  }
0x20: {  	[sflag:s25] =	ssyncadd.s32 $0xFFFFF000  }
0x21: {  	_ =	swait.ge [sflag:s30], $0x1000  }
0x22: {  	[sflag:s30] =	ssyncset.done $0x0  }
0x23: {  	[sflag:s30] =	ssyncadd.s32 $0xFFFFF000  }
0x24: {  	[bflag:$0x0] =	sbarrier.arrive $0xFFFF  }
0x25: {  	[tilespmem:s18], [sflag:$0x9] =	stream.linear.gather [spmem:s5], $0x1000, $0x38;
	[tilespmem:$0xE000] =	vst v63  }
0x26: {  	_ =	swait.ge [sflag:s19], $0x1000  }
0x27: {  	[sflag:s19] =	ssyncset.done $0x0  }
0x28: {  	s11 =	rddreg [dreg:$0x6];
	[sflag:s19] =	ssyncadd.s32 $0xFFFFF000  }
0x29: {  	[hbm4b:s11+s3] =	stream.linear.scatter [tilespmem:s18], [sflag:$0x1], $0x1000, $0x38;
	[tilespmem:$0xE000] =	vst v63  }
0x2a: {  	_ = 	snop  }
0x2b: {  	[tilespmem:s23], [sflag:$0x9] =	stream.linear.gather [spmem:s6], $0x1000, $0x38;
	[tilespmem:$0xE000] =	vst v63  }
0x2c: {  	_ =	swait.ge [sflag:s19], $0x1000  }
0x2d: {  	[sflag:s19] =	ssyncset.done $0x0  }
0x2e: {  	s13 =	rddreg [dreg:$0x7];
	[sflag:s19] =	ssyncadd.s32 $0xFFFFF000  }
0x2f: {  	[hbm4b:s13+s3] =	stream.linear.scatter [tilespmem:s23], [sflag:$0x2], $0x1000, $0x38;
	[tilespmem:$0xE000] =	vst v63  }
0x30: {  	_ =	swait.ge [sflag:s21], $0x1000  }
0x31: {  	[sflag:s21] =	ssyncset.done $0x0  }
0x32: {  	[sflag:s21] =	ssyncadd.s32 $0xFFFFF000  }
0x33: {  	[tilespmem:s18], [sflag:$0x9] =	stream.linear.gather [spmem:s7], $0x1000, $0x38;
	[tilespmem:$0xE000] =	vst v63  }
0x34: {  	_ =	swait.ge [sflag:s19], $0x1000  }
0x35: {  	[sflag:s19] =	ssyncset.done $0x0  }
0x36: {  	[sflag:s19] =	ssyncadd.s32 $0xFFFFF000  }
0x37: {  	[hbm4b:s14+s3] =	stream.linear.scatter [tilespmem:s18], [sflag:$0x1], $0x1000, $0x38;
	[tilespmem:$0xE000] =	vst v63  }
0x38: {  	_ =	swait.ge [sflag:s24], $0x1000  }
0x39: {  	[sflag:s24] =	ssyncset.done $0x0  }
0x3a: {  	[sflag:s24] =	ssyncadd.s32 $0xFFFFF000  }
0x3b: {  	[tilespmem:s23], [sflag:$0x9] =	stream.linear.gather [spmem:s8], $0x1000, $0x38;
	[tilespmem:$0xE000] =	vst v63  }
0x3c: {  	_ =	swait.ge [sflag:s19], $0x1000  }
0x3d: {  	[sflag:s19] =	ssyncset.done $0x0  }
0x3e: {  	[sflag:s19] =	ssyncadd.s32 $0xFFFFF000  }
0x3f: {  	[hbm4b:s15+s3] =	stream.linear.scatter [tilespmem:s23], [sflag:$0x2], $0x1000, $0x38;
	[tilespmem:$0xE000] =	vst v63  }
0x40: {  	_ =	swait.ge [sflag:s21], $0x1000  }
0x41: {  	[sflag:s21] =	ssyncset.done $0x0  }
0x42: {  	[sflag:s21] =	ssyncadd.s32 $0xFFFFF000  }
0x43: {  	[tilespmem:s18], [sflag:$0x9] =	stream.linear.gather [spmem:s9], $0x1000, $0x38;
	[tilespmem:$0xE000] =	vst v63  }
0x44: {  	_ =	swait.ge [sflag:s19], $0x1000  }
0x45: {  	[sflag:s19] =	ssyncset.done $0x0  }
0x46: {  	s10 =	sadd.s32 $0x1, s10;
	[sflag:s19] =	ssyncadd.s32 $0xFFFFF000  }
0x47: {  	[hbm4b:s16+s3] =	stream.linear.scatter [tilespmem:s18], [sflag:$0x1], $0x1000, $0x38;
	[tilespmem:$0xE000] =	vst v63  }
0x48: {  	p0 =	sne.s32 s10, s17;
	_ =	swait.ge [sflag:s24], $0x1000  }
.Ltmp1:
0x49: {  	[sflag:s24] =	ssyncset.done $0x0;
	(pc) =	sbr.rel @!p0 .LBB2_7-.Ltmp1, $4  }
0x4a: {  	[sflag:s24] =	ssyncadd.s32 $0xFFFFF000  }
0x4b: {  	_ =	swait.ge [sflag:s21], $0x1000  }
0x4c: {  	[sflag:s21] =	ssyncset.done $0x0  }
0x4d: {  	[sflag:s21] =	ssyncadd.s32 $0xFFFFF000  }
.LBB2_1:
0x4e: {  	s11 =	simm.s32 $0x80;
	s12 =	simm.s32 $0x0  }
.LBB2_2:
0x4f: {  	p0 =	sne.s32 s11, $0x3F80;
	[tilespmem:s12+$0x5000] =	vst v0;
	s13 =	smov.u32 s11;
	s11 =	sadd.s32 $0x80, s11  }
.Ltmp2:
0x50: {  	[tilespmem:s12+$0x5010] =	vst v0;
	(pc) =	sbr.rel @p0 .LBB2_2-.Ltmp2, $2  }
0x51: {  	_ =	sdelay $0x2  }
0x52: {  	s12 =	sshra.s32 s13, $0x2  }
0x53: {  	[tilespmem:s12+$0x5000] =	vst v0  }
0x54: {  	[tilespmem:s12+$0x5010] =	vst v0  }
0x55: {  	[spmem:s5] =	stream.linear.scatter [tilespmem:s18], [sflag:$0x1], $0x1000, $0x38;
	[tilespmem:$0xE000] =	vst v63  }
0x56: {  	_ = 	snop  }
0x57: {  	[spmem:s6] =	stream.linear.scatter [tilespmem:s18], [sflag:$0x1], $0x1000, $0x38;
	[tilespmem:$0xE000] =	vst v63  }
0x58: {  	_ = 	snop  }
0x59: {  	[spmem:s7] =	stream.linear.scatter [tilespmem:s18], [sflag:$0x1], $0x1000, $0x38;
	[tilespmem:$0xE000] =	vst v63  }
0x5a: {  	_ = 	snop  }
0x5b: {  	[spmem:s8] =	stream.linear.scatter [tilespmem:s18], [sflag:$0x1], $0x1000, $0x38;
	[tilespmem:$0xE000] =	vst v63  }
0x5c: {  	_ = 	snop  }
0x5d: {  	[spmem:s9] =	stream.linear.scatter [tilespmem:s18], [sflag:$0x1], $0x1000, $0x38;
	[tilespmem:$0xE000] =	vst v63  }
0x5e: {  	s11 =	simm.s32 $0x0;
	s13 =	rddreg [dreg:$0x4]  }
0x5f: {  	[tilespmem:s11], [sflag:$0x9] =	stream.linear.gather [hbm4b:s13+s11], $0x2800, $0x38;
	[tilespmem:$0xE000] =	vst v63  }
0x60: {  	_ =	swait.ge [sflag:s19], $0x2800  }
0x61: {  	[sflag:s19] =	ssyncset.done $0x0  }
0x62: {  	s13 =	rddreg [dreg:$0x5];
	[sflag:s19] =	ssyncadd.s32 $0xFFFFD800  }
0x63: {  	[tilespmem:s20], [sflag:$0x9] =	stream.linear.gather [hbm4b:s13+s11], $0x2800, $0x38;
	[tilespmem:$0xE000] =	vst v63  }
0x64: {  	_ =	swait.ge [sflag:s19], $0x2800  }
0x65: {  	[sflag:s19] =	ssyncset.done $0x0  }
0x66: {  	[sflag:s19] =	ssyncadd.s32 $0xFFFFD800  }
0x67: {  	_ =	swait.ge [sflag:s21], $0x1000  }
0x68: {  	[sflag:s21] =	ssyncset.done $0x0  }
0x69: {  	[sflag:s21] =	ssyncadd.s32 $0xFFFFF000  }
0x6a: {  	_ =	swait.ge [sflag:s21], $0x1000  }
0x6b: {  	[sflag:s21] =	ssyncset.done $0x0  }
0x6c: {  	[sflag:s21] =	ssyncadd.s32 $0xFFFFF000  }
0x6d: {  	_ =	swait.ge [sflag:s21], $0x1000  }
0x6e: {  	[sflag:s21] =	ssyncset.done $0x0  }
0x6f: {  	[sflag:s21] =	ssyncadd.s32 $0xFFFFF000  }
0x70: {  	_ =	swait.ge [sflag:s21], $0x1000  }
0x71: {  	[sflag:s21] =	ssyncset.done $0x0  }
0x72: {  	[sflag:s21] =	ssyncadd.s32 $0xFFFFF000  }
0x73: {  	_ =	swait.ge [sflag:s21], $0x1000  }
0x74: {  	[sflag:s21] =	ssyncset.done $0x0  }
0x75: {  	[sflag:s21] =	ssyncadd.s32 $0xFFFFF000  }
0x76: {  	[bflag:$0x0] =	sbarrier.arrive $0xFFFF  }
0x77: {  	[tilespmem:s18], [sflag:$0x1] =	stream.indirect.gather [hbm4b:s4+s22], $0x20, s11, s22, $0xb8;
	[tilespmem:$0xE000] =	vst v63  }
0x78: {  	_ =	swait.ge [sflag:s21], $0x1000  }
0x79: {  	[sflag:s21] =	ssyncset.done $0x0  }
0x7a: {  	[sflag:s21] =	ssyncadd.s32 $0xFFFFF000  }
0x7b: {  	[spmem:s2] =	stream.indirect.scatter.add.bf16 [tilespmem:s18], [sflag:$0x5], $0x20, s20, s22, $0xb8;
	[tilespmem:$0xE000] =	vst v63  }
0x7c: {  	_ = 	snop  }
0x7d: {  	[tilespmem:s23], [sflag:$0x2] =	stream.indirect.gather [hbm4b:s4+s22], $0x20, s22, s22, $0xb8;
	[tilespmem:$0xE000] =	vst v63  }
0x7e: {  	_ =	swait.ge [sflag:s24], $0x1000  }
0x7f: {  	[sflag:s24] =	ssyncset.done $0x0  }
0x80: {  	s13 =	simm.s32 $0x2880;
	[sflag:s24] =	ssyncadd.s32 $0xFFFFF000  }
0x81: {  	[spmem:s2] =	stream.indirect.scatter.add.bf16 [tilespmem:s23], [sflag:$0x6], $0x20, s13, s22, $0xb8;
	[tilespmem:$0xE000] =	vst v63  }
0x82: {  	s13 =	simm.s32 $0x100  }
0x83: {  	[tilespmem:s28], [sflag:$0x3] =	stream.indirect.gather [hbm4b:s4+s22], $0x20, s13, s22, $0xb8;
	[tilespmem:$0xE000] =	vst v63  }
0x84: {  	_ =	swait.ge [sflag:s29], $0x1000  }
0x85: {  	[sflag:s29] =	ssyncset.done $0x0  }
0x86: {  	s13 =	simm.s32 $0x2900;
	[sflag:s29] =	ssyncadd.s32 $0xFFFFF000  }
0x87: {  	[spmem:s2] =	stream.indirect.scatter.add.bf16 [tilespmem:s28], [sflag:$0x7], $0x20, s13, s22, $0xb8;
	[tilespmem:$0xE000] =	vst v63  }
0x88: {  	s13 =	simm.s32 $0x180  }
0x89: {  	[tilespmem:s0], [sflag:$0x4] =	stream.indirect.gather [hbm4b:s4+s22], $0x20, s13, s22, $0xb8;
	[tilespmem:$0xE000] =	vst v63  }
0x8a: {  	_ =	swait.ge [sflag:s1], $0x1000  }
0x8b: {  	[sflag:s1] =	ssyncset.done $0x0  }
0x8c: {  	s13 =	simm.s32 $0x2980;
	[sflag:s1] =	ssyncadd.s32 $0xFFFFF000  }
0x8d: {  	[spmem:s2] =	stream.indirect.scatter.add.bf16 [tilespmem:s0], [sflag:$0x8], $0x20, s13, s22, $0xb8;
	[tilespmem:$0xE000] =	vst v63  }
0x8e: {  	_ =	swait.ge [sflag:s26], $0x1000  }
0x8f: {  	[sflag:s26] =	ssyncset.done $0x0  }
0x90: {  	s13 =	simm.s32 $0x200;
	[sflag:s26] =	ssyncadd.s32 $0xFFFFF000  }
0x91: {  	[tilespmem:s18], [sflag:$0x1] =	stream.indirect.gather [hbm4b:s4+s22], $0x20, s13, s22, $0xb8;
	[tilespmem:$0xE000] =	vst v63  }
.LBB2_4:
0x92: {  	_ =	swait.ge [sflag:s21], $0x1000  }
0x93: {  	s12 =	sshra.s32 s11, $0x2;
	[sflag:s21] =	ssyncset.done $0x0  }
0x94: {  	s13 =	sadd.s32 $0x2A00, s12;
	[sflag:s21] =	ssyncadd.s32 $0xFFFFF000  }
0x95: {  	[spmem:s2] =	stream.indirect.scatter.add.bf16 [tilespmem:s18], [sflag:$0x5], $0x20, s13, s22, $0xb8;
	[tilespmem:$0xE000] =	vst v63  }
0x96: {  	_ =	swait.ge [sflag:s31], $0x1000  }
0x97: {  	[sflag:s31] =	ssyncset.done $0x0  }
0x98: {  	s13 =	sadd.s32 $0x280, s12;
	[sflag:s31] =	ssyncadd.s32 $0xFFFFF000  }
0x99: {  	[tilespmem:s23], [sflag:$0x2] =	stream.indirect.gather [hbm4b:s4+s22], $0x20, s13, s22, $0xb8;
	[tilespmem:$0xE000] =	vst v63  }
0x9a: {  	_ =	swait.ge [sflag:s24], $0x1000  }
0x9b: {  	[sflag:s24] =	ssyncset.done $0x0  }
0x9c: {  	s13 =	sadd.s32 $0x2A80, s12;
	[sflag:s24] =	ssyncadd.s32 $0xFFFFF000  }
0x9d: {  	[spmem:s2] =	stream.indirect.scatter.add.bf16 [tilespmem:s23], [sflag:$0x6], $0x20, s13, s22, $0xb8;
	[tilespmem:$0xE000] =	vst v63  }
0x9e: {  	_ =	swait.ge [sflag:s25], $0x1000  }
0x9f: {  	[sflag:s25] =	ssyncset.done $0x0  }
0xa0: {  	s13 =	sadd.s32 $0x300, s12;
	[sflag:s25] =	ssyncadd.s32 $0xFFFFF000  }
0xa1: {  	[tilespmem:s28], [sflag:$0x3] =	stream.indirect.gather [hbm4b:s4+s22], $0x20, s13, s22, $0xb8;
	[tilespmem:$0xE000] =	vst v63  }
0xa2: {  	_ =	swait.ge [sflag:s29], $0x1000  }
0xa3: {  	[sflag:s29] =	ssyncset.done $0x0  }
0xa4: {  	s13 =	sadd.s32 $0x2B00, s12;
	[sflag:s29] =	ssyncadd.s32 $0xFFFFF000  }
0xa5: {  	[spmem:s2] =	stream.indirect.scatter.add.bf16 [tilespmem:s28], [sflag:$0x7], $0x20, s13, s22, $0xb8;
	[tilespmem:$0xE000] =	vst v63  }
0xa6: {  	_ =	swait.ge [sflag:s30], $0x1000  }
0xa7: {  	[sflag:s30] =	ssyncset.done $0x0  }
0xa8: {  	s13 =	sadd.s32 $0x380, s12;
	[sflag:s30] =	ssyncadd.s32 $0xFFFFF000  }
0xa9: {  	[tilespmem:s0], [sflag:$0x4] =	stream.indirect.gather [hbm4b:s4+s22], $0x20, s13, s22, $0xb8;
	[tilespmem:$0xE000] =	vst v63  }
0xaa: {  	_ =	swait.ge [sflag:s1], $0x1000  }
0xab: {  	p0 =	seq.s32 s11, $0x9000;
	[sflag:s1] =	ssyncset.done $0x0  }
.Ltmp3:
0xac: {  	s13 =	sadd.s32 $0x2B80, s12;
	[sflag:s1] =	ssyncadd.s32 $0xFFFFF000;
	(pc) =	sbr.rel @p0 .LBB2_6-.Ltmp3, $4  }
0xad: {  	[spmem:s2] =	stream.indirect.scatter.add.bf16 [tilespmem:s0], [sflag:$0x8], $0x20, s13, s22, $0xb8;
	[tilespmem:$0xE000] =	vst v63  }
0xae: {  	_ =	swait.ge [sflag:s26], $0x1000  }
0xaf: {  	[sflag:s26] =	ssyncset.done $0x0  }
0xb0: {  	[sflag:s26] =	ssyncadd.s32 $0xFFFFF000  }
.Ltmp4:
0xb1: {  	(pc) =	sbr.rel .LBB2_4-.Ltmp4, $3  }
0xb2: {  	_ =	sdelay $0x1  }
0xb3: {  	s12 =	sadd.s32 $0x400, s12;
	s11 =	sadd.s32 $0x800, s11  }
0xb4: {  	[tilespmem:s18], [sflag:$0x1] =	stream.indirect.gather [hbm4b:s4+s22], $0x20, s12, s22, $0xb8;
	[tilespmem:$0xE000] =	vst v63  }
.LBB2_7:
0xb5: {  	_ =	sfence.sel $0x180000  }
0xb6: {  	[bflag:$0x0] =	sbarrier.arrive $0xFFFF  }
0xb7: {  	_ =	strace $0x9000004A  }
0xb8: {  	s0 =	stileid.u32;
	[bflag:$0x2] =	sbarrier.arrive $0xFFFF  }
0xb9: {  	p0 =	sne.s32 s0, $0x0;
	s0 =	rddreg [dreg:$0x3]  }
0xba: {  	s0 =	sadd.s32 @!p0 $0x100000, s0  }
0xbb: {  	[sflag:s0] =	ssyncadd.tile.s32 @!p0 $0x1;
	_ =	shalt  }
.Lfunc_end2:
_tile_overlayer_lowered:
.L_overlay_start_2:
0xbc: {  	(tag) =	ssettag $0x2  }
0xbd: {  	s0 =	rddreg [dreg:$0x0];
	s2 =	stileid.u32  }
0xbe: {  	s1 =	rddreg [dreg:$0x1];
	p0 =	sne.s32 s2, $0x0  }
0xbf: {  	s3 =	rddreg [dreg:$0x2];
	[bflag:$0x3] =	sbarrier.arrive $0xFFFF;
	s2 =	simm.s32 @!p0 $0x1C09  }
0xc0: {  	[timem:s3], [sflag:s2] =	dma.local @!p0 [hbm:s0], s1  }
0xc1: {  	s0 =	simm.s32 @!p0 $0x9  }
0xc2: {  	_ =	swait.ge @!p0 [sflag:s0], s1  }
0xc3: {  	s1 =	ssub.s32 @!p0 $0x0, s1;
	[sflag:s0] =	ssyncset.done @!p0 $0x0  }
0xc4: {  	[sflag:s0] =	ssyncadd.s32 @!p0 s1  }
0xc5: {  	[bflag:$0x3] =	sbarrier.arrive $0xFFFF  }
0xc6: {  	_ =	shalt  }

// kernel: kernel.14.cloned.1.call-start
scs
__scs_entry_jumppad:
0x0: {  	(pc) =	sbr.rel $0x88, $3  }
0x1: {  	(tag) =	ssettag $0x0;
	lr =	simm.s32 $0x1  }
0x2: {  	[smem:$0x3F9A] =	sst lr;
	_ =	strace $0xD0000000  }
0x3: {  	_ = 	snop  }
0x4: {  	_ = 	snop  }
0x5: {  	_ = 	snop  }
0x6: {  	_ = 	snop  }
0x7: {  	_ = 	snop  }
__scs_overlays_trampoline_lowered:
0x8: {  	[smem:$0x3FA9] =	sst s0  }
0x9: {  	[smem:$0x3FAA] =	sst s1  }
0xa: {  	[smem:$0x3FAB] =	sst s2  }
0xb: {  	[smem:$0x3FAC] =	sst s3  }
0xc: {  	[smem:$0x3FAD] =	sst s4  }
0xd: {  	[smem:$0x3FAE] =	sst s5  }
0xe: {  	[smem:$0x3FAF] =	sst s6  }
0xf: {  	[smem:$0x3FB0] =	sst s7  }
0x10: {  	[smem:$0x3FB1] =	sst s8  }
0x11: {  	[smem:$0x3FB2] =	sst s9;
	s0 =	simm.s32 @!p0 $0x0  }
0x12: {  	s1 =	sld [smem:$0x3F98];
	s0 =	simm.s32 @p0 $0x1  }
0x13: {  	[smem:$0x3FB3] =	sst s0;
	s0 =	simm.s32 @!p1 $0x0  }
0x14: {  	s2 =	sld [smem:$0x3F97];
	s0 =	simm.s32 @p1 $0x1  }
0x15: {  	[smem:$0x3FB4] =	sst s0;
	s0 =	simm.s32 @!p2 $0x0  }
0x16: {  	s3 =	sld [smem:$0x3FDB];
	s0 =	simm.s32 @p2 $0x1  }
0x17: {  	s4 =	simm.s32 $0x1BF5;
	[smem:$0x3FB6] =	sst s0  }
0x18: {  	s0 =	sld [smem:$0x3F99];
	_ =	swait.ge [sflag:s4], $0x0  }
0x19: {  	s7 =	sld [smem:$0x3F9A]  }
0x1a: {  	s8 =	sadd.s32 $0xFFFFE003, lr  }
0x1b: {  	s9 =	sadd.s32 $0xFFFFFEF7, lr;
	s5 =	simm.s32 $0xFFFFFFFF;
	p2 =	slt.u32 s8, $0xFFFFF086  }
0x1c: {  	p1 =	slt.u32 s9, $0xF7A;
	s5 =	simm.s32 @!p2 $0x0  }
0x1d: {  	s5 =	simm.s32 @p1 $0x1;
	p0 =	seq.s32 s7, s2  }
0x1e: {  	s7 =	smul.u32 @!p0 $0xF7A, s2;
	p2 =	seq.s32 @!p0 s5, $0x0  }
0x1f: {  	s9 =	smul.u32 $0xF7A, s1;
	s8 =	simm.s32 @!p0 $0x1BF5;
	p2 =	por !p2, p0  }
0x20: {  	[sflag:s8] =	ssyncset.s32 @!p0 $0xFFFFF086;
	s6 =	sadd.s32 @!p0 s3, s7;
	s7 =	simm.s32 @!p0 $0x108  }
0x21: {  	s3 =	sadd.s32 s3, s9;
	s6 =	sadd.s32 @!p0 $0x88, s6;
	s7 =	simm.s32 @p2 $0x1082  }
0x22: {  	[simem:s7], [sflag:s8] =	dma.local @!p0 [hbm:s6], $0xF7A  }
0x23: {  	s9 =	sor.u32 $0xD0000000, s2;
	s6 =	simm.s32 $0x108;
	_ =	swait.ge @!p0 [sflag:s8], $0x0  }
0x24: {  	s3 =	sadd.s32 $0x88, s3;
	s6 =	simm.s32 @!p1 $0x1082;
	[sflag:s4] =	ssyncset.s32 $0xFFFFF086  }
0x25: {  	[simem:s6], [sflag:s4] =	dma.local [hbm:s3], $0xF7A  }
0x26: {  	[smem:$0x3F9A] =	sst s1;
	(tag) =	ssettag s2;
	_ =	strace s9  }
0x27: {  	s1 =	sld [smem:$0x3FAA]  }
0x28: {  	s2 =	sld [smem:$0x3FAB]  }
0x29: {  	s4 =	sld [smem:$0x3FAD]  }
0x2a: {  	p0 =	seq.s32 s5, $0x0;
	s5 =	sld [smem:$0x3FAE]  }
0x2b: {  	s6 =	sld [smem:$0x3FAF]  }
0x2c: {  	s7 =	sld [smem:$0x3FB0]  }
0x2d: {  	s3 =	simm.s32 $0x108;
	s8 =	sld [smem:$0x3FB1]  }
0x2e: {  	s3 =	simm.s32 @!p0 $0x1082;
	s9 =	sld [smem:$0x3FB2]  }
0x2f: {  	lr =	sadd.s32 s0, s3;
	s0 =	sld [smem:$0x3FA9]  }
0x30: {  	s3 =	sld [smem:$0x3FAC]  }
0x31: {  	[smem:$0x3FB5] =	sst s10  }
0x32: {  	s10 =	sld [smem:$0x3FB3];
	_ =	sdelay $0x3  }
0x33: {  	p0 =	seq.s32 s10, $0x1;
	s10 =	sld [smem:$0x3FB5];
	_ =	sdelay $0x3  }
0x34: {  	[smem:$0x3FB5] =	sst s10  }
0x35: {  	s10 =	sld [smem:$0x3FB4];
	_ =	sdelay $0x3  }
0x36: {  	p1 =	seq.s32 s10, $0x1;
	s10 =	sld [smem:$0x3FB5];
	_ =	sdelay $0x3  }
0x37: {  	[smem:$0x3FB5] =	sst s10  }
0x38: {  	s10 =	sld [smem:$0x3FB6]  }
0x39: {  	_ = 	snop;
	(pc) =	sbr.ind lr, $3  }
0x3a: {  	_ = 	snop  }
0x3b: {  	_ = 	snop  }
0x3c: {  	p2 =	seq.s32 s10, $0x1;
	s10 =	sld [smem:$0x3FB5]  }
0x3d: {  	_ =	shalt  }
0x3e: {  	_ =	shalt  }
0x3f: {  	_ =	shalt  }
0x40: {  	_ =	shalt  }
0x41: {  	_ =	shalt  }
0x42: {  	_ =	shalt  }
0x43: {  	_ =	shalt  }
0x44: {  	_ =	shalt  }
0x45: {  	_ =	shalt  }
0x46: {  	_ =	shalt  }
0x47: {  	_ =	shalt  }
0x48: {  	_ =	shalt  }
0x49: {  	_ =	shalt  }
0x4a: {  	_ =	shalt  }
0x4b: {  	_ =	shalt  }
0x4c: {  	_ =	shalt  }
0x4d: {  	_ =	shalt  }
0x4e: {  	_ =	shalt  }
0x4f: {  	_ =	shalt  }
0x50: {  	_ =	shalt  }
0x51: {  	_ =	shalt  }
0x52: {  	_ =	shalt  }
0x53: {  	_ =	shalt  }
0x54: {  	_ =	shalt  }
0x55: {  	_ =	shalt  }
0x56: {  	_ =	shalt  }
0x57: {  	_ =	shalt  }
0x58: {  	_ =	shalt  }
0x59: {  	_ =	shalt  }
0x5a: {  	_ =	shalt  }
0x5b: {  	_ =	shalt  }
0x5c: {  	_ =	shalt  }
0x5d: {  	_ =	shalt  }
0x5e: {  	_ =	shalt  }
0x5f: {  	_ =	shalt  }
0x60: {  	_ =	shalt  }
0x61: {  	_ =	shalt  }
0x62: {  	_ =	shalt  }
0x63: {  	_ =	shalt  }
0x64: {  	_ =	shalt  }
0x65: {  	_ =	shalt  }
0x66: {  	_ =	shalt  }
0x67: {  	_ =	shalt  }
0x68: {  	_ =	shalt  }
0x69: {  	_ =	shalt  }
0x6a: {  	_ =	shalt  }
0x6b: {  	_ =	shalt  }
0x6c: {  	_ =	shalt  }
0x6d: {  	_ =	shalt  }
0x6e: {  	_ =	shalt  }
0x6f: {  	_ =	shalt  }
0x70: {  	_ =	shalt  }
0x71: {  	_ =	shalt  }
0x72: {  	_ =	shalt  }
0x73: {  	_ =	shalt  }
0x74: {  	_ =	shalt  }
0x75: {  	_ =	shalt  }
0x76: {  	_ =	shalt  }
0x77: {  	_ =	shalt  }
0x78: {  	_ =	shalt  }
0x79: {  	_ =	shalt  }
0x7a: {  	_ =	shalt  }
0x7b: {  	_ =	shalt  }
0x7c: {  	_ =	shalt  }
0x7d: {  	_ =	shalt  }
0x7e: {  	_ =	shalt  }
0x7f: {  	_ =	shalt  }
0x80: {  	_ =	shalt  }
0x81: {  	_ =	shalt  }
0x82: {  	_ =	shalt  }
0x83: {  	_ =	shalt  }
0x84: {  	_ =	shalt  }
0x85: {  	_ =	shalt  }
0x86: {  	_ =	shalt  }
0x87: {  	_ =	shalt  }
.Lfunc_end0:
.L_simem_size_0:
called_computation.2_lowered:
.L_overlay_start_0:
0x88: {  	s2 =	sld [smem:$0x3FD9]  }
0x89: {  	s3 =	sld [smem:$0x3FFE];
	_ =	sdelay $0x1  }
0x8a: {  	s1 =	srdreg.scid  }
0x8b: {  	s0 =	sand.u32 $0x1, s1  }
0x8c: {  	s17 =	sshll.u32 s0, $0xA;
	s2 =	sadd.s32 s3, s2  }
0x8d: {  	s2 =	sadd.s32 s2, s17  }
0x8e: {  	[smem:$0x3FC1] =	sst s2  }
0x8f: {  	_ = 	snop  }
0x90: {  	s2 =	sld [smem:$0x3FD0];
	(tm) =	ssettm $0x1  }
0x91: {  	s18 =	sld [smem:$0x3FFB];
	_ =	sdelay $0x3  }
0x92: {  	_ =	strace s18  }
0x93: {  	s3 =	sld [smem:$0x3FFC];
	_ =	sdelay $0x3  }
0x94: {  	_ =	strace s3  }
0x95: {  	s3 =	sld [smem:$0x3FFD];
	_ =	sdelay $0x3  }
0x96: {  	_ =	strace s3  }
0x97: {  	_ =	strace $0x8FFFFFFF  }
0x98: {  	s19 =	sld [smem:$0x3FDB];
	_ =	sdelay $0x1  }
0x99: {  	s4 =	simm.s32 $_scs_section_size  }
0x9a: {  	s5 =	simm.s32 $_size__tile_overlayer_lowered;
	s6 =	simm.s32 $_tile_overlayer_lowered  }
0x9b: {  	s22 =	simm.s32 $0x1BFF;
	s21 =	sshll.u32 s6, $0x1;
	s3 =	sadd.s32 s4, s19  }
0x9c: {  	s7 =	simm.s32 $0x0;
	s20 =	sshll.u32 s5, $0x1;
	s5 =	sadd.s32 s21, s3  }
0x9d: {  	[timem:s7], [sflag:s22] =	dma.local [hbm:s5], s20  }
0x9e: {  	_ =	swait.ge [sflag:s22], s20  }
0x9f: {  	s4 =	ssub.s32 $0x0, s20;
	[sflag:s22] =	ssyncset.done $0x0  }
0xa0: {  	[sflag:s22] =	ssyncadd.s32 s4;
	_ =	sdelay $0x1  }
0xa1: {  	s23 =	simm.s32 $0x1B8B  }
0xa2: {  	_ =	swait.ge [sflag:s23], $0x1  }
0xa3: {  	[sflag:s23] =	ssyncset.done $0x0  }
0xa4: {  	s25 =	simm.s32 $0x1B8E;
	s24 =	sld [smem:$0x3FFE];
	[sflag:s23] =	ssyncadd.s32 $0xFFFFFFFF  }
0xa5: {  	s26 =	simm.s32 $execute0_lowered;
	[smem:$0x3FD2] =	sst s25  }
0xa6: {  	s5 =	sshll.u32 s26, $0x1;
	_ =	strace $0x8000004C;
	[dreg:$0x1] =	wrdreg $0xFFFFFFFF  }
0xa7: {  	s28 =	simm.s32 $_size_execute0_lowered;
	s3 =	sadd.s32 s3, s5;
	[dreg:$0x0] =	wrdreg $0x0  }
0xa8: {  	s5 =	sshll.u32 s28, $0x1;
	[dreg:$0x2] =	wrdreg s3  }
0xa9: {  	[dreg:$0x3] =	wrdreg s5  }
0xaa: {  	[dreg:$0x4] =	wrdreg $0xC0  }
0xab: {  	_ =	task [dreg:s7], $0x5FFFF  }
0xac: {  	[dreg:$0x1] =	wrdreg $0xFFFFFFFF  }
0xad: {  	[dreg:$0x0] =	wrdreg $0x60  }
0xae: {  	[dreg:$0x2] =	wrdreg s24  }
0xaf: {  	[dreg:$0x3] =	wrdreg s2  }
0xb0: {  	[dreg:$0x4] =	wrdreg $0xD0000  }
0xb1: {  	[dreg:$0x5] =	wrdreg $0x9  }
0xb2: {  	_ =	task.clear_ibuf [dreg:s7], $0x6FFFF;
	_ =	strace $0x9000004C  }
0xb3: {  	s29 =	simm.s32 $0x9;
	_ =	strace $0x8000004E  }
0xb4: {  	_ =	swait.ge [sflag:s29], $0x1  }
0xb5: {  	[sflag:s29] =	ssyncadd.s32 $0xFFFFFFFF  }
0xb6: {  	_ =	strace $0x9000004E  }
0xb7: {  	_ =	sfence  }
0xb8: {  	s30 =	sld [smem:$0x0];
	_ =	sdelay $0x2  }
0xb9: {  	s31 =	sshll.u32 s1, $0xD;
	s1 =	sshrl.u32 s1, $0x2  }
0xba: {  	s3 =	sand.u32 $0x4000, s31;
	s1 =	sadd.s32 s1, s30  }
0xbb: {  	s0 =	sor.u32 s3, s0;
	s1 =	sshll.u32 s1, $0x11  }
0xbc: {  	s0 =	sor.u32 s1, s0  }
0xbd: {  	s0 =	sadd.s32 $0x8F2B, s0  }
0xbe: {  	[sflag:s0] =	ssyncadd.remote.s32 $0x1  }
0xbf: {  	_ =	sfence.sel $0xFFFF  }
0xc0: {  	[dreg:$0x0] =	wrdreg $0xFFFFFFFF;
	(pc) =	sbr.abs _section_cstart, $3  }
0xc1: {  	[dreg:$0x1] =	wrdreg $0xFFFFFFFF  }
0xc2: {  	_ =	task.clear_ibuf [dreg:s7], $0x2FFFF;
	_ =	strace $0x9FFFFFFF  }
0xc3: {  	(tm) =	ssettm $0x7FFFFFFF  }
tec
execute0_lowered:
.L_overlay_start_1:
0x0: {  	(tag) =	ssettag $0x1  }
0x1: {  	s0 =	rddreg [dreg:$0x0]  }
0x2: {  	s10 =	rddreg [dreg:$0x1]  }
0x3: {  	s1 =	srdreg.scid;
	s2 =	rddreg [dreg:$0x2]  }
0x4: {  	s6 =	stileid.u32;
	s3 =	simm.s32 $0x0;
	s28 =	simm.s32 $0x9000  }
0x5: {  	s29 =	simm.s32 $0x3;
	s31 =	simm.s32 $0x6;
	s30 =	simm.s32 $0x8  }
0x6: {  	s1 =	sand.u32 $0x1, s1;
	[smem:$0x7FF] =	sst s3;
	s12 =	smul.u32 $0x14000, s6  }
0x7: {  	s4 =	sshll.u32 s1, $0x4;
	_ =	strace $0x8000004D;
	s5 =	ssub.s32 $0x2, s1  }
0x8: {  	s1 =	smul.u32 $0x140000, s1;
	s4 =	sor.u32 s6, s4;
	s19 =	sshrl.u32 s5, $0x1  }
0x9: {  	s14 =	sadd.s32 $0x4000, s12;
	s20 =	sshrl.u32 s12, $0x1;
	s15 =	sadd.s32 $0x8000, s12  }
0xa: {  	s16 =	sadd.s32 $0xC000, s12;
	s18 =	sadd.s32 $0x10000, s12;
	s11 =	smul.u32 $0x500, s4  }
0xb: {  	s4 =	sadd.s32 $0xBA00, s0;
	s17 =	ssub.s32 s5, s19;
	s21 =	sshrl.u32 s14, $0x1  }
0xc: {  	s5 =	sadd.s32 s20, s2;
	s7 =	sshrl.u32 s15, $0x1;
	s8 =	sshrl.u32 s16, $0x1  }
0xd: {  	s9 =	sshrl.u32 s18, $0x1;
	s12 =	sadd.s32 s12, s1;
	s22 =	sadd.s32 s1, s14  }
0xe: {  	s25 =	sadd.s32 s1, s15;
	s26 =	sadd.s32 s1, s16;
	s1 =	sadd.s32 s1, s18  }
0xf: {  	s18 =	simm.s32 $0x5000;
	s19 =	simm.s32 $0x9;
	s20 =	simm.s32 $0x2800  }
0x10: {  	s6 =	sadd.s32 s21, s2;
	s7 =	sadd.s32 s7, s2;
	s8 =	sadd.s32 s8, s2  }
0x11: {  	s9 =	sadd.s32 s9, s2;
	s12 =	sshrl.u32 s12, $0x4;
	s24 =	sshrl.u32 s22, $0x4  }
0x12: {  	s1 =	sshrl.u32 s1, $0x4;
	s17 =	smax.u32 s17, $0x1;
	s21 =	simm.s32 $0x1  }
0x13: {  	s22 =	simm.s32 $0x80;
	s13 =	sadd.s32 s11, s0;
	s0 =	sadd.s32 $0x1FA00, s0  }
0x14: {  	s10 =	sadd.s32 s10, s11;
	s11 =	sshrl.u32 s26, $0x4;
	s26 =	simm.s32 $0x5  }
0x15: {  	s13 =	sadd.s32 $0x1A00, s13;
	[dreg:$0x5] =	wrdreg s10;
	s23 =	sadd.s32 s0, s12  }
.Ltmp0:
0x16: {  	s10 =	sadd.s32 s0, s24;
	[dreg:$0x4] =	wrdreg s13;
	(pc) =	sbr.rel .LBB2_1-.Ltmp0, $4  }
0x17: {  	s15 =	sadd.s32 s0, s11;
	s16 =	sadd.s32 s0, s1;
	[dreg:$0x6] =	wrdreg s23  }
0x18: {  	s24 =	simm.s32 $0x2;
	s1 =	simm.s32 $0x4;
	[dreg:$0x7] =	wrdreg s10  }
0x19: {  	s10 =	sshrl.u32 s25, $0x4;
	s23 =	simm.s32 $0x7000;
	s25 =	simm.s32 $0x7  }
0x1a: {  	v0 =	vimm.bf16 $0.0e+00;
	s14 =	sadd.s32 s0, s10;
	s0 =	simm.s32 $0xB000;
	s10 =	simm.s32 $0x0  }
.LBB2_6:
0x1b: {  	_ =	swait.ge [sflag:s31], $0x2000  }
0x1c: {  	[sflag:s31] =	ssyncset.done $0x0  }
0x1d: {  	[sflag:s31] =	ssyncadd.s32 $0xFFFFE000  }
0x1e: {  	_ =	swait.ge [sflag:s25], $0x2000  }
0x1f: {  	[sflag:s25] =	ssyncset.done $0x0  }
0x20: {  	[sflag:s25] =	ssyncadd.s32 $0xFFFFE000  }
0x21: {  	_ =	swait.ge [sflag:s30], $0x2000  }
0x22: {  	[sflag:s30] =	ssyncset.done $0x0  }
0x23: {  	[sflag:s30] =	ssyncadd.s32 $0xFFFFE000  }
0x24: {  	[bflag:$0x0] =	sbarrier.arrive $0xFFFF  }
0x25: {  	[tilespmem:s18], [sflag:$0x9] =	stream.linear.gather [spmem:s5], $0x2000, $0x38;
	[tilespmem:$0x17000] =	vst v63  }
0x26: {  	_ =	swait.ge [sflag:s19], $0x2000  }
0x27: {  	[sflag:s19] =	ssyncset.done $0x0  }
0x28: {  	s11 =	rddreg [dreg:$0x6];
	[sflag:s19] =	ssyncadd.s32 $0xFFFFE000  }
0x29: {  	[hbm4b:s11+s3] =	stream.linear.scatter [tilespmem:s18], [sflag:$0x1], $0x2000, $0x38;
	[tilespmem:$0x17000] =	vst v63  }
0x2a: {  	_ = 	snop  }
0x2b: {  	[tilespmem:s23], [sflag:$0x9] =	stream.linear.gather [spmem:s6], $0x2000, $0x38;
	[tilespmem:$0x17000] =	vst v63  }
0x2c: {  	_ =	swait.ge [sflag:s19], $0x2000  }
0x2d: {  	[sflag:s19] =	ssyncset.done $0x0  }
0x2e: {  	s13 =	rddreg [dreg:$0x7];
	[sflag:s19] =	ssyncadd.s32 $0xFFFFE000  }
0x2f: {  	[hbm4b:s13+s3] =	stream.linear.scatter [tilespmem:s23], [sflag:$0x2], $0x2000, $0x38;
	[tilespmem:$0x17000] =	vst v63  }
0x30: {  	_ =	swait.ge [sflag:s21], $0x2000  }
0x31: {  	[sflag:s21] =	ssyncset.done $0x0  }
0x32: {  	[sflag:s21] =	ssyncadd.s32 $0xFFFFE000  }
0x33: {  	[tilespmem:s18], [sflag:$0x9] =	stream.linear.gather [spmem:s7], $0x2000, $0x38;
	[tilespmem:$0x17000] =	vst v63  }
0x34: {  	_ =	swait.ge [sflag:s19], $0x2000  }
0x35: {  	[sflag:s19] =	ssyncset.done $0x0  }
0x36: {  	[sflag:s19] =	ssyncadd.s32 $0xFFFFE000  }
0x37: {  	[hbm4b:s14+s3] =	stream.linear.scatter [tilespmem:s18], [sflag:$0x1], $0x2000, $0x38;
	[tilespmem:$0x17000] =	vst v63  }
0x38: {  	_ =	swait.ge [sflag:s24], $0x2000  }
0x39: {  	[sflag:s24] =	ssyncset.done $0x0  }
0x3a: {  	[sflag:s24] =	ssyncadd.s32 $0xFFFFE000  }
0x3b: {  	[tilespmem:s23], [sflag:$0x9] =	stream.linear.gather [spmem:s8], $0x2000, $0x38;
	[tilespmem:$0x17000] =	vst v63  }
0x3c: {  	_ =	swait.ge [sflag:s19], $0x2000  }
0x3d: {  	[sflag:s19] =	ssyncset.done $0x0  }
0x3e: {  	[sflag:s19] =	ssyncadd.s32 $0xFFFFE000  }
0x3f: {  	[hbm4b:s15+s3] =	stream.linear.scatter [tilespmem:s23], [sflag:$0x2], $0x2000, $0x38;
	[tilespmem:$0x17000] =	vst v63  }
0x40: {  	_ =	swait.ge [sflag:s21], $0x2000  }
0x41: {  	[sflag:s21] =	ssyncset.done $0x0  }
0x42: {  	[sflag:s21] =	ssyncadd.s32 $0xFFFFE000  }
0x43: {  	[tilespmem:s18], [sflag:$0x9] =	stream.linear.gather [spmem:s9], $0x2000, $0x38;
	[tilespmem:$0x17000] =	vst v63  }
0x44: {  	_ =	swait.ge [sflag:s19], $0x2000  }
0x45: {  	[sflag:s19] =	ssyncset.done $0x0  }
0x46: {  	s10 =	sadd.s32 $0x1, s10;
	[sflag:s19] =	ssyncadd.s32 $0xFFFFE000  }
0x47: {  	[hbm4b:s16+s3] =	stream.linear.scatter [tilespmem:s18], [sflag:$0x1], $0x2000, $0x38;
	[tilespmem:$0x17000] =	vst v63  }
0x48: {  	p0 =	sne.s32 s10, s17;
	_ =	swait.ge [sflag:s24], $0x2000  }
.Ltmp1:
0x49: {  	[sflag:s24] =	ssyncset.done $0x0;
	(pc) =	sbr.rel @!p0 .LBB2_7-.Ltmp1, $4  }
0x4a: {  	[sflag:s24] =	ssyncadd.s32 $0xFFFFE000  }
0x4b: {  	_ =	swait.ge [sflag:s21], $0x2000  }
0x4c: {  	[sflag:s21] =	ssyncset.done $0x0  }
0x4d: {  	[sflag:s21] =	ssyncadd.s32 $0xFFFFE000  }
.LBB2_1:
0x4e: {  	s12 =	simm.s32 $0x100;
	s11 =	simm.s32 $0x0  }
.LBB2_2:
0x4f: {  	p0 =	sne.s32 s12, $0x7F00;
	[tilespmem:s11+$0x5030] =	vst v0;
	s13 =	smov.u32 s12;
	s12 =	sadd.s32 $0x100, s12  }
.Ltmp2:
0x50: {  	[tilespmem:s11+$0x5020] =	vst v0;
	(pc) =	sbr.rel @p0 .LBB2_2-.Ltmp2, $3  }
0x51: {  	[tilespmem:s11+$0x5000] =	vst v0  }
0x52: {  	[tilespmem:s11+$0x5010] =	vst v0;
	_ =	sdelay $0x1  }
0x53: {  	s11 =	sshra.s32 s13, $0x2  }
0x54: {  	[tilespmem:s11+$0x5030] =	vst v0  }
0x55: {  	[tilespmem:s11+$0x5020] =	vst v0  }
0x56: {  	[tilespmem:s11+$0x5000] =	vst v0  }
0x57: {  	[tilespmem:s11+$0x5010] =	vst v0  }
0x58: {  	[spmem:s5] =	stream.linear.scatter [tilespmem:s18], [sflag:$0x1], $0x2000, $0x38;
	[tilespmem:$0x17000] =	vst v63  }
0x59: {  	_ = 	snop  }
0x5a: {  	[spmem:s6] =	stream.linear.scatter [tilespmem:s18], [sflag:$0x1], $0x2000, $0x38;
	[tilespmem:$0x17000] =	vst v63  }
0x5b: {  	_ = 	snop  }
0x5c: {  	[spmem:s7] =	stream.linear.scatter [tilespmem:s18], [sflag:$0x1], $0x2000, $0x38;
	[tilespmem:$0x17000] =	vst v63  }
0x5d: {  	_ = 	snop  }
0x5e: {  	[spmem:s8] =	stream.linear.scatter [tilespmem:s18], [sflag:$0x1], $0x2000, $0x38;
	[tilespmem:$0x17000] =	vst v63  }
0x5f: {  	_ = 	snop  }
0x60: {  	[spmem:s9] =	stream.linear.scatter [tilespmem:s18], [sflag:$0x1], $0x2000, $0x38;
	[tilespmem:$0x17000] =	vst v63  }
0x61: {  	s11 =	simm.s32 $0x0;
	s12 =	rddreg [dreg:$0x4]  }
0x62: {  	[tilespmem:s11], [sflag:$0x9] =	stream.linear.gather [hbm4b:s12+s11], $0x2800, $0x38;
	[tilespmem:$0x17000] =	vst v63  }
0x63: {  	_ =	swait.ge [sflag:s19], $0x2800  }
0x64: {  	[sflag:s19] =	ssyncset.done $0x0  }
0x65: {  	s13 =	rddreg [dreg:$0x5];
	[sflag:s19] =	ssyncadd.s32 $0xFFFFD800  }
0x66: {  	[tilespmem:s20], [sflag:$0x9] =	stream.linear.gather [hbm4b:s13+s11], $0x2800, $0x38;
	[tilespmem:$0x17000] =	vst v63  }
0x67: {  	_ =	swait.ge [sflag:s19], $0x2800  }
0x68: {  	[sflag:s19] =	ssyncset.done $0x0  }
0x69: {  	[sflag:s19] =	ssyncadd.s32 $0xFFFFD800  }
0x6a: {  	_ =	swait.ge [sflag:s21], $0x2000  }
0x6b: {  	[sflag:s21] =	ssyncset.done $0x0  }
0x6c: {  	[sflag:s21] =	ssyncadd.s32 $0xFFFFE000  }
0x6d: {  	_ =	swait.ge [sflag:s21], $0x2000  }
0x6e: {  	[sflag:s21] =	ssyncset.done $0x0  }
0x6f: {  	[sflag:s21] =	ssyncadd.s32 $0xFFFFE000  }
0x70: {  	_ =	swait.ge [sflag:s21], $0x2000  }
0x71: {  	[sflag:s21] =	ssyncset.done $0x0  }
0x72: {  	[sflag:s21] =	ssyncadd.s32 $0xFFFFE000  }
0x73: {  	_ =	swait.ge [sflag:s21], $0x2000  }
0x74: {  	[sflag:s21] =	ssyncset.done $0x0  }
0x75: {  	[sflag:s21] =	ssyncadd.s32 $0xFFFFE000  }
0x76: {  	_ =	swait.ge [sflag:s21], $0x2000  }
0x77: {  	[sflag:s21] =	ssyncset.done $0x0  }
0x78: {  	[sflag:s21] =	ssyncadd.s32 $0xFFFFE000  }
0x79: {  	[bflag:$0x0] =	sbarrier.arrive $0xFFFF  }
0x7a: {  	[tilespmem:s18], [sflag:$0x1] =	stream.indirect.gather [hbm4b:s4+s22], $0x40, s11, s22, $0xb8;
	[tilespmem:$0x17000] =	vst v63  }
0x7b: {  	_ =	swait.ge [sflag:s21], $0x2000  }
0x7c: {  	[sflag:s21] =	ssyncset.done $0x0  }
0x7d: {  	[sflag:s21] =	ssyncadd.s32 $0xFFFFE000  }
0x7e: {  	[spmem:s2] =	stream.indirect.scatter.add.bf16 [tilespmem:s18], [sflag:$0x5], $0x40, s20, s22, $0xb8;
	[tilespmem:$0x17000] =	vst v63  }
0x7f: {  	_ = 	snop  }
0x80: {  	[tilespmem:s23], [sflag:$0x2] =	stream.indirect.gather [hbm4b:s4+s22], $0x40, s22, s22, $0xb8;
	[tilespmem:$0x17000] =	vst v63  }
0x81: {  	_ =	swait.ge [sflag:s24], $0x2000  }
0x82: {  	[sflag:s24] =	ssyncset.done $0x0  }
0x83: {  	s13 =	simm.s32 $0x2880;
	[sflag:s24] =	ssyncadd.s32 $0xFFFFE000  }
0x84: {  	[spmem:s2] =	stream.indirect.scatter.add.bf16 [tilespmem:s23], [sflag:$0x6], $0x40, s13, s22, $0xb8;
	[tilespmem:$0x17000] =	vst v63  }
0x85: {  	s13 =	simm.s32 $0x100  }
0x86: {  	[tilespmem:s28], [sflag:$0x3] =	stream.indirect.gather [hbm4b:s4+s22], $0x40, s13, s22, $0xb8;
	[tilespmem:$0x17000] =	vst v63  }
0x87: {  	_ =	swait.ge [sflag:s29], $0x2000  }
0x88: {  	[sflag:s29] =	ssyncset.done $0x0  }
0x89: {  	s13 =	simm.s32 $0x2900;
	[sflag:s29] =	ssyncadd.s32 $0xFFFFE000  }
0x8a: {  	[spmem:s2] =	stream.indirect.scatter.add.bf16 [tilespmem:s28], [sflag:$0x7], $0x40, s13, s22, $0xb8;
	[tilespmem:$0x17000] =	vst v63  }
0x8b: {  	s13 =	simm.s32 $0x180  }
0x8c: {  	[tilespmem:s0], [sflag:$0x4] =	stream.indirect.gather [hbm4b:s4+s22], $0x40, s13, s22, $0xb8;
	[tilespmem:$0x17000] =	vst v63  }
0x8d: {  	_ =	swait.ge [sflag:s1], $0x2000  }
0x8e: {  	[sflag:s1] =	ssyncset.done $0x0  }
0x8f: {  	s13 =	simm.s32 $0x2980;
	[sflag:s1] =	ssyncadd.s32 $0xFFFFE000  }
0x90: {  	[spmem:s2] =	stream.indirect.scatter.add.bf16 [tilespmem:s0], [sflag:$0x8], $0x40, s13, s22, $0xb8;
	[tilespmem:$0x17000] =	vst v63  }
0x91: {  	_ =	swait.ge [sflag:s26], $0x2000  }
0x92: {  	[sflag:s26] =	ssyncset.done $0x0  }
0x93: {  	s13 =	simm.s32 $0x200;
	[sflag:s26] =	ssyncadd.s32 $0xFFFFE000  }
0x94: {  	[tilespmem:s18], [sflag:$0x1] =	stream.indirect.gather [hbm4b:s4+s22], $0x40, s13, s22, $0xb8;
	[tilespmem:$0x17000] =	vst v63  }
.LBB2_4:
0x95: {  	_ =	swait.ge [sflag:s21], $0x2000  }
0x96: {  	s12 =	sshra.s32 s11, $0x2;
	[sflag:s21] =	ssyncset.done $0x0  }
0x97: {  	s13 =	sadd.s32 $0x2A00, s12;
	[sflag:s21] =	ssyncadd.s32 $0xFFFFE000  }
0x98: {  	[spmem:s2] =	stream.indirect.scatter.add.bf16 [tilespmem:s18], [sflag:$0x5], $0x40, s13, s22, $0xb8;
	[tilespmem:$0x17000] =	vst v63  }
0x99: {  	_ =	swait.ge [sflag:s31], $0x2000  }
0x9a: {  	[sflag:s31] =	ssyncset.done $0x0  }
0x9b: {  	s13 =	sadd.s32 $0x280, s12;
	[sflag:s31] =	ssyncadd.s32 $0xFFFFE000  }
0x9c: {  	[tilespmem:s23], [sflag:$0x2] =	stream.indirect.gather [hbm4b:s4+s22], $0x40, s13, s22, $0xb8;
	[tilespmem:$0x17000] =	vst v63  }
0x9d: {  	_ =	swait.ge [sflag:s24], $0x2000  }
0x9e: {  	[sflag:s24] =	ssyncset.done $0x0  }
0x9f: {  	s13 =	sadd.s32 $0x2A80, s12;
	[sflag:s24] =	ssyncadd.s32 $0xFFFFE000  }
0xa0: {  	[spmem:s2] =	stream.indirect.scatter.add.bf16 [tilespmem:s23], [sflag:$0x6], $0x40, s13, s22, $0xb8;
	[tilespmem:$0x17000] =	vst v63  }
0xa1: {  	_ =	swait.ge [sflag:s25], $0x2000  }
0xa2: {  	[sflag:s25] =	ssyncset.done $0x0  }
0xa3: {  	s13 =	sadd.s32 $0x300, s12;
	[sflag:s25] =	ssyncadd.s32 $0xFFFFE000  }
0xa4: {  	[tilespmem:s28], [sflag:$0x3] =	stream.indirect.gather [hbm4b:s4+s22], $0x40, s13, s22, $0xb8;
	[tilespmem:$0x17000] =	vst v63  }
0xa5: {  	_ =	swait.ge [sflag:s29], $0x2000  }
0xa6: {  	[sflag:s29] =	ssyncset.done $0x0  }
0xa7: {  	s13 =	sadd.s32 $0x2B00, s12;
	[sflag:s29] =	ssyncadd.s32 $0xFFFFE000  }
0xa8: {  	[spmem:s2] =	stream.indirect.scatter.add.bf16 [tilespmem:s28], [sflag:$0x7], $0x40, s13, s22, $0xb8;
	[tilespmem:$0x17000] =	vst v63  }
0xa9: {  	_ =	swait.ge [sflag:s30], $0x2000  }
0xaa: {  	[sflag:s30] =	ssyncset.done $0x0  }
0xab: {  	s13 =	sadd.s32 $0x380, s12;
	[sflag:s30] =	ssyncadd.s32 $0xFFFFE000  }
0xac: {  	[tilespmem:s0], [sflag:$0x4] =	stream.indirect.gather [hbm4b:s4+s22], $0x40, s13, s22, $0xb8;
	[tilespmem:$0x17000] =	vst v63  }
0xad: {  	_ =	swait.ge [sflag:s1], $0x2000  }
0xae: {  	p0 =	seq.s32 s11, $0x9000;
	[sflag:s1] =	ssyncset.done $0x0  }
.Ltmp3:
0xaf: {  	s13 =	sadd.s32 $0x2B80, s12;
	[sflag:s1] =	ssyncadd.s32 $0xFFFFE000;
	(pc) =	sbr.rel @p0 .LBB2_6-.Ltmp3, $4  }
0xb0: {  	[spmem:s2] =	stream.indirect.scatter.add.bf16 [tilespmem:s0], [sflag:$0x8], $0x40, s13, s22, $0xb8;
	[tilespmem:$0x17000] =	vst v63  }
0xb1: {  	_ =	swait.ge [sflag:s26], $0x2000  }
0xb2: {  	[sflag:s26] =	ssyncset.done $0x0  }
0xb3: {  	[sflag:s26] =	ssyncadd.s32 $0xFFFFE000  }
.Ltmp4:
0xb4: {  	(pc) =	sbr.rel .LBB2_4-.Ltmp4, $3  }
0xb5: {  	_ =	sdelay $0x1  }
0xb6: {  	s12 =	sadd.s32 $0x400, s12;
	s11 =	sadd.s32 $0x800, s11  }
0xb7: {  	[tilespmem:s18], [sflag:$0x1] =	stream.indirect.gather [hbm4b:s4+s22], $0x40, s12, s22, $0xb8;
	[tilespmem:$0x17000] =	vst v63  }
.LBB2_7:
0xb8: {  	_ =	sfence.sel $0x180000  }
0xb9: {  	[bflag:$0x0] =	sbarrier.arrive $0xFFFF  }
0xba: {  	_ =	strace $0x9000004D  }
0xbb: {  	s0 =	stileid.u32;
	[bflag:$0x2] =	sbarrier.arrive $0xFFFF  }
0xbc: {  	p0 =	sne.s32 s0, $0x0;
	s0 =	rddreg [dreg:$0x3]  }
0xbd: {  	s0 =	sadd.s32 @!p0 $0x100000, s0  }
0xbe: {  	[sflag:s0] =	ssyncadd.tile.s32 @!p0 $0x1;
	_ =	shalt  }
.Lfunc_end2:
_tile_overlayer_lowered:
.L_overlay_start_2:
0xbf: {  	(tag) =	ssettag $0x2  }
0xc0: {  	s0 =	rddreg [dreg:$0x0];
	s2 =	stileid.u32  }
0xc1: {  	s1 =	rddreg [dreg:$0x1];
	p0 =	sne.s32 s2, $0x0  }
0xc2: {  	s3 =	rddreg [dreg:$0x2];
	[bflag:$0x3] =	sbarrier.arrive $0xFFFF;
	s2 =	simm.s32 @!p0 $0x1C09  }
0xc3: {  	[timem:s3], [sflag:s2] =	dma.local @!p0 [hbm:s0], s1  }
0xc4: {  	s0 =	simm.s32 @!p0 $0x9  }
0xc5: {  	_ =	swait.ge @!p0 [sflag:s0], s1  }
0xc6: {  	s1 =	ssub.s32 @!p0 $0x0, s1;
	[sflag:s0] =	ssyncset.done @!p0 $0x0  }
0xc7: {  	[sflag:s0] =	ssyncadd.s32 @!p0 s1  }
0xc8: {  	[bflag:$0x3] =	sbarrier.arrive $0xFFFF  }
0xc9: {  	_ =	shalt  }

// kernel: kernel.8.cloned.1.call-start
scs
__scs_entry_jumppad:
0x0: {  	(pc) =	sbr.rel $0x88, $3  }
0x1: {  	(tag) =	ssettag $0x0;
	lr =	simm.s32 $0x1  }
0x2: {  	[smem:$0x3F9A] =	sst lr;
	_ =	strace $0xD0000000  }
0x3: {  	_ = 	snop  }
0x4: {  	_ = 	snop  }
0x5: {  	_ = 	snop  }
0x6: {  	_ = 	snop  }
0x7: {  	_ = 	snop  }
__scs_overlays_trampoline_lowered:
0x8: {  	[smem:$0x3FA9] =	sst s0  }
0x9: {  	[smem:$0x3FAA] =	sst s1  }
0xa: {  	[smem:$0x3FAB] =	sst s2  }
0xb: {  	[smem:$0x3FAC] =	sst s3  }
0xc: {  	[smem:$0x3FAD] =	sst s4  }
0xd: {  	[smem:$0x3FAE] =	sst s5  }
0xe: {  	[smem:$0x3FAF] =	sst s6  }
0xf: {  	[smem:$0x3FB0] =	sst s7  }
0x10: {  	[smem:$0x3FB1] =	sst s8  }
0x11: {  	[smem:$0x3FB2] =	sst s9;
	s0 =	simm.s32 @!p0 $0x0  }
0x12: {  	s1 =	sld [smem:$0x3F98];
	s0 =	simm.s32 @p0 $0x1  }
0x13: {  	[smem:$0x3FB3] =	sst s0;
	s0 =	simm.s32 @!p1 $0x0  }
0x14: {  	s2 =	sld [smem:$0x3F97];
	s0 =	simm.s32 @p1 $0x1  }
0x15: {  	[smem:$0x3FB4] =	sst s0;
	s0 =	simm.s32 @!p2 $0x0  }
0x16: {  	s3 =	sld [smem:$0x3FDB];
	s0 =	simm.s32 @p2 $0x1  }
0x17: {  	s4 =	simm.s32 $0x1BF5;
	[smem:$0x3FB6] =	sst s0  }
0x18: {  	s0 =	sld [smem:$0x3F99];
	_ =	swait.ge [sflag:s4], $0x0  }
0x19: {  	s7 =	sld [smem:$0x3F9A]  }
0x1a: {  	s8 =	sadd.s32 $0xFFFFE003, lr  }
0x1b: {  	s9 =	sadd.s32 $0xFFFFFEF7, lr;
	s5 =	simm.s32 $0xFFFFFFFF;
	p2 =	slt.u32 s8, $0xFFFFF086  }
0x1c: {  	p1 =	slt.u32 s9, $0xF7A;
	s5 =	simm.s32 @!p2 $0x0  }
0x1d: {  	s5 =	simm.s32 @p1 $0x1;
	p0 =	seq.s32 s7, s2  }
0x1e: {  	s7 =	smul.u32 @!p0 $0xF7A, s2;
	p2 =	seq.s32 @!p0 s5, $0x0  }
0x1f: {  	s9 =	smul.u32 $0xF7A, s1;
	s8 =	simm.s32 @!p0 $0x1BF5;
	p2 =	por !p2, p0  }
0x20: {  	[sflag:s8] =	ssyncset.s32 @!p0 $0xFFFFF086;
	s6 =	sadd.s32 @!p0 s3, s7;
	s7 =	simm.s32 @!p0 $0x108  }
0x21: {  	s3 =	sadd.s32 s3, s9;
	s6 =	sadd.s32 @!p0 $0x88, s6;
	s7 =	simm.s32 @p2 $0x1082  }
0x22: {  	[simem:s7], [sflag:s8] =	dma.local @!p0 [hbm:s6], $0xF7A  }
0x23: {  	s9 =	sor.u32 $0xD0000000, s2;
	s6 =	simm.s32 $0x108;
	_ =	swait.ge @!p0 [sflag:s8], $0x0  }
0x24: {  	s3 =	sadd.s32 $0x88, s3;
	s6 =	simm.s32 @!p1 $0x1082;
	[sflag:s4] =	ssyncset.s32 $0xFFFFF086  }
0x25: {  	[simem:s6], [sflag:s4] =	dma.local [hbm:s3], $0xF7A  }
0x26: {  	[smem:$0x3F9A] =	sst s1;
	(tag) =	ssettag s2;
	_ =	strace s9  }
0x27: {  	s1 =	sld [smem:$0x3FAA]  }
0x28: {  	s2 =	sld [smem:$0x3FAB]  }
0x29: {  	s4 =	sld [smem:$0x3FAD]  }
0x2a: {  	p0 =	seq.s32 s5, $0x0;
	s5 =	sld [smem:$0x3FAE]  }
0x2b: {  	s6 =	sld [smem:$0x3FAF]  }
0x2c: {  	s7 =	sld [smem:$0x3FB0]  }
0x2d: {  	s3 =	simm.s32 $0x108;
	s8 =	sld [smem:$0x3FB1]  }
0x2e: {  	s3 =	simm.s32 @!p0 $0x1082;
	s9 =	sld [smem:$0x3FB2]  }
0x2f: {  	lr =	sadd.s32 s0, s3;
	s0 =	sld [smem:$0x3FA9]  }
0x30: {  	s3 =	sld [smem:$0x3FAC]  }
0x31: {  	[smem:$0x3FB5] =	sst s10  }
0x32: {  	s10 =	sld [smem:$0x3FB3];
	_ =	sdelay $0x3  }
0x33: {  	p0 =	seq.s32 s10, $0x1;
	s10 =	sld [smem:$0x3FB5];
	_ =	sdelay $0x3  }
0x34: {  	[smem:$0x3FB5] =	sst s10  }
0x35: {  	s10 =	sld [smem:$0x3FB4];
	_ =	sdelay $0x3  }
0x36: {  	p1 =	seq.s32 s10, $0x1;
	s10 =	sld [smem:$0x3FB5];
	_ =	sdelay $0x3  }
0x37: {  	[smem:$0x3FB5] =	sst s10  }
0x38: {  	s10 =	sld [smem:$0x3FB6]  }
0x39: {  	_ = 	snop;
	(pc) =	sbr.ind lr, $3  }
0x3a: {  	_ = 	snop  }
0x3b: {  	_ = 	snop  }
0x3c: {  	p2 =	seq.s32 s10, $0x1;
	s10 =	sld [smem:$0x3FB5]  }
0x3d: {  	_ =	shalt  }
0x3e: {  	_ =	shalt  }
0x3f: {  	_ =	shalt  }
0x40: {  	_ =	shalt  }
0x41: {  	_ =	shalt  }
0x42: {  	_ =	shalt  }
0x43: {  	_ =	shalt  }
0x44: {  	_ =	shalt  }
0x45: {  	_ =	shalt  }
0x46: {  	_ =	shalt  }
0x47: {  	_ =	shalt  }
0x48: {  	_ =	shalt  }
0x49: {  	_ =	shalt  }
0x4a: {  	_ =	shalt  }
0x4b: {  	_ =	shalt  }
0x4c: {  	_ =	shalt  }
0x4d: {  	_ =	shalt  }
0x4e: {  	_ =	shalt  }
0x4f: {  	_ =	shalt  }
0x50: {  	_ =	shalt  }
0x51: {  	_ =	shalt  }
0x52: {  	_ =	shalt  }
0x53: {  	_ =	shalt  }
0x54: {  	_ =	shalt  }
0x55: {  	_ =	shalt  }
0x56: {  	_ =	shalt  }
0x57: {  	_ =	shalt  }
0x58: {  	_ =	shalt  }
0x59: {  	_ =	shalt  }
0x5a: {  	_ =	shalt  }
0x5b: {  	_ =	shalt  }
0x5c: {  	_ =	shalt  }
0x5d: {  	_ =	shalt  }
0x5e: {  	_ =	shalt  }
0x5f: {  	_ =	shalt  }
0x60: {  	_ =	shalt  }
0x61: {  	_ =	shalt  }
0x62: {  	_ =	shalt  }
0x63: {  	_ =	shalt  }
0x64: {  	_ =	shalt  }
0x65: {  	_ =	shalt  }
0x66: {  	_ =	shalt  }
0x67: {  	_ =	shalt  }
0x68: {  	_ =	shalt  }
0x69: {  	_ =	shalt  }
0x6a: {  	_ =	shalt  }
0x6b: {  	_ =	shalt  }
0x6c: {  	_ =	shalt  }
0x6d: {  	_ =	shalt  }
0x6e: {  	_ =	shalt  }
0x6f: {  	_ =	shalt  }
0x70: {  	_ =	shalt  }
0x71: {  	_ =	shalt  }
0x72: {  	_ =	shalt  }
0x73: {  	_ =	shalt  }
0x74: {  	_ =	shalt  }
0x75: {  	_ =	shalt  }
0x76: {  	_ =	shalt  }
0x77: {  	_ =	shalt  }
0x78: {  	_ =	shalt  }
0x79: {  	_ =	shalt  }
0x7a: {  	_ =	shalt  }
0x7b: {  	_ =	shalt  }
0x7c: {  	_ =	shalt  }
0x7d: {  	_ =	shalt  }
0x7e: {  	_ =	shalt  }
0x7f: {  	_ =	shalt  }
0x80: {  	_ =	shalt  }
0x81: {  	_ =	shalt  }
0x82: {  	_ =	shalt  }
0x83: {  	_ =	shalt  }
0x84: {  	_ =	shalt  }
0x85: {  	_ =	shalt  }
0x86: {  	_ =	shalt  }
0x87: {  	_ =	shalt  }
.Lfunc_end0:
.L_simem_size_0:
called_computation_lowered:
.L_overlay_start_0:
0x88: {  	s2 =	sld [smem:$0x3FD9]  }
0x89: {  	s3 =	sld [smem:$0x3FFE];
	_ =	sdelay $0x1  }
0x8a: {  	s1 =	srdreg.scid  }
0x8b: {  	s0 =	sand.u32 $0x1, s1  }
0x8c: {  	s17 =	sshll.u32 s0, $0xA;
	s2 =	sadd.s32 s3, s2  }
0x8d: {  	s2 =	sadd.s32 s2, s17  }
0x8e: {  	[smem:$0x3FC1] =	sst s2  }
0x8f: {  	_ = 	snop  }
0x90: {  	s2 =	sld [smem:$0x3FD0];
	(tm) =	ssettm $0x1  }
0x91: {  	s18 =	sld [smem:$0x3FFB];
	_ =	sdelay $0x3  }
0x92: {  	_ =	strace s18  }
0x93: {  	s3 =	sld [smem:$0x3FFC];
	_ =	sdelay $0x3  }
0x94: {  	_ =	strace s3  }
0x95: {  	s3 =	sld [smem:$0x3FFD];
	_ =	sdelay $0x3  }
0x96: {  	_ =	strace s3  }
0x97: {  	_ =	strace $0x8FFFFFFF  }
0x98: {  	s19 =	sld [smem:$0x3FDB];
	_ =	sdelay $0x1  }
0x99: {  	s4 =	simm.s32 $_scs_section_size  }
0x9a: {  	s5 =	simm.s32 $_size__tile_overlayer_lowered;
	s6 =	simm.s32 $_tile_overlayer_lowered  }
0x9b: {  	s22 =	simm.s32 $0x1BFF;
	s21 =	sshll.u32 s6, $0x1;
	s3 =	sadd.s32 s4, s19  }
0x9c: {  	s7 =	simm.s32 $0x0;
	s20 =	sshll.u32 s5, $0x1;
	s5 =	sadd.s32 s21, s3  }
0x9d: {  	[timem:s7], [sflag:s22] =	dma.local [hbm:s5], s20  }
0x9e: {  	_ =	swait.ge [sflag:s22], s20  }
0x9f: {  	s4 =	ssub.s32 $0x0, s20;
	[sflag:s22] =	ssyncset.done $0x0  }
0xa0: {  	[sflag:s22] =	ssyncadd.s32 s4;
	_ =	sdelay $0x1  }
0xa1: {  	s23 =	simm.s32 $0x1B8B  }
0xa2: {  	_ =	swait.ge [sflag:s23], $0x1  }
0xa3: {  	[sflag:s23] =	ssyncset.done $0x0  }
0xa4: {  	s25 =	simm.s32 $0x1B8E;
	s24 =	sld [smem:$0x3FFE];
	[sflag:s23] =	ssyncadd.s32 $0xFFFFFFFF  }
0xa5: {  	s26 =	simm.s32 $execute0_lowered;
	[smem:$0x3FD2] =	sst s25  }
0xa6: {  	s5 =	sshll.u32 s26, $0x1;
	_ =	strace $0x80000046;
	[dreg:$0x1] =	wrdreg $0xFFFFFFFF  }
0xa7: {  	s28 =	simm.s32 $_size_execute0_lowered;
	s3 =	sadd.s32 s3, s5;
	[dreg:$0x0] =	wrdreg $0x0  }
0xa8: {  	s5 =	sshll.u32 s28, $0x1;
	[dreg:$0x2] =	wrdreg s3  }
0xa9: {  	[dreg:$0x3] =	wrdreg s5  }
0xaa: {  	[dreg:$0x4] =	wrdreg $0xC0  }
0xab: {  	_ =	task [dreg:s7], $0x5FFFF  }
0xac: {  	[dreg:$0x1] =	wrdreg $0xFFFFFFFF  }
0xad: {  	[dreg:$0x0] =	wrdreg $0x60  }
0xae: {  	[dreg:$0x2] =	wrdreg s24  }
0xaf: {  	[dreg:$0x3] =	wrdreg s2  }
0xb0: {  	[dreg:$0x4] =	wrdreg $0x53000  }
0xb1: {  	[dreg:$0x5] =	wrdreg $0x55800  }
0xb2: {  	[dreg:$0x6] =	wrdreg $0x9  }
0xb3: {  	_ =	task.clear_ibuf [dreg:s7], $0x7FFFF;
	_ =	strace $0x90000046  }
0xb4: {  	s29 =	simm.s32 $0x9;
	_ =	strace $0x80000048  }
0xb5: {  	_ =	swait.ge [sflag:s29], $0x1  }
0xb6: {  	[sflag:s29] =	ssyncadd.s32 $0xFFFFFFFF  }
0xb7: {  	_ =	strace $0x90000048  }
0xb8: {  	_ =	sfence  }
0xb9: {  	s30 =	sld [smem:$0x0];
	_ =	sdelay $0x2  }
0xba: {  	s31 =	sshll.u32 s1, $0xD;
	s1 =	sshrl.u32 s1, $0x2  }
0xbb: {  	s3 =	sand.u32 $0x4000, s31;
	s1 =	sadd.s32 s1, s30  }
0xbc: {  	s0 =	sor.u32 s3, s0;
	s1 =	sshll.u32 s1, $0x11  }
0xbd: {  	s0 =	sor.u32 s1, s0  }
0xbe: {  	s0 =	sadd.s32 $0x8F2B, s0  }
0xbf: {  	[sflag:s0] =	ssyncadd.remote.s32 $0x1  }
0xc0: {  	_ =	sfence.sel $0xFFFF  }
0xc1: {  	[dreg:$0x0] =	wrdreg $0xFFFFFFFF;
	(pc) =	sbr.abs _section_cstart, $3  }
0xc2: {  	[dreg:$0x1] =	wrdreg $0xFFFFFFFF  }
0xc3: {  	_ =	task.clear_ibuf [dreg:s7], $0x2FFFF;
	_ =	strace $0x9FFFFFFF  }
0xc4: {  	(tm) =	ssettm $0x7FFFFFFF  }
0xc5: {  	_ =	shalt  }
tec
execute0_lowered:
.L_overlay_start_1:
0x0: {  	(tag) =	ssettag $0x1  }
0x1: {  	s5 =	rddreg [dreg:$0x0]  }
0x2: {  	s8 =	rddreg [dreg:$0x1]  }
0x3: {  	s2 =	rddreg [dreg:$0x2]  }
0x4: {  	s3 =	rddreg [dreg:$0x3];
	s4 =	srdreg.scid  }
0x5: {  	s0 =	rddreg [dreg:$0x4];
	s1 =	stileid.u32;
	s14 =	simm.s32 $0x2800  }
0x6: {  	s15 =	simm.s32 $0x80;
	s16 =	simm.s32 $0x5000;
	s17 =	simm.s32 $0x2880  }
0x7: {  	s18 =	simm.s32 $0x1;
	s19 =	simm.s32 $0x2;
	s20 =	simm.s32 $0x100  }
0x8: {  	s21 =	simm.s32 $0x0;
	s6 =	sand.u32 $0x1, s4;
	s9 =	smul.u32 $0x500, s1  }
0x9: {  	s4 =	simm.s32 $0x0;
	s29 =	smul.u32 $0x280, s1;
	s7 =	sshll.u32 s6, $0x4  }
0xa: {  	[smem:$0x7FF] =	sst s4;
	s10 =	sshll.u32 s6, $0x7;
	s6 =	ssub.s32 $0x2, s6  }
0xb: {  	s7 =	sor.u32 s1, s7;
	_ =	strace $0x80000047;
	s28 =	sor.u32 s10, s9  }
0xc: {  	s31 =	sshrl.u32 s6, $0x1;
	s11 =	smul.u32 $0x500, s7;
	s7 =	sshrl.u32 s28, $0x3  }
0xd: {  	s13 =	ssub.s32 s6, s31;
	s6 =	sadd.s32 s29, s3;
	s12 =	sadd.s32 s7, s5  }
0xe: {  	s30 =	sadd.s32 s11, s5;
	s5 =	sadd.s32 s29, s2;
	s8 =	sadd.s32 s8, s11  }
0xf: {  	s9 =	sadd.s32 $0xBA00, s12;
	s10 =	sadd.s32 $0xC400, s12;
	s11 =	smax.u32 s13, $0x1  }
0x10: {  	v0 =	vimm.f32 $1.000000000e+00;
	v1 =	vimm.f32 $0.0e+00;
	s12 =	simm.s32 $0x5080;
	s13 =	simm.s32 $0x3;
	s7 =	sadd.s32 $0x1A00, s30  }
.LBB2_1:
0x11: {  	[tilespmem:$0x5000] =	vst v0  }
0x12: {  	[tilespmem:$0x5010] =	vst v0  }
0x13: {  	[tilespmem:$0x5020] =	vst v0  }
0x14: {  	[tilespmem:$0x5030] =	vst v0  }
0x15: {  	[tilespmem:$0x5040] =	vst v0  }
0x16: {  	[tilespmem:$0x5050] =	vst v0  }
0x17: {  	[tilespmem:$0x5060] =	vst v0  }
0x18: {  	[tilespmem:$0x5070] =	vst v0  }
0x19: {  	[tilespmem:$0x5080] =	vst v1  }
0x1a: {  	[tilespmem:$0x5090] =	vst v1  }
0x1b: {  	[tilespmem:$0x50A0] =	vst v1  }
0x1c: {  	[tilespmem:$0x50B0] =	vst v1  }
0x1d: {  	[tilespmem:$0x50C0] =	vst v1  }
0x1e: {  	[tilespmem:$0x50D0] =	vst v1  }
0x1f: {  	[tilespmem:$0x50E0] =	vst v1  }
0x20: {  	[tilespmem:$0x50F0] =	vst v1  }
0x21: {  	[tilespmem:$0x5100] =	vst v1  }
0x22: {  	[tilespmem:$0x5110] =	vst v1  }
0x23: {  	[tilespmem:$0x5120] =	vst v1  }
0x24: {  	[tilespmem:$0x5130] =	vst v1  }
0x25: {  	[tilespmem:$0x5140] =	vst v1  }
0x26: {  	[tilespmem:$0x5150] =	vst v1  }
0x27: {  	[tilespmem:$0x5160] =	vst v1  }
0x28: {  	[tilespmem:$0x5170] =	vst v1  }
0x29: {  	[tilespmem:$0x5180] =	vst v1  }
0x2a: {  	[tilespmem:$0x5190] =	vst v1  }
0x2b: {  	[tilespmem:$0x51A0] =	vst v1  }
0x2c: {  	[tilespmem:$0x51B0] =	vst v1  }
0x2d: {  	[tilespmem:$0x51C0] =	vst v1  }
0x2e: {  	[tilespmem:$0x51D0] =	vst v1  }
0x2f: {  	[tilespmem:$0x51E0] =	vst v1  }
0x30: {  	[tilespmem:$0x51F0] =	vst v1  }
0x31: {  	[tilespmem:$0x5200] =	vst v1  }
0x32: {  	[tilespmem:$0x5210] =	vst v1  }
0x33: {  	[tilespmem:$0x5220] =	vst v1  }
0x34: {  	[tilespmem:$0x5230] =	vst v1  }
0x35: {  	[tilespmem:$0x5240] =	vst v1  }
0x36: {  	[tilespmem:$0x5250] =	vst v1  }
0x37: {  	[tilespmem:$0x5260] =	vst v1  }
0x38: {  	[tilespmem:$0x5270] =	vst v1  }
0x39: {  	[tilespmem:$0x5280] =	vst v1  }
0x3a: {  	[tilespmem:$0x5290] =	vst v1  }
0x3b: {  	[tilespmem:$0x52A0] =	vst v1  }
0x3c: {  	[tilespmem:$0x52B0] =	vst v1  }
0x3d: {  	[tilespmem:$0x52C0] =	vst v1  }
0x3e: {  	[tilespmem:$0x52D0] =	vst v1  }
0x3f: {  	[tilespmem:$0x52E0] =	vst v1  }
0x40: {  	[tilespmem:$0x52F0] =	vst v1  }
0x41: {  	[spmem:s5] =	stream.linear.scatter [tilespmem:s12], [sflag:$0x3], $0x280, $0x38;
	[tilespmem:$0x5800] =	vst v63  }
0x42: {  	_ =	swait.ge [sflag:s13], $0x280  }
0x43: {  	[sflag:s13] =	ssyncset.done $0x0  }
0x44: {  	[sflag:s13] =	ssyncadd.s32 $0xFFFFFD80  }
0x45: {  	[spmem:s6] =	stream.linear.scatter [tilespmem:s12], [sflag:$0x3], $0x280, $0x38;
	[tilespmem:$0x5800] =	vst v63  }
0x46: {  	_ =	swait.ge [sflag:s13], $0x280  }
0x47: {  	[sflag:s13] =	ssyncset.done $0x0  }
0x48: {  	[sflag:s13] =	ssyncadd.s32 $0xFFFFFD80  }
0x49: {  	[tilespmem:s4], [sflag:$0x3] =	stream.linear.gather [hbm4b:s7+s4], $0x2800, $0x38;
	[tilespmem:$0x5800] =	vst v63  }
0x4a: {  	_ =	swait.ge [sflag:s13], $0x2800  }
0x4b: {  	[sflag:s13] =	ssyncset.done $0x0  }
0x4c: {  	[sflag:s13] =	ssyncadd.s32 $0xFFFFD800  }
0x4d: {  	[tilespmem:s14], [sflag:$0x3] =	stream.linear.gather [hbm4b:s8+s4], $0x2800, $0x38;
	[tilespmem:$0x5800] =	vst v63  }
0x4e: {  	_ =	swait.ge [sflag:s13], $0x2800  }
0x4f: {  	[sflag:s13] =	ssyncset.done $0x0  }
0x50: {  	[sflag:s13] =	ssyncadd.s32 $0xFFFFD800  }
0x51: {  	[bflag:$0x0] =	sbarrier.arrive $0xFFFF  }
0x52: {  	[spmem:s2] =	stream.indirect.scatter.add.f32 [tilespmem:s16], [sflag:$0x1], $0x1, s4, s15, $0xb8;
	[tilespmem:$0x5800] =	vst v63  }
0x53: {  	_ = 	snop  }
0x54: {  	[spmem:s3] =	stream.indirect.scatter.add.f32 [tilespmem:s16], [sflag:$0x2], $0x1, s14, s15, $0xb8;
	[tilespmem:$0x5800] =	vst v63  }
0x55: {  	_ = 	snop  }
0x56: {  	[spmem:s2] =	stream.indirect.scatter.add.f32 [tilespmem:s16], [sflag:$0x1], $0x1, s15, s15, $0xb8;
	[tilespmem:$0x5800] =	vst v63  }
0x57: {  	_ = 	snop  }
0x58: {  	[spmem:s3] =	stream.indirect.scatter.add.f32 [tilespmem:s16], [sflag:$0x2], $0x1, s17, s15, $0xb8;
	[tilespmem:$0x5800] =	vst v63  }
0x59: {  	_ =	swait.ge [sflag:s18], $0x80  }
0x5a: {  	[sflag:s18] =	ssyncset.done $0x0  }
0x5b: {  	[sflag:s18] =	ssyncadd.s32 $0xFFFFFF80  }
0x5c: {  	_ =	swait.ge [sflag:s19], $0x80  }
0x5d: {  	[sflag:s19] =	ssyncset.done $0x0  }
0x5e: {  	s22 =	simm.s32 $0x100;
	[sflag:s19] =	ssyncadd.s32 $0xFFFFFF80  }
0x5f: {  	[spmem:s2] =	stream.indirect.scatter.add.f32 [tilespmem:s16], [sflag:$0x1], $0x1, s22, s15, $0xb8;
	[tilespmem:$0x5800] =	vst v63  }
0x60: {  	s23 =	simm.s32 $0x2900;
	s22 =	simm.s32 $0x600  }
.LBB2_2:
0x61: {  	[spmem:s3] =	stream.indirect.scatter.add.f32 [tilespmem:s16], [sflag:$0x2], $0x1, s23, s15, $0xb8;
	[tilespmem:$0x5800] =	vst v63  }
0x62: {  	s23 =	smov.u32 s22  }
0x63: {  	p0 =	sne.s32 s22, $0x9E00;
	s22 =	sadd.s32 $0x200, s22;
	_ =	swait.ge [sflag:s18], $0x80  }
0x64: {  	[sflag:s18] =	ssyncset.done $0x0  }
0x65: {  	[sflag:s18] =	ssyncadd.s32 $0xFFFFFF80  }
.Ltmp0:
0x66: {  	_ =	swait.ge [sflag:s19], $0x80;
	(pc) =	sbr.rel @p0 .LBB2_2-.Ltmp0, $4  }
0x67: {  	[sflag:s19] =	ssyncset.done $0x0  }
0x68: {  	s23 =	sshra.s32 s23, $0x2;
	[sflag:s19] =	ssyncadd.s32 $0xFFFFFF80  }
0x69: {  	[spmem:s2] =	stream.indirect.scatter.add.f32 [tilespmem:s16], [sflag:$0x1], $0x1, s23, s15, $0xb8;
	[tilespmem:$0x5800] =	vst v63  }
0x6a: {  	s23 =	sadd.s32 $0x2800, s23  }
0x6b: {  	[spmem:s3] =	stream.indirect.scatter.add.f32 [tilespmem:s16], [sflag:$0x2], $0x1, s23, s15, $0xb8;
	[tilespmem:$0x5800] =	vst v63  }
0x6c: {  	_ =	swait.ge [sflag:s18], $0x80  }
0x6d: {  	[sflag:s18] =	ssyncset.done $0x0  }
0x6e: {  	[sflag:s18] =	ssyncadd.s32 $0xFFFFFF80  }
0x6f: {  	_ =	swait.ge [sflag:s19], $0x80  }
0x70: {  	[sflag:s19] =	ssyncset.done $0x0  }
0x71: {  	[sflag:s19] =	ssyncadd.s32 $0xFFFFFF80  }
0x72: {  	_ =	swait.ge [sflag:s18], $0x80  }
0x73: {  	[sflag:s18] =	ssyncset.done $0x0  }
0x74: {  	[sflag:s18] =	ssyncadd.s32 $0xFFFFFF80  }
0x75: {  	_ =	swait.ge [sflag:s19], $0x80  }
0x76: {  	[sflag:s19] =	ssyncset.done $0x0  }
0x77: {  	[sflag:s19] =	ssyncadd.s32 $0xFFFFFF80  }
0x78: {  	[bflag:$0x0] =	sbarrier.arrive $0xFFFF  }
0x79: {  	[tilespmem:s12], [sflag:$0x3] =	stream.linear.gather [spmem:s5], $0x280, $0x38;
	[tilespmem:$0x5800] =	vst v63  }
0x7a: {  	_ =	swait.ge [sflag:s13], $0x280  }
0x7b: {  	[sflag:s13] =	ssyncset.done $0x0  }
0x7c: {  	[sflag:s13] =	ssyncadd.s32 $0xFFFFFD80  }
0x7d: {  	[hbm4b:s9+s15] =	stream.strided.scatter [tilespmem:s12], [sflag:$0x3], $0x280, s20, s15, $0x38;
	[tilespmem:$0x5800] =	vst v63  }
0x7e: {  	_ =	swait.ge [sflag:s13], $0x280  }
0x7f: {  	[sflag:s13] =	ssyncset.done $0x0  }
0x80: {  	[sflag:s13] =	ssyncadd.s32 $0xFFFFFD80  }
0x81: {  	[tilespmem:s12], [sflag:$0x3] =	stream.linear.gather [spmem:s6], $0x280, $0x38;
	[tilespmem:$0x5800] =	vst v63  }
0x82: {  	s21 =	sadd.s32 $0x1, s21;
	_ =	swait.ge [sflag:s13], $0x280  }
0x83: {  	p0 =	sne.s32 s21, s11;
	[sflag:s13] =	ssyncset.done $0x0  }
.Ltmp1:
0x84: {  	[sflag:s13] =	ssyncadd.s32 $0xFFFFFD80;
	(pc) =	sbr.rel @p0 .LBB2_1-.Ltmp1, $4  }
0x85: {  	[hbm4b:s10+s15] =	stream.strided.scatter [tilespmem:s12], [sflag:$0x3], $0x280, s20, s15, $0x38;
	[tilespmem:$0x5800] =	vst v63  }
0x86: {  	_ =	swait.ge [sflag:s13], $0x280  }
0x87: {  	[sflag:s13] =	ssyncset.done $0x0  }
0x88: {  	[sflag:s13] =	ssyncadd.s32 $0xFFFFFD80  }
0x89: {  	_ =	sfence.sel $0x180000  }
0x8a: {  	[bflag:$0x0] =	sbarrier.arrive $0xFFFF  }
0x8b: {  	p0 =	sne.s32 s1, $0x0;
	_ =	strace $0x90000047  }
0x8c: {  	s0 =	sadd.s32 @!p0 $0x100000, s0;
	[bflag:$0x2] =	sbarrier.arrive $0xFFFF  }
0x8d: {  	[sflag:s0] =	ssyncadd.tile.s32 @!p0 $0x1;
	_ =	shalt  }
.Lfunc_end2:
_tile_overlayer_lowered:
.L_overlay_start_2:
0x8e: {  	(tag) =	ssettag $0x2  }
0x8f: {  	s0 =	rddreg [dreg:$0x0];
	s2 =	stileid.u32  }
0x90: {  	s1 =	rddreg [dreg:$0x1];
	p0 =	sne.s32 s2, $0x0  }
0x91: {  	s3 =	rddreg [dreg:$0x2];
	[bflag:$0x3] =	sbarrier.arrive $0xFFFF;
	s2 =	simm.s32 @!p0 $0x1C03  }
0x92: {  	[timem:s3], [sflag:s2] =	dma.local @!p0 [hbm:s0], s1  }
0x93: {  	s0 =	simm.s32 @!p0 $0x3  }
0x94: {  	_ =	swait.ge @!p0 [sflag:s0], s1  }
0x95: {  	s1 =	ssub.s32 @!p0 $0x0, s1;
	[sflag:s0] =	ssyncset.done @!p0 $0x0  }
0x96: {  	[sflag:s0] =	ssyncadd.s32 @!p0 s1  }
0x97: {  	[bflag:$0x3] =	sbarrier.arrive $0xFFFF  }
0x98: {  	_ =	shalt  }

</sc_bundles>
